<compile_context>
chip_gen: v7x
topology: tpu7x:2x2x1
jax: 0.10.2.dev20260603
libtpu: 0.0.44.dev20260713+nightly
codegen_flags: <defaults>
</compile_context>

<pallas_src>
import jax
import jax.numpy as jnp
from jax import lax
from jax.experimental import pallas as pl
from jax.experimental.pallas import tpu as pltpu
from jax.experimental.pallas import tpu_sc as plsc

N = 10000
E = 320000
D = 128
HC = 128
ED = 16
G = 16
OUT = 64

WQ = 144
WK = 256
WS = 152
SCALE = float(HC) ** -0.5

BN = 1000
NBLK = N // BN
C = 32
NROWS = E // C
NWORK = 32
NS = 16
NRT = N // NS


def _tables_body(x_ref, wq_ref, bq_ref, wk_ref, bk_ref, wv_ref, bv_ref,
                 wet_ref, qt_ref, kv_ref):
    xb = x_ref[...]
    qs = (xb @ wq_ref[...] + bq_ref[...]) * SCALE
    qt_ref[...] = jnp.concatenate([qs, qs @ wet_ref[...]], axis=1)
    k = xb @ wk_ref[...] + bk_ref[...]
    v = xb @ wv_ref[...] + bv_ref[...]
    kv_ref[...] = jnp.concatenate([k, v], axis=1)


def _tc_tables(x, Wq, bq, Wk, bk, Wv, bv, We):
    full = lambda s: pl.BlockSpec(s, lambda i: (0,) * len(s))
    return pl.pallas_call(
        _tables_body,
        grid=(NBLK,),
        in_specs=[
            pl.BlockSpec((BN, D), lambda i: (i, 0)),
            full((D, HC)), full((1, HC)),
            full((D, HC)), full((1, HC)),
            full((D, HC)), full((1, HC)),
            full((D, ED)),
        ],
        out_specs=[
            pl.BlockSpec((BN, WQ), lambda i: (i, 0)),
            pl.BlockSpec((BN, WK), lambda i: (i, 0)),
        ],
        out_shape=[
            jax.ShapeDtypeStruct((N, WQ), jnp.float32),
            jax.ShapeDtypeStruct((N, WK), jnp.float32),
        ],
    )(x, Wq, bq.reshape(1, HC), Wk, bk.reshape(1, HC), Wv, bv.reshape(1, HC),
      We.T)


def _finish(pm, xb, we_ref, be_ref, ws_ref, bs_ref):
    S = pm[:, 0:HC]
    U = pm[:, HC:HC + ED]
    den = pm[:, HC + ED:HC + ED + 1]
    M = S + U @ we_ref[...] + den * be_ref[...]
    h = M / (den + 1e-16) + xb @ ws_ref[...] + bs_ref[...]
    return jnp.maximum(h, 0.0)


def _mid_body(p_ref, x_ref, we0_ref, be0_ref, ws0_ref, bs0_ref,
              wq_ref, bq_ref, wk_ref, bk_ref, wv_ref, bv_ref,
              wet_ref, h_ref, qt_ref, kv_ref):
    h = _finish(p_ref[0] + p_ref[1], x_ref[...], we0_ref, be0_ref,
                ws0_ref, bs0_ref)
    h_ref[...] = h
    qs = (h @ wq_ref[...] + bq_ref[...]) * SCALE
    qt_ref[...] = jnp.concatenate([qs, qs @ wet_ref[...]], axis=1)
    k = h @ wk_ref[...] + bk_ref[...]
    v = h @ wv_ref[...] + bv_ref[...]
    kv_ref[...] = jnp.concatenate([k, v], axis=1)


def _tc_mid(P, x, We0, be0, Ws0, bs0, Wq1, bq1, Wk1, bk1, Wv1, bv1, We1):
    full = lambda s: pl.BlockSpec(s, lambda i: (0,) * len(s))
    return pl.pallas_call(
        _mid_body,
        grid=(NBLK,),
        in_specs=[
            pl.BlockSpec((2, BN, WS), lambda i: (0, i, 0)),
            pl.BlockSpec((BN, D), lambda i: (i, 0)),
            full((ED, HC)), full((1, HC)), full((D, HC)), full((1, HC)),
            full((HC, HC)), full((1, HC)),
            full((HC, HC)), full((1, HC)),
            full((HC, HC)), full((1, HC)),
            full((HC, ED)),
        ],
        out_specs=[
            pl.BlockSpec((BN, HC), lambda i: (i, 0)),
            pl.BlockSpec((BN, WQ), lambda i: (i, 0)),
            pl.BlockSpec((BN, WK), lambda i: (i, 0)),
        ],
        out_shape=[
            jax.ShapeDtypeStruct((N, HC), jnp.float32),
            jax.ShapeDtypeStruct((N, WQ), jnp.float32),
            jax.ShapeDtypeStruct((N, WK), jnp.float32),
        ],
    )(P, x, We0, be0.reshape(1, HC), Ws0, bs0.reshape(1, HC),
      Wq1, bq1.reshape(1, HC), Wk1, bk1.reshape(1, HC), Wv1, bv1.reshape(1, HC),
      We1.T)


def _final_body(p_ref, h1_ref, we1_ref, be1_ref, ws1_ref, bs1_ref,
                b_ref, wl1_ref, bl1_ref, wl2_ref, bl2_ref, out_ref, g_ref):
    i = pl.program_id(0)
    h2 = _finish(p_ref[0] + p_ref[1], h1_ref[...], we1_ref, be1_ref,
                 ws1_ref, bs1_ref)
    ids = lax.broadcasted_iota(jnp.int32, (BN, G), 1)
    onehot = (ids == b_ref[...]).astype(jnp.float32)
    contrib = lax.dot_general(onehot, h2, (((0,), (0,)), ((), ())))

    @pl.when(i == 0)
    def _():
        g_ref[...] = contrib

    @pl.when(i > 0)
    def _():
        g_ref[...] = g_ref[...] + contrib

    @pl.when(i == NBLK - 1)
    def _():
        gg = jnp.maximum(g_ref[...] @ wl1_ref[...] + bl1_ref[...], 0.0)
        out_ref[...] = gg @ wl2_ref[...] + bl2_ref[...]


def _tc_final(P, h1, We1, be1, Ws1, bs1, batch, Wl1, bl1, Wl2, bl2):
    full = lambda s: pl.BlockSpec(s, lambda i: (0,) * len(s))
    return pl.pallas_call(
        _final_body,
        grid=(NBLK,),
        in_specs=[
            pl.BlockSpec((2, BN, WS), lambda i: (0, i, 0)),
            pl.BlockSpec((BN, HC), lambda i: (i, 0)),
            full((ED, HC)), full((1, HC)), full((HC, HC)), full((1, HC)),
            pl.BlockSpec((BN, 1), lambda i: (i, 0)),
            full((HC, HC)), full((1, HC)), full((HC, OUT)), full((1, OUT)),
        ],
        out_specs=pl.BlockSpec((G, OUT), lambda i: (0, 0)),
        out_shape=jax.ShapeDtypeStruct((G, OUT), jnp.float32),
        scratch_shapes=[pltpu.VMEM((G, HC), jnp.float32)],
    )(P, h1, We1, be1.reshape(1, HC), Ws1, bs1.reshape(1, HC),
      batch.reshape(N, 1), Wl1, bl1.reshape(1, HC), Wl2, bl2.reshape(1, OUT))


_GDN = lax.GatherDimensionNumbers(offset_dims=(), collapsed_slice_dims=(0,),
                                  start_index_map=(0,))


def _lane_shuffle(v, idx):
    return lax.gather(v, idx[:, None], _GDN, slice_sizes=(1,),
                      mode=lax.GatherScatterMode.PROMISE_IN_BOUNDS)


def _hsum16(v):
    for sh in (1, 2, 4, 8):
        v = v + _lane_shuffle(v, lax.iota(jnp.int32, 16) ^ sh)
    return v


def _sc_body(qt_hbm, kv_hbm, idx_hbm, ea_hbm, p_hbm,
             idx0, idx1, ea0, ea1, qd0, qd1, kv0, kv1, payv, exbuf, sidx, acc,
             semq0, semk0, semq1, semk1, semi0, semi1, semsc):
    cid = lax.axis_index("c")
    sid = lax.axis_index("s")
    wid = cid * NS + sid

    z = jnp.zeros((16,), jnp.float32)

    def zrow(r, _):
        for j in range(WS // 16):
            payv[r, pl.ds(16 * j, 16)] = z
        return 0

    lax.fori_loop(0, C, zrow, 0)
    off = sid * NRT

    def zs(kk, _):
        pltpu.sync_copy(payv, acc.at[pl.ds(off + 32 * kk, 32)])
        return 0

    lax.fori_loop(0, 19, zs, 0)
    pltpu.sync_copy(payv.at[pl.ds(0, 17)], acc.at[pl.ds(off + 608, 17)])
    plsc.subcore_barrier()

    extra = jnp.minimum(wid, 8)
    br = 312 * wid + 2 * extra
    nr = 312 + 2 * jnp.asarray(wid < 8, jnp.int32)
    last = br + nr - 1

    io16 = lax.iota(jnp.int32, 16)
    m1 = jnp.clip(io16 - 7, 0, 1).astype(jnp.float32)
    m0 = 1.0 - m1
    idxc = jnp.minimum(io16 + 8, 15)

    def load_idx(row, ibuf, ebuf, sem):
        b = row * C
        pltpu.async_copy(idx_hbm.at[:, pl.ds(b, C)], ibuf, sem)
        pltpu.sync_copy(ea_hbm.at[pl.ds(b, C)], ebuf)

    def wait_idx(ibuf, sem):
        pltpu.make_async_copy(idx_hbm.at[:, pl.ds(0, C)], ibuf, sem).wait()

    def issue_gathers(ibuf, qbuf, kbuf, sq, sk):
        pltpu.async_copy(qt_hbm.at[ibuf.at[1]], qbuf, sq)
        pltpu.async_copy(kv_hbm.at[ibuf.at[0]], kbuf, sk)

    def wait_gathers(ibuf, qbuf, kbuf, sq, sk):
        pltpu.make_async_copy(qt_hbm.at[ibuf.at[1]], qbuf, sq).wait()
        pltpu.make_async_copy(kv_hbm.at[ibuf.at[0]], kbuf, sk).wait()

    def wait_scatter():
        pltpu.make_async_copy(payv, acc.at[sidx.at[0]], semsc).wait()

    def compute(ibuf, ebuf, qbuf, kbuf):
        def abody(e, _):
            accv = qbuf[e, pl.ds(0, 16)] * kbuf[e, pl.ds(0, 16)]
            for j in range(1, 8):
                accv = accv + qbuf[e, pl.ds(16 * j, 16)] * kbuf[e, pl.ds(16 * j, 16)]
            accv = accv + qbuf[e, pl.ds(128, 16)] * ebuf[e, :]
            exbuf[e, :] = jnp.exp(_hsum16(accv))
            return 0

        lax.fori_loop(0, C, abody, 0)
        wait_scatter()

        def pbody(e, _):
            ex = exbuf[e, :]
            for j in range(8):
                payv[e, pl.ds(16 * j, 16)] = ex * kbuf[e, pl.ds(128 + 16 * j, 16)]
            exea = ex * ebuf[e, :]
            payv[e, pl.ds(128, 16)] = exea
            payv[e, pl.ds(136, 16)] = _lane_shuffle(exea, idxc) * m0 + ex * m1
            return 0

        lax.fori_loop(0, C, pbody, 0)
        for j in range(C // 16):
            sidx[0, pl.ds(16 * j, 16)] = ibuf[1, pl.ds(16 * j, 16)]
        pltpu.async_copy(payv, acc.at[sidx.at[0]], semsc)

    load_idx(br, idx0, ea0, semi0)
    wait_idx(idx0, semi0)
    issue_gathers(idx0, qd0, kv0, semq0, semk0)
    load_idx(br + 1, idx1, ea1, semi1)
    for j in range(C // 16):
        sidx[0, pl.ds(16 * j, 16)] = idx0[1, pl.ds(16 * j, 16)]
    pltpu.async_copy(payv, acc.at[sidx.at[0]], semsc)

    def pair(p, _):
        i0 = br + 2 * p
        wait_gathers(idx0, qd0, kv0, semq0, semk0)
        wait_idx(idx1, semi1)
        issue_gathers(idx1, qd1, kv1, semq1, semk1)
        compute(idx0, ea0, qd0, kv0)
        load_idx(jnp.minimum(i0 + 2, last), idx0, ea0, semi0)
        wait_gathers(idx1, qd1, kv1, semq1, semk1)
        wait_idx(idx0, semi0)
        issue_gathers(idx0, qd0, kv0, semq0, semk0)
        compute(idx1, ea1, qd1, kv1)
        load_idx(jnp.minimum(i0 + 3, last), idx1, ea1, semi1)
        return 0

    lax.fori_loop(0, nr // 2, pair, 0)
    wait_gathers(idx0, qd0, kv0, semq0, semk0)
    wait_idx(idx1, semi1)
    wait_scatter()
    plsc.subcore_barrier()

    def du(kk, _):
        pltpu.sync_copy(acc.at[pl.ds(off + 32 * kk, 32)],
                        p_hbm.at[cid, pl.ds(off + 32 * kk, 32)])
        return 0

    lax.fori_loop(0, 19, du, 0)
    pltpu.sync_copy(acc.at[pl.ds(off + 608, 17)],
                    p_hbm.at[cid, pl.ds(off + 608, 17)])


def _sc_edge(qt, kv, idx, ea):
    mesh = plsc.VectorSubcoreMesh(core_axis_name="c", subcore_axis_name="s",
                                  num_cores=2, num_subcores=NS)
    f = pl.kernel(
        _sc_body,
        out_type=jax.ShapeDtypeStruct((2, N, WS), jnp.float32),
        mesh=mesh,
        compiler_params=pltpu.CompilerParams(use_tc_tiling_on_sc=False),
        scratch_types=[
            pltpu.VMEM((2, C), jnp.int32),
            pltpu.VMEM((2, C), jnp.int32),
            pltpu.VMEM((C, ED), jnp.float32),
            pltpu.VMEM((C, ED), jnp.float32),
            pltpu.VMEM((C, WQ), jnp.float32),
            pltpu.VMEM((C, WQ), jnp.float32),
            pltpu.VMEM((C, WK), jnp.float32),
            pltpu.VMEM((C, WK), jnp.float32),
            pltpu.VMEM((C, WS), jnp.float32),
            pltpu.VMEM((C, ED), jnp.float32),
            pltpu.VMEM((1, C), jnp.int32),
            pltpu.VMEM_SHARED((N, WS), jnp.float32),
            pltpu.SemaphoreType.DMA,
            pltpu.SemaphoreType.DMA,
            pltpu.SemaphoreType.DMA,
            pltpu.SemaphoreType.DMA,
            pltpu.SemaphoreType.DMA,
            pltpu.SemaphoreType.DMA,
            pltpu.SemaphoreType.DMA,
        ],
    )
    return f(qt, kv, idx, ea)


def kernel(x, edge_index, edge_attr, batch,
           Wq0, bq0, Wk0, bk0, Wv0, bv0, We0, be0, Ws0, bs0,
           Wq1, bq1, Wk1, bk1, Wv1, bv1, We1, be1, Ws1, bs1,
           Wl1, bl1, Wl2, bl2):
    idx = edge_index.astype(jnp.int32)
    qt0, kv0 = _tc_tables(x, Wq0, bq0, Wk0, bk0, Wv0, bv0, We0)
    P0 = _sc_edge(qt0, kv0, idx, edge_attr)
    h1, qt1, kv1 = _tc_mid(P0, x, We0, be0, Ws0, bs0,
                           Wq1, bq1, Wk1, bk1, Wv1, bv1, We1)
    P1 = _sc_edge(qt1, kv1, idx, edge_attr)
    return _tc_final(P1, h1, We1, be1, Ws1, bs1, batch, Wl1, bl1, Wl2, bl2)

# --- scband reference (transcript-rebuilt; emitter-appended) ---
"""Pipeline reference for scband-random-transformer-net-34789235098077 (READ-ONLY COPY).

The authoritative reference and input builder live on the scoring server;
editing this copy changes nothing except your own understanding.
"""

import jax, jax.numpy as jnp
import numpy as np

N = 10000
E = 320000
D = 128
HC = 128
ED = 16
G = 16
OUT = 64


def _init(key, shape, scale=0.05):
    return scale * jax.random.normal(key, shape, dtype=jnp.float32)


def setup_inputs(seed: int = 0) -> dict:
    key = jax.random.key(seed)
    ks = jax.random.split(key, 20)
    inp = {}
    inp["x"] = jax.random.normal(ks[0], (N, D), dtype=jnp.float32)
    inp["edge_index"] = jax.random.randint(ks[1], (2, E), 0, N, dtype=jnp.int32)
    inp["edge_attr"] = jax.random.normal(ks[2], (E, ED), dtype=jnp.float32)
    inp["batch"] = jnp.sort(jax.random.randint(ks[3], (N,), 0, G, dtype=jnp.int32))
    # TransformerConv layer 0 (in=D)
    inp["Wq0"] = _init(ks[4], (D, HC)); inp["bq0"] = jnp.zeros((HC,), jnp.float32)
    inp["Wk0"] = _init(ks[5], (D, HC)); inp["bk0"] = jnp.zeros((HC,), jnp.float32)
    inp["Wv0"] = _init(ks[6], (D, HC)); inp["bv0"] = jnp.zeros((HC,), jnp.float32)
    inp["We0"] = _init(ks[7], (ED, HC)); inp["be0"] = jnp.zeros((HC,), jnp.float32)
    inp["Ws0"] = _init(ks[8], (D, HC)); inp["bs0"] = jnp.zeros((HC,), jnp.float32)
    # TransformerConv layer 1 (in=HC)
    inp["Wq1"] = _init(ks[9], (HC, HC)); inp["bq1"] = jnp.zeros((HC,), jnp.float32)
    inp["Wk1"] = _init(ks[10], (HC, HC)); inp["bk1"] = jnp.zeros((HC,), jnp.float32)
    inp["Wv1"] = _init(ks[11], (HC, HC)); inp["bv1"] = jnp.zeros((HC,), jnp.float32)
    inp["We1"] = _init(ks[12], (ED, HC)); inp["be1"] = jnp.zeros((HC,), jnp.float32)
    inp["Ws1"] = _init(ks[13], (HC, HC)); inp["bs1"] = jnp.zeros((HC,), jnp.float32)
    # final MLP head
    inp["Wl1"] = _init(ks[14], (HC, HC)); inp["bl1"] = jnp.zeros((HC,), jnp.float32)
    inp["Wl2"] = _init(ks[15], (HC, OUT)); inp["bl2"] = jnp.zeros((OUT,), jnp.float32)
    return inp


def _conv(x, src, dst, ea, Wq, bq, Wk, bk, Wv, bv, We, be, Ws, bs):
    # PyG TransformerConv, heads=1, concat=True, beta=False, edge_dim given
    n = x.shape[0]
    q = x @ Wq + bq
    k = x @ Wk + bk
    v = x @ Wv + bv
    e = ea @ We + be
    kj = k[src] + e
    vj = v[src] + e
    alpha = jnp.sum(q[dst] * kj, axis=-1) / jnp.sqrt(jnp.float32(Wq.shape[1]))
    amax = jax.lax.stop_gradient(jax.ops.segment_max(alpha, dst, num_segments=n))
    amax = jnp.where(jnp.isfinite(amax), amax, 0.0)
    ex = jnp.exp(alpha - amax[dst])
    den = jax.ops.segment_sum(ex, dst, num_segments=n)
    a = ex / (den[dst] + 1e-16)
    out = jax.ops.segment_sum(vj * a[:, None], dst, num_segments=n)
    # root skip connection (lin_skip)
    return out + x @ Ws + bs


def reference(x, edge_index, edge_attr, batch,
              Wq0, bq0, Wk0, bk0, Wv0, bv0, We0, be0, Ws0, bs0,
              Wq1, bq1, Wk1, bk1, Wv1, bv1, We1, be1, Ws1, bs1,
              Wl1, bl1, Wl2, bl2):
    src = edge_index[0]
    dst = edge_index[1]
    h = jax.nn.relu(_conv(x, src, dst, edge_attr, Wq0, bq0, Wk0, bk0, Wv0, bv0, We0, be0, Ws0, bs0))
    h = jax.nn.relu(_conv(h, src, dst, edge_attr, Wq1, bq1, Wk1, bk1, Wv1, bv1, We1, be1, Ws1, bs1))
    # global_add_pool over graph batch ids
    g = jax.ops.segment_sum(h, batch, num_segments=G)
    # Linear -> Dropout(p=0, identity) -> ReLU -> Linear
    g = jax.nn.relu(g @ Wl1 + bl1)
    return g @ Wl2 + bl2

if __name__ == "__main__":
    import jax
    _d = setup_inputs()
    print(jax.jit(kernel)(*tuple(_d.values())))

</pallas_src>

<mosaic_0001>
#map = affine_map<(d0, d1) -> (0, 0)>
#map1 = affine_map<(d0, d1) -> (0, 0, 0)>
module attributes {stable_mosaic.version = 14 : i64} {
  func.func @_sc_body(%arg0: i32, %arg1: i32, %arg2: memref<10000x144xf32, #tpu.memory_space<hbm>>, %arg3: memref<10000x256xf32, #tpu.memory_space<hbm>>, %arg4: memref<2x320000xi32, #tpu.memory_space<hbm>>, %arg5: memref<320000x16xf32, #tpu.memory_space<hbm>>, %arg6: memref<2x10000x152xf32, #tpu.memory_space<hbm>>, %arg7: memref<2x32xi32, #tpu.memory_space<vmem>>, %arg8: memref<2x32xi32, #tpu.memory_space<vmem>>, %arg9: memref<32x16xf32, #tpu.memory_space<vmem>>, %arg10: memref<32x16xf32, #tpu.memory_space<vmem>>, %arg11: memref<32x144xf32, #tpu.memory_space<vmem>>, %arg12: memref<32x144xf32, #tpu.memory_space<vmem>>, %arg13: memref<32x256xf32, #tpu.memory_space<vmem>>, %arg14: memref<32x256xf32, #tpu.memory_space<vmem>>, %arg15: memref<32x152xf32, #tpu.memory_space<vmem>>, %arg16: memref<32x16xf32, #tpu.memory_space<vmem>>, %arg17: memref<1x32xi32, #tpu.memory_space<vmem>>, %arg18: memref<10000x152xf32, #tpu.memory_space<vmem_shared>>, %arg19: memref<!tpu.dma_semaphore, #tpu.memory_space<semaphore_mem>>, %arg20: memref<!tpu.dma_semaphore, #tpu.memory_space<semaphore_mem>>, %arg21: memref<!tpu.dma_semaphore, #tpu.memory_space<semaphore_mem>>, %arg22: memref<!tpu.dma_semaphore, #tpu.memory_space<semaphore_mem>>, %arg23: memref<!tpu.dma_semaphore, #tpu.memory_space<semaphore_mem>>, %arg24: memref<!tpu.dma_semaphore, #tpu.memory_space<semaphore_mem>>, %arg25: memref<!tpu.dma_semaphore, #tpu.memory_space<semaphore_mem>>) attributes {dimension_semantics = [#tpu.dimension_semantics<core_parallel>, #tpu.dimension_semantics<subcore_parallel>], iteration_bounds = array<i64: 2, 16>, scalar_prefetch = 0 : i64, scratch_operands = 19 : i64, tpu.core_type = #tpu.core_type<sc_vector_subcore>, window_params = [{transform_indices = #map}, {transform_indices = #map}, {transform_indices = #map}, {transform_indices = #map}, {transform_indices = #map1}]} {
    %mul3A = arith.constant 16 : i32
    %mul3A_0 = arith.muli %arg0, %mul3A : i32
    %add3A = arith.addi %mul3A_0, %arg1 : i32
    %broadcast_in_dim3A = arith.constant 0.000000e+00 : f32
    %broadcast_in_dim3A_1 = vector.broadcast %broadcast_in_dim3A : f32 to vector<16xf32>
    %scan3A = arith.constant 0 : i32
    %scan3A_2 = arith.constant 0 : i32
    %scan3A_3 = arith.constant 32 : i32
    %scan3A_4 = arith.addi %scan3A_2, %scan3A_3 : i32
    %scan3A_5 = arith.constant 1 : i32
    %scan3A_6 = scf.for %scan3A_176 = %scan3A_2 to %scan3A_4 step %scan3A_5 iter_args(%scan3A_177 = %scan3A) -> (i32)  : i32 {
      %swap3A_178 = arith.index_cast %scan3A_176 : i32 to index
      %swap3A_179 = arith.constant 0 : index
      %swap3A_180 = tpu.vector_load %arg15[%swap3A_178, %swap3A_179] {strides = array<i32>} : memref<32x152xf32, #tpu.memory_space<vmem>>, vector<1x16xf32>,
      %swap3A_181 = vector.shape_cast %swap3A_180 : vector<1x16xf32> to vector<16xf32>
      %swap3A_182 = vector.shape_cast %broadcast_in_dim3A_1 : vector<16xf32> to vector<1x16xf32>
      tpu.vector_store %arg15[%swap3A_178, %swap3A_179], %swap3A_182 {strides = array<i32>} : memref<32x152xf32, #tpu.memory_space<vmem>>, vector<1x16xf32>,
      %swap3A_183 = arith.index_cast %scan3A_176 : i32 to index
      %swap3A_184 = arith.constant 16 : index
      %swap3A_185 = tpu.vector_load %arg15[%swap3A_183, %swap3A_184] {strides = array<i32>} : memref<32x152xf32, #tpu.memory_space<vmem>>, vector<1x16xf32>,
      %swap3A_186 = vector.shape_cast %swap3A_185 : vector<1x16xf32> to vector<16xf32>
      %swap3A_187 = vector.shape_cast %broadcast_in_dim3A_1 : vector<16xf32> to vector<1x16xf32>
      tpu.vector_store %arg15[%swap3A_183, %swap3A_184], %swap3A_187 {strides = array<i32>} : memref<32x152xf32, #tpu.memory_space<vmem>>, vector<1x16xf32>,
      %swap3A_188 = arith.index_cast %scan3A_176 : i32 to index
      %swap3A_189 = arith.constant 32 : index
      %swap3A_190 = tpu.vector_load %arg15[%swap3A_188, %swap3A_189] {strides = array<i32>} : memref<32x152xf32, #tpu.memory_space<vmem>>, vector<1x16xf32>,
      %swap3A_191 = vector.shape_cast %swap3A_190 : vector<1x16xf32> to vector<16xf32>
      %swap3A_192 = vector.shape_cast %broadcast_in_dim3A_1 : vector<16xf32> to vector<1x16xf32>
      tpu.vector_store %arg15[%swap3A_188, %swap3A_189], %swap3A_192 {strides = array<i32>} : memref<32x152xf32, #tpu.memory_space<vmem>>, vector<1x16xf32>,
      %swap3A_193 = arith.index_cast %scan3A_176 : i32 to index
      %swap3A_194 = arith.constant 48 : index
      %swap3A_195 = tpu.vector_load %arg15[%swap3A_193, %swap3A_194] {strides = array<i32>} : memref<32x152xf32, #tpu.memory_space<vmem>>, vector<1x16xf32>,
      %swap3A_196 = vector.shape_cast %swap3A_195 : vector<1x16xf32> to vector<16xf32>
      %swap3A_197 = vector.shape_cast %broadcast_in_dim3A_1 : vector<16xf32> to vector<1x16xf32>
      tpu.vector_store %arg15[%swap3A_193, %swap3A_194], %swap3A_197 {strides = array<i32>} : memref<32x152xf32, #tpu.memory_space<vmem>>, vector<1x16xf32>,
      %swap3A_198 = arith.index_cast %scan3A_176 : i32 to index
      %swap3A_199 = arith.constant 64 : index
      %swap3A_200 = tpu.vector_load %arg15[%swap3A_198, %swap3A_199] {strides = array<i32>} : memref<32x152xf32, #tpu.memory_space<vmem>>, vector<1x16xf32>,
      %swap3A_201 = vector.shape_cast %swap3A_200 : vector<1x16xf32> to vector<16xf32>
      %swap3A_202 = vector.shape_cast %broadcast_in_dim3A_1 : vector<16xf32> to vector<1x16xf32>
      tpu.vector_store %arg15[%swap3A_198, %swap3A_199], %swap3A_202 {strides = array<i32>} : memref<32x152xf32, #tpu.memory_space<vmem>>, vector<1x16xf32>,
      %swap3A_203 = arith.index_cast %scan3A_176 : i32 to index
      %swap3A_204 = arith.constant 80 : index
      %swap3A_205 = tpu.vector_load %arg15[%swap3A_203, %swap3A_204] {strides = array<i32>} : memref<32x152xf32, #tpu.memory_space<vmem>>, vector<1x16xf32>,
      %swap3A_206 = vector.shape_cast %swap3A_205 : vector<1x16xf32> to vector<16xf32>
      %swap3A_207 = vector.shape_cast %broadcast_in_dim3A_1 : vector<16xf32> to vector<1x16xf32>
      tpu.vector_store %arg15[%swap3A_203, %swap3A_204], %swap3A_207 {strides = array<i32>} : memref<32x152xf32, #tpu.memory_space<vmem>>, vector<1x16xf32>,
      %swap3A_208 = arith.index_cast %scan3A_176 : i32 to index
      %swap3A_209 = arith.constant 96 : index
      %swap3A_210 = tpu.vector_load %arg15[%swap3A_208, %swap3A_209] {strides = array<i32>} : memref<32x152xf32, #tpu.memory_space<vmem>>, vector<1x16xf32>,
      %swap3A_211 = vector.shape_cast %swap3A_210 : vector<1x16xf32> to vector<16xf32>
      %swap3A_212 = vector.shape_cast %broadcast_in_dim3A_1 : vector<16xf32> to vector<1x16xf32>
      tpu.vector_store %arg15[%swap3A_208, %swap3A_209], %swap3A_212 {strides = array<i32>} : memref<32x152xf32, #tpu.memory_space<vmem>>, vector<1x16xf32>,
      %swap3A_213 = arith.index_cast %scan3A_176 : i32 to index
      %swap3A_214 = arith.constant 112 : index
      %swap3A_215 = tpu.vector_load %arg15[%swap3A_213, %swap3A_214] {strides = array<i32>} : memref<32x152xf32, #tpu.memory_space<vmem>>, vector<1x16xf32>,
      %swap3A_216 = vector.shape_cast %swap3A_215 : vector<1x16xf32> to vector<16xf32>
      %swap3A_217 = vector.shape_cast %broadcast_in_dim3A_1 : vector<16xf32> to vector<1x16xf32>
      tpu.vector_store %arg15[%swap3A_213, %swap3A_214], %swap3A_217 {strides = array<i32>} : memref<32x152xf32, #tpu.memory_space<vmem>>, vector<1x16xf32>,
      %swap3A_218 = arith.index_cast %scan3A_176 : i32 to index
      %swap3A_219 = arith.constant 128 : index
      %swap3A_220 = tpu.vector_load %arg15[%swap3A_218, %swap3A_219] {strides = array<i32>} : memref<32x152xf32, #tpu.memory_space<vmem>>, vector<1x16xf32>,
      %swap3A_221 = vector.shape_cast %swap3A_220 : vector<1x16xf32> to vector<16xf32>
      %swap3A_222 = vector.shape_cast %broadcast_in_dim3A_1 : vector<16xf32> to vector<1x16xf32>
      tpu.vector_store %arg15[%swap3A_218, %swap3A_219], %swap3A_222 {strides = array<i32>} : memref<32x152xf32, #tpu.memory_space<vmem>>, vector<1x16xf32>,
      %scan3A_223 = arith.constant 0 : i32
      scf.yield %scan3A_223 : i32
    }
    %scan3A_7 = arith.constant 32 : i32
    %mul3A_8 = arith.constant 625 : i32
    %mul3A_9 = arith.muli %arg1, %mul3A_8 : i32
    %scan3A_10 = arith.constant 0 : i32
    %scan3A_11 = arith.constant 0 : i32
    %scan3A_12 = arith.constant 19 : i32
    %scan3A_13 = arith.addi %scan3A_11, %scan3A_12 : i32
    %scan3A_14 = arith.constant 1 : i32
    %scan3A_15 = scf.for %scan3A_176 = %scan3A_11 to %scan3A_13 step %scan3A_14 iter_args(%scan3A_177 = %scan3A_10) -> (i32)  : i32 {
      %mul3A_178 = arith.constant 32 : i32
      %mul3A_179 = arith.muli %mul3A_178, %scan3A_176 : i32
      %add3A_180 = arith.addi %mul3A_9, %mul3A_179 : i32
      "tpu.region"() ({
        %run_scoped3A = tpu.sem_alloc : memref<!tpu.dma_semaphore, #tpu.memory_space<semaphore_mem>>
        %dma_start3A_182 = arith.constant 0 : i32
        %dma_start3A_183 = tpu.memref_slice %arg18[%add3A_180, %dma_start3A_182] : memref<10000x152xf32, #tpu.memory_space<vmem_shared>> -> memref<32x152xf32, #tpu.memory_space<vmem_shared>>
        %dma_start3A_184 = arith.constant 0 : i32
        %dma_start3A_185 = tpu.memref_slice %arg18[%add3A_180, %dma_start3A_184] : memref<10000x152xf32, #tpu.memory_space<vmem_shared>> -> memref<32x152xf32, #tpu.memory_space<vmem_shared>>
        tpu.enqueue_dma source(%arg15 : memref<32x152xf32, #tpu.memory_space<vmem>>) target(%dma_start3A_185 : memref<32x152xf32, #tpu.memory_space<vmem_shared>>) target_semaphore(%run_scoped3A : memref<!tpu.dma_semaphore, #tpu.memory_space<semaphore_mem>>)
        %dma_wait3A_186 = arith.constant 0 : i32
        %dma_wait3A_187 = tpu.memref_slice %arg18[%add3A_180, %dma_wait3A_186] : memref<10000x152xf32, #tpu.memory_space<vmem_shared>> -> memref<32x152xf32, #tpu.memory_space<vmem_shared>>
        %dma_wait3A_188 = arith.constant 0 : i32
        %dma_wait3A_189 = tpu.memref_slice %arg18[%add3A_180, %dma_wait3A_188] : memref<10000x152xf32, #tpu.memory_space<vmem_shared>> -> memref<32x152xf32, #tpu.memory_space<vmem_shared>>
        tpu.wait_dma2 semaphore(%run_scoped3A : memref<!tpu.dma_semaphore, #tpu.memory_space<semaphore_mem>>) src(%arg15 : memref<32x152xf32, #tpu.memory_space<vmem>>) dst(%dma_wait3A_189 : memref<32x152xf32, #tpu.memory_space<vmem_shared>>)
        tpu.yield
      }) : () -> ()
      %scan3A_181 = arith.constant 0 : i32
      scf.yield %scan3A_181 : i32
    }
    %scan3A_16 = arith.constant 19 : i32
    %add3A_17 = arith.constant 608 : i32
    %add3A_18 = arith.addi %mul3A_9, %add3A_17 : i32
    "tpu.region"() ({
      %run_scoped3A = tpu.sem_alloc : memref<!tpu.dma_semaphore, #tpu.memory_space<semaphore_mem>>
      %dma_start3A_176 = arith.constant 0 : i32
      %dma_start3A_177 = arith.constant 0 : i32
      %dma_start3A_178 = tpu.memref_slice %arg15[%dma_start3A_176, %dma_start3A_177] : memref<32x152xf32, #tpu.memory_space<vmem>> -> memref<17x152xf32, #tpu.memory_space<vmem>>
      %dma_start3A_179 = arith.constant 0 : i32
      %dma_start3A_180 = tpu.memref_slice %arg18[%add3A_18, %dma_start3A_179] : memref<10000x152xf32, #tpu.memory_space<vmem_shared>> -> memref<17x152xf32, #tpu.memory_space<vmem_shared>>
      %dma_start3A_181 = arith.constant 0 : i32
      %dma_start3A_182 = tpu.memref_slice %arg18[%add3A_18, %dma_start3A_181] : memref<10000x152xf32, #tpu.memory_space<vmem_shared>> -> memref<17x152xf32, #tpu.memory_space<vmem_shared>>
      %dma_start3A_183 = arith.constant 0 : i32
      %dma_start3A_184 = arith.constant 0 : i32
      %dma_start3A_185 = tpu.memref_slice %arg15[%dma_start3A_183, %dma_start3A_184] : memref<32x152xf32, #tpu.memory_space<vmem>> -> memref<17x152xf32, #tpu.memory_space<vmem>>
      tpu.enqueue_dma source(%dma_start3A_185 : memref<17x152xf32, #tpu.memory_space<vmem>>) target(%dma_start3A_182 : memref<17x152xf32, #tpu.memory_space<vmem_shared>>) target_semaphore(%run_scoped3A : memref<!tpu.dma_semaphore, #tpu.memory_space<semaphore_mem>>)
      %dma_wait3A_186 = arith.constant 0 : i32
      %dma_wait3A_187 = arith.constant 0 : i32
      %dma_wait3A_188 = tpu.memref_slice %arg15[%dma_wait3A_186, %dma_wait3A_187] : memref<32x152xf32, #tpu.memory_space<vmem>> -> memref<17x152xf32, #tpu.memory_space<vmem>>
      %dma_wait3A_189 = arith.constant 0 : i32
      %dma_wait3A_190 = tpu.memref_slice %arg18[%add3A_18, %dma_wait3A_189] : memref<10000x152xf32, #tpu.memory_space<vmem_shared>> -> memref<17x152xf32, #tpu.memory_space<vmem_shared>>
      %dma_wait3A_191 = arith.constant 0 : i32
      %dma_wait3A_192 = tpu.memref_slice %arg18[%add3A_18, %dma_wait3A_191] : memref<10000x152xf32, #tpu.memory_space<vmem_shared>> -> memref<17x152xf32, #tpu.memory_space<vmem_shared>>
      %dma_wait3A_193 = arith.constant 0 : i32
      %dma_wait3A_194 = arith.constant 0 : i32
      %dma_wait3A_195 = tpu.memref_slice %arg15[%dma_wait3A_193, %dma_wait3A_194] : memref<32x152xf32, #tpu.memory_space<vmem>> -> memref<17x152xf32, #tpu.memory_space<vmem>>
      tpu.wait_dma2 semaphore(%run_scoped3A : memref<!tpu.dma_semaphore, #tpu.memory_space<semaphore_mem>>) src(%dma_wait3A_195 : memref<17x152xf32, #tpu.memory_space<vmem>>) dst(%dma_wait3A_192 : memref<17x152xf32, #tpu.memory_space<vmem_shared>>)
      tpu.yield
    }) : () -> ()
    %barrier3A = arith.constant 0 : index
    tpu.barrier barrier_id(%barrier3A)
    %min3A = arith.constant 8 : i32
    %min3A_19 = arith.minsi %add3A, %min3A : i32
    %mul3A_20 = arith.constant 312 : i32
    %mul3A_21 = arith.muli %mul3A_20, %add3A : i32
    %mul3A_22 = arith.constant 2 : i32
    %mul3A_23 = arith.muli %mul3A_22, %min3A_19 : i32
    %add3A_24 = arith.addi %mul3A_21, %mul3A_23 : i32
    %lt3A = arith.constant 8 : i32
    %lt3A_25 = arith.cmpi slt, %add3A, %lt3A : i32
    %convert_element_type3A = arith.extui %lt3A_25 : i1 to i32
    %mul3A_26 = arith.constant 2 : i32
    %mul3A_27 = arith.muli %mul3A_26, %convert_element_type3A : i32
    %add3A_28 = arith.constant 312 : i32
    %add3A_29 = arith.addi %add3A_28, %mul3A_27 : i32
    %add3A_30 = arith.addi %add3A_24, %add3A_29 : i32
    %sub3A = arith.constant 1 : i32
    %sub3A_31 = arith.subi %add3A_30, %sub3A : i32
    %iota3A = tpu.iota {dimensions = array<i32: 0>} : vector<16xi32>
    %sub3A_32 = arith.constant 7 : i32
    %sub3A_33 = vector.broadcast %sub3A_32 : i32 to vector<16xi32>
    %sub3A_34 = arith.subi %iota3A, %sub3A_33 : vector<16xi32>
    %jit3A = arith.constant 0 : i32
    %jit3A_35 = arith.constant 1 : i32
    %max3A = vector.broadcast %jit3A : i32 to vector<16xi32>
    %max3A_36 = arith.maxsi %max3A, %sub3A_34 : vector<16xi32>
    %min3A_37 = vector.broadcast %jit3A_35 : i32 to vector<16xi32>
    %min3A_38 = arith.minsi %min3A_37, %max3A_36 : vector<16xi32>
    %convert_element_type3A_39 = arith.sitofp %min3A_38 : vector<16xi32> to vector<16xf32>
    %sub3A_40 = arith.constant 1.000000e+00 : f32
    %sub3A_41 = vector.broadcast %sub3A_40 : f32 to vector<16xf32>
    %sub3A_42 = arith.subf %sub3A_41, %convert_element_type3A_39 : vector<16xf32>
    %add3A_43 = arith.constant 8 : i32
    %add3A_44 = vector.broadcast %add3A_43 : i32 to vector<16xi32>
    %add3A_45 = arith.addi %iota3A, %add3A_44 : vector<16xi32>
    %min3A_46 = arith.constant 15 : i32
    %min3A_47 = vector.broadcast %min3A_46 : i32 to vector<16xi32>
    %min3A_48 = arith.minsi %add3A_45, %min3A_47 : vector<16xi32>
    %mul3A_49 = arith.constant 32 : i32
    %mul3A_50 = arith.muli %add3A_24, %mul3A_49 : i32
    %dma_start3A = arith.constant 0 : i32
    %dma_start3A_51 = tpu.memref_slice %arg4[%dma_start3A, %mul3A_50] : memref<2x320000xi32, #tpu.memory_space<hbm>> -> memref<2x32xi32, #tpu.memory_space<hbm>>
    %dma_start3A_52 = arith.constant 0 : i32
    %dma_start3A_53 = tpu.memref_slice %arg4[%dma_start3A_52, %mul3A_50] : memref<2x320000xi32, #tpu.memory_space<hbm>> -> memref<2x32xi32, #tpu.memory_space<hbm>>
    tpu.enqueue_dma source(%dma_start3A_53 : memref<2x32xi32, #tpu.memory_space<hbm>>) target(%arg7 : memref<2x32xi32, #tpu.memory_space<vmem>>) target_semaphore(%arg23 : memref<!tpu.dma_semaphore, #tpu.memory_space<semaphore_mem>>)
    "tpu.region"() ({
      %run_scoped3A = tpu.sem_alloc : memref<!tpu.dma_semaphore, #tpu.memory_space<semaphore_mem>>
      %dma_start3A_176 = arith.constant 0 : i32
      %dma_start3A_177 = tpu.memref_slice %arg5[%mul3A_50, %dma_start3A_176] : memref<320000x16xf32, #tpu.memory_space<hbm>> -> memref<32x16xf32, #tpu.memory_space<hbm>>
      %dma_start3A_178 = arith.constant 0 : i32
      %dma_start3A_179 = tpu.memref_slice %arg5[%mul3A_50, %dma_start3A_178] : memref<320000x16xf32, #tpu.memory_space<hbm>> -> memref<32x16xf32, #tpu.memory_space<hbm>>
      tpu.enqueue_dma source(%dma_start3A_179 : memref<32x16xf32, #tpu.memory_space<hbm>>) target(%arg9 : memref<32x16xf32, #tpu.memory_space<vmem>>) target_semaphore(%run_scoped3A : memref<!tpu.dma_semaphore, #tpu.memory_space<semaphore_mem>>)
      %dma_wait3A_180 = arith.constant 0 : i32
      %dma_wait3A_181 = tpu.memref_slice %arg5[%mul3A_50, %dma_wait3A_180] : memref<320000x16xf32, #tpu.memory_space<hbm>> -> memref<32x16xf32, #tpu.memory_space<hbm>>
      %dma_wait3A_182 = arith.constant 0 : i32
      %dma_wait3A_183 = tpu.memref_slice %arg5[%mul3A_50, %dma_wait3A_182] : memref<320000x16xf32, #tpu.memory_space<hbm>> -> memref<32x16xf32, #tpu.memory_space<hbm>>
      tpu.wait_dma2 semaphore(%run_scoped3A : memref<!tpu.dma_semaphore, #tpu.memory_space<semaphore_mem>>) src(%dma_wait3A_183 : memref<32x16xf32, #tpu.memory_space<hbm>>) dst(%arg9 : memref<32x16xf32, #tpu.memory_space<vmem>>)
      tpu.yield
    }) : () -> ()
    %dma_wait3A = arith.constant 0 : i32
    %dma_wait3A_54 = arith.constant 0 : i32
    %dma_wait3A_55 = tpu.memref_slice %arg4[%dma_wait3A, %dma_wait3A_54] : memref<2x320000xi32, #tpu.memory_space<hbm>> -> memref<2x32xi32, #tpu.memory_space<hbm>>
    %dma_wait3A_56 = arith.constant 0 : i32
    %dma_wait3A_57 = arith.constant 0 : i32
    %dma_wait3A_58 = tpu.memref_slice %arg4[%dma_wait3A_56, %dma_wait3A_57] : memref<2x320000xi32, #tpu.memory_space<hbm>> -> memref<2x32xi32, #tpu.memory_space<hbm>>
    tpu.wait_dma2 semaphore(%arg23 : memref<!tpu.dma_semaphore, #tpu.memory_space<semaphore_mem>>) src(%dma_wait3A_58 : memref<2x32xi32, #tpu.memory_space<hbm>>) dst(%arg7 : memref<2x32xi32, #tpu.memory_space<vmem>>)
    %dma_start3A_59 = arith.constant 1 : i32
    %dma_start3A_60 = arith.constant 0 : i32
    %dma_start3A_61 = tpu.memref_slice %arg7[%dma_start3A_59, %dma_start3A_60] : memref<2x32xi32, #tpu.memory_space<vmem>> -> memref<1x32xi32, #tpu.memory_space<vmem>>
    %dma_start3A_62 = tpu.memref_squeeze %dma_start3A_61 : memref<1x32xi32, #tpu.memory_space<vmem>> -> memref<32xi32, #tpu.memory_space<vmem>>
    %dma_start3A_63 = arith.constant 0 : i32
    %dma_start3A_64 = arith.constant 0 : i32
    %dma_start3A_65 = tpu.memref_slice %arg2[%dma_start3A_63, %dma_start3A_64] : memref<10000x144xf32, #tpu.memory_space<hbm>> -> memref<10000x144xf32, #tpu.memory_space<hbm>>
    tpu.enqueue_indirect_dma source(%dma_start3A_65 : memref<10000x144xf32, #tpu.memory_space<hbm>>) target(%arg11 : memref<32x144xf32, #tpu.memory_space<vmem>>) offsets(%dma_start3A_62 : memref<32xi32, #tpu.memory_space<vmem>>) semaphore(%arg19 : memref<!tpu.dma_semaphore, #tpu.memory_space<semaphore_mem>>)
    %dma_start3A_66 = arith.constant 0 : i32
    %dma_start3A_67 = arith.constant 0 : i32
    %dma_start3A_68 = tpu.memref_slice %arg7[%dma_start3A_66, %dma_start3A_67] : memref<2x32xi32, #tpu.memory_space<vmem>> -> memref<1x32xi32, #tpu.memory_space<vmem>>
    %dma_start3A_69 = tpu.memref_squeeze %dma_start3A_68 : memref<1x32xi32, #tpu.memory_space<vmem>> -> memref<32xi32, #tpu.memory_space<vmem>>
    %dma_start3A_70 = arith.constant 0 : i32
    %dma_start3A_71 = arith.constant 0 : i32
    %dma_start3A_72 = tpu.memref_slice %arg3[%dma_start3A_70, %dma_start3A_71] : memref<10000x256xf32, #tpu.memory_space<hbm>> -> memref<10000x256xf32, #tpu.memory_space<hbm>>
    tpu.enqueue_indirect_dma source(%dma_start3A_72 : memref<10000x256xf32, #tpu.memory_space<hbm>>) target(%arg13 : memref<32x256xf32, #tpu.memory_space<vmem>>) offsets(%dma_start3A_69 : memref<32xi32, #tpu.memory_space<vmem>>) semaphore(%arg20 : memref<!tpu.dma_semaphore, #tpu.memory_space<semaphore_mem>>)
    %add3A_73 = arith.constant 1 : i32
    %add3A_74 = arith.addi %add3A_24, %add3A_73 : i32
    %mul3A_75 = arith.constant 32 : i32
    %mul3A_76 = arith.muli %add3A_74, %mul3A_75 : i32
    %dma_start3A_77 = arith.constant 0 : i32
    %dma_start3A_78 = tpu.memref_slice %arg4[%dma_start3A_77, %mul3A_76] : memref<2x320000xi32, #tpu.memory_space<hbm>> -> memref<2x32xi32, #tpu.memory_space<hbm>>
    %dma_start3A_79 = arith.constant 0 : i32
    %dma_start3A_80 = tpu.memref_slice %arg4[%dma_start3A_79, %mul3A_76] : memref<2x320000xi32, #tpu.memory_space<hbm>> -> memref<2x32xi32, #tpu.memory_space<hbm>>
    tpu.enqueue_dma source(%dma_start3A_80 : memref<2x32xi32, #tpu.memory_space<hbm>>) target(%arg8 : memref<2x32xi32, #tpu.memory_space<vmem>>) target_semaphore(%arg24 : memref<!tpu.dma_semaphore, #tpu.memory_space<semaphore_mem>>)
    "tpu.region"() ({
      %run_scoped3A = tpu.sem_alloc : memref<!tpu.dma_semaphore, #tpu.memory_space<semaphore_mem>>
      %dma_start3A_176 = arith.constant 0 : i32
      %dma_start3A_177 = tpu.memref_slice %arg5[%mul3A_76, %dma_start3A_176] : memref<320000x16xf32, #tpu.memory_space<hbm>> -> memref<32x16xf32, #tpu.memory_space<hbm>>
      %dma_start3A_178 = arith.constant 0 : i32
      %dma_start3A_179 = tpu.memref_slice %arg5[%mul3A_76, %dma_start3A_178] : memref<320000x16xf32, #tpu.memory_space<hbm>> -> memref<32x16xf32, #tpu.memory_space<hbm>>
      tpu.enqueue_dma source(%dma_start3A_179 : memref<32x16xf32, #tpu.memory_space<hbm>>) target(%arg10 : memref<32x16xf32, #tpu.memory_space<vmem>>) target_semaphore(%run_scoped3A : memref<!tpu.dma_semaphore, #tpu.memory_space<semaphore_mem>>)
      %dma_wait3A_180 = arith.constant 0 : i32
      %dma_wait3A_181 = tpu.memref_slice %arg5[%mul3A_76, %dma_wait3A_180] : memref<320000x16xf32, #tpu.memory_space<hbm>> -> memref<32x16xf32, #tpu.memory_space<hbm>>
      %dma_wait3A_182 = arith.constant 0 : i32
      %dma_wait3A_183 = tpu.memref_slice %arg5[%mul3A_76, %dma_wait3A_182] : memref<320000x16xf32, #tpu.memory_space<hbm>> -> memref<32x16xf32, #tpu.memory_space<hbm>>
      tpu.wait_dma2 semaphore(%run_scoped3A : memref<!tpu.dma_semaphore, #tpu.memory_space<semaphore_mem>>) src(%dma_wait3A_183 : memref<32x16xf32, #tpu.memory_space<hbm>>) dst(%arg10 : memref<32x16xf32, #tpu.memory_space<vmem>>)
      tpu.yield
    }) : () -> ()
    %get3A = arith.constant 1 : i32
    %get3A_81 = arith.index_cast %get3A : i32 to index
    %get3A_82 = arith.constant 0 : index
    %get3A_83 = tpu.vector_load %arg7[%get3A_81, %get3A_82] {strides = array<i32>} : memref<2x32xi32, #tpu.memory_space<vmem>>, vector<1x16xi32>,
    %get3A_84 = vector.shape_cast %get3A_83 : vector<1x16xi32> to vector<16xi32>
    %swap3A = arith.constant 0 : i32
    %swap3A_85 = arith.index_cast %swap3A : i32 to index
    %swap3A_86 = arith.constant 0 : index
    %swap3A_87 = tpu.vector_load %arg17[%swap3A_85, %swap3A_86] {strides = array<i32>} : memref<1x32xi32, #tpu.memory_space<vmem>>, vector<1x16xi32>,
    %swap3A_88 = vector.shape_cast %swap3A_87 : vector<1x16xi32> to vector<16xi32>
    %swap3A_89 = vector.shape_cast %get3A_84 : vector<16xi32> to vector<1x16xi32>
    tpu.vector_store %arg17[%swap3A_85, %swap3A_86], %swap3A_89 {strides = array<i32>} : memref<1x32xi32, #tpu.memory_space<vmem>>, vector<1x16xi32>,
    %get3A_90 = arith.constant 1 : i32
    %get3A_91 = arith.index_cast %get3A_90 : i32 to index
    %get3A_92 = arith.constant 16 : index
    %get3A_93 = tpu.vector_load %arg7[%get3A_91, %get3A_92] {strides = array<i32>} : memref<2x32xi32, #tpu.memory_space<vmem>>, vector<1x16xi32>,
    %get3A_94 = vector.shape_cast %get3A_93 : vector<1x16xi32> to vector<16xi32>
    %swap3A_95 = arith.constant 0 : i32
    %swap3A_96 = arith.index_cast %swap3A_95 : i32 to index
    %swap3A_97 = arith.constant 16 : index
    %swap3A_98 = tpu.vector_load %arg17[%swap3A_96, %swap3A_97] {strides = array<i32>} : memref<1x32xi32, #tpu.memory_space<vmem>>, vector<1x16xi32>,
    %swap3A_99 = vector.shape_cast %swap3A_98 : vector<1x16xi32> to vector<16xi32>
    %swap3A_100 = vector.shape_cast %get3A_94 : vector<16xi32> to vector<1x16xi32>
    tpu.vector_store %arg17[%swap3A_96, %swap3A_97], %swap3A_100 {strides = array<i32>} : memref<1x32xi32, #tpu.memory_space<vmem>>, vector<1x16xi32>,
    %dma_start3A_101 = arith.constant 0 : i32
    %dma_start3A_102 = arith.constant 0 : i32
    %dma_start3A_103 = tpu.memref_slice %arg17[%dma_start3A_101, %dma_start3A_102] : memref<1x32xi32, #tpu.memory_space<vmem>> -> memref<1x32xi32, #tpu.memory_space<vmem>>
    %dma_start3A_104 = tpu.memref_squeeze %dma_start3A_103 : memref<1x32xi32, #tpu.memory_space<vmem>> -> memref<32xi32, #tpu.memory_space<vmem>>
    %dma_start3A_105 = arith.constant 0 : i32
    %dma_start3A_106 = arith.constant 0 : i32
    %dma_start3A_107 = tpu.memref_slice %arg18[%dma_start3A_105, %dma_start3A_106] : memref<10000x152xf32, #tpu.memory_space<vmem_shared>> -> memref<10000x152xf32, #tpu.memory_space<vmem_shared>>
    tpu.enqueue_indirect_dma source(%arg15 : memref<32x152xf32, #tpu.memory_space<vmem>>) target(%dma_start3A_107 : memref<10000x152xf32, #tpu.memory_space<vmem_shared>>) offsets(%dma_start3A_104 : memref<32xi32, #tpu.memory_space<vmem>>) semaphore(%arg25 : memref<!tpu.dma_semaphore, #tpu.memory_space<semaphore_mem>>)
    %jit3A_108 = arith.constant 2 : i32
    %div3A = arith.divsi %add3A_29, %jit3A_108 : i32
    %sign3A = arith.constant 0 : i32
    %sign3A_109 = arith.cmpi sgt, %add3A_29, %sign3A : i32
    %sign3A_110 = arith.extui %sign3A_109 : i1 to i32
    %sign3A_111 = arith.constant 0 : i32
    %sign3A_112 = arith.cmpi slt, %add3A_29, %sign3A_111 : i32
    %sign3A_113 = arith.extui %sign3A_112 : i1 to i32
    %sign3A_114 = arith.subi %sign3A_110, %sign3A_113 : i32
    %sign3A_115 = arith.constant 0 : i32
    %sign3A_116 = arith.cmpi sgt, %jit3A_108, %sign3A_115 : i32
    %sign3A_117 = arith.extui %sign3A_116 : i1 to i32
    %sign3A_118 = arith.constant 0 : i32
    %sign3A_119 = arith.cmpi slt, %jit3A_108, %sign3A_118 : i32
    %sign3A_120 = arith.extui %sign3A_119 : i1 to i32
    %sign3A_121 = arith.subi %sign3A_117, %sign3A_120 : i32
    %ne3A = arith.cmpi ne, %sign3A_114, %sign3A_121 : i32
    %rem3A = arith.remsi %add3A_29, %jit3A_108 : i32
    %ne3A_122 = arith.constant 0 : i32
    %ne3A_123 = arith.cmpi ne, %rem3A, %ne3A_122 : i32
    %and3A = arith.andi %ne3A, %ne3A_123 : i1
    %sub3A_124 = arith.constant 1 : i32
    %sub3A_125 = arith.subi %div3A, %sub3A_124 : i32
    %select_n3A = arith.select %and3A, %sub3A_125, %div3A : i32
    %while3A = arith.constant 0 : i32
    %while3A_126 = arith.constant 0 : i32
    %while3A_127 = arith.subi %select_n3A, %while3A : i32
    %while3A_128 = arith.addi %while3A, %while3A_127 : i32
    %while3A_129 = arith.constant 1 : i32
    %while3A_130 = arith.divsi %while3A_127, %while3A_129 : i32
    %while3A_131 = arith.muli %while3A_130, %while3A_129 : i32
    %while3A_132 = arith.addi %while3A, %while3A_131 : i32
    %while3A_133 = arith.constant 1 : i32
    %while3A_134 = scf.for %while3A_176 = %while3A to %while3A_132 step %while3A_133 iter_args(%while3A_177 = %while3A_126) -> (i32)  : i32 {
      %mul3A_178 = arith.constant 2 : i32
      %mul3A_179 = arith.muli %mul3A_178, %while3A_176 : i32
      %add3A_180 = arith.addi %add3A_24, %mul3A_179 : i32
      %dma_wait3A_181 = arith.constant 1 : i32
      %dma_wait3A_182 = arith.constant 0 : i32
      %dma_wait3A_183 = tpu.memref_slice %arg7[%dma_wait3A_181, %dma_wait3A_182] : memref<2x32xi32, #tpu.memory_space<vmem>> -> memref<1x32xi32, #tpu.memory_space<vmem>>
      %dma_wait3A_184 = tpu.memref_squeeze %dma_wait3A_183 : memref<1x32xi32, #tpu.memory_space<vmem>> -> memref<32xi32, #tpu.memory_space<vmem>>
      %dma_wait3A_185 = arith.constant 0 : i32
      %dma_wait3A_186 = arith.constant 0 : i32
      %dma_wait3A_187 = tpu.memref_slice %arg2[%dma_wait3A_185, %dma_wait3A_186] : memref<10000x144xf32, #tpu.memory_space<hbm>> -> memref<10000x144xf32, #tpu.memory_space<hbm>>
      tpu.wait_indirect_dma semaphore(%arg19 : memref<!tpu.dma_semaphore, #tpu.memory_space<semaphore_mem>>) src(%dma_wait3A_187 : memref<10000x144xf32, #tpu.memory_space<hbm>>) dst(%arg11 : memref<32x144xf32, #tpu.memory_space<vmem>>)
      %dma_wait3A_188 = arith.constant 0 : i32
      %dma_wait3A_189 = arith.constant 0 : i32
      %dma_wait3A_190 = tpu.memref_slice %arg7[%dma_wait3A_188, %dma_wait3A_189] : memref<2x32xi32, #tpu.memory_space<vmem>> -> memref<1x32xi32, #tpu.memory_space<vmem>>
      %dma_wait3A_191 = tpu.memref_squeeze %dma_wait3A_190 : memref<1x32xi32, #tpu.memory_space<vmem>> -> memref<32xi32, #tpu.memory_space<vmem>>
      %dma_wait3A_192 = arith.constant 0 : i32
      %dma_wait3A_193 = arith.constant 0 : i32
      %dma_wait3A_194 = tpu.memref_slice %arg3[%dma_wait3A_192, %dma_wait3A_193] : memref<10000x256xf32, #tpu.memory_space<hbm>> -> memref<10000x256xf32, #tpu.memory_space<hbm>>
      tpu.wait_indirect_dma semaphore(%arg20 : memref<!tpu.dma_semaphore, #tpu.memory_space<semaphore_mem>>) src(%dma_wait3A_194 : memref<10000x256xf32, #tpu.memory_space<hbm>>) dst(%arg13 : memref<32x256xf32, #tpu.memory_space<vmem>>)
      %dma_wait3A_195 = arith.constant 0 : i32
      %dma_wait3A_196 = arith.constant 0 : i32
      %dma_wait3A_197 = tpu.memref_slice %arg4[%dma_wait3A_195, %dma_wait3A_196] : memref<2x320000xi32, #tpu.memory_space<hbm>> -> memref<2x32xi32, #tpu.memory_space<hbm>>
      %dma_wait3A_198 = arith.constant 0 : i32
      %dma_wait3A_199 = arith.constant 0 : i32
      %dma_wait3A_200 = tpu.memref_slice %arg4[%dma_wait3A_198, %dma_wait3A_199] : memref<2x320000xi32, #tpu.memory_space<hbm>> -> memref<2x32xi32, #tpu.memory_space<hbm>>
      tpu.wait_dma2 semaphore(%arg24 : memref<!tpu.dma_semaphore, #tpu.memory_space<semaphore_mem>>) src(%dma_wait3A_200 : memref<2x32xi32, #tpu.memory_space<hbm>>) dst(%arg8 : memref<2x32xi32, #tpu.memory_space<vmem>>)
      %dma_start3A_201 = arith.constant 1 : i32
      %dma_start3A_202 = arith.constant 0 : i32
      %dma_start3A_203 = tpu.memref_slice %arg8[%dma_start3A_201, %dma_start3A_202] : memref<2x32xi32, #tpu.memory_space<vmem>> -> memref<1x32xi32, #tpu.memory_space<vmem>>
      %dma_start3A_204 = tpu.memref_squeeze %dma_start3A_203 : memref<1x32xi32, #tpu.memory_space<vmem>> -> memref<32xi32, #tpu.memory_space<vmem>>
      %dma_start3A_205 = arith.constant 0 : i32
      %dma_start3A_206 = arith.constant 0 : i32
      %dma_start3A_207 = tpu.memref_slice %arg2[%dma_start3A_205, %dma_start3A_206] : memref<10000x144xf32, #tpu.memory_space<hbm>> -> memref<10000x144xf32, #tpu.memory_space<hbm>>
      tpu.enqueue_indirect_dma source(%dma_start3A_207 : memref<10000x144xf32, #tpu.memory_space<hbm>>) target(%arg12 : memref<32x144xf32, #tpu.memory_space<vmem>>) offsets(%dma_start3A_204 : memref<32xi32, #tpu.memory_space<vmem>>) semaphore(%arg21 : memref<!tpu.dma_semaphore, #tpu.memory_space<semaphore_mem>>)
      %dma_start3A_208 = arith.constant 0 : i32
      %dma_start3A_209 = arith.constant 0 : i32
      %dma_start3A_210 = tpu.memref_slice %arg8[%dma_start3A_208, %dma_start3A_209] : memref<2x32xi32, #tpu.memory_space<vmem>> -> memref<1x32xi32, #tpu.memory_space<vmem>>
      %dma_start3A_211 = tpu.memref_squeeze %dma_start3A_210 : memref<1x32xi32, #tpu.memory_space<vmem>> -> memref<32xi32, #tpu.memory_space<vmem>>
      %dma_start3A_212 = arith.constant 0 : i32
      %dma_start3A_213 = arith.constant 0 : i32
      %dma_start3A_214 = tpu.memref_slice %arg3[%dma_start3A_212, %dma_start3A_213] : memref<10000x256xf32, #tpu.memory_space<hbm>> -> memref<10000x256xf32, #tpu.memory_space<hbm>>
      tpu.enqueue_indirect_dma source(%dma_start3A_214 : memref<10000x256xf32, #tpu.memory_space<hbm>>) target(%arg14 : memref<32x256xf32, #tpu.memory_space<vmem>>) offsets(%dma_start3A_211 : memref<32xi32, #tpu.memory_space<vmem>>) semaphore(%arg22 : memref<!tpu.dma_semaphore, #tpu.memory_space<semaphore_mem>>)
      %scan3A_215 = arith.constant 0 : i32
      %scan3A_216 = arith.constant 0 : i32
      %scan3A_217 = arith.constant 32 : i32
      %scan3A_218 = arith.addi %scan3A_216, %scan3A_217 : i32
      %scan3A_219 = arith.constant 1 : i32
      %scan3A_220 = scf.for %scan3A_368 = %scan3A_216 to %scan3A_218 step %scan3A_219 iter_args(%scan3A_369 = %scan3A_215) -> (i32)  : i32 {
        %get3A_370 = arith.index_cast %scan3A_368 : i32 to index
        %get3A_371 = arith.constant 0 : index
        %get3A_372 = tpu.vector_load %arg11[%get3A_370, %get3A_371] {strides = array<i32>} : memref<32x144xf32, #tpu.memory_space<vmem>>, vector<1x16xf32>,
        %get3A_373 = vector.shape_cast %get3A_372 : vector<1x16xf32> to vector<16xf32>
        %get3A_374 = arith.index_cast %scan3A_368 : i32 to index
        %get3A_375 = arith.constant 0 : index
        %get3A_376 = tpu.vector_load %arg13[%get3A_374, %get3A_375] {strides = array<i32>} : memref<32x256xf32, #tpu.memory_space<vmem>>, vector<1x16xf32>,
        %get3A_377 = vector.shape_cast %get3A_376 : vector<1x16xf32> to vector<16xf32>
        %mul3A_378 = arith.mulf %get3A_373, %get3A_377 : vector<16xf32>
        %get3A_379 = arith.index_cast %scan3A_368 : i32 to index
        %get3A_380 = arith.constant 16 : index
        %get3A_381 = tpu.vector_load %arg11[%get3A_379, %get3A_380] {strides = array<i32>} : memref<32x144xf32, #tpu.memory_space<vmem>>, vector<1x16xf32>,
        %get3A_382 = vector.shape_cast %get3A_381 : vector<1x16xf32> to vector<16xf32>
        %get3A_383 = arith.index_cast %scan3A_368 : i32 to index
        %get3A_384 = arith.constant 16 : index
        %get3A_385 = tpu.vector_load %arg13[%get3A_383, %get3A_384] {strides = array<i32>} : memref<32x256xf32, #tpu.memory_space<vmem>>, vector<1x16xf32>,
        %get3A_386 = vector.shape_cast %get3A_385 : vector<1x16xf32> to vector<16xf32>
        %mul3A_387 = arith.mulf %get3A_382, %get3A_386 : vector<16xf32>
        %add3A_388 = arith.addf %mul3A_378, %mul3A_387 : vector<16xf32>
        %get3A_389 = arith.index_cast %scan3A_368 : i32 to index
        %get3A_390 = arith.constant 32 : index
        %get3A_391 = tpu.vector_load %arg11[%get3A_389, %get3A_390] {strides = array<i32>} : memref<32x144xf32, #tpu.memory_space<vmem>>, vector<1x16xf32>,
        %get3A_392 = vector.shape_cast %get3A_391 : vector<1x16xf32> to vector<16xf32>
        %get3A_393 = arith.index_cast %scan3A_368 : i32 to index
        %get3A_394 = arith.constant 32 : index
        %get3A_395 = tpu.vector_load %arg13[%get3A_393, %get3A_394] {strides = array<i32>} : memref<32x256xf32, #tpu.memory_space<vmem>>, vector<1x16xf32>,
        %get3A_396 = vector.shape_cast %get3A_395 : vector<1x16xf32> to vector<16xf32>
        %mul3A_397 = arith.mulf %get3A_392, %get3A_396 : vector<16xf32>
        %add3A_398 = arith.addf %add3A_388, %mul3A_397 : vector<16xf32>
        %get3A_399 = arith.index_cast %scan3A_368 : i32 to index
        %get3A_400 = arith.constant 48 : index
        %get3A_401 = tpu.vector_load %arg11[%get3A_399, %get3A_400] {strides = array<i32>} : memref<32x144xf32, #tpu.memory_space<vmem>>, vector<1x16xf32>,
        %get3A_402 = vector.shape_cast %get3A_401 : vector<1x16xf32> to vector<16xf32>
        %get3A_403 = arith.index_cast %scan3A_368 : i32 to index
        %get3A_404 = arith.constant 48 : index
        %get3A_405 = tpu.vector_load %arg13[%get3A_403, %get3A_404] {strides = array<i32>} : memref<32x256xf32, #tpu.memory_space<vmem>>, vector<1x16xf32>,
        %get3A_406 = vector.shape_cast %get3A_405 : vector<1x16xf32> to vector<16xf32>
        %mul3A_407 = arith.mulf %get3A_402, %get3A_406 : vector<16xf32>
        %add3A_408 = arith.addf %add3A_398, %mul3A_407 : vector<16xf32>
        %get3A_409 = arith.index_cast %scan3A_368 : i32 to index
        %get3A_410 = arith.constant 64 : index
        %get3A_411 = tpu.vector_load %arg11[%get3A_409, %get3A_410] {strides = array<i32>} : memref<32x144xf32, #tpu.memory_space<vmem>>, vector<1x16xf32>,
        %get3A_412 = vector.shape_cast %get3A_411 : vector<1x16xf32> to vector<16xf32>
        %get3A_413 = arith.index_cast %scan3A_368 : i32 to index
        %get3A_414 = arith.constant 64 : index
        %get3A_415 = tpu.vector_load %arg13[%get3A_413, %get3A_414] {strides = array<i32>} : memref<32x256xf32, #tpu.memory_space<vmem>>, vector<1x16xf32>,
        %get3A_416 = vector.shape_cast %get3A_415 : vector<1x16xf32> to vector<16xf32>
        %mul3A_417 = arith.mulf %get3A_412, %get3A_416 : vector<16xf32>
        %add3A_418 = arith.addf %add3A_408, %mul3A_417 : vector<16xf32>
        %get3A_419 = arith.index_cast %scan3A_368 : i32 to index
        %get3A_420 = arith.constant 80 : index
        %get3A_421 = tpu.vector_load %arg11[%get3A_419, %get3A_420] {strides = array<i32>} : memref<32x144xf32, #tpu.memory_space<vmem>>, vector<1x16xf32>,
        %get3A_422 = vector.shape_cast %get3A_421 : vector<1x16xf32> to vector<16xf32>
        %get3A_423 = arith.index_cast %scan3A_368 : i32 to index
        %get3A_424 = arith.constant 80 : index
        %get3A_425 = tpu.vector_load %arg13[%get3A_423, %get3A_424] {strides = array<i32>} : memref<32x256xf32, #tpu.memory_space<vmem>>, vector<1x16xf32>,
        %get3A_426 = vector.shape_cast %get3A_425 : vector<1x16xf32> to vector<16xf32>
        %mul3A_427 = arith.mulf %get3A_422, %get3A_426 : vector<16xf32>
        %add3A_428 = arith.addf %add3A_418, %mul3A_427 : vector<16xf32>
        %get3A_429 = arith.index_cast %scan3A_368 : i32 to index
        %get3A_430 = arith.constant 96 : index
        %get3A_431 = tpu.vector_load %arg11[%get3A_429, %get3A_430] {strides = array<i32>} : memref<32x144xf32, #tpu.memory_space<vmem>>, vector<1x16xf32>,
        %get3A_432 = vector.shape_cast %get3A_431 : vector<1x16xf32> to vector<16xf32>
        %get3A_433 = arith.index_cast %scan3A_368 : i32 to index
        %get3A_434 = arith.constant 96 : index
        %get3A_435 = tpu.vector_load %arg13[%get3A_433, %get3A_434] {strides = array<i32>} : memref<32x256xf32, #tpu.memory_space<vmem>>, vector<1x16xf32>,
        %get3A_436 = vector.shape_cast %get3A_435 : vector<1x16xf32> to vector<16xf32>
        %mul3A_437 = arith.mulf %get3A_432, %get3A_436 : vector<16xf32>
        %add3A_438 = arith.addf %add3A_428, %mul3A_437 : vector<16xf32>
        %get3A_439 = arith.index_cast %scan3A_368 : i32 to index
        %get3A_440 = arith.constant 112 : index
        %get3A_441 = tpu.vector_load %arg11[%get3A_439, %get3A_440] {strides = array<i32>} : memref<32x144xf32, #tpu.memory_space<vmem>>, vector<1x16xf32>,
        %get3A_442 = vector.shape_cast %get3A_441 : vector<1x16xf32> to vector<16xf32>
        %get3A_443 = arith.index_cast %scan3A_368 : i32 to index
        %get3A_444 = arith.constant 112 : index
        %get3A_445 = tpu.vector_load %arg13[%get3A_443, %get3A_444] {strides = array<i32>} : memref<32x256xf32, #tpu.memory_space<vmem>>, vector<1x16xf32>,
        %get3A_446 = vector.shape_cast %get3A_445 : vector<1x16xf32> to vector<16xf32>
        %mul3A_447 = arith.mulf %get3A_442, %get3A_446 : vector<16xf32>
        %add3A_448 = arith.addf %add3A_438, %mul3A_447 : vector<16xf32>
        %get3A_449 = arith.index_cast %scan3A_368 : i32 to index
        %get3A_450 = arith.constant 128 : index
        %get3A_451 = tpu.vector_load %arg11[%get3A_449, %get3A_450] {strides = array<i32>} : memref<32x144xf32, #tpu.memory_space<vmem>>, vector<1x16xf32>,
        %get3A_452 = vector.shape_cast %get3A_451 : vector<1x16xf32> to vector<16xf32>
        %get3A_453 = arith.index_cast %scan3A_368 : i32 to index
        %get3A_454 = arith.constant 0 : index
        %get3A_455 = tpu.vector_load %arg9[%get3A_453, %get3A_454] {strides = array<i32>} : memref<32x16xf32, #tpu.memory_space<vmem>>, vector<1x16xf32>,
        %get3A_456 = vector.shape_cast %get3A_455 : vector<1x16xf32> to vector<16xf32>
        %mul3A_457 = arith.mulf %get3A_452, %get3A_456 : vector<16xf32>
        %add3A_458 = arith.addf %add3A_448, %mul3A_457 : vector<16xf32>
        %iota3A_459 = tpu.iota {dimensions = array<i32: 0>} : vector<16xi32>
        %xor3A = arith.constant 1 : i32
        %xor3A_460 = vector.broadcast %xor3A : i32 to vector<16xi32>
        %xor3A_461 = arith.xori %iota3A_459, %xor3A_460 : vector<16xi32>
        %broadcast_in_dim3A_462 = vector.shape_cast %xor3A_461 : vector<16xi32> to vector<16x1xi32>
        %gather3A = vector.shape_cast %broadcast_in_dim3A_462 : vector<16x1xi32> to vector<16xi32>
        %gather3A_463 = tpu.dynamic_gather %add3A_458[%gather3A] in [0] : vector<16xf32>, vector<16xi32> -> vector<16xf32>
        %add3A_464 = arith.addf %add3A_458, %gather3A_463 : vector<16xf32>
        %iota3A_465 = tpu.iota {dimensions = array<i32: 0>} : vector<16xi32>
        %xor3A_466 = arith.constant 2 : i32
        %xor3A_467 = vector.broadcast %xor3A_466 : i32 to vector<16xi32>
        %xor3A_468 = arith.xori %iota3A_465, %xor3A_467 : vector<16xi32>
        %broadcast_in_dim3A_469 = vector.shape_cast %xor3A_468 : vector<16xi32> to vector<16x1xi32>
        %gather3A_470 = vector.shape_cast %broadcast_in_dim3A_469 : vector<16x1xi32> to vector<16xi32>
        %gather3A_471 = tpu.dynamic_gather %add3A_464[%gather3A_470] in [0] : vector<16xf32>, vector<16xi32> -> vector<16xf32>
        %add3A_472 = arith.addf %add3A_464, %gather3A_471 : vector<16xf32>
        %iota3A_473 = tpu.iota {dimensions = array<i32: 0>} : vector<16xi32>
        %xor3A_474 = arith.constant 4 : i32
        %xor3A_475 = vector.broadcast %xor3A_474 : i32 to vector<16xi32>
        %xor3A_476 = arith.xori %iota3A_473, %xor3A_475 : vector<16xi32>
        %broadcast_in_dim3A_477 = vector.shape_cast %xor3A_476 : vector<16xi32> to vector<16x1xi32>
        %gather3A_478 = vector.shape_cast %broadcast_in_dim3A_477 : vector<16x1xi32> to vector<16xi32>
        %gather3A_479 = tpu.dynamic_gather %add3A_472[%gather3A_478] in [0] : vector<16xf32>, vector<16xi32> -> vector<16xf32>
        %add3A_480 = arith.addf %add3A_472, %gather3A_479 : vector<16xf32>
        %iota3A_481 = tpu.iota {dimensions = array<i32: 0>} : vector<16xi32>
        %xor3A_482 = arith.constant 8 : i32
        %xor3A_483 = vector.broadcast %xor3A_482 : i32 to vector<16xi32>
        %xor3A_484 = arith.xori %iota3A_481, %xor3A_483 : vector<16xi32>
        %broadcast_in_dim3A_485 = vector.shape_cast %xor3A_484 : vector<16xi32> to vector<16x1xi32>
        %gather3A_486 = vector.shape_cast %broadcast_in_dim3A_485 : vector<16x1xi32> to vector<16xi32>
        %gather3A_487 = tpu.dynamic_gather %add3A_480[%gather3A_486] in [0] : vector<16xf32>, vector<16xi32> -> vector<16xf32>
        %add3A_488 = arith.addf %add3A_480, %gather3A_487 : vector<16xf32>
        %exp3A = math.exp %add3A_488 : vector<16xf32>
        %swap3A_489 = arith.index_cast %scan3A_368 : i32 to index
        %swap3A_490 = arith.constant 0 : index
        %swap3A_491 = tpu.vector_load %arg16[%swap3A_489, %swap3A_490] {strides = array<i32>} : memref<32x16xf32, #tpu.memory_space<vmem>>, vector<1x16xf32>,
        %swap3A_492 = vector.shape_cast %swap3A_491 : vector<1x16xf32> to vector<16xf32>
        %swap3A_493 = vector.shape_cast %exp3A : vector<16xf32> to vector<1x16xf32>
        tpu.vector_store %arg16[%swap3A_489, %swap3A_490], %swap3A_493 {strides = array<i32>} : memref<32x16xf32, #tpu.memory_space<vmem>>, vector<1x16xf32>,
        %scan3A_494 = arith.constant 0 : i32
        scf.yield %scan3A_494 : i32
      }
      %scan3A_221 = arith.constant 32 : i32
      %dma_wait3A_222 = arith.constant 0 : i32
      %dma_wait3A_223 = arith.constant 0 : i32
      %dma_wait3A_224 = tpu.memref_slice %arg17[%dma_wait3A_222, %dma_wait3A_223] : memref<1x32xi32, #tpu.memory_space<vmem>> -> memref<1x32xi32, #tpu.memory_space<vmem>>
      %dma_wait3A_225 = tpu.memref_squeeze %dma_wait3A_224 : memref<1x32xi32, #tpu.memory_space<vmem>> -> memref<32xi32, #tpu.memory_space<vmem>>
      %dma_wait3A_226 = arith.constant 0 : i32
      %dma_wait3A_227 = arith.constant 0 : i32
      %dma_wait3A_228 = tpu.memref_slice %arg18[%dma_wait3A_226, %dma_wait3A_227] : memref<10000x152xf32, #tpu.memory_space<vmem_shared>> -> memref<10000x152xf32, #tpu.memory_space<vmem_shared>>
      tpu.wait_indirect_dma semaphore(%arg25 : memref<!tpu.dma_semaphore, #tpu.memory_space<semaphore_mem>>) src(%arg15 : memref<32x152xf32, #tpu.memory_space<vmem>>) dst(%dma_wait3A_228 : memref<10000x152xf32, #tpu.memory_space<vmem_shared>>)
      %scan3A_229 = arith.constant 0 : i32
      %scan3A_230 = arith.constant 0 : i32
      %scan3A_231 = arith.constant 32 : i32
      %scan3A_232 = arith.addi %scan3A_230, %scan3A_231 : i32
      %scan3A_233 = arith.constant 1 : i32
      %scan3A_234 = scf.for %scan3A_368 = %scan3A_230 to %scan3A_232 step %scan3A_233 iter_args(%scan3A_369 = %scan3A_229) -> (i32)  : i32 {
        %get3A_370 = arith.index_cast %scan3A_368 : i32 to index
        %get3A_371 = arith.constant 0 : index
        %get3A_372 = tpu.vector_load %arg16[%get3A_370, %get3A_371] {strides = array<i32>} : memref<32x16xf32, #tpu.memory_space<vmem>>, vector<1x16xf32>,
        %get3A_373 = vector.shape_cast %get3A_372 : vector<1x16xf32> to vector<16xf32>
        %get3A_374 = arith.index_cast %scan3A_368 : i32 to index
        %get3A_375 = arith.constant 128 : index
        %get3A_376 = tpu.vector_load %arg13[%get3A_374, %get3A_375] {strides = array<i32>} : memref<32x256xf32, #tpu.memory_space<vmem>>, vector<1x16xf32>,
        %get3A_377 = vector.shape_cast %get3A_376 : vector<1x16xf32> to vector<16xf32>
        %mul3A_378 = arith.mulf %get3A_373, %get3A_377 : vector<16xf32>
        %swap3A_379 = arith.index_cast %scan3A_368 : i32 to index
        %swap3A_380 = arith.constant 0 : index
        %swap3A_381 = tpu.vector_load %arg15[%swap3A_379, %swap3A_380] {strides = array<i32>} : memref<32x152xf32, #tpu.memory_space<vmem>>, vector<1x16xf32>,
        %swap3A_382 = vector.shape_cast %swap3A_381 : vector<1x16xf32> to vector<16xf32>
        %swap3A_383 = vector.shape_cast %mul3A_378 : vector<16xf32> to vector<1x16xf32>
        tpu.vector_store %arg15[%swap3A_379, %swap3A_380], %swap3A_383 {strides = array<i32>} : memref<32x152xf32, #tpu.memory_space<vmem>>, vector<1x16xf32>,
        %get3A_384 = arith.index_cast %scan3A_368 : i32 to index
        %get3A_385 = arith.constant 144 : index
        %get3A_386 = tpu.vector_load %arg13[%get3A_384, %get3A_385] {strides = array<i32>} : memref<32x256xf32, #tpu.memory_space<vmem>>, vector<1x16xf32>,
        %get3A_387 = vector.shape_cast %get3A_386 : vector<1x16xf32> to vector<16xf32>
        %mul3A_388 = arith.mulf %get3A_373, %get3A_387 : vector<16xf32>
        %swap3A_389 = arith.index_cast %scan3A_368 : i32 to index
        %swap3A_390 = arith.constant 16 : index
        %swap3A_391 = tpu.vector_load %arg15[%swap3A_389, %swap3A_390] {strides = array<i32>} : memref<32x152xf32, #tpu.memory_space<vmem>>, vector<1x16xf32>,
        %swap3A_392 = vector.shape_cast %swap3A_391 : vector<1x16xf32> to vector<16xf32>
        %swap3A_393 = vector.shape_cast %mul3A_388 : vector<16xf32> to vector<1x16xf32>
        tpu.vector_store %arg15[%swap3A_389, %swap3A_390], %swap3A_393 {strides = array<i32>} : memref<32x152xf32, #tpu.memory_space<vmem>>, vector<1x16xf32>,
        %get3A_394 = arith.index_cast %scan3A_368 : i32 to index
        %get3A_395 = arith.constant 160 : index
        %get3A_396 = tpu.vector_load %arg13[%get3A_394, %get3A_395] {strides = array<i32>} : memref<32x256xf32, #tpu.memory_space<vmem>>, vector<1x16xf32>,
        %get3A_397 = vector.shape_cast %get3A_396 : vector<1x16xf32> to vector<16xf32>
        %mul3A_398 = arith.mulf %get3A_373, %get3A_397 : vector<16xf32>
        %swap3A_399 = arith.index_cast %scan3A_368 : i32 to index
        %swap3A_400 = arith.constant 32 : index
        %swap3A_401 = tpu.vector_load %arg15[%swap3A_399, %swap3A_400] {strides = array<i32>} : memref<32x152xf32, #tpu.memory_space<vmem>>, vector<1x16xf32>,
        %swap3A_402 = vector.shape_cast %swap3A_401 : vector<1x16xf32> to vector<16xf32>
        %swap3A_403 = vector.shape_cast %mul3A_398 : vector<16xf32> to vector<1x16xf32>
        tpu.vector_store %arg15[%swap3A_399, %swap3A_400], %swap3A_403 {strides = array<i32>} : memref<32x152xf32, #tpu.memory_space<vmem>>, vector<1x16xf32>,
        %get3A_404 = arith.index_cast %scan3A_368 : i32 to index
        %get3A_405 = arith.constant 176 : index
        %get3A_406 = tpu.vector_load %arg13[%get3A_404, %get3A_405] {strides = array<i32>} : memref<32x256xf32, #tpu.memory_space<vmem>>, vector<1x16xf32>,
        %get3A_407 = vector.shape_cast %get3A_406 : vector<1x16xf32> to vector<16xf32>
        %mul3A_408 = arith.mulf %get3A_373, %get3A_407 : vector<16xf32>
        %swap3A_409 = arith.index_cast %scan3A_368 : i32 to index
        %swap3A_410 = arith.constant 48 : index
        %swap3A_411 = tpu.vector_load %arg15[%swap3A_409, %swap3A_410] {strides = array<i32>} : memref<32x152xf32, #tpu.memory_space<vmem>>, vector<1x16xf32>,
        %swap3A_412 = vector.shape_cast %swap3A_411 : vector<1x16xf32> to vector<16xf32>
        %swap3A_413 = vector.shape_cast %mul3A_408 : vector<16xf32> to vector<1x16xf32>
        tpu.vector_store %arg15[%swap3A_409, %swap3A_410], %swap3A_413 {strides = array<i32>} : memref<32x152xf32, #tpu.memory_space<vmem>>, vector<1x16xf32>,
        %get3A_414 = arith.index_cast %scan3A_368 : i32 to index
        %get3A_415 = arith.constant 192 : index
        %get3A_416 = tpu.vector_load %arg13[%get3A_414, %get3A_415] {strides = array<i32>} : memref<32x256xf32, #tpu.memory_space<vmem>>, vector<1x16xf32>,
        %get3A_417 = vector.shape_cast %get3A_416 : vector<1x16xf32> to vector<16xf32>
        %mul3A_418 = arith.mulf %get3A_373, %get3A_417 : vector<16xf32>
        %swap3A_419 = arith.index_cast %scan3A_368 : i32 to index
        %swap3A_420 = arith.constant 64 : index
        %swap3A_421 = tpu.vector_load %arg15[%swap3A_419, %swap3A_420] {strides = array<i32>} : memref<32x152xf32, #tpu.memory_space<vmem>>, vector<1x16xf32>,
        %swap3A_422 = vector.shape_cast %swap3A_421 : vector<1x16xf32> to vector<16xf32>
        %swap3A_423 = vector.shape_cast %mul3A_418 : vector<16xf32> to vector<1x16xf32>
        tpu.vector_store %arg15[%swap3A_419, %swap3A_420], %swap3A_423 {strides = array<i32>} : memref<32x152xf32, #tpu.memory_space<vmem>>, vector<1x16xf32>,
        %get3A_424 = arith.index_cast %scan3A_368 : i32 to index
        %get3A_425 = arith.constant 208 : index
        %get3A_426 = tpu.vector_load %arg13[%get3A_424, %get3A_425] {strides = array<i32>} : memref<32x256xf32, #tpu.memory_space<vmem>>, vector<1x16xf32>,
        %get3A_427 = vector.shape_cast %get3A_426 : vector<1x16xf32> to vector<16xf32>
        %mul3A_428 = arith.mulf %get3A_373, %get3A_427 : vector<16xf32>
        %swap3A_429 = arith.index_cast %scan3A_368 : i32 to index
        %swap3A_430 = arith.constant 80 : index
        %swap3A_431 = tpu.vector_load %arg15[%swap3A_429, %swap3A_430] {strides = array<i32>} : memref<32x152xf32, #tpu.memory_space<vmem>>, vector<1x16xf32>,
        %swap3A_432 = vector.shape_cast %swap3A_431 : vector<1x16xf32> to vector<16xf32>
        %swap3A_433 = vector.shape_cast %mul3A_428 : vector<16xf32> to vector<1x16xf32>
        tpu.vector_store %arg15[%swap3A_429, %swap3A_430], %swap3A_433 {strides = array<i32>} : memref<32x152xf32, #tpu.memory_space<vmem>>, vector<1x16xf32>,
        %get3A_434 = arith.index_cast %scan3A_368 : i32 to index
        %get3A_435 = arith.constant 224 : index
        %get3A_436 = tpu.vector_load %arg13[%get3A_434, %get3A_435] {strides = array<i32>} : memref<32x256xf32, #tpu.memory_space<vmem>>, vector<1x16xf32>,
        %get3A_437 = vector.shape_cast %get3A_436 : vector<1x16xf32> to vector<16xf32>
        %mul3A_438 = arith.mulf %get3A_373, %get3A_437 : vector<16xf32>
        %swap3A_439 = arith.index_cast %scan3A_368 : i32 to index
        %swap3A_440 = arith.constant 96 : index
        %swap3A_441 = tpu.vector_load %arg15[%swap3A_439, %swap3A_440] {strides = array<i32>} : memref<32x152xf32, #tpu.memory_space<vmem>>, vector<1x16xf32>,
        %swap3A_442 = vector.shape_cast %swap3A_441 : vector<1x16xf32> to vector<16xf32>
        %swap3A_443 = vector.shape_cast %mul3A_438 : vector<16xf32> to vector<1x16xf32>
        tpu.vector_store %arg15[%swap3A_439, %swap3A_440], %swap3A_443 {strides = array<i32>} : memref<32x152xf32, #tpu.memory_space<vmem>>, vector<1x16xf32>,
        %get3A_444 = arith.index_cast %scan3A_368 : i32 to index
        %get3A_445 = arith.constant 240 : index
        %get3A_446 = tpu.vector_load %arg13[%get3A_444, %get3A_445] {strides = array<i32>} : memref<32x256xf32, #tpu.memory_space<vmem>>, vector<1x16xf32>,
        %get3A_447 = vector.shape_cast %get3A_446 : vector<1x16xf32> to vector<16xf32>
        %mul3A_448 = arith.mulf %get3A_373, %get3A_447 : vector<16xf32>
        %swap3A_449 = arith.index_cast %scan3A_368 : i32 to index
        %swap3A_450 = arith.constant 112 : index
        %swap3A_451 = tpu.vector_load %arg15[%swap3A_449, %swap3A_450] {strides = array<i32>} : memref<32x152xf32, #tpu.memory_space<vmem>>, vector<1x16xf32>,
        %swap3A_452 = vector.shape_cast %swap3A_451 : vector<1x16xf32> to vector<16xf32>
        %swap3A_453 = vector.shape_cast %mul3A_448 : vector<16xf32> to vector<1x16xf32>
        tpu.vector_store %arg15[%swap3A_449, %swap3A_450], %swap3A_453 {strides = array<i32>} : memref<32x152xf32, #tpu.memory_space<vmem>>, vector<1x16xf32>,
        %get3A_454 = arith.index_cast %scan3A_368 : i32 to index
        %get3A_455 = arith.constant 0 : index
        %get3A_456 = tpu.vector_load %arg9[%get3A_454, %get3A_455] {strides = array<i32>} : memref<32x16xf32, #tpu.memory_space<vmem>>, vector<1x16xf32>,
        %get3A_457 = vector.shape_cast %get3A_456 : vector<1x16xf32> to vector<16xf32>
        %mul3A_458 = arith.mulf %get3A_373, %get3A_457 : vector<16xf32>
        %swap3A_459 = arith.index_cast %scan3A_368 : i32 to index
        %swap3A_460 = arith.constant 128 : index
        %swap3A_461 = tpu.vector_load %arg15[%swap3A_459, %swap3A_460] {strides = array<i32>} : memref<32x152xf32, #tpu.memory_space<vmem>>, vector<1x16xf32>,
        %swap3A_462 = vector.shape_cast %swap3A_461 : vector<1x16xf32> to vector<16xf32>
        %swap3A_463 = vector.shape_cast %mul3A_458 : vector<16xf32> to vector<1x16xf32>
        tpu.vector_store %arg15[%swap3A_459, %swap3A_460], %swap3A_463 {strides = array<i32>} : memref<32x152xf32, #tpu.memory_space<vmem>>, vector<1x16xf32>,
        %broadcast_in_dim3A_464 = vector.shape_cast %min3A_48 : vector<16xi32> to vector<16x1xi32>
        %gather3A = vector.shape_cast %broadcast_in_dim3A_464 : vector<16x1xi32> to vector<16xi32>
        %gather3A_465 = tpu.dynamic_gather %mul3A_458[%gather3A] in [0] : vector<16xf32>, vector<16xi32> -> vector<16xf32>
        %mul3A_466 = arith.mulf %gather3A_465, %sub3A_42 : vector<16xf32>
        %mul3A_467 = arith.mulf %get3A_373, %convert_element_type3A_39 : vector<16xf32>
        %add3A_468 = arith.addf %mul3A_466, %mul3A_467 : vector<16xf32>
        %swap3A_469 = arith.index_cast %scan3A_368 : i32 to index
        %swap3A_470 = arith.constant 136 : index
        %swap3A_471 = tpu.vector_load %arg15[%swap3A_469, %swap3A_470] {strides = array<i32>} : memref<32x152xf32, #tpu.memory_space<vmem>>, vector<1x16xf32>,
        %swap3A_472 = vector.shape_cast %swap3A_471 : vector<1x16xf32> to vector<16xf32>
        %swap3A_473 = vector.shape_cast %add3A_468 : vector<16xf32> to vector<1x16xf32>
        tpu.vector_store %arg15[%swap3A_469, %swap3A_470], %swap3A_473 {strides = array<i32>} : memref<32x152xf32, #tpu.memory_space<vmem>>, vector<1x16xf32>,
        %scan3A_474 = arith.constant 0 : i32
        scf.yield %scan3A_474 : i32
      }
      %scan3A_235 = arith.constant 32 : i32
      %get3A_236 = arith.constant 1 : i32
      %get3A_237 = arith.index_cast %get3A_236 : i32 to index
      %get3A_238 = arith.constant 0 : index
      %get3A_239 = tpu.vector_load %arg7[%get3A_237, %get3A_238] {strides = array<i32>} : memref<2x32xi32, #tpu.memory_space<vmem>>, vector<1x16xi32>,
      %get3A_240 = vector.shape_cast %get3A_239 : vector<1x16xi32> to vector<16xi32>
      %swap3A_241 = arith.constant 0 : i32
      %swap3A_242 = arith.index_cast %swap3A_241 : i32 to index
      %swap3A_243 = arith.constant 0 : index
      %swap3A_244 = tpu.vector_load %arg17[%swap3A_242, %swap3A_243] {strides = array<i32>} : memref<1x32xi32, #tpu.memory_space<vmem>>, vector<1x16xi32>,
      %swap3A_245 = vector.shape_cast %swap3A_244 : vector<1x16xi32> to vector<16xi32>
      %swap3A_246 = vector.shape_cast %get3A_240 : vector<16xi32> to vector<1x16xi32>
      tpu.vector_store %arg17[%swap3A_242, %swap3A_243], %swap3A_246 {strides = array<i32>} : memref<1x32xi32, #tpu.memory_space<vmem>>, vector<1x16xi32>,
      %get3A_247 = arith.constant 1 : i32
      %get3A_248 = arith.index_cast %get3A_247 : i32 to index
      %get3A_249 = arith.constant 16 : index
      %get3A_250 = tpu.vector_load %arg7[%get3A_248, %get3A_249] {strides = array<i32>} : memref<2x32xi32, #tpu.memory_space<vmem>>, vector<1x16xi32>,
      %get3A_251 = vector.shape_cast %get3A_250 : vector<1x16xi32> to vector<16xi32>
      %swap3A_252 = arith.constant 0 : i32
      %swap3A_253 = arith.index_cast %swap3A_252 : i32 to index
      %swap3A_254 = arith.constant 16 : index
      %swap3A_255 = tpu.vector_load %arg17[%swap3A_253, %swap3A_254] {strides = array<i32>} : memref<1x32xi32, #tpu.memory_space<vmem>>, vector<1x16xi32>,
      %swap3A_256 = vector.shape_cast %swap3A_255 : vector<1x16xi32> to vector<16xi32>
      %swap3A_257 = vector.shape_cast %get3A_251 : vector<16xi32> to vector<1x16xi32>
      tpu.vector_store %arg17[%swap3A_253, %swap3A_254], %swap3A_257 {strides = array<i32>} : memref<1x32xi32, #tpu.memory_space<vmem>>, vector<1x16xi32>,
      %dma_start3A_258 = arith.constant 0 : i32
      %dma_start3A_259 = arith.constant 0 : i32
      %dma_start3A_260 = tpu.memref_slice %arg17[%dma_start3A_258, %dma_start3A_259] : memref<1x32xi32, #tpu.memory_space<vmem>> -> memref<1x32xi32, #tpu.memory_space<vmem>>
      %dma_start3A_261 = tpu.memref_squeeze %dma_start3A_260 : memref<1x32xi32, #tpu.memory_space<vmem>> -> memref<32xi32, #tpu.memory_space<vmem>>
      %dma_start3A_262 = arith.constant 0 : i32
      %dma_start3A_263 = arith.constant 0 : i32
      %dma_start3A_264 = tpu.memref_slice %arg18[%dma_start3A_262, %dma_start3A_263] : memref<10000x152xf32, #tpu.memory_space<vmem_shared>> -> memref<10000x152xf32, #tpu.memory_space<vmem_shared>>
      tpu.enqueue_indirect_dma source(%arg15 : memref<32x152xf32, #tpu.memory_space<vmem>>) target(%dma_start3A_264 : memref<10000x152xf32, #tpu.memory_space<vmem_shared>>) offsets(%dma_start3A_261 : memref<32xi32, #tpu.memory_space<vmem>>) semaphore(%arg25 : memref<!tpu.dma_semaphore, #tpu.memory_space<semaphore_mem>>)
      %add3A_265 = arith.constant 2 : i32
      %add3A_266 = arith.addi %add3A_180, %add3A_265 : i32
      %min3A_267 = arith.minsi %add3A_266, %sub3A_31 : i32
      %mul3A_268 = arith.constant 32 : i32
      %mul3A_269 = arith.muli %min3A_267, %mul3A_268 : i32
      %dma_start3A_270 = arith.constant 0 : i32
      %dma_start3A_271 = tpu.memref_slice %arg4[%dma_start3A_270, %mul3A_269] : memref<2x320000xi32, #tpu.memory_space<hbm>> -> memref<2x32xi32, #tpu.memory_space<hbm>>
      %dma_start3A_272 = arith.constant 0 : i32
      %dma_start3A_273 = tpu.memref_slice %arg4[%dma_start3A_272, %mul3A_269] : memref<2x320000xi32, #tpu.memory_space<hbm>> -> memref<2x32xi32, #tpu.memory_space<hbm>>
      tpu.enqueue_dma source(%dma_start3A_273 : memref<2x32xi32, #tpu.memory_space<hbm>>) target(%arg7 : memref<2x32xi32, #tpu.memory_space<vmem>>) target_semaphore(%arg23 : memref<!tpu.dma_semaphore, #tpu.memory_space<semaphore_mem>>)
      "tpu.region"() ({
        %run_scoped3A = tpu.sem_alloc : memref<!tpu.dma_semaphore, #tpu.memory_space<semaphore_mem>>
        %dma_start3A_368 = arith.constant 0 : i32
        %dma_start3A_369 = tpu.memref_slice %arg5[%mul3A_269, %dma_start3A_368] : memref<320000x16xf32, #tpu.memory_space<hbm>> -> memref<32x16xf32, #tpu.memory_space<hbm>>
        %dma_start3A_370 = arith.constant 0 : i32
        %dma_start3A_371 = tpu.memref_slice %arg5[%mul3A_269, %dma_start3A_370] : memref<320000x16xf32, #tpu.memory_space<hbm>> -> memref<32x16xf32, #tpu.memory_space<hbm>>
        tpu.enqueue_dma source(%dma_start3A_371 : memref<32x16xf32, #tpu.memory_space<hbm>>) target(%arg9 : memref<32x16xf32, #tpu.memory_space<vmem>>) target_semaphore(%run_scoped3A : memref<!tpu.dma_semaphore, #tpu.memory_space<semaphore_mem>>)
        %dma_wait3A_372 = arith.constant 0 : i32
        %dma_wait3A_373 = tpu.memref_slice %arg5[%mul3A_269, %dma_wait3A_372] : memref<320000x16xf32, #tpu.memory_space<hbm>> -> memref<32x16xf32, #tpu.memory_space<hbm>>
        %dma_wait3A_374 = arith.constant 0 : i32
        %dma_wait3A_375 = tpu.memref_slice %arg5[%mul3A_269, %dma_wait3A_374] : memref<320000x16xf32, #tpu.memory_space<hbm>> -> memref<32x16xf32, #tpu.memory_space<hbm>>
        tpu.wait_dma2 semaphore(%run_scoped3A : memref<!tpu.dma_semaphore, #tpu.memory_space<semaphore_mem>>) src(%dma_wait3A_375 : memref<32x16xf32, #tpu.memory_space<hbm>>) dst(%arg9 : memref<32x16xf32, #tpu.memory_space<vmem>>)
        tpu.yield
      }) : () -> ()
      %dma_wait3A_274 = arith.constant 1 : i32
      %dma_wait3A_275 = arith.constant 0 : i32
      %dma_wait3A_276 = tpu.memref_slice %arg8[%dma_wait3A_274, %dma_wait3A_275] : memref<2x32xi32, #tpu.memory_space<vmem>> -> memref<1x32xi32, #tpu.memory_space<vmem>>
      %dma_wait3A_277 = tpu.memref_squeeze %dma_wait3A_276 : memref<1x32xi32, #tpu.memory_space<vmem>> -> memref<32xi32, #tpu.memory_space<vmem>>
      %dma_wait3A_278 = arith.constant 0 : i32
      %dma_wait3A_279 = arith.constant 0 : i32
      %dma_wait3A_280 = tpu.memref_slice %arg2[%dma_wait3A_278, %dma_wait3A_279] : memref<10000x144xf32, #tpu.memory_space<hbm>> -> memref<10000x144xf32, #tpu.memory_space<hbm>>
      tpu.wait_indirect_dma semaphore(%arg21 : memref<!tpu.dma_semaphore, #tpu.memory_space<semaphore_mem>>) src(%dma_wait3A_280 : memref<10000x144xf32, #tpu.memory_space<hbm>>) dst(%arg12 : memref<32x144xf32, #tpu.memory_space<vmem>>)
      %dma_wait3A_281 = arith.constant 0 : i32
      %dma_wait3A_282 = arith.constant 0 : i32
      %dma_wait3A_283 = tpu.memref_slice %arg8[%dma_wait3A_281, %dma_wait3A_282] : memref<2x32xi32, #tpu.memory_space<vmem>> -> memref<1x32xi32, #tpu.memory_space<vmem>>
      %dma_wait3A_284 = tpu.memref_squeeze %dma_wait3A_283 : memref<1x32xi32, #tpu.memory_space<vmem>> -> memref<32xi32, #tpu.memory_space<vmem>>
      %dma_wait3A_285 = arith.constant 0 : i32
      %dma_wait3A_286 = arith.constant 0 : i32
      %dma_wait3A_287 = tpu.memref_slice %arg3[%dma_wait3A_285, %dma_wait3A_286] : memref<10000x256xf32, #tpu.memory_space<hbm>> -> memref<10000x256xf32, #tpu.memory_space<hbm>>
      tpu.wait_indirect_dma semaphore(%arg22 : memref<!tpu.dma_semaphore, #tpu.memory_space<semaphore_mem>>) src(%dma_wait3A_287 : memref<10000x256xf32, #tpu.memory_space<hbm>>) dst(%arg14 : memref<32x256xf32, #tpu.memory_space<vmem>>)
      %dma_wait3A_288 = arith.constant 0 : i32
      %dma_wait3A_289 = arith.constant 0 : i32
      %dma_wait3A_290 = tpu.memref_slice %arg4[%dma_wait3A_288, %dma_wait3A_289] : memref<2x320000xi32, #tpu.memory_space<hbm>> -> memref<2x32xi32, #tpu.memory_space<hbm>>
      %dma_wait3A_291 = arith.constant 0 : i32
      %dma_wait3A_292 = arith.constant 0 : i32
      %dma_wait3A_293 = tpu.memref_slice %arg4[%dma_wait3A_291, %dma_wait3A_292] : memref<2x320000xi32, #tpu.memory_space<hbm>> -> memref<2x32xi32, #tpu.memory_space<hbm>>
      tpu.wait_dma2 semaphore(%arg23 : memref<!tpu.dma_semaphore, #tpu.memory_space<semaphore_mem>>) src(%dma_wait3A_293 : memref<2x32xi32, #tpu.memory_space<hbm>>) dst(%arg7 : memref<2x32xi32, #tpu.memory_space<vmem>>)
      %dma_start3A_294 = arith.constant 1 : i32
      %dma_start3A_295 = arith.constant 0 : i32
      %dma_start3A_296 = tpu.memref_slice %arg7[%dma_start3A_294, %dma_start3A_295] : memref<2x32xi32, #tpu.memory_space<vmem>> -> memref<1x32xi32, #tpu.memory_space<vmem>>
      %dma_start3A_297 = tpu.memref_squeeze %dma_start3A_296 : memref<1x32xi32, #tpu.memory_space<vmem>> -> memref<32xi32, #tpu.memory_space<vmem>>
      %dma_start3A_298 = arith.constant 0 : i32
      %dma_start3A_299 = arith.constant 0 : i32
      %dma_start3A_300 = tpu.memref_slice %arg2[%dma_start3A_298, %dma_start3A_299] : memref<10000x144xf32, #tpu.memory_space<hbm>> -> memref<10000x144xf32, #tpu.memory_space<hbm>>
      tpu.enqueue_indirect_dma source(%dma_start3A_300 : memref<10000x144xf32, #tpu.memory_space<hbm>>) target(%arg11 : memref<32x144xf32, #tpu.memory_space<vmem>>) offsets(%dma_start3A_297 : memref<32xi32, #tpu.memory_space<vmem>>) semaphore(%arg19 : memref<!tpu.dma_semaphore, #tpu.memory_space<semaphore_mem>>)
      %dma_start3A_301 = arith.constant 0 : i32
      %dma_start3A_302 = arith.constant 0 : i32
      %dma_start3A_303 = tpu.memref_slice %arg7[%dma_start3A_301, %dma_start3A_302] : memref<2x32xi32, #tpu.memory_space<vmem>> -> memref<1x32xi32, #tpu.memory_space<vmem>>
      %dma_start3A_304 = tpu.memref_squeeze %dma_start3A_303 : memref<1x32xi32, #tpu.memory_space<vmem>> -> memref<32xi32, #tpu.memory_space<vmem>>
      %dma_start3A_305 = arith.constant 0 : i32
      %dma_start3A_306 = arith.constant 0 : i32
      %dma_start3A_307 = tpu.memref_slice %arg3[%dma_start3A_305, %dma_start3A_306] : memref<10000x256xf32, #tpu.memory_space<hbm>> -> memref<10000x256xf32, #tpu.memory_space<hbm>>
      tpu.enqueue_indirect_dma source(%dma_start3A_307 : memref<10000x256xf32, #tpu.memory_space<hbm>>) target(%arg13 : memref<32x256xf32, #tpu.memory_space<vmem>>) offsets(%dma_start3A_304 : memref<32xi32, #tpu.memory_space<vmem>>) semaphore(%arg20 : memref<!tpu.dma_semaphore, #tpu.memory_space<semaphore_mem>>)
      %scan3A_308 = arith.constant 0 : i32
      %scan3A_309 = arith.constant 0 : i32
      %scan3A_310 = arith.constant 32 : i32
      %scan3A_311 = arith.addi %scan3A_309, %scan3A_310 : i32
      %scan3A_312 = arith.constant 1 : i32
      %scan3A_313 = scf.for %scan3A_368 = %scan3A_309 to %scan3A_311 step %scan3A_312 iter_args(%scan3A_369 = %scan3A_308) -> (i32)  : i32 {
        %get3A_370 = arith.index_cast %scan3A_368 : i32 to index
        %get3A_371 = arith.constant 0 : index
        %get3A_372 = tpu.vector_load %arg12[%get3A_370, %get3A_371] {strides = array<i32>} : memref<32x144xf32, #tpu.memory_space<vmem>>, vector<1x16xf32>,
        %get3A_373 = vector.shape_cast %get3A_372 : vector<1x16xf32> to vector<16xf32>
        %get3A_374 = arith.index_cast %scan3A_368 : i32 to index
        %get3A_375 = arith.constant 0 : index
        %get3A_376 = tpu.vector_load %arg14[%get3A_374, %get3A_375] {strides = array<i32>} : memref<32x256xf32, #tpu.memory_space<vmem>>, vector<1x16xf32>,
        %get3A_377 = vector.shape_cast %get3A_376 : vector<1x16xf32> to vector<16xf32>
        %mul3A_378 = arith.mulf %get3A_373, %get3A_377 : vector<16xf32>
        %get3A_379 = arith.index_cast %scan3A_368 : i32 to index
        %get3A_380 = arith.constant 16 : index
        %get3A_381 = tpu.vector_load %arg12[%get3A_379, %get3A_380] {strides = array<i32>} : memref<32x144xf32, #tpu.memory_space<vmem>>, vector<1x16xf32>,
        %get3A_382 = vector.shape_cast %get3A_381 : vector<1x16xf32> to vector<16xf32>
        %get3A_383 = arith.index_cast %scan3A_368 : i32 to index
        %get3A_384 = arith.constant 16 : index
        %get3A_385 = tpu.vector_load %arg14[%get3A_383, %get3A_384] {strides = array<i32>} : memref<32x256xf32, #tpu.memory_space<vmem>>, vector<1x16xf32>,
        %get3A_386 = vector.shape_cast %get3A_385 : vector<1x16xf32> to vector<16xf32>
        %mul3A_387 = arith.mulf %get3A_382, %get3A_386 : vector<16xf32>
        %add3A_388 = arith.addf %mul3A_378, %mul3A_387 : vector<16xf32>
        %get3A_389 = arith.index_cast %scan3A_368 : i32 to index
        %get3A_390 = arith.constant 32 : index
        %get3A_391 = tpu.vector_load %arg12[%get3A_389, %get3A_390] {strides = array<i32>} : memref<32x144xf32, #tpu.memory_space<vmem>>, vector<1x16xf32>,
        %get3A_392 = vector.shape_cast %get3A_391 : vector<1x16xf32> to vector<16xf32>
        %get3A_393 = arith.index_cast %scan3A_368 : i32 to index
        %get3A_394 = arith.constant 32 : index
        %get3A_395 = tpu.vector_load %arg14[%get3A_393, %get3A_394] {strides = array<i32>} : memref<32x256xf32, #tpu.memory_space<vmem>>, vector<1x16xf32>,
        %get3A_396 = vector.shape_cast %get3A_395 : vector<1x16xf32> to vector<16xf32>
        %mul3A_397 = arith.mulf %get3A_392, %get3A_396 : vector<16xf32>
        %add3A_398 = arith.addf %add3A_388, %mul3A_397 : vector<16xf32>
        %get3A_399 = arith.index_cast %scan3A_368 : i32 to index
        %get3A_400 = arith.constant 48 : index
        %get3A_401 = tpu.vector_load %arg12[%get3A_399, %get3A_400] {strides = array<i32>} : memref<32x144xf32, #tpu.memory_space<vmem>>, vector<1x16xf32>,
        %get3A_402 = vector.shape_cast %get3A_401 : vector<1x16xf32> to vector<16xf32>
        %get3A_403 = arith.index_cast %scan3A_368 : i32 to index
        %get3A_404 = arith.constant 48 : index
        %get3A_405 = tpu.vector_load %arg14[%get3A_403, %get3A_404] {strides = array<i32>} : memref<32x256xf32, #tpu.memory_space<vmem>>, vector<1x16xf32>,
        %get3A_406 = vector.shape_cast %get3A_405 : vector<1x16xf32> to vector<16xf32>
        %mul3A_407 = arith.mulf %get3A_402, %get3A_406 : vector<16xf32>
        %add3A_408 = arith.addf %add3A_398, %mul3A_407 : vector<16xf32>
        %get3A_409 = arith.index_cast %scan3A_368 : i32 to index
        %get3A_410 = arith.constant 64 : index
        %get3A_411 = tpu.vector_load %arg12[%get3A_409, %get3A_410] {strides = array<i32>} : memref<32x144xf32, #tpu.memory_space<vmem>>, vector<1x16xf32>,
        %get3A_412 = vector.shape_cast %get3A_411 : vector<1x16xf32> to vector<16xf32>
        %get3A_413 = arith.index_cast %scan3A_368 : i32 to index
        %get3A_414 = arith.constant 64 : index
        %get3A_415 = tpu.vector_load %arg14[%get3A_413, %get3A_414] {strides = array<i32>} : memref<32x256xf32, #tpu.memory_space<vmem>>, vector<1x16xf32>,
        %get3A_416 = vector.shape_cast %get3A_415 : vector<1x16xf32> to vector<16xf32>
        %mul3A_417 = arith.mulf %get3A_412, %get3A_416 : vector<16xf32>
        %add3A_418 = arith.addf %add3A_408, %mul3A_417 : vector<16xf32>
        %get3A_419 = arith.index_cast %scan3A_368 : i32 to index
        %get3A_420 = arith.constant 80 : index
        %get3A_421 = tpu.vector_load %arg12[%get3A_419, %get3A_420] {strides = array<i32>} : memref<32x144xf32, #tpu.memory_space<vmem>>, vector<1x16xf32>,
        %get3A_422 = vector.shape_cast %get3A_421 : vector<1x16xf32> to vector<16xf32>
        %get3A_423 = arith.index_cast %scan3A_368 : i32 to index
        %get3A_424 = arith.constant 80 : index
        %get3A_425 = tpu.vector_load %arg14[%get3A_423, %get3A_424] {strides = array<i32>} : memref<32x256xf32, #tpu.memory_space<vmem>>, vector<1x16xf32>,
        %get3A_426 = vector.shape_cast %get3A_425 : vector<1x16xf32> to vector<16xf32>
        %mul3A_427 = arith.mulf %get3A_422, %get3A_426 : vector<16xf32>
        %add3A_428 = arith.addf %add3A_418, %mul3A_427 : vector<16xf32>
        %get3A_429 = arith.index_cast %scan3A_368 : i32 to index
        %get3A_430 = arith.constant 96 : index
        %get3A_431 = tpu.vector_load %arg12[%get3A_429, %get3A_430] {strides = array<i32>} : memref<32x144xf32, #tpu.memory_space<vmem>>, vector<1x16xf32>,
        %get3A_432 = vector.shape_cast %get3A_431 : vector<1x16xf32> to vector<16xf32>
        %get3A_433 = arith.index_cast %scan3A_368 : i32 to index
        %get3A_434 = arith.constant 96 : index
        %get3A_435 = tpu.vector_load %arg14[%get3A_433, %get3A_434] {strides = array<i32>} : memref<32x256xf32, #tpu.memory_space<vmem>>, vector<1x16xf32>,
        %get3A_436 = vector.shape_cast %get3A_435 : vector<1x16xf32> to vector<16xf32>
        %mul3A_437 = arith.mulf %get3A_432, %get3A_436 : vector<16xf32>
        %add3A_438 = arith.addf %add3A_428, %mul3A_437 : vector<16xf32>
        %get3A_439 = arith.index_cast %scan3A_368 : i32 to index
        %get3A_440 = arith.constant 112 : index
        %get3A_441 = tpu.vector_load %arg12[%get3A_439, %get3A_440] {strides = array<i32>} : memref<32x144xf32, #tpu.memory_space<vmem>>, vector<1x16xf32>,
        %get3A_442 = vector.shape_cast %get3A_441 : vector<1x16xf32> to vector<16xf32>
        %get3A_443 = arith.index_cast %scan3A_368 : i32 to index
        %get3A_444 = arith.constant 112 : index
        %get3A_445 = tpu.vector_load %arg14[%get3A_443, %get3A_444] {strides = array<i32>} : memref<32x256xf32, #tpu.memory_space<vmem>>, vector<1x16xf32>,
        %get3A_446 = vector.shape_cast %get3A_445 : vector<1x16xf32> to vector<16xf32>
        %mul3A_447 = arith.mulf %get3A_442, %get3A_446 : vector<16xf32>
        %add3A_448 = arith.addf %add3A_438, %mul3A_447 : vector<16xf32>
        %get3A_449 = arith.index_cast %scan3A_368 : i32 to index
        %get3A_450 = arith.constant 128 : index
        %get3A_451 = tpu.vector_load %arg12[%get3A_449, %get3A_450] {strides = array<i32>} : memref<32x144xf32, #tpu.memory_space<vmem>>, vector<1x16xf32>,
        %get3A_452 = vector.shape_cast %get3A_451 : vector<1x16xf32> to vector<16xf32>
        %get3A_453 = arith.index_cast %scan3A_368 : i32 to index
        %get3A_454 = arith.constant 0 : index
        %get3A_455 = tpu.vector_load %arg10[%get3A_453, %get3A_454] {strides = array<i32>} : memref<32x16xf32, #tpu.memory_space<vmem>>, vector<1x16xf32>,
        %get3A_456 = vector.shape_cast %get3A_455 : vector<1x16xf32> to vector<16xf32>
        %mul3A_457 = arith.mulf %get3A_452, %get3A_456 : vector<16xf32>
        %add3A_458 = arith.addf %add3A_448, %mul3A_457 : vector<16xf32>
        %iota3A_459 = tpu.iota {dimensions = array<i32: 0>} : vector<16xi32>
        %xor3A = arith.constant 1 : i32
        %xor3A_460 = vector.broadcast %xor3A : i32 to vector<16xi32>
        %xor3A_461 = arith.xori %iota3A_459, %xor3A_460 : vector<16xi32>
        %broadcast_in_dim3A_462 = vector.shape_cast %xor3A_461 : vector<16xi32> to vector<16x1xi32>
        %gather3A = vector.shape_cast %broadcast_in_dim3A_462 : vector<16x1xi32> to vector<16xi32>
        %gather3A_463 = tpu.dynamic_gather %add3A_458[%gather3A] in [0] : vector<16xf32>, vector<16xi32> -> vector<16xf32>
        %add3A_464 = arith.addf %add3A_458, %gather3A_463 : vector<16xf32>
        %iota3A_465 = tpu.iota {dimensions = array<i32: 0>} : vector<16xi32>
        %xor3A_466 = arith.constant 2 : i32
        %xor3A_467 = vector.broadcast %xor3A_466 : i32 to vector<16xi32>
        %xor3A_468 = arith.xori %iota3A_465, %xor3A_467 : vector<16xi32>
        %broadcast_in_dim3A_469 = vector.shape_cast %xor3A_468 : vector<16xi32> to vector<16x1xi32>
        %gather3A_470 = vector.shape_cast %broadcast_in_dim3A_469 : vector<16x1xi32> to vector<16xi32>
        %gather3A_471 = tpu.dynamic_gather %add3A_464[%gather3A_470] in [0] : vector<16xf32>, vector<16xi32> -> vector<16xf32>
        %add3A_472 = arith.addf %add3A_464, %gather3A_471 : vector<16xf32>
        %iota3A_473 = tpu.iota {dimensions = array<i32: 0>} : vector<16xi32>
        %xor3A_474 = arith.constant 4 : i32
        %xor3A_475 = vector.broadcast %xor3A_474 : i32 to vector<16xi32>
        %xor3A_476 = arith.xori %iota3A_473, %xor3A_475 : vector<16xi32>
        %broadcast_in_dim3A_477 = vector.shape_cast %xor3A_476 : vector<16xi32> to vector<16x1xi32>
        %gather3A_478 = vector.shape_cast %broadcast_in_dim3A_477 : vector<16x1xi32> to vector<16xi32>
        %gather3A_479 = tpu.dynamic_gather %add3A_472[%gather3A_478] in [0] : vector<16xf32>, vector<16xi32> -> vector<16xf32>
        %add3A_480 = arith.addf %add3A_472, %gather3A_479 : vector<16xf32>
        %iota3A_481 = tpu.iota {dimensions = array<i32: 0>} : vector<16xi32>
        %xor3A_482 = arith.constant 8 : i32
        %xor3A_483 = vector.broadcast %xor3A_482 : i32 to vector<16xi32>
        %xor3A_484 = arith.xori %iota3A_481, %xor3A_483 : vector<16xi32>
        %broadcast_in_dim3A_485 = vector.shape_cast %xor3A_484 : vector<16xi32> to vector<16x1xi32>
        %gather3A_486 = vector.shape_cast %broadcast_in_dim3A_485 : vector<16x1xi32> to vector<16xi32>
        %gather3A_487 = tpu.dynamic_gather %add3A_480[%gather3A_486] in [0] : vector<16xf32>, vector<16xi32> -> vector<16xf32>
        %add3A_488 = arith.addf %add3A_480, %gather3A_487 : vector<16xf32>
        %exp3A = math.exp %add3A_488 : vector<16xf32>
        %swap3A_489 = arith.index_cast %scan3A_368 : i32 to index
        %swap3A_490 = arith.constant 0 : index
        %swap3A_491 = tpu.vector_load %arg16[%swap3A_489, %swap3A_490] {strides = array<i32>} : memref<32x16xf32, #tpu.memory_space<vmem>>, vector<1x16xf32>,
        %swap3A_492 = vector.shape_cast %swap3A_491 : vector<1x16xf32> to vector<16xf32>
        %swap3A_493 = vector.shape_cast %exp3A : vector<16xf32> to vector<1x16xf32>
        tpu.vector_store %arg16[%swap3A_489, %swap3A_490], %swap3A_493 {strides = array<i32>} : memref<32x16xf32, #tpu.memory_space<vmem>>, vector<1x16xf32>,
        %scan3A_494 = arith.constant 0 : i32
        scf.yield %scan3A_494 : i32
      }
      %scan3A_314 = arith.constant 32 : i32
      %dma_wait3A_315 = arith.constant 0 : i32
      %dma_wait3A_316 = arith.constant 0 : i32
      %dma_wait3A_317 = tpu.memref_slice %arg17[%dma_wait3A_315, %dma_wait3A_316] : memref<1x32xi32, #tpu.memory_space<vmem>> -> memref<1x32xi32, #tpu.memory_space<vmem>>
      %dma_wait3A_318 = tpu.memref_squeeze %dma_wait3A_317 : memref<1x32xi32, #tpu.memory_space<vmem>> -> memref<32xi32, #tpu.memory_space<vmem>>
      %dma_wait3A_319 = arith.constant 0 : i32
      %dma_wait3A_320 = arith.constant 0 : i32
      %dma_wait3A_321 = tpu.memref_slice %arg18[%dma_wait3A_319, %dma_wait3A_320] : memref<10000x152xf32, #tpu.memory_space<vmem_shared>> -> memref<10000x152xf32, #tpu.memory_space<vmem_shared>>
      tpu.wait_indirect_dma semaphore(%arg25 : memref<!tpu.dma_semaphore, #tpu.memory_space<semaphore_mem>>) src(%arg15 : memref<32x152xf32, #tpu.memory_space<vmem>>) dst(%dma_wait3A_321 : memref<10000x152xf32, #tpu.memory_space<vmem_shared>>)
      %scan3A_322 = arith.constant 0 : i32
      %scan3A_323 = arith.constant 0 : i32
      %scan3A_324 = arith.constant 32 : i32
      %scan3A_325 = arith.addi %scan3A_323, %scan3A_324 : i32
      %scan3A_326 = arith.constant 1 : i32
      %scan3A_327 = scf.for %scan3A_368 = %scan3A_323 to %scan3A_325 step %scan3A_326 iter_args(%scan3A_369 = %scan3A_322) -> (i32)  : i32 {
        %get3A_370 = arith.index_cast %scan3A_368 : i32 to index
        %get3A_371 = arith.constant 0 : index
        %get3A_372 = tpu.vector_load %arg16[%get3A_370, %get3A_371] {strides = array<i32>} : memref<32x16xf32, #tpu.memory_space<vmem>>, vector<1x16xf32>,
        %get3A_373 = vector.shape_cast %get3A_372 : vector<1x16xf32> to vector<16xf32>
        %get3A_374 = arith.index_cast %scan3A_368 : i32 to index
        %get3A_375 = arith.constant 128 : index
        %get3A_376 = tpu.vector_load %arg14[%get3A_374, %get3A_375] {strides = array<i32>} : memref<32x256xf32, #tpu.memory_space<vmem>>, vector<1x16xf32>,
        %get3A_377 = vector.shape_cast %get3A_376 : vector<1x16xf32> to vector<16xf32>
        %mul3A_378 = arith.mulf %get3A_373, %get3A_377 : vector<16xf32>
        %swap3A_379 = arith.index_cast %scan3A_368 : i32 to index
        %swap3A_380 = arith.constant 0 : index
        %swap3A_381 = tpu.vector_load %arg15[%swap3A_379, %swap3A_380] {strides = array<i32>} : memref<32x152xf32, #tpu.memory_space<vmem>>, vector<1x16xf32>,
        %swap3A_382 = vector.shape_cast %swap3A_381 : vector<1x16xf32> to vector<16xf32>
        %swap3A_383 = vector.shape_cast %mul3A_378 : vector<16xf32> to vector<1x16xf32>
        tpu.vector_store %arg15[%swap3A_379, %swap3A_380], %swap3A_383 {strides = array<i32>} : memref<32x152xf32, #tpu.memory_space<vmem>>, vector<1x16xf32>,
        %get3A_384 = arith.index_cast %scan3A_368 : i32 to index
        %get3A_385 = arith.constant 144 : index
        %get3A_386 = tpu.vector_load %arg14[%get3A_384, %get3A_385] {strides = array<i32>} : memref<32x256xf32, #tpu.memory_space<vmem>>, vector<1x16xf32>,
        %get3A_387 = vector.shape_cast %get3A_386 : vector<1x16xf32> to vector<16xf32>
        %mul3A_388 = arith.mulf %get3A_373, %get3A_387 : vector<16xf32>
        %swap3A_389 = arith.index_cast %scan3A_368 : i32 to index
        %swap3A_390 = arith.constant 16 : index
        %swap3A_391 = tpu.vector_load %arg15[%swap3A_389, %swap3A_390] {strides = array<i32>} : memref<32x152xf32, #tpu.memory_space<vmem>>, vector<1x16xf32>,
        %swap3A_392 = vector.shape_cast %swap3A_391 : vector<1x16xf32> to vector<16xf32>
        %swap3A_393 = vector.shape_cast %mul3A_388 : vector<16xf32> to vector<1x16xf32>
        tpu.vector_store %arg15[%swap3A_389, %swap3A_390], %swap3A_393 {strides = array<i32>} : memref<32x152xf32, #tpu.memory_space<vmem>>, vector<1x16xf32>,
        %get3A_394 = arith.index_cast %scan3A_368 : i32 to index
        %get3A_395 = arith.constant 160 : index
        %get3A_396 = tpu.vector_load %arg14[%get3A_394, %get3A_395] {strides = array<i32>} : memref<32x256xf32, #tpu.memory_space<vmem>>, vector<1x16xf32>,
        %get3A_397 = vector.shape_cast %get3A_396 : vector<1x16xf32> to vector<16xf32>
        %mul3A_398 = arith.mulf %get3A_373, %get3A_397 : vector<16xf32>
        %swap3A_399 = arith.index_cast %scan3A_368 : i32 to index
        %swap3A_400 = arith.constant 32 : index
        %swap3A_401 = tpu.vector_load %arg15[%swap3A_399, %swap3A_400] {strides = array<i32>} : memref<32x152xf32, #tpu.memory_space<vmem>>, vector<1x16xf32>,
        %swap3A_402 = vector.shape_cast %swap3A_401 : vector<1x16xf32> to vector<16xf32>
        %swap3A_403 = vector.shape_cast %mul3A_398 : vector<16xf32> to vector<1x16xf32>
        tpu.vector_store %arg15[%swap3A_399, %swap3A_400], %swap3A_403 {strides = array<i32>} : memref<32x152xf32, #tpu.memory_space<vmem>>, vector<1x16xf32>,
        %get3A_404 = arith.index_cast %scan3A_368 : i32 to index
        %get3A_405 = arith.constant 176 : index
        %get3A_406 = tpu.vector_load %arg14[%get3A_404, %get3A_405] {strides = array<i32>} : memref<32x256xf32, #tpu.memory_space<vmem>>, vector<1x16xf32>,
        %get3A_407 = vector.shape_cast %get3A_406 : vector<1x16xf32> to vector<16xf32>
        %mul3A_408 = arith.mulf %get3A_373, %get3A_407 : vector<16xf32>
        %swap3A_409 = arith.index_cast %scan3A_368 : i32 to index
        %swap3A_410 = arith.constant 48 : index
        %swap3A_411 = tpu.vector_load %arg15[%swap3A_409, %swap3A_410] {strides = array<i32>} : memref<32x152xf32, #tpu.memory_space<vmem>>, vector<1x16xf32>,
        %swap3A_412 = vector.shape_cast %swap3A_411 : vector<1x16xf32> to vector<16xf32>
        %swap3A_413 = vector.shape_cast %mul3A_408 : vector<16xf32> to vector<1x16xf32>
        tpu.vector_store %arg15[%swap3A_409, %swap3A_410], %swap3A_413 {strides = array<i32>} : memref<32x152xf32, #tpu.memory_space<vmem>>, vector<1x16xf32>,
        %get3A_414 = arith.index_cast %scan3A_368 : i32 to index
        %get3A_415 = arith.constant 192 : index
        %get3A_416 = tpu.vector_load %arg14[%get3A_414, %get3A_415] {strides = array<i32>} : memref<32x256xf32, #tpu.memory_space<vmem>>, vector<1x16xf32>,
        %get3A_417 = vector.shape_cast %get3A_416 : vector<1x16xf32> to vector<16xf32>
        %mul3A_418 = arith.mulf %get3A_373, %get3A_417 : vector<16xf32>
        %swap3A_419 = arith.index_cast %scan3A_368 : i32 to index
        %swap3A_420 = arith.constant 64 : index
        %swap3A_421 = tpu.vector_load %arg15[%swap3A_419, %swap3A_420] {strides = array<i32>} : memref<32x152xf32, #tpu.memory_space<vmem>>, vector<1x16xf32>,
        %swap3A_422 = vector.shape_cast %swap3A_421 : vector<1x16xf32> to vector<16xf32>
        %swap3A_423 = vector.shape_cast %mul3A_418 : vector<16xf32> to vector<1x16xf32>
        tpu.vector_store %arg15[%swap3A_419, %swap3A_420], %swap3A_423 {strides = array<i32>} : memref<32x152xf32, #tpu.memory_space<vmem>>, vector<1x16xf32>,
        %get3A_424 = arith.index_cast %scan3A_368 : i32 to index
        %get3A_425 = arith.constant 208 : index
        %get3A_426 = tpu.vector_load %arg14[%get3A_424, %get3A_425] {strides = array<i32>} : memref<32x256xf32, #tpu.memory_space<vmem>>, vector<1x16xf32>,
        %get3A_427 = vector.shape_cast %get3A_426 : vector<1x16xf32> to vector<16xf32>
        %mul3A_428 = arith.mulf %get3A_373, %get3A_427 : vector<16xf32>
        %swap3A_429 = arith.index_cast %scan3A_368 : i32 to index
        %swap3A_430 = arith.constant 80 : index
        %swap3A_431 = tpu.vector_load %arg15[%swap3A_429, %swap3A_430] {strides = array<i32>} : memref<32x152xf32, #tpu.memory_space<vmem>>, vector<1x16xf32>,
        %swap3A_432 = vector.shape_cast %swap3A_431 : vector<1x16xf32> to vector<16xf32>
        %swap3A_433 = vector.shape_cast %mul3A_428 : vector<16xf32> to vector<1x16xf32>
        tpu.vector_store %arg15[%swap3A_429, %swap3A_430], %swap3A_433 {strides = array<i32>} : memref<32x152xf32, #tpu.memory_space<vmem>>, vector<1x16xf32>,
        %get3A_434 = arith.index_cast %scan3A_368 : i32 to index
        %get3A_435 = arith.constant 224 : index
        %get3A_436 = tpu.vector_load %arg14[%get3A_434, %get3A_435] {strides = array<i32>} : memref<32x256xf32, #tpu.memory_space<vmem>>, vector<1x16xf32>,
        %get3A_437 = vector.shape_cast %get3A_436 : vector<1x16xf32> to vector<16xf32>
        %mul3A_438 = arith.mulf %get3A_373, %get3A_437 : vector<16xf32>
        %swap3A_439 = arith.index_cast %scan3A_368 : i32 to index
        %swap3A_440 = arith.constant 96 : index
        %swap3A_441 = tpu.vector_load %arg15[%swap3A_439, %swap3A_440] {strides = array<i32>} : memref<32x152xf32, #tpu.memory_space<vmem>>, vector<1x16xf32>,
        %swap3A_442 = vector.shape_cast %swap3A_441 : vector<1x16xf32> to vector<16xf32>
        %swap3A_443 = vector.shape_cast %mul3A_438 : vector<16xf32> to vector<1x16xf32>
        tpu.vector_store %arg15[%swap3A_439, %swap3A_440], %swap3A_443 {strides = array<i32>} : memref<32x152xf32, #tpu.memory_space<vmem>>, vector<1x16xf32>,
        %get3A_444 = arith.index_cast %scan3A_368 : i32 to index
        %get3A_445 = arith.constant 240 : index
        %get3A_446 = tpu.vector_load %arg14[%get3A_444, %get3A_445] {strides = array<i32>} : memref<32x256xf32, #tpu.memory_space<vmem>>, vector<1x16xf32>,
        %get3A_447 = vector.shape_cast %get3A_446 : vector<1x16xf32> to vector<16xf32>
        %mul3A_448 = arith.mulf %get3A_373, %get3A_447 : vector<16xf32>
        %swap3A_449 = arith.index_cast %scan3A_368 : i32 to index
        %swap3A_450 = arith.constant 112 : index
        %swap3A_451 = tpu.vector_load %arg15[%swap3A_449, %swap3A_450] {strides = array<i32>} : memref<32x152xf32, #tpu.memory_space<vmem>>, vector<1x16xf32>,
        %swap3A_452 = vector.shape_cast %swap3A_451 : vector<1x16xf32> to vector<16xf32>
        %swap3A_453 = vector.shape_cast %mul3A_448 : vector<16xf32> to vector<1x16xf32>
        tpu.vector_store %arg15[%swap3A_449, %swap3A_450], %swap3A_453 {strides = array<i32>} : memref<32x152xf32, #tpu.memory_space<vmem>>, vector<1x16xf32>,
        %get3A_454 = arith.index_cast %scan3A_368 : i32 to index
        %get3A_455 = arith.constant 0 : index
        %get3A_456 = tpu.vector_load %arg10[%get3A_454, %get3A_455] {strides = array<i32>} : memref<32x16xf32, #tpu.memory_space<vmem>>, vector<1x16xf32>,
        %get3A_457 = vector.shape_cast %get3A_456 : vector<1x16xf32> to vector<16xf32>
        %mul3A_458 = arith.mulf %get3A_373, %get3A_457 : vector<16xf32>
        %swap3A_459 = arith.index_cast %scan3A_368 : i32 to index
        %swap3A_460 = arith.constant 128 : index
        %swap3A_461 = tpu.vector_load %arg15[%swap3A_459, %swap3A_460] {strides = array<i32>} : memref<32x152xf32, #tpu.memory_space<vmem>>, vector<1x16xf32>,
        %swap3A_462 = vector.shape_cast %swap3A_461 : vector<1x16xf32> to vector<16xf32>
        %swap3A_463 = vector.shape_cast %mul3A_458 : vector<16xf32> to vector<1x16xf32>
        tpu.vector_store %arg15[%swap3A_459, %swap3A_460], %swap3A_463 {strides = array<i32>} : memref<32x152xf32, #tpu.memory_space<vmem>>, vector<1x16xf32>,
        %broadcast_in_dim3A_464 = vector.shape_cast %min3A_48 : vector<16xi32> to vector<16x1xi32>
        %gather3A = vector.shape_cast %broadcast_in_dim3A_464 : vector<16x1xi32> to vector<16xi32>
        %gather3A_465 = tpu.dynamic_gather %mul3A_458[%gather3A] in [0] : vector<16xf32>, vector<16xi32> -> vector<16xf32>
        %mul3A_466 = arith.mulf %gather3A_465, %sub3A_42 : vector<16xf32>
        %mul3A_467 = arith.mulf %get3A_373, %convert_element_type3A_39 : vector<16xf32>
        %add3A_468 = arith.addf %mul3A_466, %mul3A_467 : vector<16xf32>
        %swap3A_469 = arith.index_cast %scan3A_368 : i32 to index
        %swap3A_470 = arith.constant 136 : index
        %swap3A_471 = tpu.vector_load %arg15[%swap3A_469, %swap3A_470] {strides = array<i32>} : memref<32x152xf32, #tpu.memory_space<vmem>>, vector<1x16xf32>,
        %swap3A_472 = vector.shape_cast %swap3A_471 : vector<1x16xf32> to vector<16xf32>
        %swap3A_473 = vector.shape_cast %add3A_468 : vector<16xf32> to vector<1x16xf32>
        tpu.vector_store %arg15[%swap3A_469, %swap3A_470], %swap3A_473 {strides = array<i32>} : memref<32x152xf32, #tpu.memory_space<vmem>>, vector<1x16xf32>,
        %scan3A_474 = arith.constant 0 : i32
        scf.yield %scan3A_474 : i32
      }
      %scan3A_328 = arith.constant 32 : i32
      %get3A_329 = arith.constant 1 : i32
      %get3A_330 = arith.index_cast %get3A_329 : i32 to index
      %get3A_331 = arith.constant 0 : index
      %get3A_332 = tpu.vector_load %arg8[%get3A_330, %get3A_331] {strides = array<i32>} : memref<2x32xi32, #tpu.memory_space<vmem>>, vector<1x16xi32>,
      %get3A_333 = vector.shape_cast %get3A_332 : vector<1x16xi32> to vector<16xi32>
      %swap3A_334 = arith.constant 0 : i32
      %swap3A_335 = arith.index_cast %swap3A_334 : i32 to index
      %swap3A_336 = arith.constant 0 : index
      %swap3A_337 = tpu.vector_load %arg17[%swap3A_335, %swap3A_336] {strides = array<i32>} : memref<1x32xi32, #tpu.memory_space<vmem>>, vector<1x16xi32>,
      %swap3A_338 = vector.shape_cast %swap3A_337 : vector<1x16xi32> to vector<16xi32>
      %swap3A_339 = vector.shape_cast %get3A_333 : vector<16xi32> to vector<1x16xi32>
      tpu.vector_store %arg17[%swap3A_335, %swap3A_336], %swap3A_339 {strides = array<i32>} : memref<1x32xi32, #tpu.memory_space<vmem>>, vector<1x16xi32>,
      %get3A_340 = arith.constant 1 : i32
      %get3A_341 = arith.index_cast %get3A_340 : i32 to index
      %get3A_342 = arith.constant 16 : index
      %get3A_343 = tpu.vector_load %arg8[%get3A_341, %get3A_342] {strides = array<i32>} : memref<2x32xi32, #tpu.memory_space<vmem>>, vector<1x16xi32>,
      %get3A_344 = vector.shape_cast %get3A_343 : vector<1x16xi32> to vector<16xi32>
      %swap3A_345 = arith.constant 0 : i32
      %swap3A_346 = arith.index_cast %swap3A_345 : i32 to index
      %swap3A_347 = arith.constant 16 : index
      %swap3A_348 = tpu.vector_load %arg17[%swap3A_346, %swap3A_347] {strides = array<i32>} : memref<1x32xi32, #tpu.memory_space<vmem>>, vector<1x16xi32>,
      %swap3A_349 = vector.shape_cast %swap3A_348 : vector<1x16xi32> to vector<16xi32>
      %swap3A_350 = vector.shape_cast %get3A_344 : vector<16xi32> to vector<1x16xi32>
      tpu.vector_store %arg17[%swap3A_346, %swap3A_347], %swap3A_350 {strides = array<i32>} : memref<1x32xi32, #tpu.memory_space<vmem>>, vector<1x16xi32>,
      %dma_start3A_351 = arith.constant 0 : i32
      %dma_start3A_352 = arith.constant 0 : i32
      %dma_start3A_353 = tpu.memref_slice %arg17[%dma_start3A_351, %dma_start3A_352] : memref<1x32xi32, #tpu.memory_space<vmem>> -> memref<1x32xi32, #tpu.memory_space<vmem>>
      %dma_start3A_354 = tpu.memref_squeeze %dma_start3A_353 : memref<1x32xi32, #tpu.memory_space<vmem>> -> memref<32xi32, #tpu.memory_space<vmem>>
      %dma_start3A_355 = arith.constant 0 : i32
      %dma_start3A_356 = arith.constant 0 : i32
      %dma_start3A_357 = tpu.memref_slice %arg18[%dma_start3A_355, %dma_start3A_356] : memref<10000x152xf32, #tpu.memory_space<vmem_shared>> -> memref<10000x152xf32, #tpu.memory_space<vmem_shared>>
      tpu.enqueue_indirect_dma source(%arg15 : memref<32x152xf32, #tpu.memory_space<vmem>>) target(%dma_start3A_357 : memref<10000x152xf32, #tpu.memory_space<vmem_shared>>) offsets(%dma_start3A_354 : memref<32xi32, #tpu.memory_space<vmem>>) semaphore(%arg25 : memref<!tpu.dma_semaphore, #tpu.memory_space<semaphore_mem>>)
      %add3A_358 = arith.constant 3 : i32
      %add3A_359 = arith.addi %add3A_180, %add3A_358 : i32
      %min3A_360 = arith.minsi %add3A_359, %sub3A_31 : i32
      %mul3A_361 = arith.constant 32 : i32
      %mul3A_362 = arith.muli %min3A_360, %mul3A_361 : i32
      %dma_start3A_363 = arith.constant 0 : i32
      %dma_start3A_364 = tpu.memref_slice %arg4[%dma_start3A_363, %mul3A_362] : memref<2x320000xi32, #tpu.memory_space<hbm>> -> memref<2x32xi32, #tpu.memory_space<hbm>>
      %dma_start3A_365 = arith.constant 0 : i32
      %dma_start3A_366 = tpu.memref_slice %arg4[%dma_start3A_365, %mul3A_362] : memref<2x320000xi32, #tpu.memory_space<hbm>> -> memref<2x32xi32, #tpu.memory_space<hbm>>
      tpu.enqueue_dma source(%dma_start3A_366 : memref<2x32xi32, #tpu.memory_space<hbm>>) target(%arg8 : memref<2x32xi32, #tpu.memory_space<vmem>>) target_semaphore(%arg24 : memref<!tpu.dma_semaphore, #tpu.memory_space<semaphore_mem>>)
      "tpu.region"() ({
        %run_scoped3A = tpu.sem_alloc : memref<!tpu.dma_semaphore, #tpu.memory_space<semaphore_mem>>
        %dma_start3A_368 = arith.constant 0 : i32
        %dma_start3A_369 = tpu.memref_slice %arg5[%mul3A_362, %dma_start3A_368] : memref<320000x16xf32, #tpu.memory_space<hbm>> -> memref<32x16xf32, #tpu.memory_space<hbm>>
        %dma_start3A_370 = arith.constant 0 : i32
        %dma_start3A_371 = tpu.memref_slice %arg5[%mul3A_362, %dma_start3A_370] : memref<320000x16xf32, #tpu.memory_space<hbm>> -> memref<32x16xf32, #tpu.memory_space<hbm>>
        tpu.enqueue_dma source(%dma_start3A_371 : memref<32x16xf32, #tpu.memory_space<hbm>>) target(%arg10 : memref<32x16xf32, #tpu.memory_space<vmem>>) target_semaphore(%run_scoped3A : memref<!tpu.dma_semaphore, #tpu.memory_space<semaphore_mem>>)
        %dma_wait3A_372 = arith.constant 0 : i32
        %dma_wait3A_373 = tpu.memref_slice %arg5[%mul3A_362, %dma_wait3A_372] : memref<320000x16xf32, #tpu.memory_space<hbm>> -> memref<32x16xf32, #tpu.memory_space<hbm>>
        %dma_wait3A_374 = arith.constant 0 : i32
        %dma_wait3A_375 = tpu.memref_slice %arg5[%mul3A_362, %dma_wait3A_374] : memref<320000x16xf32, #tpu.memory_space<hbm>> -> memref<32x16xf32, #tpu.memory_space<hbm>>
        tpu.wait_dma2 semaphore(%run_scoped3A : memref<!tpu.dma_semaphore, #tpu.memory_space<semaphore_mem>>) src(%dma_wait3A_375 : memref<32x16xf32, #tpu.memory_space<hbm>>) dst(%arg10 : memref<32x16xf32, #tpu.memory_space<vmem>>)
        tpu.yield
      }) : () -> ()
      %while3A_367 = arith.constant 0 : i32
      scf.yield %while3A_367 : i32
    }
    %while3A_135 = arith.constant 1 : i32
    %while3A_136 = scf.for %while3A_176 = %while3A_132 to %while3A_128 step %while3A_135 iter_args(%while3A_177 = %while3A_134) -> (i32)  : i32 {
      %mul3A_178 = arith.constant 2 : i32
      %mul3A_179 = arith.muli %mul3A_178, %while3A_176 : i32
      %add3A_180 = arith.addi %add3A_24, %mul3A_179 : i32
      %dma_wait3A_181 = arith.constant 1 : i32
      %dma_wait3A_182 = arith.constant 0 : i32
      %dma_wait3A_183 = tpu.memref_slice %arg7[%dma_wait3A_181, %dma_wait3A_182] : memref<2x32xi32, #tpu.memory_space<vmem>> -> memref<1x32xi32, #tpu.memory_space<vmem>>
      %dma_wait3A_184 = tpu.memref_squeeze %dma_wait3A_183 : memref<1x32xi32, #tpu.memory_space<vmem>> -> memref<32xi32, #tpu.memory_space<vmem>>
      %dma_wait3A_185 = arith.constant 0 : i32
      %dma_wait3A_186 = arith.constant 0 : i32
      %dma_wait3A_187 = tpu.memref_slice %arg2[%dma_wait3A_185, %dma_wait3A_186] : memref<10000x144xf32, #tpu.memory_space<hbm>> -> memref<10000x144xf32, #tpu.memory_space<hbm>>
      tpu.wait_indirect_dma semaphore(%arg19 : memref<!tpu.dma_semaphore, #tpu.memory_space<semaphore_mem>>) src(%dma_wait3A_187 : memref<10000x144xf32, #tpu.memory_space<hbm>>) dst(%arg11 : memref<32x144xf32, #tpu.memory_space<vmem>>)
      %dma_wait3A_188 = arith.constant 0 : i32
      %dma_wait3A_189 = arith.constant 0 : i32
      %dma_wait3A_190 = tpu.memref_slice %arg7[%dma_wait3A_188, %dma_wait3A_189] : memref<2x32xi32, #tpu.memory_space<vmem>> -> memref<1x32xi32, #tpu.memory_space<vmem>>
      %dma_wait3A_191 = tpu.memref_squeeze %dma_wait3A_190 : memref<1x32xi32, #tpu.memory_space<vmem>> -> memref<32xi32, #tpu.memory_space<vmem>>
      %dma_wait3A_192 = arith.constant 0 : i32
      %dma_wait3A_193 = arith.constant 0 : i32
      %dma_wait3A_194 = tpu.memref_slice %arg3[%dma_wait3A_192, %dma_wait3A_193] : memref<10000x256xf32, #tpu.memory_space<hbm>> -> memref<10000x256xf32, #tpu.memory_space<hbm>>
      tpu.wait_indirect_dma semaphore(%arg20 : memref<!tpu.dma_semaphore, #tpu.memory_space<semaphore_mem>>) src(%dma_wait3A_194 : memref<10000x256xf32, #tpu.memory_space<hbm>>) dst(%arg13 : memref<32x256xf32, #tpu.memory_space<vmem>>)
      %dma_wait3A_195 = arith.constant 0 : i32
      %dma_wait3A_196 = arith.constant 0 : i32
      %dma_wait3A_197 = tpu.memref_slice %arg4[%dma_wait3A_195, %dma_wait3A_196] : memref<2x320000xi32, #tpu.memory_space<hbm>> -> memref<2x32xi32, #tpu.memory_space<hbm>>
      %dma_wait3A_198 = arith.constant 0 : i32
      %dma_wait3A_199 = arith.constant 0 : i32
      %dma_wait3A_200 = tpu.memref_slice %arg4[%dma_wait3A_198, %dma_wait3A_199] : memref<2x320000xi32, #tpu.memory_space<hbm>> -> memref<2x32xi32, #tpu.memory_space<hbm>>
      tpu.wait_dma2 semaphore(%arg24 : memref<!tpu.dma_semaphore, #tpu.memory_space<semaphore_mem>>) src(%dma_wait3A_200 : memref<2x32xi32, #tpu.memory_space<hbm>>) dst(%arg8 : memref<2x32xi32, #tpu.memory_space<vmem>>)
      %dma_start3A_201 = arith.constant 1 : i32
      %dma_start3A_202 = arith.constant 0 : i32
      %dma_start3A_203 = tpu.memref_slice %arg8[%dma_start3A_201, %dma_start3A_202] : memref<2x32xi32, #tpu.memory_space<vmem>> -> memref<1x32xi32, #tpu.memory_space<vmem>>
      %dma_start3A_204 = tpu.memref_squeeze %dma_start3A_203 : memref<1x32xi32, #tpu.memory_space<vmem>> -> memref<32xi32, #tpu.memory_space<vmem>>
      %dma_start3A_205 = arith.constant 0 : i32
      %dma_start3A_206 = arith.constant 0 : i32
      %dma_start3A_207 = tpu.memref_slice %arg2[%dma_start3A_205, %dma_start3A_206] : memref<10000x144xf32, #tpu.memory_space<hbm>> -> memref<10000x144xf32, #tpu.memory_space<hbm>>
      tpu.enqueue_indirect_dma source(%dma_start3A_207 : memref<10000x144xf32, #tpu.memory_space<hbm>>) target(%arg12 : memref<32x144xf32, #tpu.memory_space<vmem>>) offsets(%dma_start3A_204 : memref<32xi32, #tpu.memory_space<vmem>>) semaphore(%arg21 : memref<!tpu.dma_semaphore, #tpu.memory_space<semaphore_mem>>)
      %dma_start3A_208 = arith.constant 0 : i32
      %dma_start3A_209 = arith.constant 0 : i32
      %dma_start3A_210 = tpu.memref_slice %arg8[%dma_start3A_208, %dma_start3A_209] : memref<2x32xi32, #tpu.memory_space<vmem>> -> memref<1x32xi32, #tpu.memory_space<vmem>>
      %dma_start3A_211 = tpu.memref_squeeze %dma_start3A_210 : memref<1x32xi32, #tpu.memory_space<vmem>> -> memref<32xi32, #tpu.memory_space<vmem>>
      %dma_start3A_212 = arith.constant 0 : i32
      %dma_start3A_213 = arith.constant 0 : i32
      %dma_start3A_214 = tpu.memref_slice %arg3[%dma_start3A_212, %dma_start3A_213] : memref<10000x256xf32, #tpu.memory_space<hbm>> -> memref<10000x256xf32, #tpu.memory_space<hbm>>
      tpu.enqueue_indirect_dma source(%dma_start3A_214 : memref<10000x256xf32, #tpu.memory_space<hbm>>) target(%arg14 : memref<32x256xf32, #tpu.memory_space<vmem>>) offsets(%dma_start3A_211 : memref<32xi32, #tpu.memory_space<vmem>>) semaphore(%arg22 : memref<!tpu.dma_semaphore, #tpu.memory_space<semaphore_mem>>)
      %scan3A_215 = arith.constant 0 : i32
      %scan3A_216 = arith.constant 0 : i32
      %scan3A_217 = arith.constant 32 : i32
      %scan3A_218 = arith.addi %scan3A_216, %scan3A_217 : i32
      %scan3A_219 = arith.constant 1 : i32
      %scan3A_220 = scf.for %scan3A_368 = %scan3A_216 to %scan3A_218 step %scan3A_219 iter_args(%scan3A_369 = %scan3A_215) -> (i32)  : i32 {
        %get3A_370 = arith.index_cast %scan3A_368 : i32 to index
        %get3A_371 = arith.constant 0 : index
        %get3A_372 = tpu.vector_load %arg11[%get3A_370, %get3A_371] {strides = array<i32>} : memref<32x144xf32, #tpu.memory_space<vmem>>, vector<1x16xf32>,
        %get3A_373 = vector.shape_cast %get3A_372 : vector<1x16xf32> to vector<16xf32>
        %get3A_374 = arith.index_cast %scan3A_368 : i32 to index
        %get3A_375 = arith.constant 0 : index
        %get3A_376 = tpu.vector_load %arg13[%get3A_374, %get3A_375] {strides = array<i32>} : memref<32x256xf32, #tpu.memory_space<vmem>>, vector<1x16xf32>,
        %get3A_377 = vector.shape_cast %get3A_376 : vector<1x16xf32> to vector<16xf32>
        %mul3A_378 = arith.mulf %get3A_373, %get3A_377 : vector<16xf32>
        %get3A_379 = arith.index_cast %scan3A_368 : i32 to index
        %get3A_380 = arith.constant 16 : index
        %get3A_381 = tpu.vector_load %arg11[%get3A_379, %get3A_380] {strides = array<i32>} : memref<32x144xf32, #tpu.memory_space<vmem>>, vector<1x16xf32>,
        %get3A_382 = vector.shape_cast %get3A_381 : vector<1x16xf32> to vector<16xf32>
        %get3A_383 = arith.index_cast %scan3A_368 : i32 to index
        %get3A_384 = arith.constant 16 : index
        %get3A_385 = tpu.vector_load %arg13[%get3A_383, %get3A_384] {strides = array<i32>} : memref<32x256xf32, #tpu.memory_space<vmem>>, vector<1x16xf32>,
        %get3A_386 = vector.shape_cast %get3A_385 : vector<1x16xf32> to vector<16xf32>
        %mul3A_387 = arith.mulf %get3A_382, %get3A_386 : vector<16xf32>
        %add3A_388 = arith.addf %mul3A_378, %mul3A_387 : vector<16xf32>
        %get3A_389 = arith.index_cast %scan3A_368 : i32 to index
        %get3A_390 = arith.constant 32 : index
        %get3A_391 = tpu.vector_load %arg11[%get3A_389, %get3A_390] {strides = array<i32>} : memref<32x144xf32, #tpu.memory_space<vmem>>, vector<1x16xf32>,
        %get3A_392 = vector.shape_cast %get3A_391 : vector<1x16xf32> to vector<16xf32>
        %get3A_393 = arith.index_cast %scan3A_368 : i32 to index
        %get3A_394 = arith.constant 32 : index
        %get3A_395 = tpu.vector_load %arg13[%get3A_393, %get3A_394] {strides = array<i32>} : memref<32x256xf32, #tpu.memory_space<vmem>>, vector<1x16xf32>,
        %get3A_396 = vector.shape_cast %get3A_395 : vector<1x16xf32> to vector<16xf32>
        %mul3A_397 = arith.mulf %get3A_392, %get3A_396 : vector<16xf32>
        %add3A_398 = arith.addf %add3A_388, %mul3A_397 : vector<16xf32>
        %get3A_399 = arith.index_cast %scan3A_368 : i32 to index
        %get3A_400 = arith.constant 48 : index
        %get3A_401 = tpu.vector_load %arg11[%get3A_399, %get3A_400] {strides = array<i32>} : memref<32x144xf32, #tpu.memory_space<vmem>>, vector<1x16xf32>,
        %get3A_402 = vector.shape_cast %get3A_401 : vector<1x16xf32> to vector<16xf32>
        %get3A_403 = arith.index_cast %scan3A_368 : i32 to index
        %get3A_404 = arith.constant 48 : index
        %get3A_405 = tpu.vector_load %arg13[%get3A_403, %get3A_404] {strides = array<i32>} : memref<32x256xf32, #tpu.memory_space<vmem>>, vector<1x16xf32>,
        %get3A_406 = vector.shape_cast %get3A_405 : vector<1x16xf32> to vector<16xf32>
        %mul3A_407 = arith.mulf %get3A_402, %get3A_406 : vector<16xf32>
        %add3A_408 = arith.addf %add3A_398, %mul3A_407 : vector<16xf32>
        %get3A_409 = arith.index_cast %scan3A_368 : i32 to index
        %get3A_410 = arith.constant 64 : index
        %get3A_411 = tpu.vector_load %arg11[%get3A_409, %get3A_410] {strides = array<i32>} : memref<32x144xf32, #tpu.memory_space<vmem>>, vector<1x16xf32>,
        %get3A_412 = vector.shape_cast %get3A_411 : vector<1x16xf32> to vector<16xf32>
        %get3A_413 = arith.index_cast %scan3A_368 : i32 to index
        %get3A_414 = arith.constant 64 : index
        %get3A_415 = tpu.vector_load %arg13[%get3A_413, %get3A_414] {strides = array<i32>} : memref<32x256xf32, #tpu.memory_space<vmem>>, vector<1x16xf32>,
        %get3A_416 = vector.shape_cast %get3A_415 : vector<1x16xf32> to vector<16xf32>
        %mul3A_417 = arith.mulf %get3A_412, %get3A_416 : vector<16xf32>
        %add3A_418 = arith.addf %add3A_408, %mul3A_417 : vector<16xf32>
        %get3A_419 = arith.index_cast %scan3A_368 : i32 to index
        %get3A_420 = arith.constant 80 : index
        %get3A_421 = tpu.vector_load %arg11[%get3A_419, %get3A_420] {strides = array<i32>} : memref<32x144xf32, #tpu.memory_space<vmem>>, vector<1x16xf32>,
        %get3A_422 = vector.shape_cast %get3A_421 : vector<1x16xf32> to vector<16xf32>
        %get3A_423 = arith.index_cast %scan3A_368 : i32 to index
        %get3A_424 = arith.constant 80 : index
        %get3A_425 = tpu.vector_load %arg13[%get3A_423, %get3A_424] {strides = array<i32>} : memref<32x256xf32, #tpu.memory_space<vmem>>, vector<1x16xf32>,
        %get3A_426 = vector.shape_cast %get3A_425 : vector<1x16xf32> to vector<16xf32>
        %mul3A_427 = arith.mulf %get3A_422, %get3A_426 : vector<16xf32>
        %add3A_428 = arith.addf %add3A_418, %mul3A_427 : vector<16xf32>
        %get3A_429 = arith.index_cast %scan3A_368 : i32 to index
        %get3A_430 = arith.constant 96 : index
        %get3A_431 = tpu.vector_load %arg11[%get3A_429, %get3A_430] {strides = array<i32>} : memref<32x144xf32, #tpu.memory_space<vmem>>, vector<1x16xf32>,
        %get3A_432 = vector.shape_cast %get3A_431 : vector<1x16xf32> to vector<16xf32>
        %get3A_433 = arith.index_cast %scan3A_368 : i32 to index
        %get3A_434 = arith.constant 96 : index
        %get3A_435 = tpu.vector_load %arg13[%get3A_433, %get3A_434] {strides = array<i32>} : memref<32x256xf32, #tpu.memory_space<vmem>>, vector<1x16xf32>,
        %get3A_436 = vector.shape_cast %get3A_435 : vector<1x16xf32> to vector<16xf32>
        %mul3A_437 = arith.mulf %get3A_432, %get3A_436 : vector<16xf32>
        %add3A_438 = arith.addf %add3A_428, %mul3A_437 : vector<16xf32>
        %get3A_439 = arith.index_cast %scan3A_368 : i32 to index
        %get3A_440 = arith.constant 112 : index
        %get3A_441 = tpu.vector_load %arg11[%get3A_439, %get3A_440] {strides = array<i32>} : memref<32x144xf32, #tpu.memory_space<vmem>>, vector<1x16xf32>,
        %get3A_442 = vector.shape_cast %get3A_441 : vector<1x16xf32> to vector<16xf32>
        %get3A_443 = arith.index_cast %scan3A_368 : i32 to index
        %get3A_444 = arith.constant 112 : index
        %get3A_445 = tpu.vector_load %arg13[%get3A_443, %get3A_444] {strides = array<i32>} : memref<32x256xf32, #tpu.memory_space<vmem>>, vector<1x16xf32>,
        %get3A_446 = vector.shape_cast %get3A_445 : vector<1x16xf32> to vector<16xf32>
        %mul3A_447 = arith.mulf %get3A_442, %get3A_446 : vector<16xf32>
        %add3A_448 = arith.addf %add3A_438, %mul3A_447 : vector<16xf32>
        %get3A_449 = arith.index_cast %scan3A_368 : i32 to index
        %get3A_450 = arith.constant 128 : index
        %get3A_451 = tpu.vector_load %arg11[%get3A_449, %get3A_450] {strides = array<i32>} : memref<32x144xf32, #tpu.memory_space<vmem>>, vector<1x16xf32>,
        %get3A_452 = vector.shape_cast %get3A_451 : vector<1x16xf32> to vector<16xf32>
        %get3A_453 = arith.index_cast %scan3A_368 : i32 to index
        %get3A_454 = arith.constant 0 : index
        %get3A_455 = tpu.vector_load %arg9[%get3A_453, %get3A_454] {strides = array<i32>} : memref<32x16xf32, #tpu.memory_space<vmem>>, vector<1x16xf32>,
        %get3A_456 = vector.shape_cast %get3A_455 : vector<1x16xf32> to vector<16xf32>
        %mul3A_457 = arith.mulf %get3A_452, %get3A_456 : vector<16xf32>
        %add3A_458 = arith.addf %add3A_448, %mul3A_457 : vector<16xf32>
        %iota3A_459 = tpu.iota {dimensions = array<i32: 0>} : vector<16xi32>
        %xor3A = arith.constant 1 : i32
        %xor3A_460 = vector.broadcast %xor3A : i32 to vector<16xi32>
        %xor3A_461 = arith.xori %iota3A_459, %xor3A_460 : vector<16xi32>
        %broadcast_in_dim3A_462 = vector.shape_cast %xor3A_461 : vector<16xi32> to vector<16x1xi32>
        %gather3A = vector.shape_cast %broadcast_in_dim3A_462 : vector<16x1xi32> to vector<16xi32>
        %gather3A_463 = tpu.dynamic_gather %add3A_458[%gather3A] in [0] : vector<16xf32>, vector<16xi32> -> vector<16xf32>
        %add3A_464 = arith.addf %add3A_458, %gather3A_463 : vector<16xf32>
        %iota3A_465 = tpu.iota {dimensions = array<i32: 0>} : vector<16xi32>
        %xor3A_466 = arith.constant 2 : i32
        %xor3A_467 = vector.broadcast %xor3A_466 : i32 to vector<16xi32>
        %xor3A_468 = arith.xori %iota3A_465, %xor3A_467 : vector<16xi32>
        %broadcast_in_dim3A_469 = vector.shape_cast %xor3A_468 : vector<16xi32> to vector<16x1xi32>
        %gather3A_470 = vector.shape_cast %broadcast_in_dim3A_469 : vector<16x1xi32> to vector<16xi32>
        %gather3A_471 = tpu.dynamic_gather %add3A_464[%gather3A_470] in [0] : vector<16xf32>, vector<16xi32> -> vector<16xf32>
        %add3A_472 = arith.addf %add3A_464, %gather3A_471 : vector<16xf32>
        %iota3A_473 = tpu.iota {dimensions = array<i32: 0>} : vector<16xi32>
        %xor3A_474 = arith.constant 4 : i32
        %xor3A_475 = vector.broadcast %xor3A_474 : i32 to vector<16xi32>
        %xor3A_476 = arith.xori %iota3A_473, %xor3A_475 : vector<16xi32>
        %broadcast_in_dim3A_477 = vector.shape_cast %xor3A_476 : vector<16xi32> to vector<16x1xi32>
        %gather3A_478 = vector.shape_cast %broadcast_in_dim3A_477 : vector<16x1xi32> to vector<16xi32>
        %gather3A_479 = tpu.dynamic_gather %add3A_472[%gather3A_478] in [0] : vector<16xf32>, vector<16xi32> -> vector<16xf32>
        %add3A_480 = arith.addf %add3A_472, %gather3A_479 : vector<16xf32>
        %iota3A_481 = tpu.iota {dimensions = array<i32: 0>} : vector<16xi32>
        %xor3A_482 = arith.constant 8 : i32
        %xor3A_483 = vector.broadcast %xor3A_482 : i32 to vector<16xi32>
        %xor3A_484 = arith.xori %iota3A_481, %xor3A_483 : vector<16xi32>
        %broadcast_in_dim3A_485 = vector.shape_cast %xor3A_484 : vector<16xi32> to vector<16x1xi32>
        %gather3A_486 = vector.shape_cast %broadcast_in_dim3A_485 : vector<16x1xi32> to vector<16xi32>
        %gather3A_487 = tpu.dynamic_gather %add3A_480[%gather3A_486] in [0] : vector<16xf32>, vector<16xi32> -> vector<16xf32>
        %add3A_488 = arith.addf %add3A_480, %gather3A_487 : vector<16xf32>
        %exp3A = math.exp %add3A_488 : vector<16xf32>
        %swap3A_489 = arith.index_cast %scan3A_368 : i32 to index
        %swap3A_490 = arith.constant 0 : index
        %swap3A_491 = tpu.vector_load %arg16[%swap3A_489, %swap3A_490] {strides = array<i32>} : memref<32x16xf32, #tpu.memory_space<vmem>>, vector<1x16xf32>,
        %swap3A_492 = vector.shape_cast %swap3A_491 : vector<1x16xf32> to vector<16xf32>
        %swap3A_493 = vector.shape_cast %exp3A : vector<16xf32> to vector<1x16xf32>
        tpu.vector_store %arg16[%swap3A_489, %swap3A_490], %swap3A_493 {strides = array<i32>} : memref<32x16xf32, #tpu.memory_space<vmem>>, vector<1x16xf32>,
        %scan3A_494 = arith.constant 0 : i32
        scf.yield %scan3A_494 : i32
      }
      %scan3A_221 = arith.constant 32 : i32
      %dma_wait3A_222 = arith.constant 0 : i32
      %dma_wait3A_223 = arith.constant 0 : i32
      %dma_wait3A_224 = tpu.memref_slice %arg17[%dma_wait3A_222, %dma_wait3A_223] : memref<1x32xi32, #tpu.memory_space<vmem>> -> memref<1x32xi32, #tpu.memory_space<vmem>>
      %dma_wait3A_225 = tpu.memref_squeeze %dma_wait3A_224 : memref<1x32xi32, #tpu.memory_space<vmem>> -> memref<32xi32, #tpu.memory_space<vmem>>
      %dma_wait3A_226 = arith.constant 0 : i32
      %dma_wait3A_227 = arith.constant 0 : i32
      %dma_wait3A_228 = tpu.memref_slice %arg18[%dma_wait3A_226, %dma_wait3A_227] : memref<10000x152xf32, #tpu.memory_space<vmem_shared>> -> memref<10000x152xf32, #tpu.memory_space<vmem_shared>>
      tpu.wait_indirect_dma semaphore(%arg25 : memref<!tpu.dma_semaphore, #tpu.memory_space<semaphore_mem>>) src(%arg15 : memref<32x152xf32, #tpu.memory_space<vmem>>) dst(%dma_wait3A_228 : memref<10000x152xf32, #tpu.memory_space<vmem_shared>>)
      %scan3A_229 = arith.constant 0 : i32
      %scan3A_230 = arith.constant 0 : i32
      %scan3A_231 = arith.constant 32 : i32
      %scan3A_232 = arith.addi %scan3A_230, %scan3A_231 : i32
      %scan3A_233 = arith.constant 1 : i32
      %scan3A_234 = scf.for %scan3A_368 = %scan3A_230 to %scan3A_232 step %scan3A_233 iter_args(%scan3A_369 = %scan3A_229) -> (i32)  : i32 {
        %get3A_370 = arith.index_cast %scan3A_368 : i32 to index
        %get3A_371 = arith.constant 0 : index
        %get3A_372 = tpu.vector_load %arg16[%get3A_370, %get3A_371] {strides = array<i32>} : memref<32x16xf32, #tpu.memory_space<vmem>>, vector<1x16xf32>,
        %get3A_373 = vector.shape_cast %get3A_372 : vector<1x16xf32> to vector<16xf32>
        %get3A_374 = arith.index_cast %scan3A_368 : i32 to index
        %get3A_375 = arith.constant 128 : index
        %get3A_376 = tpu.vector_load %arg13[%get3A_374, %get3A_375] {strides = array<i32>} : memref<32x256xf32, #tpu.memory_space<vmem>>, vector<1x16xf32>,
        %get3A_377 = vector.shape_cast %get3A_376 : vector<1x16xf32> to vector<16xf32>
        %mul3A_378 = arith.mulf %get3A_373, %get3A_377 : vector<16xf32>
        %swap3A_379 = arith.index_cast %scan3A_368 : i32 to index
        %swap3A_380 = arith.constant 0 : index
        %swap3A_381 = tpu.vector_load %arg15[%swap3A_379, %swap3A_380] {strides = array<i32>} : memref<32x152xf32, #tpu.memory_space<vmem>>, vector<1x16xf32>,
        %swap3A_382 = vector.shape_cast %swap3A_381 : vector<1x16xf32> to vector<16xf32>
        %swap3A_383 = vector.shape_cast %mul3A_378 : vector<16xf32> to vector<1x16xf32>
        tpu.vector_store %arg15[%swap3A_379, %swap3A_380], %swap3A_383 {strides = array<i32>} : memref<32x152xf32, #tpu.memory_space<vmem>>, vector<1x16xf32>,
        %get3A_384 = arith.index_cast %scan3A_368 : i32 to index
        %get3A_385 = arith.constant 144 : index
        %get3A_386 = tpu.vector_load %arg13[%get3A_384, %get3A_385] {strides = array<i32>} : memref<32x256xf32, #tpu.memory_space<vmem>>, vector<1x16xf32>,
        %get3A_387 = vector.shape_cast %get3A_386 : vector<1x16xf32> to vector<16xf32>
        %mul3A_388 = arith.mulf %get3A_373, %get3A_387 : vector<16xf32>
        %swap3A_389 = arith.index_cast %scan3A_368 : i32 to index
        %swap3A_390 = arith.constant 16 : index
        %swap3A_391 = tpu.vector_load %arg15[%swap3A_389, %swap3A_390] {strides = array<i32>} : memref<32x152xf32, #tpu.memory_space<vmem>>, vector<1x16xf32>,
        %swap3A_392 = vector.shape_cast %swap3A_391 : vector<1x16xf32> to vector<16xf32>
        %swap3A_393 = vector.shape_cast %mul3A_388 : vector<16xf32> to vector<1x16xf32>
        tpu.vector_store %arg15[%swap3A_389, %swap3A_390], %swap3A_393 {strides = array<i32>} : memref<32x152xf32, #tpu.memory_space<vmem>>, vector<1x16xf32>,
        %get3A_394 = arith.index_cast %scan3A_368 : i32 to index
        %get3A_395 = arith.constant 160 : index
        %get3A_396 = tpu.vector_load %arg13[%get3A_394, %get3A_395] {strides = array<i32>} : memref<32x256xf32, #tpu.memory_space<vmem>>, vector<1x16xf32>,
        %get3A_397 = vector.shape_cast %get3A_396 : vector<1x16xf32> to vector<16xf32>
        %mul3A_398 = arith.mulf %get3A_373, %get3A_397 : vector<16xf32>
        %swap3A_399 = arith.index_cast %scan3A_368 : i32 to index
        %swap3A_400 = arith.constant 32 : index
        %swap3A_401 = tpu.vector_load %arg15[%swap3A_399, %swap3A_400] {strides = array<i32>} : memref<32x152xf32, #tpu.memory_space<vmem>>, vector<1x16xf32>,
        %swap3A_402 = vector.shape_cast %swap3A_401 : vector<1x16xf32> to vector<16xf32>
        %swap3A_403 = vector.shape_cast %mul3A_398 : vector<16xf32> to vector<1x16xf32>
        tpu.vector_store %arg15[%swap3A_399, %swap3A_400], %swap3A_403 {strides = array<i32>} : memref<32x152xf32, #tpu.memory_space<vmem>>, vector<1x16xf32>,
        %get3A_404 = arith.index_cast %scan3A_368 : i32 to index
        %get3A_405 = arith.constant 176 : index
        %get3A_406 = tpu.vector_load %arg13[%get3A_404, %get3A_405] {strides = array<i32>} : memref<32x256xf32, #tpu.memory_space<vmem>>, vector<1x16xf32>,
        %get3A_407 = vector.shape_cast %get3A_406 : vector<1x16xf32> to vector<16xf32>
        %mul3A_408 = arith.mulf %get3A_373, %get3A_407 : vector<16xf32>
        %swap3A_409 = arith.index_cast %scan3A_368 : i32 to index
        %swap3A_410 = arith.constant 48 : index
        %swap3A_411 = tpu.vector_load %arg15[%swap3A_409, %swap3A_410] {strides = array<i32>} : memref<32x152xf32, #tpu.memory_space<vmem>>, vector<1x16xf32>,
        %swap3A_412 = vector.shape_cast %swap3A_411 : vector<1x16xf32> to vector<16xf32>
        %swap3A_413 = vector.shape_cast %mul3A_408 : vector<16xf32> to vector<1x16xf32>
        tpu.vector_store %arg15[%swap3A_409, %swap3A_410], %swap3A_413 {strides = array<i32>} : memref<32x152xf32, #tpu.memory_space<vmem>>, vector<1x16xf32>,
        %get3A_414 = arith.index_cast %scan3A_368 : i32 to index
        %get3A_415 = arith.constant 192 : index
        %get3A_416 = tpu.vector_load %arg13[%get3A_414, %get3A_415] {strides = array<i32>} : memref<32x256xf32, #tpu.memory_space<vmem>>, vector<1x16xf32>,
        %get3A_417 = vector.shape_cast %get3A_416 : vector<1x16xf32> to vector<16xf32>
        %mul3A_418 = arith.mulf %get3A_373, %get3A_417 : vector<16xf32>
        %swap3A_419 = arith.index_cast %scan3A_368 : i32 to index
        %swap3A_420 = arith.constant 64 : index
        %swap3A_421 = tpu.vector_load %arg15[%swap3A_419, %swap3A_420] {strides = array<i32>} : memref<32x152xf32, #tpu.memory_space<vmem>>, vector<1x16xf32>,
        %swap3A_422 = vector.shape_cast %swap3A_421 : vector<1x16xf32> to vector<16xf32>
        %swap3A_423 = vector.shape_cast %mul3A_418 : vector<16xf32> to vector<1x16xf32>
        tpu.vector_store %arg15[%swap3A_419, %swap3A_420], %swap3A_423 {strides = array<i32>} : memref<32x152xf32, #tpu.memory_space<vmem>>, vector<1x16xf32>,
        %get3A_424 = arith.index_cast %scan3A_368 : i32 to index
        %get3A_425 = arith.constant 208 : index
        %get3A_426 = tpu.vector_load %arg13[%get3A_424, %get3A_425] {strides = array<i32>} : memref<32x256xf32, #tpu.memory_space<vmem>>, vector<1x16xf32>,
        %get3A_427 = vector.shape_cast %get3A_426 : vector<1x16xf32> to vector<16xf32>
        %mul3A_428 = arith.mulf %get3A_373, %get3A_427 : vector<16xf32>
        %swap3A_429 = arith.index_cast %scan3A_368 : i32 to index
        %swap3A_430 = arith.constant 80 : index
        %swap3A_431 = tpu.vector_load %arg15[%swap3A_429, %swap3A_430] {strides = array<i32>} : memref<32x152xf32, #tpu.memory_space<vmem>>, vector<1x16xf32>,
        %swap3A_432 = vector.shape_cast %swap3A_431 : vector<1x16xf32> to vector<16xf32>
        %swap3A_433 = vector.shape_cast %mul3A_428 : vector<16xf32> to vector<1x16xf32>
        tpu.vector_store %arg15[%swap3A_429, %swap3A_430], %swap3A_433 {strides = array<i32>} : memref<32x152xf32, #tpu.memory_space<vmem>>, vector<1x16xf32>,
        %get3A_434 = arith.index_cast %scan3A_368 : i32 to index
        %get3A_435 = arith.constant 224 : index
        %get3A_436 = tpu.vector_load %arg13[%get3A_434, %get3A_435] {strides = array<i32>} : memref<32x256xf32, #tpu.memory_space<vmem>>, vector<1x16xf32>,
        %get3A_437 = vector.shape_cast %get3A_436 : vector<1x16xf32> to vector<16xf32>
        %mul3A_438 = arith.mulf %get3A_373, %get3A_437 : vector<16xf32>
        %swap3A_439 = arith.index_cast %scan3A_368 : i32 to index
        %swap3A_440 = arith.constant 96 : index
        %swap3A_441 = tpu.vector_load %arg15[%swap3A_439, %swap3A_440] {strides = array<i32>} : memref<32x152xf32, #tpu.memory_space<vmem>>, vector<1x16xf32>,
        %swap3A_442 = vector.shape_cast %swap3A_441 : vector<1x16xf32> to vector<16xf32>
        %swap3A_443 = vector.shape_cast %mul3A_438 : vector<16xf32> to vector<1x16xf32>
        tpu.vector_store %arg15[%swap3A_439, %swap3A_440], %swap3A_443 {strides = array<i32>} : memref<32x152xf32, #tpu.memory_space<vmem>>, vector<1x16xf32>,
        %get3A_444 = arith.index_cast %scan3A_368 : i32 to index
        %get3A_445 = arith.constant 240 : index
        %get3A_446 = tpu.vector_load %arg13[%get3A_444, %get3A_445] {strides = array<i32>} : memref<32x256xf32, #tpu.memory_space<vmem>>, vector<1x16xf32>,
        %get3A_447 = vector.shape_cast %get3A_446 : vector<1x16xf32> to vector<16xf32>
        %mul3A_448 = arith.mulf %get3A_373, %get3A_447 : vector<16xf32>
        %swap3A_449 = arith.index_cast %scan3A_368 : i32 to index
        %swap3A_450 = arith.constant 112 : index
        %swap3A_451 = tpu.vector_load %arg15[%swap3A_449, %swap3A_450] {strides = array<i32>} : memref<32x152xf32, #tpu.memory_space<vmem>>, vector<1x16xf32>,
        %swap3A_452 = vector.shape_cast %swap3A_451 : vector<1x16xf32> to vector<16xf32>
        %swap3A_453 = vector.shape_cast %mul3A_448 : vector<16xf32> to vector<1x16xf32>
        tpu.vector_store %arg15[%swap3A_449, %swap3A_450], %swap3A_453 {strides = array<i32>} : memref<32x152xf32, #tpu.memory_space<vmem>>, vector<1x16xf32>,
        %get3A_454 = arith.index_cast %scan3A_368 : i32 to index
        %get3A_455 = arith.constant 0 : index
        %get3A_456 = tpu.vector_load %arg9[%get3A_454, %get3A_455] {strides = array<i32>} : memref<32x16xf32, #tpu.memory_space<vmem>>, vector<1x16xf32>,
        %get3A_457 = vector.shape_cast %get3A_456 : vector<1x16xf32> to vector<16xf32>
        %mul3A_458 = arith.mulf %get3A_373, %get3A_457 : vector<16xf32>
        %swap3A_459 = arith.index_cast %scan3A_368 : i32 to index
        %swap3A_460 = arith.constant 128 : index
        %swap3A_461 = tpu.vector_load %arg15[%swap3A_459, %swap3A_460] {strides = array<i32>} : memref<32x152xf32, #tpu.memory_space<vmem>>, vector<1x16xf32>,
        %swap3A_462 = vector.shape_cast %swap3A_461 : vector<1x16xf32> to vector<16xf32>
        %swap3A_463 = vector.shape_cast %mul3A_458 : vector<16xf32> to vector<1x16xf32>
        tpu.vector_store %arg15[%swap3A_459, %swap3A_460], %swap3A_463 {strides = array<i32>} : memref<32x152xf32, #tpu.memory_space<vmem>>, vector<1x16xf32>,
        %broadcast_in_dim3A_464 = vector.shape_cast %min3A_48 : vector<16xi32> to vector<16x1xi32>
        %gather3A = vector.shape_cast %broadcast_in_dim3A_464 : vector<16x1xi32> to vector<16xi32>
        %gather3A_465 = tpu.dynamic_gather %mul3A_458[%gather3A] in [0] : vector<16xf32>, vector<16xi32> -> vector<16xf32>
        %mul3A_466 = arith.mulf %gather3A_465, %sub3A_42 : vector<16xf32>
        %mul3A_467 = arith.mulf %get3A_373, %convert_element_type3A_39 : vector<16xf32>
        %add3A_468 = arith.addf %mul3A_466, %mul3A_467 : vector<16xf32>
        %swap3A_469 = arith.index_cast %scan3A_368 : i32 to index
        %swap3A_470 = arith.constant 136 : index
        %swap3A_471 = tpu.vector_load %arg15[%swap3A_469, %swap3A_470] {strides = array<i32>} : memref<32x152xf32, #tpu.memory_space<vmem>>, vector<1x16xf32>,
        %swap3A_472 = vector.shape_cast %swap3A_471 : vector<1x16xf32> to vector<16xf32>
        %swap3A_473 = vector.shape_cast %add3A_468 : vector<16xf32> to vector<1x16xf32>
        tpu.vector_store %arg15[%swap3A_469, %swap3A_470], %swap3A_473 {strides = array<i32>} : memref<32x152xf32, #tpu.memory_space<vmem>>, vector<1x16xf32>,
        %scan3A_474 = arith.constant 0 : i32
        scf.yield %scan3A_474 : i32
      }
      %scan3A_235 = arith.constant 32 : i32
      %get3A_236 = arith.constant 1 : i32
      %get3A_237 = arith.index_cast %get3A_236 : i32 to index
      %get3A_238 = arith.constant 0 : index
      %get3A_239 = tpu.vector_load %arg7[%get3A_237, %get3A_238] {strides = array<i32>} : memref<2x32xi32, #tpu.memory_space<vmem>>, vector<1x16xi32>,
      %get3A_240 = vector.shape_cast %get3A_239 : vector<1x16xi32> to vector<16xi32>
      %swap3A_241 = arith.constant 0 : i32
      %swap3A_242 = arith.index_cast %swap3A_241 : i32 to index
      %swap3A_243 = arith.constant 0 : index
      %swap3A_244 = tpu.vector_load %arg17[%swap3A_242, %swap3A_243] {strides = array<i32>} : memref<1x32xi32, #tpu.memory_space<vmem>>, vector<1x16xi32>,
      %swap3A_245 = vector.shape_cast %swap3A_244 : vector<1x16xi32> to vector<16xi32>
      %swap3A_246 = vector.shape_cast %get3A_240 : vector<16xi32> to vector<1x16xi32>
      tpu.vector_store %arg17[%swap3A_242, %swap3A_243], %swap3A_246 {strides = array<i32>} : memref<1x32xi32, #tpu.memory_space<vmem>>, vector<1x16xi32>,
      %get3A_247 = arith.constant 1 : i32
      %get3A_248 = arith.index_cast %get3A_247 : i32 to index
      %get3A_249 = arith.constant 16 : index
      %get3A_250 = tpu.vector_load %arg7[%get3A_248, %get3A_249] {strides = array<i32>} : memref<2x32xi32, #tpu.memory_space<vmem>>, vector<1x16xi32>,
      %get3A_251 = vector.shape_cast %get3A_250 : vector<1x16xi32> to vector<16xi32>
      %swap3A_252 = arith.constant 0 : i32
      %swap3A_253 = arith.index_cast %swap3A_252 : i32 to index
      %swap3A_254 = arith.constant 16 : index
      %swap3A_255 = tpu.vector_load %arg17[%swap3A_253, %swap3A_254] {strides = array<i32>} : memref<1x32xi32, #tpu.memory_space<vmem>>, vector<1x16xi32>,
      %swap3A_256 = vector.shape_cast %swap3A_255 : vector<1x16xi32> to vector<16xi32>
      %swap3A_257 = vector.shape_cast %get3A_251 : vector<16xi32> to vector<1x16xi32>
      tpu.vector_store %arg17[%swap3A_253, %swap3A_254], %swap3A_257 {strides = array<i32>} : memref<1x32xi32, #tpu.memory_space<vmem>>, vector<1x16xi32>,
      %dma_start3A_258 = arith.constant 0 : i32
      %dma_start3A_259 = arith.constant 0 : i32
      %dma_start3A_260 = tpu.memref_slice %arg17[%dma_start3A_258, %dma_start3A_259] : memref<1x32xi32, #tpu.memory_space<vmem>> -> memref<1x32xi32, #tpu.memory_space<vmem>>
      %dma_start3A_261 = tpu.memref_squeeze %dma_start3A_260 : memref<1x32xi32, #tpu.memory_space<vmem>> -> memref<32xi32, #tpu.memory_space<vmem>>
      %dma_start3A_262 = arith.constant 0 : i32
      %dma_start3A_263 = arith.constant 0 : i32
      %dma_start3A_264 = tpu.memref_slice %arg18[%dma_start3A_262, %dma_start3A_263] : memref<10000x152xf32, #tpu.memory_space<vmem_shared>> -> memref<10000x152xf32, #tpu.memory_space<vmem_shared>>
      tpu.enqueue_indirect_dma source(%arg15 : memref<32x152xf32, #tpu.memory_space<vmem>>) target(%dma_start3A_264 : memref<10000x152xf32, #tpu.memory_space<vmem_shared>>) offsets(%dma_start3A_261 : memref<32xi32, #tpu.memory_space<vmem>>) semaphore(%arg25 : memref<!tpu.dma_semaphore, #tpu.memory_space<semaphore_mem>>)
      %add3A_265 = arith.constant 2 : i32
      %add3A_266 = arith.addi %add3A_180, %add3A_265 : i32
      %min3A_267 = arith.minsi %add3A_266, %sub3A_31 : i32
      %mul3A_268 = arith.constant 32 : i32
      %mul3A_269 = arith.muli %min3A_267, %mul3A_268 : i32
      %dma_start3A_270 = arith.constant 0 : i32
      %dma_start3A_271 = tpu.memref_slice %arg4[%dma_start3A_270, %mul3A_269] : memref<2x320000xi32, #tpu.memory_space<hbm>> -> memref<2x32xi32, #tpu.memory_space<hbm>>
      %dma_start3A_272 = arith.constant 0 : i32
      %dma_start3A_273 = tpu.memref_slice %arg4[%dma_start3A_272, %mul3A_269] : memref<2x320000xi32, #tpu.memory_space<hbm>> -> memref<2x32xi32, #tpu.memory_space<hbm>>
      tpu.enqueue_dma source(%dma_start3A_273 : memref<2x32xi32, #tpu.memory_space<hbm>>) target(%arg7 : memref<2x32xi32, #tpu.memory_space<vmem>>) target_semaphore(%arg23 : memref<!tpu.dma_semaphore, #tpu.memory_space<semaphore_mem>>)
      "tpu.region"() ({
        %run_scoped3A = tpu.sem_alloc : memref<!tpu.dma_semaphore, #tpu.memory_space<semaphore_mem>>
        %dma_start3A_368 = arith.constant 0 : i32
        %dma_start3A_369 = tpu.memref_slice %arg5[%mul3A_269, %dma_start3A_368] : memref<320000x16xf32, #tpu.memory_space<hbm>> -> memref<32x16xf32, #tpu.memory_space<hbm>>
        %dma_start3A_370 = arith.constant 0 : i32
        %dma_start3A_371 = tpu.memref_slice %arg5[%mul3A_269, %dma_start3A_370] : memref<320000x16xf32, #tpu.memory_space<hbm>> -> memref<32x16xf32, #tpu.memory_space<hbm>>
        tpu.enqueue_dma source(%dma_start3A_371 : memref<32x16xf32, #tpu.memory_space<hbm>>) target(%arg9 : memref<32x16xf32, #tpu.memory_space<vmem>>) target_semaphore(%run_scoped3A : memref<!tpu.dma_semaphore, #tpu.memory_space<semaphore_mem>>)
        %dma_wait3A_372 = arith.constant 0 : i32
        %dma_wait3A_373 = tpu.memref_slice %arg5[%mul3A_269, %dma_wait3A_372] : memref<320000x16xf32, #tpu.memory_space<hbm>> -> memref<32x16xf32, #tpu.memory_space<hbm>>
        %dma_wait3A_374 = arith.constant 0 : i32
        %dma_wait3A_375 = tpu.memref_slice %arg5[%mul3A_269, %dma_wait3A_374] : memref<320000x16xf32, #tpu.memory_space<hbm>> -> memref<32x16xf32, #tpu.memory_space<hbm>>
        tpu.wait_dma2 semaphore(%run_scoped3A : memref<!tpu.dma_semaphore, #tpu.memory_space<semaphore_mem>>) src(%dma_wait3A_375 : memref<32x16xf32, #tpu.memory_space<hbm>>) dst(%arg9 : memref<32x16xf32, #tpu.memory_space<vmem>>)
        tpu.yield
      }) : () -> ()
      %dma_wait3A_274 = arith.constant 1 : i32
      %dma_wait3A_275 = arith.constant 0 : i32
      %dma_wait3A_276 = tpu.memref_slice %arg8[%dma_wait3A_274, %dma_wait3A_275] : memref<2x32xi32, #tpu.memory_space<vmem>> -> memref<1x32xi32, #tpu.memory_space<vmem>>
      %dma_wait3A_277 = tpu.memref_squeeze %dma_wait3A_276 : memref<1x32xi32, #tpu.memory_space<vmem>> -> memref<32xi32, #tpu.memory_space<vmem>>
      %dma_wait3A_278 = arith.constant 0 : i32
      %dma_wait3A_279 = arith.constant 0 : i32
      %dma_wait3A_280 = tpu.memref_slice %arg2[%dma_wait3A_278, %dma_wait3A_279] : memref<10000x144xf32, #tpu.memory_space<hbm>> -> memref<10000x144xf32, #tpu.memory_space<hbm>>
      tpu.wait_indirect_dma semaphore(%arg21 : memref<!tpu.dma_semaphore, #tpu.memory_space<semaphore_mem>>) src(%dma_wait3A_280 : memref<10000x144xf32, #tpu.memory_space<hbm>>) dst(%arg12 : memref<32x144xf32, #tpu.memory_space<vmem>>)
      %dma_wait3A_281 = arith.constant 0 : i32
      %dma_wait3A_282 = arith.constant 0 : i32
      %dma_wait3A_283 = tpu.memref_slice %arg8[%dma_wait3A_281, %dma_wait3A_282] : memref<2x32xi32, #tpu.memory_space<vmem>> -> memref<1x32xi32, #tpu.memory_space<vmem>>
      %dma_wait3A_284 = tpu.memref_squeeze %dma_wait3A_283 : memref<1x32xi32, #tpu.memory_space<vmem>> -> memref<32xi32, #tpu.memory_space<vmem>>
      %dma_wait3A_285 = arith.constant 0 : i32
      %dma_wait3A_286 = arith.constant 0 : i32
      %dma_wait3A_287 = tpu.memref_slice %arg3[%dma_wait3A_285, %dma_wait3A_286] : memref<10000x256xf32, #tpu.memory_space<hbm>> -> memref<10000x256xf32, #tpu.memory_space<hbm>>
      tpu.wait_indirect_dma semaphore(%arg22 : memref<!tpu.dma_semaphore, #tpu.memory_space<semaphore_mem>>) src(%dma_wait3A_287 : memref<10000x256xf32, #tpu.memory_space<hbm>>) dst(%arg14 : memref<32x256xf32, #tpu.memory_space<vmem>>)
      %dma_wait3A_288 = arith.constant 0 : i32
      %dma_wait3A_289 = arith.constant 0 : i32
      %dma_wait3A_290 = tpu.memref_slice %arg4[%dma_wait3A_288, %dma_wait3A_289] : memref<2x320000xi32, #tpu.memory_space<hbm>> -> memref<2x32xi32, #tpu.memory_space<hbm>>
      %dma_wait3A_291 = arith.constant 0 : i32
      %dma_wait3A_292 = arith.constant 0 : i32
      %dma_wait3A_293 = tpu.memref_slice %arg4[%dma_wait3A_291, %dma_wait3A_292] : memref<2x320000xi32, #tpu.memory_space<hbm>> -> memref<2x32xi32, #tpu.memory_space<hbm>>
      tpu.wait_dma2 semaphore(%arg23 : memref<!tpu.dma_semaphore, #tpu.memory_space<semaphore_mem>>) src(%dma_wait3A_293 : memref<2x32xi32, #tpu.memory_space<hbm>>) dst(%arg7 : memref<2x32xi32, #tpu.memory_space<vmem>>)
      %dma_start3A_294 = arith.constant 1 : i32
      %dma_start3A_295 = arith.constant 0 : i32
      %dma_start3A_296 = tpu.memref_slice %arg7[%dma_start3A_294, %dma_start3A_295] : memref<2x32xi32, #tpu.memory_space<vmem>> -> memref<1x32xi32, #tpu.memory_space<vmem>>
      %dma_start3A_297 = tpu.memref_squeeze %dma_start3A_296 : memref<1x32xi32, #tpu.memory_space<vmem>> -> memref<32xi32, #tpu.memory_space<vmem>>
      %dma_start3A_298 = arith.constant 0 : i32
      %dma_start3A_299 = arith.constant 0 : i32
      %dma_start3A_300 = tpu.memref_slice %arg2[%dma_start3A_298, %dma_start3A_299] : memref<10000x144xf32, #tpu.memory_space<hbm>> -> memref<10000x144xf32, #tpu.memory_space<hbm>>
      tpu.enqueue_indirect_dma source(%dma_start3A_300 : memref<10000x144xf32, #tpu.memory_space<hbm>>) target(%arg11 : memref<32x144xf32, #tpu.memory_space<vmem>>) offsets(%dma_start3A_297 : memref<32xi32, #tpu.memory_space<vmem>>) semaphore(%arg19 : memref<!tpu.dma_semaphore, #tpu.memory_space<semaphore_mem>>)
      %dma_start3A_301 = arith.constant 0 : i32
      %dma_start3A_302 = arith.constant 0 : i32
      %dma_start3A_303 = tpu.memref_slice %arg7[%dma_start3A_301, %dma_start3A_302] : memref<2x32xi32, #tpu.memory_space<vmem>> -> memref<1x32xi32, #tpu.memory_space<vmem>>
      %dma_start3A_304 = tpu.memref_squeeze %dma_start3A_303 : memref<1x32xi32, #tpu.memory_space<vmem>> -> memref<32xi32, #tpu.memory_space<vmem>>
      %dma_start3A_305 = arith.constant 0 : i32
      %dma_start3A_306 = arith.constant 0 : i32
      %dma_start3A_307 = tpu.memref_slice %arg3[%dma_start3A_305, %dma_start3A_306] : memref<10000x256xf32, #tpu.memory_space<hbm>> -> memref<10000x256xf32, #tpu.memory_space<hbm>>
      tpu.enqueue_indirect_dma source(%dma_start3A_307 : memref<10000x256xf32, #tpu.memory_space<hbm>>) target(%arg13 : memref<32x256xf32, #tpu.memory_space<vmem>>) offsets(%dma_start3A_304 : memref<32xi32, #tpu.memory_space<vmem>>) semaphore(%arg20 : memref<!tpu.dma_semaphore, #tpu.memory_space<semaphore_mem>>)
      %scan3A_308 = arith.constant 0 : i32
      %scan3A_309 = arith.constant 0 : i32
      %scan3A_310 = arith.constant 32 : i32
      %scan3A_311 = arith.addi %scan3A_309, %scan3A_310 : i32
      %scan3A_312 = arith.constant 1 : i32
      %scan3A_313 = scf.for %scan3A_368 = %scan3A_309 to %scan3A_311 step %scan3A_312 iter_args(%scan3A_369 = %scan3A_308) -> (i32)  : i32 {
        %get3A_370 = arith.index_cast %scan3A_368 : i32 to index
        %get3A_371 = arith.constant 0 : index
        %get3A_372 = tpu.vector_load %arg12[%get3A_370, %get3A_371] {strides = array<i32>} : memref<32x144xf32, #tpu.memory_space<vmem>>, vector<1x16xf32>,
        %get3A_373 = vector.shape_cast %get3A_372 : vector<1x16xf32> to vector<16xf32>
        %get3A_374 = arith.index_cast %scan3A_368 : i32 to index
        %get3A_375 = arith.constant 0 : index
        %get3A_376 = tpu.vector_load %arg14[%get3A_374, %get3A_375] {strides = array<i32>} : memref<32x256xf32, #tpu.memory_space<vmem>>, vector<1x16xf32>,
        %get3A_377 = vector.shape_cast %get3A_376 : vector<1x16xf32> to vector<16xf32>
        %mul3A_378 = arith.mulf %get3A_373, %get3A_377 : vector<16xf32>
        %get3A_379 = arith.index_cast %scan3A_368 : i32 to index
        %get3A_380 = arith.constant 16 : index
        %get3A_381 = tpu.vector_load %arg12[%get3A_379, %get3A_380] {strides = array<i32>} : memref<32x144xf32, #tpu.memory_space<vmem>>, vector<1x16xf32>,
        %get3A_382 = vector.shape_cast %get3A_381 : vector<1x16xf32> to vector<16xf32>
        %get3A_383 = arith.index_cast %scan3A_368 : i32 to index
        %get3A_384 = arith.constant 16 : index
        %get3A_385 = tpu.vector_load %arg14[%get3A_383, %get3A_384] {strides = array<i32>} : memref<32x256xf32, #tpu.memory_space<vmem>>, vector<1x16xf32>,
        %get3A_386 = vector.shape_cast %get3A_385 : vector<1x16xf32> to vector<16xf32>
        %mul3A_387 = arith.mulf %get3A_382, %get3A_386 : vector<16xf32>
        %add3A_388 = arith.addf %mul3A_378, %mul3A_387 : vector<16xf32>
        %get3A_389 = arith.index_cast %scan3A_368 : i32 to index
        %get3A_390 = arith.constant 32 : index
        %get3A_391 = tpu.vector_load %arg12[%get3A_389, %get3A_390] {strides = array<i32>} : memref<32x144xf32, #tpu.memory_space<vmem>>, vector<1x16xf32>,
        %get3A_392 = vector.shape_cast %get3A_391 : vector<1x16xf32> to vector<16xf32>
        %get3A_393 = arith.index_cast %scan3A_368 : i32 to index
        %get3A_394 = arith.constant 32 : index
        %get3A_395 = tpu.vector_load %arg14[%get3A_393, %get3A_394] {strides = array<i32>} : memref<32x256xf32, #tpu.memory_space<vmem>>, vector<1x16xf32>,
        %get3A_396 = vector.shape_cast %get3A_395 : vector<1x16xf32> to vector<16xf32>
        %mul3A_397 = arith.mulf %get3A_392, %get3A_396 : vector<16xf32>
        %add3A_398 = arith.addf %add3A_388, %mul3A_397 : vector<16xf32>
        %get3A_399 = arith.index_cast %scan3A_368 : i32 to index
        %get3A_400 = arith.constant 48 : index
        %get3A_401 = tpu.vector_load %arg12[%get3A_399, %get3A_400] {strides = array<i32>} : memref<32x144xf32, #tpu.memory_space<vmem>>, vector<1x16xf32>,
        %get3A_402 = vector.shape_cast %get3A_401 : vector<1x16xf32> to vector<16xf32>
        %get3A_403 = arith.index_cast %scan3A_368 : i32 to index
        %get3A_404 = arith.constant 48 : index
        %get3A_405 = tpu.vector_load %arg14[%get3A_403, %get3A_404] {strides = array<i32>} : memref<32x256xf32, #tpu.memory_space<vmem>>, vector<1x16xf32>,
        %get3A_406 = vector.shape_cast %get3A_405 : vector<1x16xf32> to vector<16xf32>
        %mul3A_407 = arith.mulf %get3A_402, %get3A_406 : vector<16xf32>
        %add3A_408 = arith.addf %add3A_398, %mul3A_407 : vector<16xf32>
        %get3A_409 = arith.index_cast %scan3A_368 : i32 to index
        %get3A_410 = arith.constant 64 : index
        %get3A_411 = tpu.vector_load %arg12[%get3A_409, %get3A_410] {strides = array<i32>} : memref<32x144xf32, #tpu.memory_space<vmem>>, vector<1x16xf32>,
        %get3A_412 = vector.shape_cast %get3A_411 : vector<1x16xf32> to vector<16xf32>
        %get3A_413 = arith.index_cast %scan3A_368 : i32 to index
        %get3A_414 = arith.constant 64 : index
        %get3A_415 = tpu.vector_load %arg14[%get3A_413, %get3A_414] {strides = array<i32>} : memref<32x256xf32, #tpu.memory_space<vmem>>, vector<1x16xf32>,
        %get3A_416 = vector.shape_cast %get3A_415 : vector<1x16xf32> to vector<16xf32>
        %mul3A_417 = arith.mulf %get3A_412, %get3A_416 : vector<16xf32>
        %add3A_418 = arith.addf %add3A_408, %mul3A_417 : vector<16xf32>
        %get3A_419 = arith.index_cast %scan3A_368 : i32 to index
        %get3A_420 = arith.constant 80 : index
        %get3A_421 = tpu.vector_load %arg12[%get3A_419, %get3A_420] {strides = array<i32>} : memref<32x144xf32, #tpu.memory_space<vmem>>, vector<1x16xf32>,
        %get3A_422 = vector.shape_cast %get3A_421 : vector<1x16xf32> to vector<16xf32>
        %get3A_423 = arith.index_cast %scan3A_368 : i32 to index
        %get3A_424 = arith.constant 80 : index
        %get3A_425 = tpu.vector_load %arg14[%get3A_423, %get3A_424] {strides = array<i32>} : memref<32x256xf32, #tpu.memory_space<vmem>>, vector<1x16xf32>,
        %get3A_426 = vector.shape_cast %get3A_425 : vector<1x16xf32> to vector<16xf32>
        %mul3A_427 = arith.mulf %get3A_422, %get3A_426 : vector<16xf32>
        %add3A_428 = arith.addf %add3A_418, %mul3A_427 : vector<16xf32>
        %get3A_429 = arith.index_cast %scan3A_368 : i32 to index
        %get3A_430 = arith.constant 96 : index
        %get3A_431 = tpu.vector_load %arg12[%get3A_429, %get3A_430] {strides = array<i32>} : memref<32x144xf32, #tpu.memory_space<vmem>>, vector<1x16xf32>,
        %get3A_432 = vector.shape_cast %get3A_431 : vector<1x16xf32> to vector<16xf32>
        %get3A_433 = arith.index_cast %scan3A_368 : i32 to index
        %get3A_434 = arith.constant 96 : index
        %get3A_435 = tpu.vector_load %arg14[%get3A_433, %get3A_434] {strides = array<i32>} : memref<32x256xf32, #tpu.memory_space<vmem>>, vector<1x16xf32>,
        %get3A_436 = vector.shape_cast %get3A_435 : vector<1x16xf32> to vector<16xf32>
        %mul3A_437 = arith.mulf %get3A_432, %get3A_436 : vector<16xf32>
        %add3A_438 = arith.addf %add3A_428, %mul3A_437 : vector<16xf32>
        %get3A_439 = arith.index_cast %scan3A_368 : i32 to index
        %get3A_440 = arith.constant 112 : index
        %get3A_441 = tpu.vector_load %arg12[%get3A_439, %get3A_440] {strides = array<i32>} : memref<32x144xf32, #tpu.memory_space<vmem>>, vector<1x16xf32>,
        %get3A_442 = vector.shape_cast %get3A_441 : vector<1x16xf32> to vector<16xf32>
        %get3A_443 = arith.index_cast %scan3A_368 : i32 to index
        %get3A_444 = arith.constant 112 : index
        %get3A_445 = tpu.vector_load %arg14[%get3A_443, %get3A_444] {strides = array<i32>} : memref<32x256xf32, #tpu.memory_space<vmem>>, vector<1x16xf32>,
        %get3A_446 = vector.shape_cast %get3A_445 : vector<1x16xf32> to vector<16xf32>
        %mul3A_447 = arith.mulf %get3A_442, %get3A_446 : vector<16xf32>
        %add3A_448 = arith.addf %add3A_438, %mul3A_447 : vector<16xf32>
        %get3A_449 = arith.index_cast %scan3A_368 : i32 to index
        %get3A_450 = arith.constant 128 : index
        %get3A_451 = tpu.vector_load %arg12[%get3A_449, %get3A_450] {strides = array<i32>} : memref<32x144xf32, #tpu.memory_space<vmem>>, vector<1x16xf32>,
        %get3A_452 = vector.shape_cast %get3A_451 : vector<1x16xf32> to vector<16xf32>
        %get3A_453 = arith.index_cast %scan3A_368 : i32 to index
        %get3A_454 = arith.constant 0 : index
        %get3A_455 = tpu.vector_load %arg10[%get3A_453, %get3A_454] {strides = array<i32>} : memref<32x16xf32, #tpu.memory_space<vmem>>, vector<1x16xf32>,
        %get3A_456 = vector.shape_cast %get3A_455 : vector<1x16xf32> to vector<16xf32>
        %mul3A_457 = arith.mulf %get3A_452, %get3A_456 : vector<16xf32>
        %add3A_458 = arith.addf %add3A_448, %mul3A_457 : vector<16xf32>
        %iota3A_459 = tpu.iota {dimensions = array<i32: 0>} : vector<16xi32>
        %xor3A = arith.constant 1 : i32
        %xor3A_460 = vector.broadcast %xor3A : i32 to vector<16xi32>
        %xor3A_461 = arith.xori %iota3A_459, %xor3A_460 : vector<16xi32>
        %broadcast_in_dim3A_462 = vector.shape_cast %xor3A_461 : vector<16xi32> to vector<16x1xi32>
        %gather3A = vector.shape_cast %broadcast_in_dim3A_462 : vector<16x1xi32> to vector<16xi32>
        %gather3A_463 = tpu.dynamic_gather %add3A_458[%gather3A] in [0] : vector<16xf32>, vector<16xi32> -> vector<16xf32>
        %add3A_464 = arith.addf %add3A_458, %gather3A_463 : vector<16xf32>
        %iota3A_465 = tpu.iota {dimensions = array<i32: 0>} : vector<16xi32>
        %xor3A_466 = arith.constant 2 : i32
        %xor3A_467 = vector.broadcast %xor3A_466 : i32 to vector<16xi32>
        %xor3A_468 = arith.xori %iota3A_465, %xor3A_467 : vector<16xi32>
        %broadcast_in_dim3A_469 = vector.shape_cast %xor3A_468 : vector<16xi32> to vector<16x1xi32>
        %gather3A_470 = vector.shape_cast %broadcast_in_dim3A_469 : vector<16x1xi32> to vector<16xi32>
        %gather3A_471 = tpu.dynamic_gather %add3A_464[%gather3A_470] in [0] : vector<16xf32>, vector<16xi32> -> vector<16xf32>
        %add3A_472 = arith.addf %add3A_464, %gather3A_471 : vector<16xf32>
        %iota3A_473 = tpu.iota {dimensions = array<i32: 0>} : vector<16xi32>
        %xor3A_474 = arith.constant 4 : i32
        %xor3A_475 = vector.broadcast %xor3A_474 : i32 to vector<16xi32>
        %xor3A_476 = arith.xori %iota3A_473, %xor3A_475 : vector<16xi32>
        %broadcast_in_dim3A_477 = vector.shape_cast %xor3A_476 : vector<16xi32> to vector<16x1xi32>
        %gather3A_478 = vector.shape_cast %broadcast_in_dim3A_477 : vector<16x1xi32> to vector<16xi32>
        %gather3A_479 = tpu.dynamic_gather %add3A_472[%gather3A_478] in [0] : vector<16xf32>, vector<16xi32> -> vector<16xf32>
        %add3A_480 = arith.addf %add3A_472, %gather3A_479 : vector<16xf32>
        %iota3A_481 = tpu.iota {dimensions = array<i32: 0>} : vector<16xi32>
        %xor3A_482 = arith.constant 8 : i32
        %xor3A_483 = vector.broadcast %xor3A_482 : i32 to vector<16xi32>
        %xor3A_484 = arith.xori %iota3A_481, %xor3A_483 : vector<16xi32>
        %broadcast_in_dim3A_485 = vector.shape_cast %xor3A_484 : vector<16xi32> to vector<16x1xi32>
        %gather3A_486 = vector.shape_cast %broadcast_in_dim3A_485 : vector<16x1xi32> to vector<16xi32>
        %gather3A_487 = tpu.dynamic_gather %add3A_480[%gather3A_486] in [0] : vector<16xf32>, vector<16xi32> -> vector<16xf32>
        %add3A_488 = arith.addf %add3A_480, %gather3A_487 : vector<16xf32>
        %exp3A = math.exp %add3A_488 : vector<16xf32>
        %swap3A_489 = arith.index_cast %scan3A_368 : i32 to index
        %swap3A_490 = arith.constant 0 : index
        %swap3A_491 = tpu.vector_load %arg16[%swap3A_489, %swap3A_490] {strides = array<i32>} : memref<32x16xf32, #tpu.memory_space<vmem>>, vector<1x16xf32>,
        %swap3A_492 = vector.shape_cast %swap3A_491 : vector<1x16xf32> to vector<16xf32>
        %swap3A_493 = vector.shape_cast %exp3A : vector<16xf32> to vector<1x16xf32>
        tpu.vector_store %arg16[%swap3A_489, %swap3A_490], %swap3A_493 {strides = array<i32>} : memref<32x16xf32, #tpu.memory_space<vmem>>, vector<1x16xf32>,
        %scan3A_494 = arith.constant 0 : i32
        scf.yield %scan3A_494 : i32
      }
      %scan3A_314 = arith.constant 32 : i32
      %dma_wait3A_315 = arith.constant 0 : i32
      %dma_wait3A_316 = arith.constant 0 : i32
      %dma_wait3A_317 = tpu.memref_slice %arg17[%dma_wait3A_315, %dma_wait3A_316] : memref<1x32xi32, #tpu.memory_space<vmem>> -> memref<1x32xi32, #tpu.memory_space<vmem>>
      %dma_wait3A_318 = tpu.memref_squeeze %dma_wait3A_317 : memref<1x32xi32, #tpu.memory_space<vmem>> -> memref<32xi32, #tpu.memory_space<vmem>>
      %dma_wait3A_319 = arith.constant 0 : i32
      %dma_wait3A_320 = arith.constant 0 : i32
      %dma_wait3A_321 = tpu.memref_slice %arg18[%dma_wait3A_319, %dma_wait3A_320] : memref<10000x152xf32, #tpu.memory_space<vmem_shared>> -> memref<10000x152xf32, #tpu.memory_space<vmem_shared>>
      tpu.wait_indirect_dma semaphore(%arg25 : memref<!tpu.dma_semaphore, #tpu.memory_space<semaphore_mem>>) src(%arg15 : memref<32x152xf32, #tpu.memory_space<vmem>>) dst(%dma_wait3A_321 : memref<10000x152xf32, #tpu.memory_space<vmem_shared>>)
      %scan3A_322 = arith.constant 0 : i32
      %scan3A_323 = arith.constant 0 : i32
      %scan3A_324 = arith.constant 32 : i32
      %scan3A_325 = arith.addi %scan3A_323, %scan3A_324 : i32
      %scan3A_326 = arith.constant 1 : i32
      %scan3A_327 = scf.for %scan3A_368 = %scan3A_323 to %scan3A_325 step %scan3A_326 iter_args(%scan3A_369 = %scan3A_322) -> (i32)  : i32 {
        %get3A_370 = arith.index_cast %scan3A_368 : i32 to index
        %get3A_371 = arith.constant 0 : index
        %get3A_372 = tpu.vector_load %arg16[%get3A_370, %get3A_371] {strides = array<i32>} : memref<32x16xf32, #tpu.memory_space<vmem>>, vector<1x16xf32>,
        %get3A_373 = vector.shape_cast %get3A_372 : vector<1x16xf32> to vector<16xf32>
        %get3A_374 = arith.index_cast %scan3A_368 : i32 to index
        %get3A_375 = arith.constant 128 : index
        %get3A_376 = tpu.vector_load %arg14[%get3A_374, %get3A_375] {strides = array<i32>} : memref<32x256xf32, #tpu.memory_space<vmem>>, vector<1x16xf32>,
        %get3A_377 = vector.shape_cast %get3A_376 : vector<1x16xf32> to vector<16xf32>
        %mul3A_378 = arith.mulf %get3A_373, %get3A_377 : vector<16xf32>
        %swap3A_379 = arith.index_cast %scan3A_368 : i32 to index
        %swap3A_380 = arith.constant 0 : index
        %swap3A_381 = tpu.vector_load %arg15[%swap3A_379, %swap3A_380] {strides = array<i32>} : memref<32x152xf32, #tpu.memory_space<vmem>>, vector<1x16xf32>,
        %swap3A_382 = vector.shape_cast %swap3A_381 : vector<1x16xf32> to vector<16xf32>
        %swap3A_383 = vector.shape_cast %mul3A_378 : vector<16xf32> to vector<1x16xf32>
        tpu.vector_store %arg15[%swap3A_379, %swap3A_380], %swap3A_383 {strides = array<i32>} : memref<32x152xf32, #tpu.memory_space<vmem>>, vector<1x16xf32>,
        %get3A_384 = arith.index_cast %scan3A_368 : i32 to index
        %get3A_385 = arith.constant 144 : index
        %get3A_386 = tpu.vector_load %arg14[%get3A_384, %get3A_385] {strides = array<i32>} : memref<32x256xf32, #tpu.memory_space<vmem>>, vector<1x16xf32>,
        %get3A_387 = vector.shape_cast %get3A_386 : vector<1x16xf32> to vector<16xf32>
        %mul3A_388 = arith.mulf %get3A_373, %get3A_387 : vector<16xf32>
        %swap3A_389 = arith.index_cast %scan3A_368 : i32 to index
        %swap3A_390 = arith.constant 16 : index
        %swap3A_391 = tpu.vector_load %arg15[%swap3A_389, %swap3A_390] {strides = array<i32>} : memref<32x152xf32, #tpu.memory_space<vmem>>, vector<1x16xf32>,
        %swap3A_392 = vector.shape_cast %swap3A_391 : vector<1x16xf32> to vector<16xf32>
        %swap3A_393 = vector.shape_cast %mul3A_388 : vector<16xf32> to vector<1x16xf32>
        tpu.vector_store %arg15[%swap3A_389, %swap3A_390], %swap3A_393 {strides = array<i32>} : memref<32x152xf32, #tpu.memory_space<vmem>>, vector<1x16xf32>,
        %get3A_394 = arith.index_cast %scan3A_368 : i32 to index
        %get3A_395 = arith.constant 160 : index
        %get3A_396 = tpu.vector_load %arg14[%get3A_394, %get3A_395] {strides = array<i32>} : memref<32x256xf32, #tpu.memory_space<vmem>>, vector<1x16xf32>,
        %get3A_397 = vector.shape_cast %get3A_396 : vector<1x16xf32> to vector<16xf32>
        %mul3A_398 = arith.mulf %get3A_373, %get3A_397 : vector<16xf32>
        %swap3A_399 = arith.index_cast %scan3A_368 : i32 to index
        %swap3A_400 = arith.constant 32 : index
        %swap3A_401 = tpu.vector_load %arg15[%swap3A_399, %swap3A_400] {strides = array<i32>} : memref<32x152xf32, #tpu.memory_space<vmem>>, vector<1x16xf32>,
        %swap3A_402 = vector.shape_cast %swap3A_401 : vector<1x16xf32> to vector<16xf32>
        %swap3A_403 = vector.shape_cast %mul3A_398 : vector<16xf32> to vector<1x16xf32>
        tpu.vector_store %arg15[%swap3A_399, %swap3A_400], %swap3A_403 {strides = array<i32>} : memref<32x152xf32, #tpu.memory_space<vmem>>, vector<1x16xf32>,
        %get3A_404 = arith.index_cast %scan3A_368 : i32 to index
        %get3A_405 = arith.constant 176 : index
        %get3A_406 = tpu.vector_load %arg14[%get3A_404, %get3A_405] {strides = array<i32>} : memref<32x256xf32, #tpu.memory_space<vmem>>, vector<1x16xf32>,
        %get3A_407 = vector.shape_cast %get3A_406 : vector<1x16xf32> to vector<16xf32>
        %mul3A_408 = arith.mulf %get3A_373, %get3A_407 : vector<16xf32>
        %swap3A_409 = arith.index_cast %scan3A_368 : i32 to index
        %swap3A_410 = arith.constant 48 : index
        %swap3A_411 = tpu.vector_load %arg15[%swap3A_409, %swap3A_410] {strides = array<i32>} : memref<32x152xf32, #tpu.memory_space<vmem>>, vector<1x16xf32>,
        %swap3A_412 = vector.shape_cast %swap3A_411 : vector<1x16xf32> to vector<16xf32>
        %swap3A_413 = vector.shape_cast %mul3A_408 : vector<16xf32> to vector<1x16xf32>
        tpu.vector_store %arg15[%swap3A_409, %swap3A_410], %swap3A_413 {strides = array<i32>} : memref<32x152xf32, #tpu.memory_space<vmem>>, vector<1x16xf32>,
        %get3A_414 = arith.index_cast %scan3A_368 : i32 to index
        %get3A_415 = arith.constant 192 : index
        %get3A_416 = tpu.vector_load %arg14[%get3A_414, %get3A_415] {strides = array<i32>} : memref<32x256xf32, #tpu.memory_space<vmem>>, vector<1x16xf32>,
        %get3A_417 = vector.shape_cast %get3A_416 : vector<1x16xf32> to vector<16xf32>
        %mul3A_418 = arith.mulf %get3A_373, %get3A_417 : vector<16xf32>
        %swap3A_419 = arith.index_cast %scan3A_368 : i32 to index
        %swap3A_420 = arith.constant 64 : index
        %swap3A_421 = tpu.vector_load %arg15[%swap3A_419, %swap3A_420] {strides = array<i32>} : memref<32x152xf32, #tpu.memory_space<vmem>>, vector<1x16xf32>,
        %swap3A_422 = vector.shape_cast %swap3A_421 : vector<1x16xf32> to vector<16xf32>
        %swap3A_423 = vector.shape_cast %mul3A_418 : vector<16xf32> to vector<1x16xf32>
        tpu.vector_store %arg15[%swap3A_419, %swap3A_420], %swap3A_423 {strides = array<i32>} : memref<32x152xf32, #tpu.memory_space<vmem>>, vector<1x16xf32>,
        %get3A_424 = arith.index_cast %scan3A_368 : i32 to index
        %get3A_425 = arith.constant 208 : index
        %get3A_426 = tpu.vector_load %arg14[%get3A_424, %get3A_425] {strides = array<i32>} : memref<32x256xf32, #tpu.memory_space<vmem>>, vector<1x16xf32>,
        %get3A_427 = vector.shape_cast %get3A_426 : vector<1x16xf32> to vector<16xf32>
        %mul3A_428 = arith.mulf %get3A_373, %get3A_427 : vector<16xf32>
        %swap3A_429 = arith.index_cast %scan3A_368 : i32 to index
        %swap3A_430 = arith.constant 80 : index
        %swap3A_431 = tpu.vector_load %arg15[%swap3A_429, %swap3A_430] {strides = array<i32>} : memref<32x152xf32, #tpu.memory_space<vmem>>, vector<1x16xf32>,
        %swap3A_432 = vector.shape_cast %swap3A_431 : vector<1x16xf32> to vector<16xf32>
        %swap3A_433 = vector.shape_cast %mul3A_428 : vector<16xf32> to vector<1x16xf32>
        tpu.vector_store %arg15[%swap3A_429, %swap3A_430], %swap3A_433 {strides = array<i32>} : memref<32x152xf32, #tpu.memory_space<vmem>>, vector<1x16xf32>,
        %get3A_434 = arith.index_cast %scan3A_368 : i32 to index
        %get3A_435 = arith.constant 224 : index
        %get3A_436 = tpu.vector_load %arg14[%get3A_434, %get3A_435] {strides = array<i32>} : memref<32x256xf32, #tpu.memory_space<vmem>>, vector<1x16xf32>,
        %get3A_437 = vector.shape_cast %get3A_436 : vector<1x16xf32> to vector<16xf32>
        %mul3A_438 = arith.mulf %get3A_373, %get3A_437 : vector<16xf32>
        %swap3A_439 = arith.index_cast %scan3A_368 : i32 to index
        %swap3A_440 = arith.constant 96 : index
        %swap3A_441 = tpu.vector_load %arg15[%swap3A_439, %swap3A_440] {strides = array<i32>} : memref<32x152xf32, #tpu.memory_space<vmem>>, vector<1x16xf32>,
        %swap3A_442 = vector.shape_cast %swap3A_441 : vector<1x16xf32> to vector<16xf32>
        %swap3A_443 = vector.shape_cast %mul3A_438 : vector<16xf32> to vector<1x16xf32>
        tpu.vector_store %arg15[%swap3A_439, %swap3A_440], %swap3A_443 {strides = array<i32>} : memref<32x152xf32, #tpu.memory_space<vmem>>, vector<1x16xf32>,
        %get3A_444 = arith.index_cast %scan3A_368 : i32 to index
        %get3A_445 = arith.constant 240 : index
        %get3A_446 = tpu.vector_load %arg14[%get3A_444, %get3A_445] {strides = array<i32>} : memref<32x256xf32, #tpu.memory_space<vmem>>, vector<1x16xf32>,
        %get3A_447 = vector.shape_cast %get3A_446 : vector<1x16xf32> to vector<16xf32>
        %mul3A_448 = arith.mulf %get3A_373, %get3A_447 : vector<16xf32>
        %swap3A_449 = arith.index_cast %scan3A_368 : i32 to index
        %swap3A_450 = arith.constant 112 : index
        %swap3A_451 = tpu.vector_load %arg15[%swap3A_449, %swap3A_450] {strides = array<i32>} : memref<32x152xf32, #tpu.memory_space<vmem>>, vector<1x16xf32>,
        %swap3A_452 = vector.shape_cast %swap3A_451 : vector<1x16xf32> to vector<16xf32>
        %swap3A_453 = vector.shape_cast %mul3A_448 : vector<16xf32> to vector<1x16xf32>
        tpu.vector_store %arg15[%swap3A_449, %swap3A_450], %swap3A_453 {strides = array<i32>} : memref<32x152xf32, #tpu.memory_space<vmem>>, vector<1x16xf32>,
        %get3A_454 = arith.index_cast %scan3A_368 : i32 to index
        %get3A_455 = arith.constant 0 : index
        %get3A_456 = tpu.vector_load %arg10[%get3A_454, %get3A_455] {strides = array<i32>} : memref<32x16xf32, #tpu.memory_space<vmem>>, vector<1x16xf32>,
        %get3A_457 = vector.shape_cast %get3A_456 : vector<1x16xf32> to vector<16xf32>
        %mul3A_458 = arith.mulf %get3A_373, %get3A_457 : vector<16xf32>
        %swap3A_459 = arith.index_cast %scan3A_368 : i32 to index
        %swap3A_460 = arith.constant 128 : index
        %swap3A_461 = tpu.vector_load %arg15[%swap3A_459, %swap3A_460] {strides = array<i32>} : memref<32x152xf32, #tpu.memory_space<vmem>>, vector<1x16xf32>,
        %swap3A_462 = vector.shape_cast %swap3A_461 : vector<1x16xf32> to vector<16xf32>
        %swap3A_463 = vector.shape_cast %mul3A_458 : vector<16xf32> to vector<1x16xf32>
        tpu.vector_store %arg15[%swap3A_459, %swap3A_460], %swap3A_463 {strides = array<i32>} : memref<32x152xf32, #tpu.memory_space<vmem>>, vector<1x16xf32>,
        %broadcast_in_dim3A_464 = vector.shape_cast %min3A_48 : vector<16xi32> to vector<16x1xi32>
        %gather3A = vector.shape_cast %broadcast_in_dim3A_464 : vector<16x1xi32> to vector<16xi32>
        %gather3A_465 = tpu.dynamic_gather %mul3A_458[%gather3A] in [0] : vector<16xf32>, vector<16xi32> -> vector<16xf32>
        %mul3A_466 = arith.mulf %gather3A_465, %sub3A_42 : vector<16xf32>
        %mul3A_467 = arith.mulf %get3A_373, %convert_element_type3A_39 : vector<16xf32>
        %add3A_468 = arith.addf %mul3A_466, %mul3A_467 : vector<16xf32>
        %swap3A_469 = arith.index_cast %scan3A_368 : i32 to index
        %swap3A_470 = arith.constant 136 : index
        %swap3A_471 = tpu.vector_load %arg15[%swap3A_469, %swap3A_470] {strides = array<i32>} : memref<32x152xf32, #tpu.memory_space<vmem>>, vector<1x16xf32>,
        %swap3A_472 = vector.shape_cast %swap3A_471 : vector<1x16xf32> to vector<16xf32>
        %swap3A_473 = vector.shape_cast %add3A_468 : vector<16xf32> to vector<1x16xf32>
        tpu.vector_store %arg15[%swap3A_469, %swap3A_470], %swap3A_473 {strides = array<i32>} : memref<32x152xf32, #tpu.memory_space<vmem>>, vector<1x16xf32>,
        %scan3A_474 = arith.constant 0 : i32
        scf.yield %scan3A_474 : i32
      }
      %scan3A_328 = arith.constant 32 : i32
      %get3A_329 = arith.constant 1 : i32
      %get3A_330 = arith.index_cast %get3A_329 : i32 to index
      %get3A_331 = arith.constant 0 : index
      %get3A_332 = tpu.vector_load %arg8[%get3A_330, %get3A_331] {strides = array<i32>} : memref<2x32xi32, #tpu.memory_space<vmem>>, vector<1x16xi32>,
      %get3A_333 = vector.shape_cast %get3A_332 : vector<1x16xi32> to vector<16xi32>
      %swap3A_334 = arith.constant 0 : i32
      %swap3A_335 = arith.index_cast %swap3A_334 : i32 to index
      %swap3A_336 = arith.constant 0 : index
      %swap3A_337 = tpu.vector_load %arg17[%swap3A_335, %swap3A_336] {strides = array<i32>} : memref<1x32xi32, #tpu.memory_space<vmem>>, vector<1x16xi32>,
      %swap3A_338 = vector.shape_cast %swap3A_337 : vector<1x16xi32> to vector<16xi32>
      %swap3A_339 = vector.shape_cast %get3A_333 : vector<16xi32> to vector<1x16xi32>
      tpu.vector_store %arg17[%swap3A_335, %swap3A_336], %swap3A_339 {strides = array<i32>} : memref<1x32xi32, #tpu.memory_space<vmem>>, vector<1x16xi32>,
      %get3A_340 = arith.constant 1 : i32
      %get3A_341 = arith.index_cast %get3A_340 : i32 to index
      %get3A_342 = arith.constant 16 : index
      %get3A_343 = tpu.vector_load %arg8[%get3A_341, %get3A_342] {strides = array<i32>} : memref<2x32xi32, #tpu.memory_space<vmem>>, vector<1x16xi32>,
      %get3A_344 = vector.shape_cast %get3A_343 : vector<1x16xi32> to vector<16xi32>
      %swap3A_345 = arith.constant 0 : i32
      %swap3A_346 = arith.index_cast %swap3A_345 : i32 to index
      %swap3A_347 = arith.constant 16 : index
      %swap3A_348 = tpu.vector_load %arg17[%swap3A_346, %swap3A_347] {strides = array<i32>} : memref<1x32xi32, #tpu.memory_space<vmem>>, vector<1x16xi32>,
      %swap3A_349 = vector.shape_cast %swap3A_348 : vector<1x16xi32> to vector<16xi32>
      %swap3A_350 = vector.shape_cast %get3A_344 : vector<16xi32> to vector<1x16xi32>
      tpu.vector_store %arg17[%swap3A_346, %swap3A_347], %swap3A_350 {strides = array<i32>} : memref<1x32xi32, #tpu.memory_space<vmem>>, vector<1x16xi32>,
      %dma_start3A_351 = arith.constant 0 : i32
      %dma_start3A_352 = arith.constant 0 : i32
      %dma_start3A_353 = tpu.memref_slice %arg17[%dma_start3A_351, %dma_start3A_352] : memref<1x32xi32, #tpu.memory_space<vmem>> -> memref<1x32xi32, #tpu.memory_space<vmem>>
      %dma_start3A_354 = tpu.memref_squeeze %dma_start3A_353 : memref<1x32xi32, #tpu.memory_space<vmem>> -> memref<32xi32, #tpu.memory_space<vmem>>
      %dma_start3A_355 = arith.constant 0 : i32
      %dma_start3A_356 = arith.constant 0 : i32
      %dma_start3A_357 = tpu.memref_slice %arg18[%dma_start3A_355, %dma_start3A_356] : memref<10000x152xf32, #tpu.memory_space<vmem_shared>> -> memref<10000x152xf32, #tpu.memory_space<vmem_shared>>
      tpu.enqueue_indirect_dma source(%arg15 : memref<32x152xf32, #tpu.memory_space<vmem>>) target(%dma_start3A_357 : memref<10000x152xf32, #tpu.memory_space<vmem_shared>>) offsets(%dma_start3A_354 : memref<32xi32, #tpu.memory_space<vmem>>) semaphore(%arg25 : memref<!tpu.dma_semaphore, #tpu.memory_space<semaphore_mem>>)
      %add3A_358 = arith.constant 3 : i32
      %add3A_359 = arith.addi %add3A_180, %add3A_358 : i32
      %min3A_360 = arith.minsi %add3A_359, %sub3A_31 : i32
      %mul3A_361 = arith.constant 32 : i32
      %mul3A_362 = arith.muli %min3A_360, %mul3A_361 : i32
      %dma_start3A_363 = arith.constant 0 : i32
      %dma_start3A_364 = tpu.memref_slice %arg4[%dma_start3A_363, %mul3A_362] : memref<2x320000xi32, #tpu.memory_space<hbm>> -> memref<2x32xi32, #tpu.memory_space<hbm>>
      %dma_start3A_365 = arith.constant 0 : i32
      %dma_start3A_366 = tpu.memref_slice %arg4[%dma_start3A_365, %mul3A_362] : memref<2x320000xi32, #tpu.memory_space<hbm>> -> memref<2x32xi32, #tpu.memory_space<hbm>>
      tpu.enqueue_dma source(%dma_start3A_366 : memref<2x32xi32, #tpu.memory_space<hbm>>) target(%arg8 : memref<2x32xi32, #tpu.memory_space<vmem>>) target_semaphore(%arg24 : memref<!tpu.dma_semaphore, #tpu.memory_space<semaphore_mem>>)
      "tpu.region"() ({
        %run_scoped3A = tpu.sem_alloc : memref<!tpu.dma_semaphore, #tpu.memory_space<semaphore_mem>>
        %dma_start3A_368 = arith.constant 0 : i32
        %dma_start3A_369 = tpu.memref_slice %arg5[%mul3A_362, %dma_start3A_368] : memref<320000x16xf32, #tpu.memory_space<hbm>> -> memref<32x16xf32, #tpu.memory_space<hbm>>
        %dma_start3A_370 = arith.constant 0 : i32
        %dma_start3A_371 = tpu.memref_slice %arg5[%mul3A_362, %dma_start3A_370] : memref<320000x16xf32, #tpu.memory_space<hbm>> -> memref<32x16xf32, #tpu.memory_space<hbm>>
        tpu.enqueue_dma source(%dma_start3A_371 : memref<32x16xf32, #tpu.memory_space<hbm>>) target(%arg10 : memref<32x16xf32, #tpu.memory_space<vmem>>) target_semaphore(%run_scoped3A : memref<!tpu.dma_semaphore, #tpu.memory_space<semaphore_mem>>)
        %dma_wait3A_372 = arith.constant 0 : i32
        %dma_wait3A_373 = tpu.memref_slice %arg5[%mul3A_362, %dma_wait3A_372] : memref<320000x16xf32, #tpu.memory_space<hbm>> -> memref<32x16xf32, #tpu.memory_space<hbm>>
        %dma_wait3A_374 = arith.constant 0 : i32
        %dma_wait3A_375 = tpu.memref_slice %arg5[%mul3A_362, %dma_wait3A_374] : memref<320000x16xf32, #tpu.memory_space<hbm>> -> memref<32x16xf32, #tpu.memory_space<hbm>>
        tpu.wait_dma2 semaphore(%run_scoped3A : memref<!tpu.dma_semaphore, #tpu.memory_space<semaphore_mem>>) src(%dma_wait3A_375 : memref<32x16xf32, #tpu.memory_space<hbm>>) dst(%arg10 : memref<32x16xf32, #tpu.memory_space<vmem>>)
        tpu.yield
      }) : () -> ()
      %while3A_367 = arith.constant 0 : i32
      scf.yield %while3A_367 : i32
    }
    %dma_wait3A_137 = arith.constant 1 : i32
    %dma_wait3A_138 = arith.constant 0 : i32
    %dma_wait3A_139 = tpu.memref_slice %arg7[%dma_wait3A_137, %dma_wait3A_138] : memref<2x32xi32, #tpu.memory_space<vmem>> -> memref<1x32xi32, #tpu.memory_space<vmem>>
    %dma_wait3A_140 = tpu.memref_squeeze %dma_wait3A_139 : memref<1x32xi32, #tpu.memory_space<vmem>> -> memref<32xi32, #tpu.memory_space<vmem>>
    %dma_wait3A_141 = arith.constant 0 : i32
    %dma_wait3A_142 = arith.constant 0 : i32
    %dma_wait3A_143 = tpu.memref_slice %arg2[%dma_wait3A_141, %dma_wait3A_142] : memref<10000x144xf32, #tpu.memory_space<hbm>> -> memref<10000x144xf32, #tpu.memory_space<hbm>>
    tpu.wait_indirect_dma semaphore(%arg19 : memref<!tpu.dma_semaphore, #tpu.memory_space<semaphore_mem>>) src(%dma_wait3A_143 : memref<10000x144xf32, #tpu.memory_space<hbm>>) dst(%arg11 : memref<32x144xf32, #tpu.memory_space<vmem>>)
    %dma_wait3A_144 = arith.constant 0 : i32
    %dma_wait3A_145 = arith.constant 0 : i32
    %dma_wait3A_146 = tpu.memref_slice %arg7[%dma_wait3A_144, %dma_wait3A_145] : memref<2x32xi32, #tpu.memory_space<vmem>> -> memref<1x32xi32, #tpu.memory_space<vmem>>
    %dma_wait3A_147 = tpu.memref_squeeze %dma_wait3A_146 : memref<1x32xi32, #tpu.memory_space<vmem>> -> memref<32xi32, #tpu.memory_space<vmem>>
    %dma_wait3A_148 = arith.constant 0 : i32
    %dma_wait3A_149 = arith.constant 0 : i32
    %dma_wait3A_150 = tpu.memref_slice %arg3[%dma_wait3A_148, %dma_wait3A_149] : memref<10000x256xf32, #tpu.memory_space<hbm>> -> memref<10000x256xf32, #tpu.memory_space<hbm>>
    tpu.wait_indirect_dma semaphore(%arg20 : memref<!tpu.dma_semaphore, #tpu.memory_space<semaphore_mem>>) src(%dma_wait3A_150 : memref<10000x256xf32, #tpu.memory_space<hbm>>) dst(%arg13 : memref<32x256xf32, #tpu.memory_space<vmem>>)
    %dma_wait3A_151 = arith.constant 0 : i32
    %dma_wait3A_152 = arith.constant 0 : i32
    %dma_wait3A_153 = tpu.memref_slice %arg4[%dma_wait3A_151, %dma_wait3A_152] : memref<2x320000xi32, #tpu.memory_space<hbm>> -> memref<2x32xi32, #tpu.memory_space<hbm>>
    %dma_wait3A_154 = arith.constant 0 : i32
    %dma_wait3A_155 = arith.constant 0 : i32
    %dma_wait3A_156 = tpu.memref_slice %arg4[%dma_wait3A_154, %dma_wait3A_155] : memref<2x320000xi32, #tpu.memory_space<hbm>> -> memref<2x32xi32, #tpu.memory_space<hbm>>
    tpu.wait_dma2 semaphore(%arg24 : memref<!tpu.dma_semaphore, #tpu.memory_space<semaphore_mem>>) src(%dma_wait3A_156 : memref<2x32xi32, #tpu.memory_space<hbm>>) dst(%arg8 : memref<2x32xi32, #tpu.memory_space<vmem>>)
    %dma_wait3A_157 = arith.constant 0 : i32
    %dma_wait3A_158 = arith.constant 0 : i32
    %dma_wait3A_159 = tpu.memref_slice %arg17[%dma_wait3A_157, %dma_wait3A_158] : memref<1x32xi32, #tpu.memory_space<vmem>> -> memref<1x32xi32, #tpu.memory_space<vmem>>
    %dma_wait3A_160 = tpu.memref_squeeze %dma_wait3A_159 : memref<1x32xi32, #tpu.memory_space<vmem>> -> memref<32xi32, #tpu.memory_space<vmem>>
    %dma_wait3A_161 = arith.constant 0 : i32
    %dma_wait3A_162 = arith.constant 0 : i32
    %dma_wait3A_163 = tpu.memref_slice %arg18[%dma_wait3A_161, %dma_wait3A_162] : memref<10000x152xf32, #tpu.memory_space<vmem_shared>> -> memref<10000x152xf32, #tpu.memory_space<vmem_shared>>
    tpu.wait_indirect_dma semaphore(%arg25 : memref<!tpu.dma_semaphore, #tpu.memory_space<semaphore_mem>>) src(%arg15 : memref<32x152xf32, #tpu.memory_space<vmem>>) dst(%dma_wait3A_163 : memref<10000x152xf32, #tpu.memory_space<vmem_shared>>)
    %barrier3A_164 = arith.constant 0 : index
    tpu.barrier barrier_id(%barrier3A_164)
    %scan3A_165 = arith.constant 0 : i32
    %scan3A_166 = arith.constant 0 : i32
    %scan3A_167 = arith.constant 19 : i32
    %scan3A_168 = arith.addi %scan3A_166, %scan3A_167 : i32
    %scan3A_169 = arith.constant 1 : i32
    %scan3A_170 = scf.for %scan3A_176 = %scan3A_166 to %scan3A_168 step %scan3A_169 iter_args(%scan3A_177 = %scan3A_165) -> (i32)  : i32 {
      %mul3A_178 = arith.constant 32 : i32
      %mul3A_179 = arith.muli %mul3A_178, %scan3A_176 : i32
      %add3A_180 = arith.addi %mul3A_9, %mul3A_179 : i32
      %mul3A_181 = arith.constant 32 : i32
      %mul3A_182 = arith.muli %mul3A_181, %scan3A_176 : i32
      %add3A_183 = arith.addi %mul3A_9, %mul3A_182 : i32
      "tpu.region"() ({
        %run_scoped3A = tpu.sem_alloc : memref<!tpu.dma_semaphore, #tpu.memory_space<semaphore_mem>>
        %dma_start3A_185 = arith.constant 0 : i32
        %dma_start3A_186 = tpu.memref_slice %arg6[%arg0, %add3A_183, %dma_start3A_185] : memref<2x10000x152xf32, #tpu.memory_space<hbm>> -> memref<1x32x152xf32, #tpu.memory_space<hbm>>
        %dma_start3A_187 = tpu.memref_squeeze %dma_start3A_186 : memref<1x32x152xf32, #tpu.memory_space<hbm>> -> memref<32x152xf32, #tpu.memory_space<hbm>>
        %dma_start3A_188 = arith.constant 0 : i32
        %dma_start3A_189 = tpu.memref_slice %arg18[%add3A_180, %dma_start3A_188] : memref<10000x152xf32, #tpu.memory_space<vmem_shared>> -> memref<32x152xf32, #tpu.memory_space<vmem_shared>>
        tpu.enqueue_dma source(%dma_start3A_189 : memref<32x152xf32, #tpu.memory_space<vmem_shared>>) target(%dma_start3A_187 : memref<32x152xf32, #tpu.memory_space<hbm>>) target_semaphore(%run_scoped3A : memref<!tpu.dma_semaphore, #tpu.memory_space<semaphore_mem>>)
        %dma_wait3A_190 = arith.constant 0 : i32
        %dma_wait3A_191 = tpu.memref_slice %arg6[%arg0, %add3A_183, %dma_wait3A_190] : memref<2x10000x152xf32, #tpu.memory_space<hbm>> -> memref<1x32x152xf32, #tpu.memory_space<hbm>>
        %dma_wait3A_192 = tpu.memref_squeeze %dma_wait3A_191 : memref<1x32x152xf32, #tpu.memory_space<hbm>> -> memref<32x152xf32, #tpu.memory_space<hbm>>
        %dma_wait3A_193 = arith.constant 0 : i32
        %dma_wait3A_194 = tpu.memref_slice %arg18[%add3A_180, %dma_wait3A_193] : memref<10000x152xf32, #tpu.memory_space<vmem_shared>> -> memref<32x152xf32, #tpu.memory_space<vmem_shared>>
        tpu.wait_dma2 semaphore(%run_scoped3A : memref<!tpu.dma_semaphore, #tpu.memory_space<semaphore_mem>>) src(%dma_wait3A_194 : memref<32x152xf32, #tpu.memory_space<vmem_shared>>) dst(%dma_wait3A_192 : memref<32x152xf32, #tpu.memory_space<hbm>>)
        tpu.yield
      }) : () -> ()
      %scan3A_184 = arith.constant 0 : i32
      scf.yield %scan3A_184 : i32
    }
    %scan3A_171 = arith.constant 19 : i32
    %add3A_172 = arith.constant 608 : i32
    %add3A_173 = arith.addi %mul3A_9, %add3A_172 : i32
    %add3A_174 = arith.constant 608 : i32
    %add3A_175 = arith.addi %mul3A_9, %add3A_174 : i32
    "tpu.region"() ({
      %run_scoped3A = tpu.sem_alloc : memref<!tpu.dma_semaphore, #tpu.memory_space<semaphore_mem>>
      %dma_start3A_176 = arith.constant 0 : i32
      %dma_start3A_177 = tpu.memref_slice %arg6[%arg0, %add3A_175, %dma_start3A_176] : memref<2x10000x152xf32, #tpu.memory_space<hbm>> -> memref<1x17x152xf32, #tpu.memory_space<hbm>>
      %dma_start3A_178 = tpu.memref_squeeze %dma_start3A_177 : memref<1x17x152xf32, #tpu.memory_space<hbm>> -> memref<17x152xf32, #tpu.memory_space<hbm>>
      %dma_start3A_179 = arith.constant 0 : i32
      %dma_start3A_180 = tpu.memref_slice %arg18[%add3A_173, %dma_start3A_179] : memref<10000x152xf32, #tpu.memory_space<vmem_shared>> -> memref<17x152xf32, #tpu.memory_space<vmem_shared>>
      tpu.enqueue_dma source(%dma_start3A_180 : memref<17x152xf32, #tpu.memory_space<vmem_shared>>) target(%dma_start3A_178 : memref<17x152xf32, #tpu.memory_space<hbm>>) target_semaphore(%run_scoped3A : memref<!tpu.dma_semaphore, #tpu.memory_space<semaphore_mem>>)
      %dma_wait3A_181 = arith.constant 0 : i32
      %dma_wait3A_182 = tpu.memref_slice %arg6[%arg0, %add3A_175, %dma_wait3A_181] : memref<2x10000x152xf32, #tpu.memory_space<hbm>> -> memref<1x17x152xf32, #tpu.memory_space<hbm>>
      %dma_wait3A_183 = tpu.memref_squeeze %dma_wait3A_182 : memref<1x17x152xf32, #tpu.memory_space<hbm>> -> memref<17x152xf32, #tpu.memory_space<hbm>>
      %dma_wait3A_184 = arith.constant 0 : i32
      %dma_wait3A_185 = tpu.memref_slice %arg18[%add3A_173, %dma_wait3A_184] : memref<10000x152xf32, #tpu.memory_space<vmem_shared>> -> memref<17x152xf32, #tpu.memory_space<vmem_shared>>
      tpu.wait_dma2 semaphore(%run_scoped3A : memref<!tpu.dma_semaphore, #tpu.memory_space<semaphore_mem>>) src(%dma_wait3A_185 : memref<17x152xf32, #tpu.memory_space<vmem_shared>>) dst(%dma_wait3A_183 : memref<17x152xf32, #tpu.memory_space<hbm>>)
      tpu.yield
    }) : () -> ()
    return
  }
}

#map = affine_map<(d0, d1) -> (0, 0)>
#map1 = affine_map<(d0, d1) -> (0, 0, 0)>
module attributes {stable_mosaic.version = 14 : i64} {
  func.func @_sc_body(%arg0: i32, %arg1: i32, %arg2: memref<10000x144xf32, #tpu.memory_space<hbm>>, %arg3: memref<10000x256xf32, #tpu.memory_space<hbm>>, %arg4: memref<2x320000xi32, #tpu.memory_space<hbm>>, %arg5: memref<320000x16xf32, #tpu.memory_space<hbm>>, %arg6: memref<2x10000x152xf32, #tpu.memory_space<hbm>>, %arg7: memref<2x32xi32, #tpu.memory_space<vmem>>, %arg8: memref<2x32xi32, #tpu.memory_space<vmem>>, %arg9: memref<32x16xf32, #tpu.memory_space<vmem>>, %arg10: memref<32x16xf32, #tpu.memory_space<vmem>>, %arg11: memref<32x144xf32, #tpu.memory_space<vmem>>, %arg12: memref<32x144xf32, #tpu.memory_space<vmem>>, %arg13: memref<32x256xf32, #tpu.memory_space<vmem>>, %arg14: memref<32x256xf32, #tpu.memory_space<vmem>>, %arg15: memref<32x152xf32, #tpu.memory_space<vmem>>, %arg16: memref<32x16xf32, #tpu.memory_space<vmem>>, %arg17: memref<1x32xi32, #tpu.memory_space<vmem>>, %arg18: memref<10000x152xf32, #tpu.memory_space<vmem_shared>>, %arg19: memref<!tpu.dma_semaphore, #tpu.memory_space<semaphore_mem>>, %arg20: memref<!tpu.dma_semaphore, #tpu.memory_space<semaphore_mem>>, %arg21: memref<!tpu.dma_semaphore, #tpu.memory_space<semaphore_mem>>, %arg22: memref<!tpu.dma_semaphore, #tpu.memory_space<semaphore_mem>>, %arg23: memref<!tpu.dma_semaphore, #tpu.memory_space<semaphore_mem>>, %arg24: memref<!tpu.dma_semaphore, #tpu.memory_space<semaphore_mem>>, %arg25: memref<!tpu.dma_semaphore, #tpu.memory_space<semaphore_mem>>) attributes {dimension_semantics = [#tpu.dimension_semantics<core_parallel>, #tpu.dimension_semantics<subcore_parallel>], iteration_bounds = array<i64: 2, 16>, scalar_prefetch = 0 : i64, scratch_operands = 19 : i64, tpu.core_type = #tpu.core_type<sc_vector_subcore>, window_params = [{transform_indices = #map}, {transform_indices = #map}, {transform_indices = #map}, {transform_indices = #map}, {transform_indices = #map1}]} {
    %mul3A = arith.constant 16 : i32
    %mul3A_0 = arith.muli %arg0, %mul3A : i32
    %add3A = arith.addi %mul3A_0, %arg1 : i32
    %broadcast_in_dim3A = arith.constant 0.000000e+00 : f32
    %broadcast_in_dim3A_1 = vector.broadcast %broadcast_in_dim3A : f32 to vector<16xf32>
    %scan3A = arith.constant 0 : i32
    %scan3A_2 = arith.constant 0 : i32
    %scan3A_3 = arith.constant 32 : i32
    %scan3A_4 = arith.addi %scan3A_2, %scan3A_3 : i32
    %scan3A_5 = arith.constant 1 : i32
    %scan3A_6 = scf.for %scan3A_176 = %scan3A_2 to %scan3A_4 step %scan3A_5 iter_args(%scan3A_177 = %scan3A) -> (i32)  : i32 {
      %swap3A_178 = arith.index_cast %scan3A_176 : i32 to index
      %swap3A_179 = arith.constant 0 : index
      %swap3A_180 = tpu.vector_load %arg15[%swap3A_178, %swap3A_179] {strides = array<i32>} : memref<32x152xf32, #tpu.memory_space<vmem>>, vector<1x16xf32>,
      %swap3A_181 = vector.shape_cast %swap3A_180 : vector<1x16xf32> to vector<16xf32>
      %swap3A_182 = vector.shape_cast %broadcast_in_dim3A_1 : vector<16xf32> to vector<1x16xf32>
      tpu.vector_store %arg15[%swap3A_178, %swap3A_179], %swap3A_182 {strides = array<i32>} : memref<32x152xf32, #tpu.memory_space<vmem>>, vector<1x16xf32>,
      %swap3A_183 = arith.index_cast %scan3A_176 : i32 to index
      %swap3A_184 = arith.constant 16 : index
      %swap3A_185 = tpu.vector_load %arg15[%swap3A_183, %swap3A_184] {strides = array<i32>} : memref<32x152xf32, #tpu.memory_space<vmem>>, vector<1x16xf32>,
      %swap3A_186 = vector.shape_cast %swap3A_185 : vector<1x16xf32> to vector<16xf32>
      %swap3A_187 = vector.shape_cast %broadcast_in_dim3A_1 : vector<16xf32> to vector<1x16xf32>
      tpu.vector_store %arg15[%swap3A_183, %swap3A_184], %swap3A_187 {strides = array<i32>} : memref<32x152xf32, #tpu.memory_space<vmem>>, vector<1x16xf32>,
      %swap3A_188 = arith.index_cast %scan3A_176 : i32 to index
      %swap3A_189 = arith.constant 32 : index
      %swap3A_190 = tpu.vector_load %arg15[%swap3A_188, %swap3A_189] {strides = array<i32>} : memref<32x152xf32, #tpu.memory_space<vmem>>, vector<1x16xf32>,
      %swap3A_191 = vector.shape_cast %swap3A_190 : vector<1x16xf32> to vector<16xf32>
      %swap3A_192 = vector.shape_cast %broadcast_in_dim3A_1 : vector<16xf32> to vector<1x16xf32>
      tpu.vector_store %arg15[%swap3A_188, %swap3A_189], %swap3A_192 {strides = array<i32>} : memref<32x152xf32, #tpu.memory_space<vmem>>, vector<1x16xf32>,
      %swap3A_193 = arith.index_cast %scan3A_176 : i32 to index
      %swap3A_194 = arith.constant 48 : index
      %swap3A_195 = tpu.vector_load %arg15[%swap3A_193, %swap3A_194] {strides = array<i32>} : memref<32x152xf32, #tpu.memory_space<vmem>>, vector<1x16xf32>,
      %swap3A_196 = vector.shape_cast %swap3A_195 : vector<1x16xf32> to vector<16xf32>
      %swap3A_197 = vector.shape_cast %broadcast_in_dim3A_1 : vector<16xf32> to vector<1x16xf32>
      tpu.vector_store %arg15[%swap3A_193, %swap3A_194], %swap3A_197 {strides = array<i32>} : memref<32x152xf32, #tpu.memory_space<vmem>>, vector<1x16xf32>,
      %swap3A_198 = arith.index_cast %scan3A_176 : i32 to index
      %swap3A_199 = arith.constant 64 : index
      %swap3A_200 = tpu.vector_load %arg15[%swap3A_198, %swap3A_199] {strides = array<i32>} : memref<32x152xf32, #tpu.memory_space<vmem>>, vector<1x16xf32>,
      %swap3A_201 = vector.shape_cast %swap3A_200 : vector<1x16xf32> to vector<16xf32>
      %swap3A_202 = vector.shape_cast %broadcast_in_dim3A_1 : vector<16xf32> to vector<1x16xf32>
      tpu.vector_store %arg15[%swap3A_198, %swap3A_199], %swap3A_202 {strides = array<i32>} : memref<32x152xf32, #tpu.memory_space<vmem>>, vector<1x16xf32>,
      %swap3A_203 = arith.index_cast %scan3A_176 : i32 to index
      %swap3A_204 = arith.constant 80 : index
      %swap3A_205 = tpu.vector_load %arg15[%swap3A_203, %swap3A_204] {strides = array<i32>} : memref<32x152xf32, #tpu.memory_space<vmem>>, vector<1x16xf32>,
      %swap3A_206 = vector.shape_cast %swap3A_205 : vector<1x16xf32> to vector<16xf32>
      %swap3A_207 = vector.shape_cast %broadcast_in_dim3A_1 : vector<16xf32> to vector<1x16xf32>
      tpu.vector_store %arg15[%swap3A_203, %swap3A_204], %swap3A_207 {strides = array<i32>} : memref<32x152xf32, #tpu.memory_space<vmem>>, vector<1x16xf32>,
      %swap3A_208 = arith.index_cast %scan3A_176 : i32 to index
      %swap3A_209 = arith.constant 96 : index
      %swap3A_210 = tpu.vector_load %arg15[%swap3A_208, %swap3A_209] {strides = array<i32>} : memref<32x152xf32, #tpu.memory_space<vmem>>, vector<1x16xf32>,
      %swap3A_211 = vector.shape_cast %swap3A_210 : vector<1x16xf32> to vector<16xf32>
      %swap3A_212 = vector.shape_cast %broadcast_in_dim3A_1 : vector<16xf32> to vector<1x16xf32>
      tpu.vector_store %arg15[%swap3A_208, %swap3A_209], %swap3A_212 {strides = array<i32>} : memref<32x152xf32, #tpu.memory_space<vmem>>, vector<1x16xf32>,
      %swap3A_213 = arith.index_cast %scan3A_176 : i32 to index
      %swap3A_214 = arith.constant 112 : index
      %swap3A_215 = tpu.vector_load %arg15[%swap3A_213, %swap3A_214] {strides = array<i32>} : memref<32x152xf32, #tpu.memory_space<vmem>>, vector<1x16xf32>,
      %swap3A_216 = vector.shape_cast %swap3A_215 : vector<1x16xf32> to vector<16xf32>
      %swap3A_217 = vector.shape_cast %broadcast_in_dim3A_1 : vector<16xf32> to vector<1x16xf32>
      tpu.vector_store %arg15[%swap3A_213, %swap3A_214], %swap3A_217 {strides = array<i32>} : memref<32x152xf32, #tpu.memory_space<vmem>>, vector<1x16xf32>,
      %swap3A_218 = arith.index_cast %scan3A_176 : i32 to index
      %swap3A_219 = arith.constant 128 : index
      %swap3A_220 = tpu.vector_load %arg15[%swap3A_218, %swap3A_219] {strides = array<i32>} : memref<32x152xf32, #tpu.memory_space<vmem>>, vector<1x16xf32>,
      %swap3A_221 = vector.shape_cast %swap3A_220 : vector<1x16xf32> to vector<16xf32>
      %swap3A_222 = vector.shape_cast %broadcast_in_dim3A_1 : vector<16xf32> to vector<1x16xf32>
      tpu.vector_store %arg15[%swap3A_218, %swap3A_219], %swap3A_222 {strides = array<i32>} : memref<32x152xf32, #tpu.memory_space<vmem>>, vector<1x16xf32>,
      %scan3A_223 = arith.constant 0 : i32
      scf.yield %scan3A_223 : i32
    }
    %scan3A_7 = arith.constant 32 : i32
    %mul3A_8 = arith.constant 625 : i32
    %mul3A_9 = arith.muli %arg1, %mul3A_8 : i32
    %scan3A_10 = arith.constant 0 : i32
    %scan3A_11 = arith.constant 0 : i32
    %scan3A_12 = arith.constant 19 : i32
    %scan3A_13 = arith.addi %scan3A_11, %scan3A_12 : i32
    %scan3A_14 = arith.constant 1 : i32
    %scan3A_15 = scf.for %scan3A_176 = %scan3A_11 to %scan3A_13 step %scan3A_14 iter_args(%scan3A_177 = %scan3A_10) -> (i32)  : i32 {
      %mul3A_178 = arith.constant 32 : i32
      %mul3A_179 = arith.muli %mul3A_178, %scan3A_176 : i32
      %add3A_180 = arith.addi %mul3A_9, %mul3A_179 : i32
      "tpu.region"() ({
        %run_scoped3A = tpu.sem_alloc : memref<!tpu.dma_semaphore, #tpu.memory_space<semaphore_mem>>
        %dma_start3A_182 = arith.constant 0 : i32
        %dma_start3A_183 = tpu.memref_slice %arg18[%add3A_180, %dma_start3A_182] : memref<10000x152xf32, #tpu.memory_space<vmem_shared>> -> memref<32x152xf32, #tpu.memory_space<vmem_shared>>
        %dma_start3A_184 = arith.constant 0 : i32
        %dma_start3A_185 = tpu.memref_slice %arg18[%add3A_180, %dma_start3A_184] : memref<10000x152xf32, #tpu.memory_space<vmem_shared>> -> memref<32x152xf32, #tpu.memory_space<vmem_shared>>
        tpu.enqueue_dma source(%arg15 : memref<32x152xf32, #tpu.memory_space<vmem>>) target(%dma_start3A_185 : memref<32x152xf32, #tpu.memory_space<vmem_shared>>) target_semaphore(%run_scoped3A : memref<!tpu.dma_semaphore, #tpu.memory_space<semaphore_mem>>)
        %dma_wait3A_186 = arith.constant 0 : i32
        %dma_wait3A_187 = tpu.memref_slice %arg18[%add3A_180, %dma_wait3A_186] : memref<10000x152xf32, #tpu.memory_space<vmem_shared>> -> memref<32x152xf32, #tpu.memory_space<vmem_shared>>
        %dma_wait3A_188 = arith.constant 0 : i32
        %dma_wait3A_189 = tpu.memref_slice %arg18[%add3A_180, %dma_wait3A_188] : memref<10000x152xf32, #tpu.memory_space<vmem_shared>> -> memref<32x152xf32, #tpu.memory_space<vmem_shared>>
        tpu.wait_dma2 semaphore(%run_scoped3A : memref<!tpu.dma_semaphore, #tpu.memory_space<semaphore_mem>>) src(%arg15 : memref<32x152xf32, #tpu.memory_space<vmem>>) dst(%dma_wait3A_189 : memref<32x152xf32, #tpu.memory_space<vmem_shared>>)
        tpu.yield
      }) : () -> ()
      %scan3A_181 = arith.constant 0 : i32
      scf.yield %scan3A_181 : i32
    }
    %scan3A_16 = arith.constant 19 : i32
    %add3A_17 = arith.constant 608 : i32
    %add3A_18 = arith.addi %mul3A_9, %add3A_17 : i32
    "tpu.region"() ({
      %run_scoped3A = tpu.sem_alloc : memref<!tpu.dma_semaphore, #tpu.memory_space<semaphore_mem>>
      %dma_start3A_176 = arith.constant 0 : i32
      %dma_start3A_177 = arith.constant 0 : i32
      %dma_start3A_178 = tpu.memref_slice %arg15[%dma_start3A_176, %dma_start3A_177] : memref<32x152xf32, #tpu.memory_space<vmem>> -> memref<17x152xf32, #tpu.memory_space<vmem>>
      %dma_start3A_179 = arith.constant 0 : i32
      %dma_start3A_180 = tpu.memref_slice %arg18[%add3A_18, %dma_start3A_179] : memref<10000x152xf32, #tpu.memory_space<vmem_shared>> -> memref<17x152xf32, #tpu.memory_space<vmem_shared>>
      %dma_start3A_181 = arith.constant 0 : i32
      %dma_start3A_182 = tpu.memref_slice %arg18[%add3A_18, %dma_start3A_181] : memref<10000x152xf32, #tpu.memory_space<vmem_shared>> -> memref<17x152xf32, #tpu.memory_space<vmem_shared>>
      %dma_start3A_183 = arith.constant 0 : i32
      %dma_start3A_184 = arith.constant 0 : i32
      %dma_start3A_185 = tpu.memref_slice %arg15[%dma_start3A_183, %dma_start3A_184] : memref<32x152xf32, #tpu.memory_space<vmem>> -> memref<17x152xf32, #tpu.memory_space<vmem>>
      tpu.enqueue_dma source(%dma_start3A_185 : memref<17x152xf32, #tpu.memory_space<vmem>>) target(%dma_start3A_182 : memref<17x152xf32, #tpu.memory_space<vmem_shared>>) target_semaphore(%run_scoped3A : memref<!tpu.dma_semaphore, #tpu.memory_space<semaphore_mem>>)
      %dma_wait3A_186 = arith.constant 0 : i32
      %dma_wait3A_187 = arith.constant 0 : i32
      %dma_wait3A_188 = tpu.memref_slice %arg15[%dma_wait3A_186, %dma_wait3A_187] : memref<32x152xf32, #tpu.memory_space<vmem>> -> memref<17x152xf32, #tpu.memory_space<vmem>>
      %dma_wait3A_189 = arith.constant 0 : i32
      %dma_wait3A_190 = tpu.memref_slice %arg18[%add3A_18, %dma_wait3A_189] : memref<10000x152xf32, #tpu.memory_space<vmem_shared>> -> memref<17x152xf32, #tpu.memory_space<vmem_shared>>
      %dma_wait3A_191 = arith.constant 0 : i32
      %dma_wait3A_192 = tpu.memref_slice %arg18[%add3A_18, %dma_wait3A_191] : memref<10000x152xf32, #tpu.memory_space<vmem_shared>> -> memref<17x152xf32, #tpu.memory_space<vmem_shared>>
      %dma_wait3A_193 = arith.constant 0 : i32
      %dma_wait3A_194 = arith.constant 0 : i32
      %dma_wait3A_195 = tpu.memref_slice %arg15[%dma_wait3A_193, %dma_wait3A_194] : memref<32x152xf32, #tpu.memory_space<vmem>> -> memref<17x152xf32, #tpu.memory_space<vmem>>
      tpu.wait_dma2 semaphore(%run_scoped3A : memref<!tpu.dma_semaphore, #tpu.memory_space<semaphore_mem>>) src(%dma_wait3A_195 : memref<17x152xf32, #tpu.memory_space<vmem>>) dst(%dma_wait3A_192 : memref<17x152xf32, #tpu.memory_space<vmem_shared>>)
      tpu.yield
    }) : () -> ()
    %barrier3A = arith.constant 0 : index
    tpu.barrier barrier_id(%barrier3A)
    %min3A = arith.constant 8 : i32
    %min3A_19 = arith.minsi %add3A, %min3A : i32
    %mul3A_20 = arith.constant 312 : i32
    %mul3A_21 = arith.muli %mul3A_20, %add3A : i32
    %mul3A_22 = arith.constant 2 : i32
    %mul3A_23 = arith.muli %mul3A_22, %min3A_19 : i32
    %add3A_24 = arith.addi %mul3A_21, %mul3A_23 : i32
    %lt3A = arith.constant 8 : i32
    %lt3A_25 = arith.cmpi slt, %add3A, %lt3A : i32
    %convert_element_type3A = arith.extui %lt3A_25 : i1 to i32
    %mul3A_26 = arith.constant 2 : i32
    %mul3A_27 = arith.muli %mul3A_26, %convert_element_type3A : i32
    %add3A_28 = arith.constant 312 : i32
    %add3A_29 = arith.addi %add3A_28, %mul3A_27 : i32
    %add3A_30 = arith.addi %add3A_24, %add3A_29 : i32
    %sub3A = arith.constant 1 : i32
    %sub3A_31 = arith.subi %add3A_30, %sub3A : i32
    %iota3A = tpu.iota {dimensions = array<i32: 0>} : vector<16xi32>
    %sub3A_32 = arith.constant 7 : i32
    %sub3A_33 = vector.broadcast %sub3A_32 : i32 to vector<16xi32>
    %sub3A_34 = arith.subi %iota3A, %sub3A_33 : vector<16xi32>
    %jit3A = arith.constant 0 : i32
    %jit3A_35 = arith.constant 1 : i32
    %max3A = vector.broadcast %jit3A : i32 to vector<16xi32>
    %max3A_36 = arith.maxsi %max3A, %sub3A_34 : vector<16xi32>
    %min3A_37 = vector.broadcast %jit3A_35 : i32 to vector<16xi32>
    %min3A_38 = arith.minsi %min3A_37, %max3A_36 : vector<16xi32>
    %convert_element_type3A_39 = arith.sitofp %min3A_38 : vector<16xi32> to vector<16xf32>
    %sub3A_40 = arith.constant 1.000000e+00 : f32
    %sub3A_41 = vector.broadcast %sub3A_40 : f32 to vector<16xf32>
    %sub3A_42 = arith.subf %sub3A_41, %convert_element_type3A_39 : vector<16xf32>
    %add3A_43 = arith.constant 8 : i32
    %add3A_44 = vector.broadcast %add3A_43 : i32 to vector<16xi32>
    %add3A_45 = arith.addi %iota3A, %add3A_44 : vector<16xi32>
    %min3A_46 = arith.constant 15 : i32
    %min3A_47 = vector.broadcast %min3A_46 : i32 to vector<16xi32>
    %min3A_48 = arith.minsi %add3A_45, %min3A_47 : vector<16xi32>
    %mul3A_49 = arith.constant 32 : i32
    %mul3A_50 = arith.muli %add3A_24, %mul3A_49 : i32
    %dma_start3A = arith.constant 0 : i32
    %dma_start3A_51 = tpu.memref_slice %arg4[%dma_start3A, %mul3A_50] : memref<2x320000xi32, #tpu.memory_space<hbm>> -> memref<2x32xi32, #tpu.memory_space<hbm>>
    %dma_start3A_52 = arith.constant 0 : i32
    %dma_start3A_53 = tpu.memref_slice %arg4[%dma_start3A_52, %mul3A_50] : memref<2x320000xi32, #tpu.memory_space<hbm>> -> memref<2x32xi32, #tpu.memory_space<hbm>>
    tpu.enqueue_dma source(%dma_start3A_53 : memref<2x32xi32, #tpu.memory_space<hbm>>) target(%arg7 : memref<2x32xi32, #tpu.memory_space<vmem>>) target_semaphore(%arg23 : memref<!tpu.dma_semaphore, #tpu.memory_space<semaphore_mem>>)
    "tpu.region"() ({
      %run_scoped3A = tpu.sem_alloc : memref<!tpu.dma_semaphore, #tpu.memory_space<semaphore_mem>>
      %dma_start3A_176 = arith.constant 0 : i32
      %dma_start3A_177 = tpu.memref_slice %arg5[%mul3A_50, %dma_start3A_176] : memref<320000x16xf32, #tpu.memory_space<hbm>> -> memref<32x16xf32, #tpu.memory_space<hbm>>
      %dma_start3A_178 = arith.constant 0 : i32
      %dma_start3A_179 = tpu.memref_slice %arg5[%mul3A_50, %dma_start3A_178] : memref<320000x16xf32, #tpu.memory_space<hbm>> -> memref<32x16xf32, #tpu.memory_space<hbm>>
      tpu.enqueue_dma source(%dma_start3A_179 : memref<32x16xf32, #tpu.memory_space<hbm>>) target(%arg9 : memref<32x16xf32, #tpu.memory_space<vmem>>) target_semaphore(%run_scoped3A : memref<!tpu.dma_semaphore, #tpu.memory_space<semaphore_mem>>)
      %dma_wait3A_180 = arith.constant 0 : i32
      %dma_wait3A_181 = tpu.memref_slice %arg5[%mul3A_50, %dma_wait3A_180] : memref<320000x16xf32, #tpu.memory_space<hbm>> -> memref<32x16xf32, #tpu.memory_space<hbm>>
      %dma_wait3A_182 = arith.constant 0 : i32
      %dma_wait3A_183 = tpu.memref_slice %arg5[%mul3A_50, %dma_wait3A_182] : memref<320000x16xf32, #tpu.memory_space<hbm>> -> memref<32x16xf32, #tpu.memory_space<hbm>>
      tpu.wait_dma2 semaphore(%run_scoped3A : memref<!tpu.dma_semaphore, #tpu.memory_space<semaphore_mem>>) src(%dma_wait3A_183 : memref<32x16xf32, #tpu.memory_space<hbm>>) dst(%arg9 : memref<32x16xf32, #tpu.memory_space<vmem>>)
      tpu.yield
    }) : () -> ()
    %dma_wait3A = arith.constant 0 : i32
    %dma_wait3A_54 = arith.constant 0 : i32
    %dma_wait3A_55 = tpu.memref_slice %arg4[%dma_wait3A, %dma_wait3A_54] : memref<2x320000xi32, #tpu.memory_space<hbm>> -> memref<2x32xi32, #tpu.memory_space<hbm>>
    %dma_wait3A_56 = arith.constant 0 : i32
    %dma_wait3A_57 = arith.constant 0 : i32
    %dma_wait3A_58 = tpu.memref_slice %arg4[%dma_wait3A_56, %dma_wait3A_57] : memref<2x320000xi32, #tpu.memory_space<hbm>> -> memref<2x32xi32, #tpu.memory_space<hbm>>
    tpu.wait_dma2 semaphore(%arg23 : memref<!tpu.dma_semaphore, #tpu.memory_space<semaphore_mem>>) src(%dma_wait3A_58 : memref<2x32xi32, #tpu.memory_space<hbm>>) dst(%arg7 : memref<2x32xi32, #tpu.memory_space<vmem>>)
    %dma_start3A_59 = arith.constant 1 : i32
    %dma_start3A_60 = arith.constant 0 : i32
    %dma_start3A_61 = tpu.memref_slice %arg7[%dma_start3A_59, %dma_start3A_60] : memref<2x32xi32, #tpu.memory_space<vmem>> -> memref<1x32xi32, #tpu.memory_space<vmem>>
    %dma_start3A_62 = tpu.memref_squeeze %dma_start3A_61 : memref<1x32xi32, #tpu.memory_space<vmem>> -> memref<32xi32, #tpu.memory_space<vmem>>
    %dma_start3A_63 = arith.constant 0 : i32
    %dma_start3A_64 = arith.constant 0 : i32
    %dma_start3A_65 = tpu.memref_slice %arg2[%dma_start3A_63, %dma_start3A_64] : memref<10000x144xf32, #tpu.memory_space<hbm>> -> memref<10000x144xf32, #tpu.memory_space<hbm>>
    tpu.enqueue_indirect_dma source(%dma_start3A_65 : memref<10000x144xf32, #tpu.memory_space<hbm>>) target(%arg11 : memref<32x144xf32, #tpu.memory_space<vmem>>) offsets(%dma_start3A_62 : memref<32xi32, #tpu.memory_space<vmem>>) semaphore(%arg19 : memref<!tpu.dma_semaphore, #tpu.memory_space<semaphore_mem>>)
    %dma_start3A_66 = arith.constant 0 : i32
    %dma_start3A_67 = arith.constant 0 : i32
    %dma_start3A_68 = tpu.memref_slice %arg7[%dma_start3A_66, %dma_start3A_67] : memref<2x32xi32, #tpu.memory_space<vmem>> -> memref<1x32xi32, #tpu.memory_space<vmem>>
    %dma_start3A_69 = tpu.memref_squeeze %dma_start3A_68 : memref<1x32xi32, #tpu.memory_space<vmem>> -> memref<32xi32, #tpu.memory_space<vmem>>
    %dma_start3A_70 = arith.constant 0 : i32
    %dma_start3A_71 = arith.constant 0 : i32
    %dma_start3A_72 = tpu.memref_slice %arg3[%dma_start3A_70, %dma_start3A_71] : memref<10000x256xf32, #tpu.memory_space<hbm>> -> memref<10000x256xf32, #tpu.memory_space<hbm>>
    tpu.enqueue_indirect_dma source(%dma_start3A_72 : memref<10000x256xf32, #tpu.memory_space<hbm>>) target(%arg13 : memref<32x256xf32, #tpu.memory_space<vmem>>) offsets(%dma_start3A_69 : memref<32xi32, #tpu.memory_space<vmem>>) semaphore(%arg20 : memref<!tpu.dma_semaphore, #tpu.memory_space<semaphore_mem>>)
    %add3A_73 = arith.constant 1 : i32
    %add3A_74 = arith.addi %add3A_24, %add3A_73 : i32
    %mul3A_75 = arith.constant 32 : i32
    %mul3A_76 = arith.muli %add3A_74, %mul3A_75 : i32
    %dma_start3A_77 = arith.constant 0 : i32
    %dma_start3A_78 = tpu.memref_slice %arg4[%dma_start3A_77, %mul3A_76] : memref<2x320000xi32, #tpu.memory_space<hbm>> -> memref<2x32xi32, #tpu.memory_space<hbm>>
    %dma_start3A_79 = arith.constant 0 : i32
    %dma_start3A_80 = tpu.memref_slice %arg4[%dma_start3A_79, %mul3A_76] : memref<2x320000xi32, #tpu.memory_space<hbm>> -> memref<2x32xi32, #tpu.memory_space<hbm>>
    tpu.enqueue_dma source(%dma_start3A_80 : memref<2x32xi32, #tpu.memory_space<hbm>>) target(%arg8 : memref<2x32xi32, #tpu.memory_space<vmem>>) target_semaphore(%arg24 : memref<!tpu.dma_semaphore, #tpu.memory_space<semaphore_mem>>)
    "tpu.region"() ({
      %run_scoped3A = tpu.sem_alloc : memref<!tpu.dma_semaphore, #tpu.memory_space<semaphore_mem>>
      %dma_start3A_176 = arith.constant 0 : i32
      %dma_start3A_177 = tpu.memref_slice %arg5[%mul3A_76, %dma_start3A_176] : memref<320000x16xf32, #tpu.memory_space<hbm>> -> memref<32x16xf32, #tpu.memory_space<hbm>>
      %dma_start3A_178 = arith.constant 0 : i32
      %dma_start3A_179 = tpu.memref_slice %arg5[%mul3A_76, %dma_start3A_178] : memref<320000x16xf32, #tpu.memory_space<hbm>> -> memref<32x16xf32, #tpu.memory_space<hbm>>
      tpu.enqueue_dma source(%dma_start3A_179 : memref<32x16xf32, #tpu.memory_space<hbm>>) target(%arg10 : memref<32x16xf32, #tpu.memory_space<vmem>>) target_semaphore(%run_scoped3A : memref<!tpu.dma_semaphore, #tpu.memory_space<semaphore_mem>>)
      %dma_wait3A_180 = arith.constant 0 : i32
      %dma_wait3A_181 = tpu.memref_slice %arg5[%mul3A_76, %dma_wait3A_180] : memref<320000x16xf32, #tpu.memory_space<hbm>> -> memref<32x16xf32, #tpu.memory_space<hbm>>
      %dma_wait3A_182 = arith.constant 0 : i32
      %dma_wait3A_183 = tpu.memref_slice %arg5[%mul3A_76, %dma_wait3A_182] : memref<320000x16xf32, #tpu.memory_space<hbm>> -> memref<32x16xf32, #tpu.memory_space<hbm>>
      tpu.wait_dma2 semaphore(%run_scoped3A : memref<!tpu.dma_semaphore, #tpu.memory_space<semaphore_mem>>) src(%dma_wait3A_183 : memref<32x16xf32, #tpu.memory_space<hbm>>) dst(%arg10 : memref<32x16xf32, #tpu.memory_space<vmem>>)
      tpu.yield
    }) : () -> ()
    %get3A = arith.constant 1 : i32
    %get3A_81 = arith.index_cast %get3A : i32 to index
    %get3A_82 = arith.constant 0 : index
    %get3A_83 = tpu.vector_load %arg7[%get3A_81, %get3A_82] {strides = array<i32>} : memref<2x32xi32, #tpu.memory_space<vmem>>, vector<1x16xi32>,
    %get3A_84 = vector.shape_cast %get3A_83 : vector<1x16xi32> to vector<16xi32>
    %swap3A = arith.constant 0 : i32
    %swap3A_85 = arith.index_cast %swap3A : i32 to index
    %swap3A_86 = arith.constant 0 : index
    %swap3A_87 = tpu.vector_load %arg17[%swap3A_85, %swap3A_86] {strides = array<i32>} : memref<1x32xi32, #tpu.memory_space<vmem>>, vector<1x16xi32>,
    %swap3A_88 = vector.shape_cast %swap3A_87 : vector<1x16xi32> to vector<16xi32>
    %swap3A_89 = vector.shape_cast %get3A_84 : vector<16xi32> to vector<1x16xi32>
    tpu.vector_store %arg17[%swap3A_85, %swap3A_86], %swap3A_89 {strides = array<i32>} : memref<1x32xi32, #tpu.memory_space<vmem>>, vector<1x16xi32>,
    %get3A_90 = arith.constant 1 : i32
    %get3A_91 = arith.index_cast %get3A_90 : i32 to index
    %get3A_92 = arith.constant 16 : index
    %get3A_93 = tpu.vector_load %arg7[%get3A_91, %get3A_92] {strides = array<i32>} : memref<2x32xi32, #tpu.memory_space<vmem>>, vector<1x16xi32>,
    %get3A_94 = vector.shape_cast %get3A_93 : vector<1x16xi32> to vector<16xi32>
    %swap3A_95 = arith.constant 0 : i32
    %swap3A_96 = arith.index_cast %swap3A_95 : i32 to index
    %swap3A_97 = arith.constant 16 : index
    %swap3A_98 = tpu.vector_load %arg17[%swap3A_96, %swap3A_97] {strides = array<i32>} : memref<1x32xi32, #tpu.memory_space<vmem>>, vector<1x16xi32>,
    %swap3A_99 = vector.shape_cast %swap3A_98 : vector<1x16xi32> to vector<16xi32>
    %swap3A_100 = vector.shape_cast %get3A_94 : vector<16xi32> to vector<1x16xi32>
    tpu.vector_store %arg17[%swap3A_96, %swap3A_97], %swap3A_100 {strides = array<i32>} : memref<1x32xi32, #tpu.memory_space<vmem>>, vector<1x16xi32>,
    %dma_start3A_101 = arith.constant 0 : i32
    %dma_start3A_102 = arith.constant 0 : i32
    %dma_start3A_103 = tpu.memref_slice %arg17[%dma_start3A_101, %dma_start3A_102] : memref<1x32xi32, #tpu.memory_space<vmem>> -> memref<1x32xi32, #tpu.memory_space<vmem>>
    %dma_start3A_104 = tpu.memref_squeeze %dma_start3A_103 : memref<1x32xi32, #tpu.memory_space<vmem>> -> memref<32xi32, #tpu.memory_space<vmem>>
    %dma_start3A_105 = arith.constant 0 : i32
    %dma_start3A_106 = arith.constant 0 : i32
    %dma_start3A_107 = tpu.memref_slice %arg18[%dma_start3A_105, %dma_start3A_106] : memref<10000x152xf32, #tpu.memory_space<vmem_shared>> -> memref<10000x152xf32, #tpu.memory_space<vmem_shared>>
    tpu.enqueue_indirect_dma source(%arg15 : memref<32x152xf32, #tpu.memory_space<vmem>>) target(%dma_start3A_107 : memref<10000x152xf32, #tpu.memory_space<vmem_shared>>) offsets(%dma_start3A_104 : memref<32xi32, #tpu.memory_space<vmem>>) semaphore(%arg25 : memref<!tpu.dma_semaphore, #tpu.memory_space<semaphore_mem>>)
    %jit3A_108 = arith.constant 2 : i32
    %div3A = arith.divsi %add3A_29, %jit3A_108 : i32
    %sign3A = arith.constant 0 : i32
    %sign3A_109 = arith.cmpi sgt, %add3A_29, %sign3A : i32
    %sign3A_110 = arith.extui %sign3A_109 : i1 to i32
    %sign3A_111 = arith.constant 0 : i32
    %sign3A_112 = arith.cmpi slt, %add3A_29, %sign3A_111 : i32
    %sign3A_113 = arith.extui %sign3A_112 : i1 to i32
    %sign3A_114 = arith.subi %sign3A_110, %sign3A_113 : i32
    %sign3A_115 = arith.constant 0 : i32
    %sign3A_116 = arith.cmpi sgt, %jit3A_108, %sign3A_115 : i32
    %sign3A_117 = arith.extui %sign3A_116 : i1 to i32
    %sign3A_118 = arith.constant 0 : i32
    %sign3A_119 = arith.cmpi slt, %jit3A_108, %sign3A_118 : i32
    %sign3A_120 = arith.extui %sign3A_119 : i1 to i32
    %sign3A_121 = arith.subi %sign3A_117, %sign3A_120 : i32
    %ne3A = arith.cmpi ne, %sign3A_114, %sign3A_121 : i32
    %rem3A = arith.remsi %add3A_29, %jit3A_108 : i32
    %ne3A_122 = arith.constant 0 : i32
    %ne3A_123 = arith.cmpi ne, %rem3A, %ne3A_122 : i32
    %and3A = arith.andi %ne3A, %ne3A_123 : i1
    %sub3A_124 = arith.constant 1 : i32
    %sub3A_125 = arith.subi %div3A, %sub3A_124 : i32
    %select_n3A = arith.select %and3A, %sub3A_125, %div3A : i32
    %while3A = arith.constant 0 : i32
    %while3A_126 = arith.constant 0 : i32
    %while3A_127 = arith.subi %select_n3A, %while3A : i32
    %while3A_128 = arith.addi %while3A, %while3A_127 : i32
    %while3A_129 = arith.constant 1 : i32
    %while3A_130 = arith.divsi %while3A_127, %while3A_129 : i32
    %while3A_131 = arith.muli %while3A_130, %while3A_129 : i32
    %while3A_132 = arith.addi %while3A, %while3A_131 : i32
    %while3A_133 = arith.constant 1 : i32
    %while3A_134 = scf.for %while3A_176 = %while3A to %while3A_132 step %while3A_133 iter_args(%while3A_177 = %while3A_126) -> (i32)  : i32 {
      %mul3A_178 = arith.constant 2 : i32
      %mul3A_179 = arith.muli %mul3A_178, %while3A_176 : i32
      %add3A_180 = arith.addi %add3A_24, %mul3A_179 : i32
      %dma_wait3A_181 = arith.constant 1 : i32
      %dma_wait3A_182 = arith.constant 0 : i32
      %dma_wait3A_183 = tpu.memref_slice %arg7[%dma_wait3A_181, %dma_wait3A_182] : memref<2x32xi32, #tpu.memory_space<vmem>> -> memref<1x32xi32, #tpu.memory_space<vmem>>
      %dma_wait3A_184 = tpu.memref_squeeze %dma_wait3A_183 : memref<1x32xi32, #tpu.memory_space<vmem>> -> memref<32xi32, #tpu.memory_space<vmem>>
      %dma_wait3A_185 = arith.constant 0 : i32
      %dma_wait3A_186 = arith.constant 0 : i32
      %dma_wait3A_187 = tpu.memref_slice %arg2[%dma_wait3A_185, %dma_wait3A_186] : memref<10000x144xf32, #tpu.memory_space<hbm>> -> memref<10000x144xf32, #tpu.memory_space<hbm>>
      tpu.wait_indirect_dma semaphore(%arg19 : memref<!tpu.dma_semaphore, #tpu.memory_space<semaphore_mem>>) src(%dma_wait3A_187 : memref<10000x144xf32, #tpu.memory_space<hbm>>) dst(%arg11 : memref<32x144xf32, #tpu.memory_space<vmem>>)
      %dma_wait3A_188 = arith.constant 0 : i32
      %dma_wait3A_189 = arith.constant 0 : i32
      %dma_wait3A_190 = tpu.memref_slice %arg7[%dma_wait3A_188, %dma_wait3A_189] : memref<2x32xi32, #tpu.memory_space<vmem>> -> memref<1x32xi32, #tpu.memory_space<vmem>>
      %dma_wait3A_191 = tpu.memref_squeeze %dma_wait3A_190 : memref<1x32xi32, #tpu.memory_space<vmem>> -> memref<32xi32, #tpu.memory_space<vmem>>
      %dma_wait3A_192 = arith.constant 0 : i32
      %dma_wait3A_193 = arith.constant 0 : i32
      %dma_wait3A_194 = tpu.memref_slice %arg3[%dma_wait3A_192, %dma_wait3A_193] : memref<10000x256xf32, #tpu.memory_space<hbm>> -> memref<10000x256xf32, #tpu.memory_space<hbm>>
      tpu.wait_indirect_dma semaphore(%arg20 : memref<!tpu.dma_semaphore, #tpu.memory_space<semaphore_mem>>) src(%dma_wait3A_194 : memref<10000x256xf32, #tpu.memory_space<hbm>>) dst(%arg13 : memref<32x256xf32, #tpu.memory_space<vmem>>)
      %dma_wait3A_195 = arith.constant 0 : i32
      %dma_wait3A_196 = arith.constant 0 : i32
      %dma_wait3A_197 = tpu.memref_slice %arg4[%dma_wait3A_195, %dma_wait3A_196] : memref<2x320000xi32, #tpu.memory_space<hbm>> -> memref<2x32xi32, #tpu.memory_space<hbm>>
      %dma_wait3A_198 = arith.constant 0 : i32
      %dma_wait3A_199 = arith.constant 0 : i32
      %dma_wait3A_200 = tpu.memref_slice %arg4[%dma_wait3A_198, %dma_wait3A_199] : memref<2x320000xi32, #tpu.memory_space<hbm>> -> memref<2x32xi32, #tpu.memory_space<hbm>>
      tpu.wait_dma2 semaphore(%arg24 : memref<!tpu.dma_semaphore, #tpu.memory_space<semaphore_mem>>) src(%dma_wait3A_200 : memref<2x32xi32, #tpu.memory_space<hbm>>) dst(%arg8 : memref<2x32xi32, #tpu.memory_space<vmem>>)
      %dma_start3A_201 = arith.constant 1 : i32
      %dma_start3A_202 = arith.constant 0 : i32
      %dma_start3A_203 = tpu.memref_slice %arg8[%dma_start3A_201, %dma_start3A_202] : memref<2x32xi32, #tpu.memory_space<vmem>> -> memref<1x32xi32, #tpu.memory_space<vmem>>
      %dma_start3A_204 = tpu.memref_squeeze %dma_start3A_203 : memref<1x32xi32, #tpu.memory_space<vmem>> -> memref<32xi32, #tpu.memory_space<vmem>>
      %dma_start3A_205 = arith.constant 0 : i32
      %dma_start3A_206 = arith.constant 0 : i32
      %dma_start3A_207 = tpu.memref_slice %arg2[%dma_start3A_205, %dma_start3A_206] : memref<10000x144xf32, #tpu.memory_space<hbm>> -> memref<10000x144xf32, #tpu.memory_space<hbm>>
      tpu.enqueue_indirect_dma source(%dma_start3A_207 : memref<10000x144xf32, #tpu.memory_space<hbm>>) target(%arg12 : memref<32x144xf32, #tpu.memory_space<vmem>>) offsets(%dma_start3A_204 : memref<32xi32, #tpu.memory_space<vmem>>) semaphore(%arg21 : memref<!tpu.dma_semaphore, #tpu.memory_space<semaphore_mem>>)
      %dma_start3A_208 = arith.constant 0 : i32
      %dma_start3A_209 = arith.constant 0 : i32
      %dma_start3A_210 = tpu.memref_slice %arg8[%dma_start3A_208, %dma_start3A_209] : memref<2x32xi32, #tpu.memory_space<vmem>> -> memref<1x32xi32, #tpu.memory_space<vmem>>
      %dma_start3A_211 = tpu.memref_squeeze %dma_start3A_210 : memref<1x32xi32, #tpu.memory_space<vmem>> -> memref<32xi32, #tpu.memory_space<vmem>>
      %dma_start3A_212 = arith.constant 0 : i32
      %dma_start3A_213 = arith.constant 0 : i32
      %dma_start3A_214 = tpu.memref_slice %arg3[%dma_start3A_212, %dma_start3A_213] : memref<10000x256xf32, #tpu.memory_space<hbm>> -> memref<10000x256xf32, #tpu.memory_space<hbm>>
      tpu.enqueue_indirect_dma source(%dma_start3A_214 : memref<10000x256xf32, #tpu.memory_space<hbm>>) target(%arg14 : memref<32x256xf32, #tpu.memory_space<vmem>>) offsets(%dma_start3A_211 : memref<32xi32, #tpu.memory_space<vmem>>) semaphore(%arg22 : memref<!tpu.dma_semaphore, #tpu.memory_space<semaphore_mem>>)
      %scan3A_215 = arith.constant 0 : i32
      %scan3A_216 = arith.constant 0 : i32
      %scan3A_217 = arith.constant 32 : i32
      %scan3A_218 = arith.addi %scan3A_216, %scan3A_217 : i32
      %scan3A_219 = arith.constant 1 : i32
      %scan3A_220 = scf.for %scan3A_368 = %scan3A_216 to %scan3A_218 step %scan3A_219 iter_args(%scan3A_369 = %scan3A_215) -> (i32)  : i32 {
        %get3A_370 = arith.index_cast %scan3A_368 : i32 to index
        %get3A_371 = arith.constant 0 : index
        %get3A_372 = tpu.vector_load %arg11[%get3A_370, %get3A_371] {strides = array<i32>} : memref<32x144xf32, #tpu.memory_space<vmem>>, vector<1x16xf32>,
        %get3A_373 = vector.shape_cast %get3A_372 : vector<1x16xf32> to vector<16xf32>
        %get3A_374 = arith.index_cast %scan3A_368 : i32 to index
        %get3A_375 = arith.constant 0 : index
        %get3A_376 = tpu.vector_load %arg13[%get3A_374, %get3A_375] {strides = array<i32>} : memref<32x256xf32, #tpu.memory_space<vmem>>, vector<1x16xf32>,
        %get3A_377 = vector.shape_cast %get3A_376 : vector<1x16xf32> to vector<16xf32>
        %mul3A_378 = arith.mulf %get3A_373, %get3A_377 : vector<16xf32>
        %get3A_379 = arith.index_cast %scan3A_368 : i32 to index
        %get3A_380 = arith.constant 16 : index
        %get3A_381 = tpu.vector_load %arg11[%get3A_379, %get3A_380] {strides = array<i32>} : memref<32x144xf32, #tpu.memory_space<vmem>>, vector<1x16xf32>,
        %get3A_382 = vector.shape_cast %get3A_381 : vector<1x16xf32> to vector<16xf32>
        %get3A_383 = arith.index_cast %scan3A_368 : i32 to index
        %get3A_384 = arith.constant 16 : index
        %get3A_385 = tpu.vector_load %arg13[%get3A_383, %get3A_384] {strides = array<i32>} : memref<32x256xf32, #tpu.memory_space<vmem>>, vector<1x16xf32>,
        %get3A_386 = vector.shape_cast %get3A_385 : vector<1x16xf32> to vector<16xf32>
        %mul3A_387 = arith.mulf %get3A_382, %get3A_386 : vector<16xf32>
        %add3A_388 = arith.addf %mul3A_378, %mul3A_387 : vector<16xf32>
        %get3A_389 = arith.index_cast %scan3A_368 : i32 to index
        %get3A_390 = arith.constant 32 : index
        %get3A_391 = tpu.vector_load %arg11[%get3A_389, %get3A_390] {strides = array<i32>} : memref<32x144xf32, #tpu.memory_space<vmem>>, vector<1x16xf32>,
        %get3A_392 = vector.shape_cast %get3A_391 : vector<1x16xf32> to vector<16xf32>
        %get3A_393 = arith.index_cast %scan3A_368 : i32 to index
        %get3A_394 = arith.constant 32 : index
        %get3A_395 = tpu.vector_load %arg13[%get3A_393, %get3A_394] {strides = array<i32>} : memref<32x256xf32, #tpu.memory_space<vmem>>, vector<1x16xf32>,
        %get3A_396 = vector.shape_cast %get3A_395 : vector<1x16xf32> to vector<16xf32>
        %mul3A_397 = arith.mulf %get3A_392, %get3A_396 : vector<16xf32>
        %add3A_398 = arith.addf %add3A_388, %mul3A_397 : vector<16xf32>
        %get3A_399 = arith.index_cast %scan3A_368 : i32 to index
        %get3A_400 = arith.constant 48 : index
        %get3A_401 = tpu.vector_load %arg11[%get3A_399, %get3A_400] {strides = array<i32>} : memref<32x144xf32, #tpu.memory_space<vmem>>, vector<1x16xf32>,
        %get3A_402 = vector.shape_cast %get3A_401 : vector<1x16xf32> to vector<16xf32>
        %get3A_403 = arith.index_cast %scan3A_368 : i32 to index
        %get3A_404 = arith.constant 48 : index
        %get3A_405 = tpu.vector_load %arg13[%get3A_403, %get3A_404] {strides = array<i32>} : memref<32x256xf32, #tpu.memory_space<vmem>>, vector<1x16xf32>,
        %get3A_406 = vector.shape_cast %get3A_405 : vector<1x16xf32> to vector<16xf32>
        %mul3A_407 = arith.mulf %get3A_402, %get3A_406 : vector<16xf32>
        %add3A_408 = arith.addf %add3A_398, %mul3A_407 : vector<16xf32>
        %get3A_409 = arith.index_cast %scan3A_368 : i32 to index
        %get3A_410 = arith.constant 64 : index
        %get3A_411 = tpu.vector_load %arg11[%get3A_409, %get3A_410] {strides = array<i32>} : memref<32x144xf32, #tpu.memory_space<vmem>>, vector<1x16xf32>,
        %get3A_412 = vector.shape_cast %get3A_411 : vector<1x16xf32> to vector<16xf32>
        %get3A_413 = arith.index_cast %scan3A_368 : i32 to index
        %get3A_414 = arith.constant 64 : index
        %get3A_415 = tpu.vector_load %arg13[%get3A_413, %get3A_414] {strides = array<i32>} : memref<32x256xf32, #tpu.memory_space<vmem>>, vector<1x16xf32>,
        %get3A_416 = vector.shape_cast %get3A_415 : vector<1x16xf32> to vector<16xf32>
        %mul3A_417 = arith.mulf %get3A_412, %get3A_416 : vector<16xf32>
        %add3A_418 = arith.addf %add3A_408, %mul3A_417 : vector<16xf32>
        %get3A_419 = arith.index_cast %scan3A_368 : i32 to index
        %get3A_420 = arith.constant 80 : index
        %get3A_421 = tpu.vector_load %arg11[%get3A_419, %get3A_420] {strides = array<i32>} : memref<32x144xf32, #tpu.memory_space<vmem>>, vector<1x16xf32>,
        %get3A_422 = vector.shape_cast %get3A_421 : vector<1x16xf32> to vector<16xf32>
        %get3A_423 = arith.index_cast %scan3A_368 : i32 to index
        %get3A_424 = arith.constant 80 : index
        %get3A_425 = tpu.vector_load %arg13[%get3A_423, %get3A_424] {strides = array<i32>} : memref<32x256xf32, #tpu.memory_space<vmem>>, vector<1x16xf32>,
        %get3A_426 = vector.shape_cast %get3A_425 : vector<1x16xf32> to vector<16xf32>
        %mul3A_427 = arith.mulf %get3A_422, %get3A_426 : vector<16xf32>
        %add3A_428 = arith.addf %add3A_418, %mul3A_427 : vector<16xf32>
        %get3A_429 = arith.index_cast %scan3A_368 : i32 to index
        %get3A_430 = arith.constant 96 : index
        %get3A_431 = tpu.vector_load %arg11[%get3A_429, %get3A_430] {strides = array<i32>} : memref<32x144xf32, #tpu.memory_space<vmem>>, vector<1x16xf32>,
        %get3A_432 = vector.shape_cast %get3A_431 : vector<1x16xf32> to vector<16xf32>
        %get3A_433 = arith.index_cast %scan3A_368 : i32 to index
        %get3A_434 = arith.constant 96 : index
        %get3A_435 = tpu.vector_load %arg13[%get3A_433, %get3A_434] {strides = array<i32>} : memref<32x256xf32, #tpu.memory_space<vmem>>, vector<1x16xf32>,
        %get3A_436 = vector.shape_cast %get3A_435 : vector<1x16xf32> to vector<16xf32>
        %mul3A_437 = arith.mulf %get3A_432, %get3A_436 : vector<16xf32>
        %add3A_438 = arith.addf %add3A_428, %mul3A_437 : vector<16xf32>
        %get3A_439 = arith.index_cast %scan3A_368 : i32 to index
        %get3A_440 = arith.constant 112 : index
        %get3A_441 = tpu.vector_load %arg11[%get3A_439, %get3A_440] {strides = array<i32>} : memref<32x144xf32, #tpu.memory_space<vmem>>, vector<1x16xf32>,
        %get3A_442 = vector.shape_cast %get3A_441 : vector<1x16xf32> to vector<16xf32>
        %get3A_443 = arith.index_cast %scan3A_368 : i32 to index
        %get3A_444 = arith.constant 112 : index
        %get3A_445 = tpu.vector_load %arg13[%get3A_443, %get3A_444] {strides = array<i32>} : memref<32x256xf32, #tpu.memory_space<vmem>>, vector<1x16xf32>,
        %get3A_446 = vector.shape_cast %get3A_445 : vector<1x16xf32> to vector<16xf32>
        %mul3A_447 = arith.mulf %get3A_442, %get3A_446 : vector<16xf32>
        %add3A_448 = arith.addf %add3A_438, %mul3A_447 : vector<16xf32>
        %get3A_449 = arith.index_cast %scan3A_368 : i32 to index
        %get3A_450 = arith.constant 128 : index
        %get3A_451 = tpu.vector_load %arg11[%get3A_449, %get3A_450] {strides = array<i32>} : memref<32x144xf32, #tpu.memory_space<vmem>>, vector<1x16xf32>,
        %get3A_452 = vector.shape_cast %get3A_451 : vector<1x16xf32> to vector<16xf32>
        %get3A_453 = arith.index_cast %scan3A_368 : i32 to index
        %get3A_454 = arith.constant 0 : index
        %get3A_455 = tpu.vector_load %arg9[%get3A_453, %get3A_454] {strides = array<i32>} : memref<32x16xf32, #tpu.memory_space<vmem>>, vector<1x16xf32>,
        %get3A_456 = vector.shape_cast %get3A_455 : vector<1x16xf32> to vector<16xf32>
        %mul3A_457 = arith.mulf %get3A_452, %get3A_456 : vector<16xf32>
        %add3A_458 = arith.addf %add3A_448, %mul3A_457 : vector<16xf32>
        %iota3A_459 = tpu.iota {dimensions = array<i32: 0>} : vector<16xi32>
        %xor3A = arith.constant 1 : i32
        %xor3A_460 = vector.broadcast %xor3A : i32 to vector<16xi32>
        %xor3A_461 = arith.xori %iota3A_459, %xor3A_460 : vector<16xi32>
        %broadcast_in_dim3A_462 = vector.shape_cast %xor3A_461 : vector<16xi32> to vector<16x1xi32>
        %gather3A = vector.shape_cast %broadcast_in_dim3A_462 : vector<16x1xi32> to vector<16xi32>
        %gather3A_463 = tpu.dynamic_gather %add3A_458[%gather3A] in [0] : vector<16xf32>, vector<16xi32> -> vector<16xf32>
        %add3A_464 = arith.addf %add3A_458, %gather3A_463 : vector<16xf32>
        %iota3A_465 = tpu.iota {dimensions = array<i32: 0>} : vector<16xi32>
        %xor3A_466 = arith.constant 2 : i32
        %xor3A_467 = vector.broadcast %xor3A_466 : i32 to vector<16xi32>
        %xor3A_468 = arith.xori %iota3A_465, %xor3A_467 : vector<16xi32>
        %broadcast_in_dim3A_469 = vector.shape_cast %xor3A_468 : vector<16xi32> to vector<16x1xi32>
        %gather3A_470 = vector.shape_cast %broadcast_in_dim3A_469 : vector<16x1xi32> to vector<16xi32>
        %gather3A_471 = tpu.dynamic_gather %add3A_464[%gather3A_470] in [0] : vector<16xf32>, vector<16xi32> -> vector<16xf32>
        %add3A_472 = arith.addf %add3A_464, %gather3A_471 : vector<16xf32>
        %iota3A_473 = tpu.iota {dimensions = array<i32: 0>} : vector<16xi32>
        %xor3A_474 = arith.constant 4 : i32
        %xor3A_475 = vector.broadcast %xor3A_474 : i32 to vector<16xi32>
        %xor3A_476 = arith.xori %iota3A_473, %xor3A_475 : vector<16xi32>
        %broadcast_in_dim3A_477 = vector.shape_cast %xor3A_476 : vector<16xi32> to vector<16x1xi32>
        %gather3A_478 = vector.shape_cast %broadcast_in_dim3A_477 : vector<16x1xi32> to vector<16xi32>
        %gather3A_479 = tpu.dynamic_gather %add3A_472[%gather3A_478] in [0] : vector<16xf32>, vector<16xi32> -> vector<16xf32>
        %add3A_480 = arith.addf %add3A_472, %gather3A_479 : vector<16xf32>
        %iota3A_481 = tpu.iota {dimensions = array<i32: 0>} : vector<16xi32>
        %xor3A_482 = arith.constant 8 : i32
        %xor3A_483 = vector.broadcast %xor3A_482 : i32 to vector<16xi32>
        %xor3A_484 = arith.xori %iota3A_481, %xor3A_483 : vector<16xi32>
        %broadcast_in_dim3A_485 = vector.shape_cast %xor3A_484 : vector<16xi32> to vector<16x1xi32>
        %gather3A_486 = vector.shape_cast %broadcast_in_dim3A_485 : vector<16x1xi32> to vector<16xi32>
        %gather3A_487 = tpu.dynamic_gather %add3A_480[%gather3A_486] in [0] : vector<16xf32>, vector<16xi32> -> vector<16xf32>
        %add3A_488 = arith.addf %add3A_480, %gather3A_487 : vector<16xf32>
        %exp3A = math.exp %add3A_488 : vector<16xf32>
        %swap3A_489 = arith.index_cast %scan3A_368 : i32 to index
        %swap3A_490 = arith.constant 0 : index
        %swap3A_491 = tpu.vector_load %arg16[%swap3A_489, %swap3A_490] {strides = array<i32>} : memref<32x16xf32, #tpu.memory_space<vmem>>, vector<1x16xf32>,
        %swap3A_492 = vector.shape_cast %swap3A_491 : vector<1x16xf32> to vector<16xf32>
        %swap3A_493 = vector.shape_cast %exp3A : vector<16xf32> to vector<1x16xf32>
        tpu.vector_store %arg16[%swap3A_489, %swap3A_490], %swap3A_493 {strides = array<i32>} : memref<32x16xf32, #tpu.memory_space<vmem>>, vector<1x16xf32>,
        %scan3A_494 = arith.constant 0 : i32
        scf.yield %scan3A_494 : i32
      }
      %scan3A_221 = arith.constant 32 : i32
      %dma_wait3A_222 = arith.constant 0 : i32
      %dma_wait3A_223 = arith.constant 0 : i32
      %dma_wait3A_224 = tpu.memref_slice %arg17[%dma_wait3A_222, %dma_wait3A_223] : memref<1x32xi32, #tpu.memory_space<vmem>> -> memref<1x32xi32, #tpu.memory_space<vmem>>
      %dma_wait3A_225 = tpu.memref_squeeze %dma_wait3A_224 : memref<1x32xi32, #tpu.memory_space<vmem>> -> memref<32xi32, #tpu.memory_space<vmem>>
      %dma_wait3A_226 = arith.constant 0 : i32
      %dma_wait3A_227 = arith.constant 0 : i32
      %dma_wait3A_228 = tpu.memref_slice %arg18[%dma_wait3A_226, %dma_wait3A_227] : memref<10000x152xf32, #tpu.memory_space<vmem_shared>> -> memref<10000x152xf32, #tpu.memory_space<vmem_shared>>
      tpu.wait_indirect_dma semaphore(%arg25 : memref<!tpu.dma_semaphore, #tpu.memory_space<semaphore_mem>>) src(%arg15 : memref<32x152xf32, #tpu.memory_space<vmem>>) dst(%dma_wait3A_228 : memref<10000x152xf32, #tpu.memory_space<vmem_shared>>)
      %scan3A_229 = arith.constant 0 : i32
      %scan3A_230 = arith.constant 0 : i32
      %scan3A_231 = arith.constant 32 : i32
      %scan3A_232 = arith.addi %scan3A_230, %scan3A_231 : i32
      %scan3A_233 = arith.constant 1 : i32
      %scan3A_234 = scf.for %scan3A_368 = %scan3A_230 to %scan3A_232 step %scan3A_233 iter_args(%scan3A_369 = %scan3A_229) -> (i32)  : i32 {
        %get3A_370 = arith.index_cast %scan3A_368 : i32 to index
        %get3A_371 = arith.constant 0 : index
        %get3A_372 = tpu.vector_load %arg16[%get3A_370, %get3A_371] {strides = array<i32>} : memref<32x16xf32, #tpu.memory_space<vmem>>, vector<1x16xf32>,
        %get3A_373 = vector.shape_cast %get3A_372 : vector<1x16xf32> to vector<16xf32>
        %get3A_374 = arith.index_cast %scan3A_368 : i32 to index
        %get3A_375 = arith.constant 128 : index
        %get3A_376 = tpu.vector_load %arg13[%get3A_374, %get3A_375] {strides = array<i32>} : memref<32x256xf32, #tpu.memory_space<vmem>>, vector<1x16xf32>,
        %get3A_377 = vector.shape_cast %get3A_376 : vector<1x16xf32> to vector<16xf32>
        %mul3A_378 = arith.mulf %get3A_373, %get3A_377 : vector<16xf32>
        %swap3A_379 = arith.index_cast %scan3A_368 : i32 to index
        %swap3A_380 = arith.constant 0 : index
        %swap3A_381 = tpu.vector_load %arg15[%swap3A_379, %swap3A_380] {strides = array<i32>} : memref<32x152xf32, #tpu.memory_space<vmem>>, vector<1x16xf32>,
        %swap3A_382 = vector.shape_cast %swap3A_381 : vector<1x16xf32> to vector<16xf32>
        %swap3A_383 = vector.shape_cast %mul3A_378 : vector<16xf32> to vector<1x16xf32>
        tpu.vector_store %arg15[%swap3A_379, %swap3A_380], %swap3A_383 {strides = array<i32>} : memref<32x152xf32, #tpu.memory_space<vmem>>, vector<1x16xf32>,
        %get3A_384 = arith.index_cast %scan3A_368 : i32 to index
        %get3A_385 = arith.constant 144 : index
        %get3A_386 = tpu.vector_load %arg13[%get3A_384, %get3A_385] {strides = array<i32>} : memref<32x256xf32, #tpu.memory_space<vmem>>, vector<1x16xf32>,
        %get3A_387 = vector.shape_cast %get3A_386 : vector<1x16xf32> to vector<16xf32>
        %mul3A_388 = arith.mulf %get3A_373, %get3A_387 : vector<16xf32>
        %swap3A_389 = arith.index_cast %scan3A_368 : i32 to index
        %swap3A_390 = arith.constant 16 : index
        %swap3A_391 = tpu.vector_load %arg15[%swap3A_389, %swap3A_390] {strides = array<i32>} : memref<32x152xf32, #tpu.memory_space<vmem>>, vector<1x16xf32>,
        %swap3A_392 = vector.shape_cast %swap3A_391 : vector<1x16xf32> to vector<16xf32>
        %swap3A_393 = vector.shape_cast %mul3A_388 : vector<16xf32> to vector<1x16xf32>
        tpu.vector_store %arg15[%swap3A_389, %swap3A_390], %swap3A_393 {strides = array<i32>} : memref<32x152xf32, #tpu.memory_space<vmem>>, vector<1x16xf32>,
        %get3A_394 = arith.index_cast %scan3A_368 : i32 to index
        %get3A_395 = arith.constant 160 : index
        %get3A_396 = tpu.vector_load %arg13[%get3A_394, %get3A_395] {strides = array<i32>} : memref<32x256xf32, #tpu.memory_space<vmem>>, vector<1x16xf32>,
        %get3A_397 = vector.shape_cast %get3A_396 : vector<1x16xf32> to vector<16xf32>
        %mul3A_398 = arith.mulf %get3A_373, %get3A_397 : vector<16xf32>
        %swap3A_399 = arith.index_cast %scan3A_368 : i32 to index
        %swap3A_400 = arith.constant 32 : index
        %swap3A_401 = tpu.vector_load %arg15[%swap3A_399, %swap3A_400] {strides = array<i32>} : memref<32x152xf32, #tpu.memory_space<vmem>>, vector<1x16xf32>,
        %swap3A_402 = vector.shape_cast %swap3A_401 : vector<1x16xf32> to vector<16xf32>
        %swap3A_403 = vector.shape_cast %mul3A_398 : vector<16xf32> to vector<1x16xf32>
        tpu.vector_store %arg15[%swap3A_399, %swap3A_400], %swap3A_403 {strides = array<i32>} : memref<32x152xf32, #tpu.memory_space<vmem>>, vector<1x16xf32>,
        %get3A_404 = arith.index_cast %scan3A_368 : i32 to index
        %get3A_405 = arith.constant 176 : index
        %get3A_406 = tpu.vector_load %arg13[%get3A_404, %get3A_405] {strides = array<i32>} : memref<32x256xf32, #tpu.memory_space<vmem>>, vector<1x16xf32>,
        %get3A_407 = vector.shape_cast %get3A_406 : vector<1x16xf32> to vector<16xf32>
        %mul3A_408 = arith.mulf %get3A_373, %get3A_407 : vector<16xf32>
        %swap3A_409 = arith.index_cast %scan3A_368 : i32 to index
        %swap3A_410 = arith.constant 48 : index
        %swap3A_411 = tpu.vector_load %arg15[%swap3A_409, %swap3A_410] {strides = array<i32>} : memref<32x152xf32, #tpu.memory_space<vmem>>, vector<1x16xf32>,
        %swap3A_412 = vector.shape_cast %swap3A_411 : vector<1x16xf32> to vector<16xf32>
        %swap3A_413 = vector.shape_cast %mul3A_408 : vector<16xf32> to vector<1x16xf32>
        tpu.vector_store %arg15[%swap3A_409, %swap3A_410], %swap3A_413 {strides = array<i32>} : memref<32x152xf32, #tpu.memory_space<vmem>>, vector<1x16xf32>,
        %get3A_414 = arith.index_cast %scan3A_368 : i32 to index
        %get3A_415 = arith.constant 192 : index
        %get3A_416 = tpu.vector_load %arg13[%get3A_414, %get3A_415] {strides = array<i32>} : memref<32x256xf32, #tpu.memory_space<vmem>>, vector<1x16xf32>,
        %get3A_417 = vector.shape_cast %get3A_416 : vector<1x16xf32> to vector<16xf32>
        %mul3A_418 = arith.mulf %get3A_373, %get3A_417 : vector<16xf32>
        %swap3A_419 = arith.index_cast %scan3A_368 : i32 to index
        %swap3A_420 = arith.constant 64 : index
        %swap3A_421 = tpu.vector_load %arg15[%swap3A_419, %swap3A_420] {strides = array<i32>} : memref<32x152xf32, #tpu.memory_space<vmem>>, vector<1x16xf32>,
        %swap3A_422 = vector.shape_cast %swap3A_421 : vector<1x16xf32> to vector<16xf32>
        %swap3A_423 = vector.shape_cast %mul3A_418 : vector<16xf32> to vector<1x16xf32>
        tpu.vector_store %arg15[%swap3A_419, %swap3A_420], %swap3A_423 {strides = array<i32>} : memref<32x152xf32, #tpu.memory_space<vmem>>, vector<1x16xf32>,
        %get3A_424 = arith.index_cast %scan3A_368 : i32 to index
        %get3A_425 = arith.constant 208 : index
        %get3A_426 = tpu.vector_load %arg13[%get3A_424, %get3A_425] {strides = array<i32>} : memref<32x256xf32, #tpu.memory_space<vmem>>, vector<1x16xf32>,
        %get3A_427 = vector.shape_cast %get3A_426 : vector<1x16xf32> to vector<16xf32>
        %mul3A_428 = arith.mulf %get3A_373, %get3A_427 : vector<16xf32>
        %swap3A_429 = arith.index_cast %scan3A_368 : i32 to index
        %swap3A_430 = arith.constant 80 : index
        %swap3A_431 = tpu.vector_load %arg15[%swap3A_429, %swap3A_430] {strides = array<i32>} : memref<32x152xf32, #tpu.memory_space<vmem>>, vector<1x16xf32>,
        %swap3A_432 = vector.shape_cast %swap3A_431 : vector<1x16xf32> to vector<16xf32>
        %swap3A_433 = vector.shape_cast %mul3A_428 : vector<16xf32> to vector<1x16xf32>
        tpu.vector_store %arg15[%swap3A_429, %swap3A_430], %swap3A_433 {strides = array<i32>} : memref<32x152xf32, #tpu.memory_space<vmem>>, vector<1x16xf32>,
        %get3A_434 = arith.index_cast %scan3A_368 : i32 to index
        %get3A_435 = arith.constant 224 : index
        %get3A_436 = tpu.vector_load %arg13[%get3A_434, %get3A_435] {strides = array<i32>} : memref<32x256xf32, #tpu.memory_space<vmem>>, vector<1x16xf32>,
        %get3A_437 = vector.shape_cast %get3A_436 : vector<1x16xf32> to vector<16xf32>
        %mul3A_438 = arith.mulf %get3A_373, %get3A_437 : vector<16xf32>
        %swap3A_439 = arith.index_cast %scan3A_368 : i32 to index
        %swap3A_440 = arith.constant 96 : index
        %swap3A_441 = tpu.vector_load %arg15[%swap3A_439, %swap3A_440] {strides = array<i32>} : memref<32x152xf32, #tpu.memory_space<vmem>>, vector<1x16xf32>,
        %swap3A_442 = vector.shape_cast %swap3A_441 : vector<1x16xf32> to vector<16xf32>
        %swap3A_443 = vector.shape_cast %mul3A_438 : vector<16xf32> to vector<1x16xf32>
        tpu.vector_store %arg15[%swap3A_439, %swap3A_440], %swap3A_443 {strides = array<i32>} : memref<32x152xf32, #tpu.memory_space<vmem>>, vector<1x16xf32>,
        %get3A_444 = arith.index_cast %scan3A_368 : i32 to index
        %get3A_445 = arith.constant 240 : index
        %get3A_446 = tpu.vector_load %arg13[%get3A_444, %get3A_445] {strides = array<i32>} : memref<32x256xf32, #tpu.memory_space<vmem>>, vector<1x16xf32>,
        %get3A_447 = vector.shape_cast %get3A_446 : vector<1x16xf32> to vector<16xf32>
        %mul3A_448 = arith.mulf %get3A_373, %get3A_447 : vector<16xf32>
        %swap3A_449 = arith.index_cast %scan3A_368 : i32 to index
        %swap3A_450 = arith.constant 112 : index
        %swap3A_451 = tpu.vector_load %arg15[%swap3A_449, %swap3A_450] {strides = array<i32>} : memref<32x152xf32, #tpu.memory_space<vmem>>, vector<1x16xf32>,
        %swap3A_452 = vector.shape_cast %swap3A_451 : vector<1x16xf32> to vector<16xf32>
        %swap3A_453 = vector.shape_cast %mul3A_448 : vector<16xf32> to vector<1x16xf32>
        tpu.vector_store %arg15[%swap3A_449, %swap3A_450], %swap3A_453 {strides = array<i32>} : memref<32x152xf32, #tpu.memory_space<vmem>>, vector<1x16xf32>,
        %get3A_454 = arith.index_cast %scan3A_368 : i32 to index
        %get3A_455 = arith.constant 0 : index
        %get3A_456 = tpu.vector_load %arg9[%get3A_454, %get3A_455] {strides = array<i32>} : memref<32x16xf32, #tpu.memory_space<vmem>>, vector<1x16xf32>,
        %get3A_457 = vector.shape_cast %get3A_456 : vector<1x16xf32> to vector<16xf32>
        %mul3A_458 = arith.mulf %get3A_373, %get3A_457 : vector<16xf32>
        %swap3A_459 = arith.index_cast %scan3A_368 : i32 to index
        %swap3A_460 = arith.constant 128 : index
        %swap3A_461 = tpu.vector_load %arg15[%swap3A_459, %swap3A_460] {strides = array<i32>} : memref<32x152xf32, #tpu.memory_space<vmem>>, vector<1x16xf32>,
        %swap3A_462 = vector.shape_cast %swap3A_461 : vector<1x16xf32> to vector<16xf32>
        %swap3A_463 = vector.shape_cast %mul3A_458 : vector<16xf32> to vector<1x16xf32>
        tpu.vector_store %arg15[%swap3A_459, %swap3A_460], %swap3A_463 {strides = array<i32>} : memref<32x152xf32, #tpu.memory_space<vmem>>, vector<1x16xf32>,
        %broadcast_in_dim3A_464 = vector.shape_cast %min3A_48 : vector<16xi32> to vector<16x1xi32>
        %gather3A = vector.shape_cast %broadcast_in_dim3A_464 : vector<16x1xi32> to vector<16xi32>
        %gather3A_465 = tpu.dynamic_gather %mul3A_458[%gather3A] in [0] : vector<16xf32>, vector<16xi32> -> vector<16xf32>
        %mul3A_466 = arith.mulf %gather3A_465, %sub3A_42 : vector<16xf32>
        %mul3A_467 = arith.mulf %get3A_373, %convert_element_type3A_39 : vector<16xf32>
        %add3A_468 = arith.addf %mul3A_466, %mul3A_467 : vector<16xf32>
        %swap3A_469 = arith.index_cast %scan3A_368 : i32 to index
        %swap3A_470 = arith.constant 136 : index
        %swap3A_471 = tpu.vector_load %arg15[%swap3A_469, %swap3A_470] {strides = array<i32>} : memref<32x152xf32, #tpu.memory_space<vmem>>, vector<1x16xf32>,
        %swap3A_472 = vector.shape_cast %swap3A_471 : vector<1x16xf32> to vector<16xf32>
        %swap3A_473 = vector.shape_cast %add3A_468 : vector<16xf32> to vector<1x16xf32>
        tpu.vector_store %arg15[%swap3A_469, %swap3A_470], %swap3A_473 {strides = array<i32>} : memref<32x152xf32, #tpu.memory_space<vmem>>, vector<1x16xf32>,
        %scan3A_474 = arith.constant 0 : i32
        scf.yield %scan3A_474 : i32
      }
      %scan3A_235 = arith.constant 32 : i32
      %get3A_236 = arith.constant 1 : i32
      %get3A_237 = arith.index_cast %get3A_236 : i32 to index
      %get3A_238 = arith.constant 0 : index
      %get3A_239 = tpu.vector_load %arg7[%get3A_237, %get3A_238] {strides = array<i32>} : memref<2x32xi32, #tpu.memory_space<vmem>>, vector<1x16xi32>,
      %get3A_240 = vector.shape_cast %get3A_239 : vector<1x16xi32> to vector<16xi32>
      %swap3A_241 = arith.constant 0 : i32
      %swap3A_242 = arith.index_cast %swap3A_241 : i32 to index
      %swap3A_243 = arith.constant 0 : index
      %swap3A_244 = tpu.vector_load %arg17[%swap3A_242, %swap3A_243] {strides = array<i32>} : memref<1x32xi32, #tpu.memory_space<vmem>>, vector<1x16xi32>,
      %swap3A_245 = vector.shape_cast %swap3A_244 : vector<1x16xi32> to vector<16xi32>
      %swap3A_246 = vector.shape_cast %get3A_240 : vector<16xi32> to vector<1x16xi32>
      tpu.vector_store %arg17[%swap3A_242, %swap3A_243], %swap3A_246 {strides = array<i32>} : memref<1x32xi32, #tpu.memory_space<vmem>>, vector<1x16xi32>,
      %get3A_247 = arith.constant 1 : i32
      %get3A_248 = arith.index_cast %get3A_247 : i32 to index
      %get3A_249 = arith.constant 16 : index
      %get3A_250 = tpu.vector_load %arg7[%get3A_248, %get3A_249] {strides = array<i32>} : memref<2x32xi32, #tpu.memory_space<vmem>>, vector<1x16xi32>,
      %get3A_251 = vector.shape_cast %get3A_250 : vector<1x16xi32> to vector<16xi32>
      %swap3A_252 = arith.constant 0 : i32
      %swap3A_253 = arith.index_cast %swap3A_252 : i32 to index
      %swap3A_254 = arith.constant 16 : index
      %swap3A_255 = tpu.vector_load %arg17[%swap3A_253, %swap3A_254] {strides = array<i32>} : memref<1x32xi32, #tpu.memory_space<vmem>>, vector<1x16xi32>,
      %swap3A_256 = vector.shape_cast %swap3A_255 : vector<1x16xi32> to vector<16xi32>
      %swap3A_257 = vector.shape_cast %get3A_251 : vector<16xi32> to vector<1x16xi32>
      tpu.vector_store %arg17[%swap3A_253, %swap3A_254], %swap3A_257 {strides = array<i32>} : memref<1x32xi32, #tpu.memory_space<vmem>>, vector<1x16xi32>,
      %dma_start3A_258 = arith.constant 0 : i32
      %dma_start3A_259 = arith.constant 0 : i32
      %dma_start3A_260 = tpu.memref_slice %arg17[%dma_start3A_258, %dma_start3A_259] : memref<1x32xi32, #tpu.memory_space<vmem>> -> memref<1x32xi32, #tpu.memory_space<vmem>>
      %dma_start3A_261 = tpu.memref_squeeze %dma_start3A_260 : memref<1x32xi32, #tpu.memory_space<vmem>> -> memref<32xi32, #tpu.memory_space<vmem>>
      %dma_start3A_262 = arith.constant 0 : i32
      %dma_start3A_263 = arith.constant 0 : i32
      %dma_start3A_264 = tpu.memref_slice %arg18[%dma_start3A_262, %dma_start3A_263] : memref<10000x152xf32, #tpu.memory_space<vmem_shared>> -> memref<10000x152xf32, #tpu.memory_space<vmem_shared>>
      tpu.enqueue_indirect_dma source(%arg15 : memref<32x152xf32, #tpu.memory_space<vmem>>) target(%dma_start3A_264 : memref<10000x152xf32, #tpu.memory_space<vmem_shared>>) offsets(%dma_start3A_261 : memref<32xi32, #tpu.memory_space<vmem>>) semaphore(%arg25 : memref<!tpu.dma_semaphore, #tpu.memory_space<semaphore_mem>>)
      %add3A_265 = arith.constant 2 : i32
      %add3A_266 = arith.addi %add3A_180, %add3A_265 : i32
      %min3A_267 = arith.minsi %add3A_266, %sub3A_31 : i32
      %mul3A_268 = arith.constant 32 : i32
      %mul3A_269 = arith.muli %min3A_267, %mul3A_268 : i32
      %dma_start3A_270 = arith.constant 0 : i32
      %dma_start3A_271 = tpu.memref_slice %arg4[%dma_start3A_270, %mul3A_269] : memref<2x320000xi32, #tpu.memory_space<hbm>> -> memref<2x32xi32, #tpu.memory_space<hbm>>
      %dma_start3A_272 = arith.constant 0 : i32
      %dma_start3A_273 = tpu.memref_slice %arg4[%dma_start3A_272, %mul3A_269] : memref<2x320000xi32, #tpu.memory_space<hbm>> -> memref<2x32xi32, #tpu.memory_space<hbm>>
      tpu.enqueue_dma source(%dma_start3A_273 : memref<2x32xi32, #tpu.memory_space<hbm>>) target(%arg7 : memref<2x32xi32, #tpu.memory_space<vmem>>) target_semaphore(%arg23 : memref<!tpu.dma_semaphore, #tpu.memory_space<semaphore_mem>>)
      "tpu.region"() ({
        %run_scoped3A = tpu.sem_alloc : memref<!tpu.dma_semaphore, #tpu.memory_space<semaphore_mem>>
        %dma_start3A_368 = arith.constant 0 : i32
        %dma_start3A_369 = tpu.memref_slice %arg5[%mul3A_269, %dma_start3A_368] : memref<320000x16xf32, #tpu.memory_space<hbm>> -> memref<32x16xf32, #tpu.memory_space<hbm>>
        %dma_start3A_370 = arith.constant 0 : i32
        %dma_start3A_371 = tpu.memref_slice %arg5[%mul3A_269, %dma_start3A_370] : memref<320000x16xf32, #tpu.memory_space<hbm>> -> memref<32x16xf32, #tpu.memory_space<hbm>>
        tpu.enqueue_dma source(%dma_start3A_371 : memref<32x16xf32, #tpu.memory_space<hbm>>) target(%arg9 : memref<32x16xf32, #tpu.memory_space<vmem>>) target_semaphore(%run_scoped3A : memref<!tpu.dma_semaphore, #tpu.memory_space<semaphore_mem>>)
        %dma_wait3A_372 = arith.constant 0 : i32
        %dma_wait3A_373 = tpu.memref_slice %arg5[%mul3A_269, %dma_wait3A_372] : memref<320000x16xf32, #tpu.memory_space<hbm>> -> memref<32x16xf32, #tpu.memory_space<hbm>>
        %dma_wait3A_374 = arith.constant 0 : i32
        %dma_wait3A_375 = tpu.memref_slice %arg5[%mul3A_269, %dma_wait3A_374] : memref<320000x16xf32, #tpu.memory_space<hbm>> -> memref<32x16xf32, #tpu.memory_space<hbm>>
        tpu.wait_dma2 semaphore(%run_scoped3A : memref<!tpu.dma_semaphore, #tpu.memory_space<semaphore_mem>>) src(%dma_wait3A_375 : memref<32x16xf32, #tpu.memory_space<hbm>>) dst(%arg9 : memref<32x16xf32, #tpu.memory_space<vmem>>)
        tpu.yield
      }) : () -> ()
      %dma_wait3A_274 = arith.constant 1 : i32
      %dma_wait3A_275 = arith.constant 0 : i32
      %dma_wait3A_276 = tpu.memref_slice %arg8[%dma_wait3A_274, %dma_wait3A_275] : memref<2x32xi32, #tpu.memory_space<vmem>> -> memref<1x32xi32, #tpu.memory_space<vmem>>
      %dma_wait3A_277 = tpu.memref_squeeze %dma_wait3A_276 : memref<1x32xi32, #tpu.memory_space<vmem>> -> memref<32xi32, #tpu.memory_space<vmem>>
      %dma_wait3A_278 = arith.constant 0 : i32
      %dma_wait3A_279 = arith.constant 0 : i32
      %dma_wait3A_280 = tpu.memref_slice %arg2[%dma_wait3A_278, %dma_wait3A_279] : memref<10000x144xf32, #tpu.memory_space<hbm>> -> memref<10000x144xf32, #tpu.memory_space<hbm>>
      tpu.wait_indirect_dma semaphore(%arg21 : memref<!tpu.dma_semaphore, #tpu.memory_space<semaphore_mem>>) src(%dma_wait3A_280 : memref<10000x144xf32, #tpu.memory_space<hbm>>) dst(%arg12 : memref<32x144xf32, #tpu.memory_space<vmem>>)
      %dma_wait3A_281 = arith.constant 0 : i32
      %dma_wait3A_282 = arith.constant 0 : i32
      %dma_wait3A_283 = tpu.memref_slice %arg8[%dma_wait3A_281, %dma_wait3A_282] : memref<2x32xi32, #tpu.memory_space<vmem>> -> memref<1x32xi32, #tpu.memory_space<vmem>>
      %dma_wait3A_284 = tpu.memref_squeeze %dma_wait3A_283 : memref<1x32xi32, #tpu.memory_space<vmem>> -> memref<32xi32, #tpu.memory_space<vmem>>
      %dma_wait3A_285 = arith.constant 0 : i32
      %dma_wait3A_286 = arith.constant 0 : i32
      %dma_wait3A_287 = tpu.memref_slice %arg3[%dma_wait3A_285, %dma_wait3A_286] : memref<10000x256xf32, #tpu.memory_space<hbm>> -> memref<10000x256xf32, #tpu.memory_space<hbm>>
      tpu.wait_indirect_dma semaphore(%arg22 : memref<!tpu.dma_semaphore, #tpu.memory_space<semaphore_mem>>) src(%dma_wait3A_287 : memref<10000x256xf32, #tpu.memory_space<hbm>>) dst(%arg14 : memref<32x256xf32, #tpu.memory_space<vmem>>)
      %dma_wait3A_288 = arith.constant 0 : i32
      %dma_wait3A_289 = arith.constant 0 : i32
      %dma_wait3A_290 = tpu.memref_slice %arg4[%dma_wait3A_288, %dma_wait3A_289] : memref<2x320000xi32, #tpu.memory_space<hbm>> -> memref<2x32xi32, #tpu.memory_space<hbm>>
      %dma_wait3A_291 = arith.constant 0 : i32
      %dma_wait3A_292 = arith.constant 0 : i32
      %dma_wait3A_293 = tpu.memref_slice %arg4[%dma_wait3A_291, %dma_wait3A_292] : memref<2x320000xi32, #tpu.memory_space<hbm>> -> memref<2x32xi32, #tpu.memory_space<hbm>>
      tpu.wait_dma2 semaphore(%arg23 : memref<!tpu.dma_semaphore, #tpu.memory_space<semaphore_mem>>) src(%dma_wait3A_293 : memref<2x32xi32, #tpu.memory_space<hbm>>) dst(%arg7 : memref<2x32xi32, #tpu.memory_space<vmem>>)
      %dma_start3A_294 = arith.constant 1 : i32
      %dma_start3A_295 = arith.constant 0 : i32
      %dma_start3A_296 = tpu.memref_slice %arg7[%dma_start3A_294, %dma_start3A_295] : memref<2x32xi32, #tpu.memory_space<vmem>> -> memref<1x32xi32, #tpu.memory_space<vmem>>
      %dma_start3A_297 = tpu.memref_squeeze %dma_start3A_296 : memref<1x32xi32, #tpu.memory_space<vmem>> -> memref<32xi32, #tpu.memory_space<vmem>>
      %dma_start3A_298 = arith.constant 0 : i32
      %dma_start3A_299 = arith.constant 0 : i32
      %dma_start3A_300 = tpu.memref_slice %arg2[%dma_start3A_298, %dma_start3A_299] : memref<10000x144xf32, #tpu.memory_space<hbm>> -> memref<10000x144xf32, #tpu.memory_space<hbm>>
      tpu.enqueue_indirect_dma source(%dma_start3A_300 : memref<10000x144xf32, #tpu.memory_space<hbm>>) target(%arg11 : memref<32x144xf32, #tpu.memory_space<vmem>>) offsets(%dma_start3A_297 : memref<32xi32, #tpu.memory_space<vmem>>) semaphore(%arg19 : memref<!tpu.dma_semaphore, #tpu.memory_space<semaphore_mem>>)
      %dma_start3A_301 = arith.constant 0 : i32
      %dma_start3A_302 = arith.constant 0 : i32
      %dma_start3A_303 = tpu.memref_slice %arg7[%dma_start3A_301, %dma_start3A_302] : memref<2x32xi32, #tpu.memory_space<vmem>> -> memref<1x32xi32, #tpu.memory_space<vmem>>
      %dma_start3A_304 = tpu.memref_squeeze %dma_start3A_303 : memref<1x32xi32, #tpu.memory_space<vmem>> -> memref<32xi32, #tpu.memory_space<vmem>>
      %dma_start3A_305 = arith.constant 0 : i32
      %dma_start3A_306 = arith.constant 0 : i32
      %dma_start3A_307 = tpu.memref_slice %arg3[%dma_start3A_305, %dma_start3A_306] : memref<10000x256xf32, #tpu.memory_space<hbm>> -> memref<10000x256xf32, #tpu.memory_space<hbm>>
      tpu.enqueue_indirect_dma source(%dma_start3A_307 : memref<10000x256xf32, #tpu.memory_space<hbm>>) target(%arg13 : memref<32x256xf32, #tpu.memory_space<vmem>>) offsets(%dma_start3A_304 : memref<32xi32, #tpu.memory_space<vmem>>) semaphore(%arg20 : memref<!tpu.dma_semaphore, #tpu.memory_space<semaphore_mem>>)
      %scan3A_308 = arith.constant 0 : i32
      %scan3A_309 = arith.constant 0 : i32
      %scan3A_310 = arith.constant 32 : i32
      %scan3A_311 = arith.addi %scan3A_309, %scan3A_310 : i32
      %scan3A_312 = arith.constant 1 : i32
      %scan3A_313 = scf.for %scan3A_368 = %scan3A_309 to %scan3A_311 step %scan3A_312 iter_args(%scan3A_369 = %scan3A_308) -> (i32)  : i32 {
        %get3A_370 = arith.index_cast %scan3A_368 : i32 to index
        %get3A_371 = arith.constant 0 : index
        %get3A_372 = tpu.vector_load %arg12[%get3A_370, %get3A_371] {strides = array<i32>} : memref<32x144xf32, #tpu.memory_space<vmem>>, vector<1x16xf32>,
        %get3A_373 = vector.shape_cast %get3A_372 : vector<1x16xf32> to vector<16xf32>
        %get3A_374 = arith.index_cast %scan3A_368 : i32 to index
        %get3A_375 = arith.constant 0 : index
        %get3A_376 = tpu.vector_load %arg14[%get3A_374, %get3A_375] {strides = array<i32>} : memref<32x256xf32, #tpu.memory_space<vmem>>, vector<1x16xf32>,
        %get3A_377 = vector.shape_cast %get3A_376 : vector<1x16xf32> to vector<16xf32>
        %mul3A_378 = arith.mulf %get3A_373, %get3A_377 : vector<16xf32>
        %get3A_379 = arith.index_cast %scan3A_368 : i32 to index
        %get3A_380 = arith.constant 16 : index
        %get3A_381 = tpu.vector_load %arg12[%get3A_379, %get3A_380] {strides = array<i32>} : memref<32x144xf32, #tpu.memory_space<vmem>>, vector<1x16xf32>,
        %get3A_382 = vector.shape_cast %get3A_381 : vector<1x16xf32> to vector<16xf32>
        %get3A_383 = arith.index_cast %scan3A_368 : i32 to index
        %get3A_384 = arith.constant 16 : index
        %get3A_385 = tpu.vector_load %arg14[%get3A_383, %get3A_384] {strides = array<i32>} : memref<32x256xf32, #tpu.memory_space<vmem>>, vector<1x16xf32>,
        %get3A_386 = vector.shape_cast %get3A_385 : vector<1x16xf32> to vector<16xf32>
        %mul3A_387 = arith.mulf %get3A_382, %get3A_386 : vector<16xf32>
        %add3A_388 = arith.addf %mul3A_378, %mul3A_387 : vector<16xf32>
        %get3A_389 = arith.index_cast %scan3A_368 : i32 to index
        %get3A_390 = arith.constant 32 : index
        %get3A_391 = tpu.vector_load %arg12[%get3A_389, %get3A_390] {strides = array<i32>} : memref<32x144xf32, #tpu.memory_space<vmem>>, vector<1x16xf32>,
        %get3A_392 = vector.shape_cast %get3A_391 : vector<1x16xf32> to vector<16xf32>
        %get3A_393 = arith.index_cast %scan3A_368 : i32 to index
        %get3A_394 = arith.constant 32 : index
        %get3A_395 = tpu.vector_load %arg14[%get3A_393, %get3A_394] {strides = array<i32>} : memref<32x256xf32, #tpu.memory_space<vmem>>, vector<1x16xf32>,
        %get3A_396 = vector.shape_cast %get3A_395 : vector<1x16xf32> to vector<16xf32>
        %mul3A_397 = arith.mulf %get3A_392, %get3A_396 : vector<16xf32>
        %add3A_398 = arith.addf %add3A_388, %mul3A_397 : vector<16xf32>
        %get3A_399 = arith.index_cast %scan3A_368 : i32 to index
        %get3A_400 = arith.constant 48 : index
        %get3A_401 = tpu.vector_load %arg12[%get3A_399, %get3A_400] {strides = array<i32>} : memref<32x144xf32, #tpu.memory_space<vmem>>, vector<1x16xf32>,
        %get3A_402 = vector.shape_cast %get3A_401 : vector<1x16xf32> to vector<16xf32>
        %get3A_403 = arith.index_cast %scan3A_368 : i32 to index
        %get3A_404 = arith.constant 48 : index
        %get3A_405 = tpu.vector_load %arg14[%get3A_403, %get3A_404] {strides = array<i32>} : memref<32x256xf32, #tpu.memory_space<vmem>>, vector<1x16xf32>,
        %get3A_406 = vector.shape_cast %get3A_405 : vector<1x16xf32> to vector<16xf32>
        %mul3A_407 = arith.mulf %get3A_402, %get3A_406 : vector<16xf32>
        %add3A_408 = arith.addf %add3A_398, %mul3A_407 : vector<16xf32>
        %get3A_409 = arith.index_cast %scan3A_368 : i32 to index
        %get3A_410 = arith.constant 64 : index
        %get3A_411 = tpu.vector_load %arg12[%get3A_409, %get3A_410] {strides = array<i32>} : memref<32x144xf32, #tpu.memory_space<vmem>>, vector<1x16xf32>,
        %get3A_412 = vector.shape_cast %get3A_411 : vector<1x16xf32> to vector<16xf32>
        %get3A_413 = arith.index_cast %scan3A_368 : i32 to index
        %get3A_414 = arith.constant 64 : index
        %get3A_415 = tpu.vector_load %arg14[%get3A_413, %get3A_414] {strides = array<i32>} : memref<32x256xf32, #tpu.memory_space<vmem>>, vector<1x16xf32>,
        %get3A_416 = vector.shape_cast %get3A_415 : vector<1x16xf32> to vector<16xf32>
        %mul3A_417 = arith.mulf %get3A_412, %get3A_416 : vector<16xf32>
        %add3A_418 = arith.addf %add3A_408, %mul3A_417 : vector<16xf32>
        %get3A_419 = arith.index_cast %scan3A_368 : i32 to index
        %get3A_420 = arith.constant 80 : index
        %get3A_421 = tpu.vector_load %arg12[%get3A_419, %get3A_420] {strides = array<i32>} : memref<32x144xf32, #tpu.memory_space<vmem>>, vector<1x16xf32>,
        %get3A_422 = vector.shape_cast %get3A_421 : vector<1x16xf32> to vector<16xf32>
        %get3A_423 = arith.index_cast %scan3A_368 : i32 to index
        %get3A_424 = arith.constant 80 : index
        %get3A_425 = tpu.vector_load %arg14[%get3A_423, %get3A_424] {strides = array<i32>} : memref<32x256xf32, #tpu.memory_space<vmem>>, vector<1x16xf32>,
        %get3A_426 = vector.shape_cast %get3A_425 : vector<1x16xf32> to vector<16xf32>
        %mul3A_427 = arith.mulf %get3A_422, %get3A_426 : vector<16xf32>
        %add3A_428 = arith.addf %add3A_418, %mul3A_427 : vector<16xf32>
        %get3A_429 = arith.index_cast %scan3A_368 : i32 to index
        %get3A_430 = arith.constant 96 : index
        %get3A_431 = tpu.vector_load %arg12[%get3A_429, %get3A_430] {strides = array<i32>} : memref<32x144xf32, #tpu.memory_space<vmem>>, vector<1x16xf32>,
        %get3A_432 = vector.shape_cast %get3A_431 : vector<1x16xf32> to vector<16xf32>
        %get3A_433 = arith.index_cast %scan3A_368 : i32 to index
        %get3A_434 = arith.constant 96 : index
        %get3A_435 = tpu.vector_load %arg14[%get3A_433, %get3A_434] {strides = array<i32>} : memref<32x256xf32, #tpu.memory_space<vmem>>, vector<1x16xf32>,
        %get3A_436 = vector.shape_cast %get3A_435 : vector<1x16xf32> to vector<16xf32>
        %mul3A_437 = arith.mulf %get3A_432, %get3A_436 : vector<16xf32>
        %add3A_438 = arith.addf %add3A_428, %mul3A_437 : vector<16xf32>
        %get3A_439 = arith.index_cast %scan3A_368 : i32 to index
        %get3A_440 = arith.constant 112 : index
        %get3A_441 = tpu.vector_load %arg12[%get3A_439, %get3A_440] {strides = array<i32>} : memref<32x144xf32, #tpu.memory_space<vmem>>, vector<1x16xf32>,
        %get3A_442 = vector.shape_cast %get3A_441 : vector<1x16xf32> to vector<16xf32>
        %get3A_443 = arith.index_cast %scan3A_368 : i32 to index
        %get3A_444 = arith.constant 112 : index
        %get3A_445 = tpu.vector_load %arg14[%get3A_443, %get3A_444] {strides = array<i32>} : memref<32x256xf32, #tpu.memory_space<vmem>>, vector<1x16xf32>,
        %get3A_446 = vector.shape_cast %get3A_445 : vector<1x16xf32> to vector<16xf32>
        %mul3A_447 = arith.mulf %get3A_442, %get3A_446 : vector<16xf32>
        %add3A_448 = arith.addf %add3A_438, %mul3A_447 : vector<16xf32>
        %get3A_449 = arith.index_cast %scan3A_368 : i32 to index
        %get3A_450 = arith.constant 128 : index
        %get3A_451 = tpu.vector_load %arg12[%get3A_449, %get3A_450] {strides = array<i32>} : memref<32x144xf32, #tpu.memory_space<vmem>>, vector<1x16xf32>,
        %get3A_452 = vector.shape_cast %get3A_451 : vector<1x16xf32> to vector<16xf32>
        %get3A_453 = arith.index_cast %scan3A_368 : i32 to index
        %get3A_454 = arith.constant 0 : index
        %get3A_455 = tpu.vector_load %arg10[%get3A_453, %get3A_454] {strides = array<i32>} : memref<32x16xf32, #tpu.memory_space<vmem>>, vector<1x16xf32>,
        %get3A_456 = vector.shape_cast %get3A_455 : vector<1x16xf32> to vector<16xf32>
        %mul3A_457 = arith.mulf %get3A_452, %get3A_456 : vector<16xf32>
        %add3A_458 = arith.addf %add3A_448, %mul3A_457 : vector<16xf32>
        %iota3A_459 = tpu.iota {dimensions = array<i32: 0>} : vector<16xi32>
        %xor3A = arith.constant 1 : i32
        %xor3A_460 = vector.broadcast %xor3A : i32 to vector<16xi32>
        %xor3A_461 = arith.xori %iota3A_459, %xor3A_460 : vector<16xi32>
        %broadcast_in_dim3A_462 = vector.shape_cast %xor3A_461 : vector<16xi32> to vector<16x1xi32>
        %gather3A = vector.shape_cast %broadcast_in_dim3A_462 : vector<16x1xi32> to vector<16xi32>
        %gather3A_463 = tpu.dynamic_gather %add3A_458[%gather3A] in [0] : vector<16xf32>, vector<16xi32> -> vector<16xf32>
        %add3A_464 = arith.addf %add3A_458, %gather3A_463 : vector<16xf32>
        %iota3A_465 = tpu.iota {dimensions = array<i32: 0>} : vector<16xi32>
        %xor3A_466 = arith.constant 2 : i32
        %xor3A_467 = vector.broadcast %xor3A_466 : i32 to vector<16xi32>
        %xor3A_468 = arith.xori %iota3A_465, %xor3A_467 : vector<16xi32>
        %broadcast_in_dim3A_469 = vector.shape_cast %xor3A_468 : vector<16xi32> to vector<16x1xi32>
        %gather3A_470 = vector.shape_cast %broadcast_in_dim3A_469 : vector<16x1xi32> to vector<16xi32>
        %gather3A_471 = tpu.dynamic_gather %add3A_464[%gather3A_470] in [0] : vector<16xf32>, vector<16xi32> -> vector<16xf32>
        %add3A_472 = arith.addf %add3A_464, %gather3A_471 : vector<16xf32>
        %iota3A_473 = tpu.iota {dimensions = array<i32: 0>} : vector<16xi32>
        %xor3A_474 = arith.constant 4 : i32
        %xor3A_475 = vector.broadcast %xor3A_474 : i32 to vector<16xi32>
        %xor3A_476 = arith.xori %iota3A_473, %xor3A_475 : vector<16xi32>
        %broadcast_in_dim3A_477 = vector.shape_cast %xor3A_476 : vector<16xi32> to vector<16x1xi32>
        %gather3A_478 = vector.shape_cast %broadcast_in_dim3A_477 : vector<16x1xi32> to vector<16xi32>
        %gather3A_479 = tpu.dynamic_gather %add3A_472[%gather3A_478] in [0] : vector<16xf32>, vector<16xi32> -> vector<16xf32>
        %add3A_480 = arith.addf %add3A_472, %gather3A_479 : vector<16xf32>
        %iota3A_481 = tpu.iota {dimensions = array<i32: 0>} : vector<16xi32>
        %xor3A_482 = arith.constant 8 : i32
        %xor3A_483 = vector.broadcast %xor3A_482 : i32 to vector<16xi32>
        %xor3A_484 = arith.xori %iota3A_481, %xor3A_483 : vector<16xi32>
        %broadcast_in_dim3A_485 = vector.shape_cast %xor3A_484 : vector<16xi32> to vector<16x1xi32>
        %gather3A_486 = vector.shape_cast %broadcast_in_dim3A_485 : vector<16x1xi32> to vector<16xi32>
        %gather3A_487 = tpu.dynamic_gather %add3A_480[%gather3A_486] in [0] : vector<16xf32>, vector<16xi32> -> vector<16xf32>
        %add3A_488 = arith.addf %add3A_480, %gather3A_487 : vector<16xf32>
        %exp3A = math.exp %add3A_488 : vector<16xf32>
        %swap3A_489 = arith.index_cast %scan3A_368 : i32 to index
        %swap3A_490 = arith.constant 0 : index
        %swap3A_491 = tpu.vector_load %arg16[%swap3A_489, %swap3A_490] {strides = array<i32>} : memref<32x16xf32, #tpu.memory_space<vmem>>, vector<1x16xf32>,
        %swap3A_492 = vector.shape_cast %swap3A_491 : vector<1x16xf32> to vector<16xf32>
        %swap3A_493 = vector.shape_cast %exp3A : vector<16xf32> to vector<1x16xf32>
        tpu.vector_store %arg16[%swap3A_489, %swap3A_490], %swap3A_493 {strides = array<i32>} : memref<32x16xf32, #tpu.memory_space<vmem>>, vector<1x16xf32>,
        %scan3A_494 = arith.constant 0 : i32
        scf.yield %scan3A_494 : i32
      }
      %scan3A_314 = arith.constant 32 : i32
      %dma_wait3A_315 = arith.constant 0 : i32
      %dma_wait3A_316 = arith.constant 0 : i32
      %dma_wait3A_317 = tpu.memref_slice %arg17[%dma_wait3A_315, %dma_wait3A_316] : memref<1x32xi32, #tpu.memory_space<vmem>> -> memref<1x32xi32, #tpu.memory_space<vmem>>
      %dma_wait3A_318 = tpu.memref_squeeze %dma_wait3A_317 : memref<1x32xi32, #tpu.memory_space<vmem>> -> memref<32xi32, #tpu.memory_space<vmem>>
      %dma_wait3A_319 = arith.constant 0 : i32
      %dma_wait3A_320 = arith.constant 0 : i32
      %dma_wait3A_321 = tpu.memref_slice %arg18[%dma_wait3A_319, %dma_wait3A_320] : memref<10000x152xf32, #tpu.memory_space<vmem_shared>> -> memref<10000x152xf32, #tpu.memory_space<vmem_shared>>
      tpu.wait_indirect_dma semaphore(%arg25 : memref<!tpu.dma_semaphore, #tpu.memory_space<semaphore_mem>>) src(%arg15 : memref<32x152xf32, #tpu.memory_space<vmem>>) dst(%dma_wait3A_321 : memref<10000x152xf32, #tpu.memory_space<vmem_shared>>)
      %scan3A_322 = arith.constant 0 : i32
      %scan3A_323 = arith.constant 0 : i32
      %scan3A_324 = arith.constant 32 : i32
      %scan3A_325 = arith.addi %scan3A_323, %scan3A_324 : i32
      %scan3A_326 = arith.constant 1 : i32
      %scan3A_327 = scf.for %scan3A_368 = %scan3A_323 to %scan3A_325 step %scan3A_326 iter_args(%scan3A_369 = %scan3A_322) -> (i32)  : i32 {
        %get3A_370 = arith.index_cast %scan3A_368 : i32 to index
        %get3A_371 = arith.constant 0 : index
        %get3A_372 = tpu.vector_load %arg16[%get3A_370, %get3A_371] {strides = array<i32>} : memref<32x16xf32, #tpu.memory_space<vmem>>, vector<1x16xf32>,
        %get3A_373 = vector.shape_cast %get3A_372 : vector<1x16xf32> to vector<16xf32>
        %get3A_374 = arith.index_cast %scan3A_368 : i32 to index
        %get3A_375 = arith.constant 128 : index
        %get3A_376 = tpu.vector_load %arg14[%get3A_374, %get3A_375] {strides = array<i32>} : memref<32x256xf32, #tpu.memory_space<vmem>>, vector<1x16xf32>,
        %get3A_377 = vector.shape_cast %get3A_376 : vector<1x16xf32> to vector<16xf32>
        %mul3A_378 = arith.mulf %get3A_373, %get3A_377 : vector<16xf32>
        %swap3A_379 = arith.index_cast %scan3A_368 : i32 to index
        %swap3A_380 = arith.constant 0 : index
        %swap3A_381 = tpu.vector_load %arg15[%swap3A_379, %swap3A_380] {strides = array<i32>} : memref<32x152xf32, #tpu.memory_space<vmem>>, vector<1x16xf32>,
        %swap3A_382 = vector.shape_cast %swap3A_381 : vector<1x16xf32> to vector<16xf32>
        %swap3A_383 = vector.shape_cast %mul3A_378 : vector<16xf32> to vector<1x16xf32>
        tpu.vector_store %arg15[%swap3A_379, %swap3A_380], %swap3A_383 {strides = array<i32>} : memref<32x152xf32, #tpu.memory_space<vmem>>, vector<1x16xf32>,
        %get3A_384 = arith.index_cast %scan3A_368 : i32 to index
        %get3A_385 = arith.constant 144 : index
        %get3A_386 = tpu.vector_load %arg14[%get3A_384, %get3A_385] {strides = array<i32>} : memref<32x256xf32, #tpu.memory_space<vmem>>, vector<1x16xf32>,
        %get3A_387 = vector.shape_cast %get3A_386 : vector<1x16xf32> to vector<16xf32>
        %mul3A_388 = arith.mulf %get3A_373, %get3A_387 : vector<16xf32>
        %swap3A_389 = arith.index_cast %scan3A_368 : i32 to index
        %swap3A_390 = arith.constant 16 : index
        %swap3A_391 = tpu.vector_load %arg15[%swap3A_389, %swap3A_390] {strides = array<i32>} : memref<32x152xf32, #tpu.memory_space<vmem>>, vector<1x16xf32>,
        %swap3A_392 = vector.shape_cast %swap3A_391 : vector<1x16xf32> to vector<16xf32>
        %swap3A_393 = vector.shape_cast %mul3A_388 : vector<16xf32> to vector<1x16xf32>
        tpu.vector_store %arg15[%swap3A_389, %swap3A_390], %swap3A_393 {strides = array<i32>} : memref<32x152xf32, #tpu.memory_space<vmem>>, vector<1x16xf32>,
        %get3A_394 = arith.index_cast %scan3A_368 : i32 to index
        %get3A_395 = arith.constant 160 : index
        %get3A_396 = tpu.vector_load %arg14[%get3A_394, %get3A_395] {strides = array<i32>} : memref<32x256xf32, #tpu.memory_space<vmem>>, vector<1x16xf32>,
        %get3A_397 = vector.shape_cast %get3A_396 : vector<1x16xf32> to vector<16xf32>
        %mul3A_398 = arith.mulf %get3A_373, %get3A_397 : vector<16xf32>
        %swap3A_399 = arith.index_cast %scan3A_368 : i32 to index
        %swap3A_400 = arith.constant 32 : index
        %swap3A_401 = tpu.vector_load %arg15[%swap3A_399, %swap3A_400] {strides = array<i32>} : memref<32x152xf32, #tpu.memory_space<vmem>>, vector<1x16xf32>,
        %swap3A_402 = vector.shape_cast %swap3A_401 : vector<1x16xf32> to vector<16xf32>
        %swap3A_403 = vector.shape_cast %mul3A_398 : vector<16xf32> to vector<1x16xf32>
        tpu.vector_store %arg15[%swap3A_399, %swap3A_400], %swap3A_403 {strides = array<i32>} : memref<32x152xf32, #tpu.memory_space<vmem>>, vector<1x16xf32>,
        %get3A_404 = arith.index_cast %scan3A_368 : i32 to index
        %get3A_405 = arith.constant 176 : index
        %get3A_406 = tpu.vector_load %arg14[%get3A_404, %get3A_405] {strides = array<i32>} : memref<32x256xf32, #tpu.memory_space<vmem>>, vector<1x16xf32>,
        %get3A_407 = vector.shape_cast %get3A_406 : vector<1x16xf32> to vector<16xf32>
        %mul3A_408 = arith.mulf %get3A_373, %get3A_407 : vector<16xf32>
        %swap3A_409 = arith.index_cast %scan3A_368 : i32 to index
        %swap3A_410 = arith.constant 48 : index
        %swap3A_411 = tpu.vector_load %arg15[%swap3A_409, %swap3A_410] {strides = array<i32>} : memref<32x152xf32, #tpu.memory_space<vmem>>, vector<1x16xf32>,
        %swap3A_412 = vector.shape_cast %swap3A_411 : vector<1x16xf32> to vector<16xf32>
        %swap3A_413 = vector.shape_cast %mul3A_408 : vector<16xf32> to vector<1x16xf32>
        tpu.vector_store %arg15[%swap3A_409, %swap3A_410], %swap3A_413 {strides = array<i32>} : memref<32x152xf32, #tpu.memory_space<vmem>>, vector<1x16xf32>,
        %get3A_414 = arith.index_cast %scan3A_368 : i32 to index
        %get3A_415 = arith.constant 192 : index
        %get3A_416 = tpu.vector_load %arg14[%get3A_414, %get3A_415] {strides = array<i32>} : memref<32x256xf32, #tpu.memory_space<vmem>>, vector<1x16xf32>,
        %get3A_417 = vector.shape_cast %get3A_416 : vector<1x16xf32> to vector<16xf32>
        %mul3A_418 = arith.mulf %get3A_373, %get3A_417 : vector<16xf32>
        %swap3A_419 = arith.index_cast %scan3A_368 : i32 to index
        %swap3A_420 = arith.constant 64 : index
        %swap3A_421 = tpu.vector_load %arg15[%swap3A_419, %swap3A_420] {strides = array<i32>} : memref<32x152xf32, #tpu.memory_space<vmem>>, vector<1x16xf32>,
        %swap3A_422 = vector.shape_cast %swap3A_421 : vector<1x16xf32> to vector<16xf32>
        %swap3A_423 = vector.shape_cast %mul3A_418 : vector<16xf32> to vector<1x16xf32>
        tpu.vector_store %arg15[%swap3A_419, %swap3A_420], %swap3A_423 {strides = array<i32>} : memref<32x152xf32, #tpu.memory_space<vmem>>, vector<1x16xf32>,
        %get3A_424 = arith.index_cast %scan3A_368 : i32 to index
        %get3A_425 = arith.constant 208 : index
        %get3A_426 = tpu.vector_load %arg14[%get3A_424, %get3A_425] {strides = array<i32>} : memref<32x256xf32, #tpu.memory_space<vmem>>, vector<1x16xf32>,
        %get3A_427 = vector.shape_cast %get3A_426 : vector<1x16xf32> to vector<16xf32>
        %mul3A_428 = arith.mulf %get3A_373, %get3A_427 : vector<16xf32>
        %swap3A_429 = arith.index_cast %scan3A_368 : i32 to index
        %swap3A_430 = arith.constant 80 : index
        %swap3A_431 = tpu.vector_load %arg15[%swap3A_429, %swap3A_430] {strides = array<i32>} : memref<32x152xf32, #tpu.memory_space<vmem>>, vector<1x16xf32>,
        %swap3A_432 = vector.shape_cast %swap3A_431 : vector<1x16xf32> to vector<16xf32>
        %swap3A_433 = vector.shape_cast %mul3A_428 : vector<16xf32> to vector<1x16xf32>
        tpu.vector_store %arg15[%swap3A_429, %swap3A_430], %swap3A_433 {strides = array<i32>} : memref<32x152xf32, #tpu.memory_space<vmem>>, vector<1x16xf32>,
        %get3A_434 = arith.index_cast %scan3A_368 : i32 to index
        %get3A_435 = arith.constant 224 : index
        %get3A_436 = tpu.vector_load %arg14[%get3A_434, %get3A_435] {strides = array<i32>} : memref<32x256xf32, #tpu.memory_space<vmem>>, vector<1x16xf32>,
        %get3A_437 = vector.shape_cast %get3A_436 : vector<1x16xf32> to vector<16xf32>
        %mul3A_438 = arith.mulf %get3A_373, %get3A_437 : vector<16xf32>
        %swap3A_439 = arith.index_cast %scan3A_368 : i32 to index
        %swap3A_440 = arith.constant 96 : index
        %swap3A_441 = tpu.vector_load %arg15[%swap3A_439, %swap3A_440] {strides = array<i32>} : memref<32x152xf32, #tpu.memory_space<vmem>>, vector<1x16xf32>,
        %swap3A_442 = vector.shape_cast %swap3A_441 : vector<1x16xf32> to vector<16xf32>
        %swap3A_443 = vector.shape_cast %mul3A_438 : vector<16xf32> to vector<1x16xf32>
        tpu.vector_store %arg15[%swap3A_439, %swap3A_440], %swap3A_443 {strides = array<i32>} : memref<32x152xf32, #tpu.memory_space<vmem>>, vector<1x16xf32>,
        %get3A_444 = arith.index_cast %scan3A_368 : i32 to index
        %get3A_445 = arith.constant 240 : index
        %get3A_446 = tpu.vector_load %arg14[%get3A_444, %get3A_445] {strides = array<i32>} : memref<32x256xf32, #tpu.memory_space<vmem>>, vector<1x16xf32>,
        %get3A_447 = vector.shape_cast %get3A_446 : vector<1x16xf32> to vector<16xf32>
        %mul3A_448 = arith.mulf %get3A_373, %get3A_447 : vector<16xf32>
        %swap3A_449 = arith.index_cast %scan3A_368 : i32 to index
        %swap3A_450 = arith.constant 112 : index
        %swap3A_451 = tpu.vector_load %arg15[%swap3A_449, %swap3A_450] {strides = array<i32>} : memref<32x152xf32, #tpu.memory_space<vmem>>, vector<1x16xf32>,
        %swap3A_452 = vector.shape_cast %swap3A_451 : vector<1x16xf32> to vector<16xf32>
        %swap3A_453 = vector.shape_cast %mul3A_448 : vector<16xf32> to vector<1x16xf32>
        tpu.vector_store %arg15[%swap3A_449, %swap3A_450], %swap3A_453 {strides = array<i32>} : memref<32x152xf32, #tpu.memory_space<vmem>>, vector<1x16xf32>,
        %get3A_454 = arith.index_cast %scan3A_368 : i32 to index
        %get3A_455 = arith.constant 0 : index
        %get3A_456 = tpu.vector_load %arg10[%get3A_454, %get3A_455] {strides = array<i32>} : memref<32x16xf32, #tpu.memory_space<vmem>>, vector<1x16xf32>,
        %get3A_457 = vector.shape_cast %get3A_456 : vector<1x16xf32> to vector<16xf32>
        %mul3A_458 = arith.mulf %get3A_373, %get3A_457 : vector<16xf32>
        %swap3A_459 = arith.index_cast %scan3A_368 : i32 to index
        %swap3A_460 = arith.constant 128 : index
        %swap3A_461 = tpu.vector_load %arg15[%swap3A_459, %swap3A_460] {strides = array<i32>} : memref<32x152xf32, #tpu.memory_space<vmem>>, vector<1x16xf32>,
        %swap3A_462 = vector.shape_cast %swap3A_461 : vector<1x16xf32> to vector<16xf32>
        %swap3A_463 = vector.shape_cast %mul3A_458 : vector<16xf32> to vector<1x16xf32>
        tpu.vector_store %arg15[%swap3A_459, %swap3A_460], %swap3A_463 {strides = array<i32>} : memref<32x152xf32, #tpu.memory_space<vmem>>, vector<1x16xf32>,
        %broadcast_in_dim3A_464 = vector.shape_cast %min3A_48 : vector<16xi32> to vector<16x1xi32>
        %gather3A = vector.shape_cast %broadcast_in_dim3A_464 : vector<16x1xi32> to vector<16xi32>
        %gather3A_465 = tpu.dynamic_gather %mul3A_458[%gather3A] in [0] : vector<16xf32>, vector<16xi32> -> vector<16xf32>
        %mul3A_466 = arith.mulf %gather3A_465, %sub3A_42 : vector<16xf32>
        %mul3A_467 = arith.mulf %get3A_373, %convert_element_type3A_39 : vector<16xf32>
        %add3A_468 = arith.addf %mul3A_466, %mul3A_467 : vector<16xf32>
        %swap3A_469 = arith.index_cast %scan3A_368 : i32 to index
        %swap3A_470 = arith.constant 136 : index
        %swap3A_471 = tpu.vector_load %arg15[%swap3A_469, %swap3A_470] {strides = array<i32>} : memref<32x152xf32, #tpu.memory_space<vmem>>, vector<1x16xf32>,
        %swap3A_472 = vector.shape_cast %swap3A_471 : vector<1x16xf32> to vector<16xf32>
        %swap3A_473 = vector.shape_cast %add3A_468 : vector<16xf32> to vector<1x16xf32>
        tpu.vector_store %arg15[%swap3A_469, %swap3A_470], %swap3A_473 {strides = array<i32>} : memref<32x152xf32, #tpu.memory_space<vmem>>, vector<1x16xf32>,
        %scan3A_474 = arith.constant 0 : i32
        scf.yield %scan3A_474 : i32
      }
      %scan3A_328 = arith.constant 32 : i32
      %get3A_329 = arith.constant 1 : i32
      %get3A_330 = arith.index_cast %get3A_329 : i32 to index
      %get3A_331 = arith.constant 0 : index
      %get3A_332 = tpu.vector_load %arg8[%get3A_330, %get3A_331] {strides = array<i32>} : memref<2x32xi32, #tpu.memory_space<vmem>>, vector<1x16xi32>,
      %get3A_333 = vector.shape_cast %get3A_332 : vector<1x16xi32> to vector<16xi32>
      %swap3A_334 = arith.constant 0 : i32
      %swap3A_335 = arith.index_cast %swap3A_334 : i32 to index
      %swap3A_336 = arith.constant 0 : index
      %swap3A_337 = tpu.vector_load %arg17[%swap3A_335, %swap3A_336] {strides = array<i32>} : memref<1x32xi32, #tpu.memory_space<vmem>>, vector<1x16xi32>,
      %swap3A_338 = vector.shape_cast %swap3A_337 : vector<1x16xi32> to vector<16xi32>
      %swap3A_339 = vector.shape_cast %get3A_333 : vector<16xi32> to vector<1x16xi32>
      tpu.vector_store %arg17[%swap3A_335, %swap3A_336], %swap3A_339 {strides = array<i32>} : memref<1x32xi32, #tpu.memory_space<vmem>>, vector<1x16xi32>,
      %get3A_340 = arith.constant 1 : i32
      %get3A_341 = arith.index_cast %get3A_340 : i32 to index
      %get3A_342 = arith.constant 16 : index
      %get3A_343 = tpu.vector_load %arg8[%get3A_341, %get3A_342] {strides = array<i32>} : memref<2x32xi32, #tpu.memory_space<vmem>>, vector<1x16xi32>,
      %get3A_344 = vector.shape_cast %get3A_343 : vector<1x16xi32> to vector<16xi32>
      %swap3A_345 = arith.constant 0 : i32
      %swap3A_346 = arith.index_cast %swap3A_345 : i32 to index
      %swap3A_347 = arith.constant 16 : index
      %swap3A_348 = tpu.vector_load %arg17[%swap3A_346, %swap3A_347] {strides = array<i32>} : memref<1x32xi32, #tpu.memory_space<vmem>>, vector<1x16xi32>,
      %swap3A_349 = vector.shape_cast %swap3A_348 : vector<1x16xi32> to vector<16xi32>
      %swap3A_350 = vector.shape_cast %get3A_344 : vector<16xi32> to vector<1x16xi32>
      tpu.vector_store %arg17[%swap3A_346, %swap3A_347], %swap3A_350 {strides = array<i32>} : memref<1x32xi32, #tpu.memory_space<vmem>>, vector<1x16xi32>,
      %dma_start3A_351 = arith.constant 0 : i32
      %dma_start3A_352 = arith.constant 0 : i32
      %dma_start3A_353 = tpu.memref_slice %arg17[%dma_start3A_351, %dma_start3A_352] : memref<1x32xi32, #tpu.memory_space<vmem>> -> memref<1x32xi32, #tpu.memory_space<vmem>>
      %dma_start3A_354 = tpu.memref_squeeze %dma_start3A_353 : memref<1x32xi32, #tpu.memory_space<vmem>> -> memref<32xi32, #tpu.memory_space<vmem>>
      %dma_start3A_355 = arith.constant 0 : i32
      %dma_start3A_356 = arith.constant 0 : i32
      %dma_start3A_357 = tpu.memref_slice %arg18[%dma_start3A_355, %dma_start3A_356] : memref<10000x152xf32, #tpu.memory_space<vmem_shared>> -> memref<10000x152xf32, #tpu.memory_space<vmem_shared>>
      tpu.enqueue_indirect_dma source(%arg15 : memref<32x152xf32, #tpu.memory_space<vmem>>) target(%dma_start3A_357 : memref<10000x152xf32, #tpu.memory_space<vmem_shared>>) offsets(%dma_start3A_354 : memref<32xi32, #tpu.memory_space<vmem>>) semaphore(%arg25 : memref<!tpu.dma_semaphore, #tpu.memory_space<semaphore_mem>>)
      %add3A_358 = arith.constant 3 : i32
      %add3A_359 = arith.addi %add3A_180, %add3A_358 : i32
      %min3A_360 = arith.minsi %add3A_359, %sub3A_31 : i32
      %mul3A_361 = arith.constant 32 : i32
      %mul3A_362 = arith.muli %min3A_360, %mul3A_361 : i32
      %dma_start3A_363 = arith.constant 0 : i32
      %dma_start3A_364 = tpu.memref_slice %arg4[%dma_start3A_363, %mul3A_362] : memref<2x320000xi32, #tpu.memory_space<hbm>> -> memref<2x32xi32, #tpu.memory_space<hbm>>
      %dma_start3A_365 = arith.constant 0 : i32
      %dma_start3A_366 = tpu.memref_slice %arg4[%dma_start3A_365, %mul3A_362] : memref<2x320000xi32, #tpu.memory_space<hbm>> -> memref<2x32xi32, #tpu.memory_space<hbm>>
      tpu.enqueue_dma source(%dma_start3A_366 : memref<2x32xi32, #tpu.memory_space<hbm>>) target(%arg8 : memref<2x32xi32, #tpu.memory_space<vmem>>) target_semaphore(%arg24 : memref<!tpu.dma_semaphore, #tpu.memory_space<semaphore_mem>>)
      "tpu.region"() ({
        %run_scoped3A = tpu.sem_alloc : memref<!tpu.dma_semaphore, #tpu.memory_space<semaphore_mem>>
        %dma_start3A_368 = arith.constant 0 : i32
        %dma_start3A_369 = tpu.memref_slice %arg5[%mul3A_362, %dma_start3A_368] : memref<320000x16xf32, #tpu.memory_space<hbm>> -> memref<32x16xf32, #tpu.memory_space<hbm>>
        %dma_start3A_370 = arith.constant 0 : i32
        %dma_start3A_371 = tpu.memref_slice %arg5[%mul3A_362, %dma_start3A_370] : memref<320000x16xf32, #tpu.memory_space<hbm>> -> memref<32x16xf32, #tpu.memory_space<hbm>>
        tpu.enqueue_dma source(%dma_start3A_371 : memref<32x16xf32, #tpu.memory_space<hbm>>) target(%arg10 : memref<32x16xf32, #tpu.memory_space<vmem>>) target_semaphore(%run_scoped3A : memref<!tpu.dma_semaphore, #tpu.memory_space<semaphore_mem>>)
        %dma_wait3A_372 = arith.constant 0 : i32
        %dma_wait3A_373 = tpu.memref_slice %arg5[%mul3A_362, %dma_wait3A_372] : memref<320000x16xf32, #tpu.memory_space<hbm>> -> memref<32x16xf32, #tpu.memory_space<hbm>>
        %dma_wait3A_374 = arith.constant 0 : i32
        %dma_wait3A_375 = tpu.memref_slice %arg5[%mul3A_362, %dma_wait3A_374] : memref<320000x16xf32, #tpu.memory_space<hbm>> -> memref<32x16xf32, #tpu.memory_space<hbm>>
        tpu.wait_dma2 semaphore(%run_scoped3A : memref<!tpu.dma_semaphore, #tpu.memory_space<semaphore_mem>>) src(%dma_wait3A_375 : memref<32x16xf32, #tpu.memory_space<hbm>>) dst(%arg10 : memref<32x16xf32, #tpu.memory_space<vmem>>)
        tpu.yield
      }) : () -> ()
      %while3A_367 = arith.constant 0 : i32
      scf.yield %while3A_367 : i32
    }
    %while3A_135 = arith.constant 1 : i32
    %while3A_136 = scf.for %while3A_176 = %while3A_132 to %while3A_128 step %while3A_135 iter_args(%while3A_177 = %while3A_134) -> (i32)  : i32 {
      %mul3A_178 = arith.constant 2 : i32
      %mul3A_179 = arith.muli %mul3A_178, %while3A_176 : i32
      %add3A_180 = arith.addi %add3A_24, %mul3A_179 : i32
      %dma_wait3A_181 = arith.constant 1 : i32
      %dma_wait3A_182 = arith.constant 0 : i32
      %dma_wait3A_183 = tpu.memref_slice %arg7[%dma_wait3A_181, %dma_wait3A_182] : memref<2x32xi32, #tpu.memory_space<vmem>> -> memref<1x32xi32, #tpu.memory_space<vmem>>
      %dma_wait3A_184 = tpu.memref_squeeze %dma_wait3A_183 : memref<1x32xi32, #tpu.memory_space<vmem>> -> memref<32xi32, #tpu.memory_space<vmem>>
      %dma_wait3A_185 = arith.constant 0 : i32
      %dma_wait3A_186 = arith.constant 0 : i32
      %dma_wait3A_187 = tpu.memref_slice %arg2[%dma_wait3A_185, %dma_wait3A_186] : memref<10000x144xf32, #tpu.memory_space<hbm>> -> memref<10000x144xf32, #tpu.memory_space<hbm>>
      tpu.wait_indirect_dma semaphore(%arg19 : memref<!tpu.dma_semaphore, #tpu.memory_space<semaphore_mem>>) src(%dma_wait3A_187 : memref<10000x144xf32, #tpu.memory_space<hbm>>) dst(%arg11 : memref<32x144xf32, #tpu.memory_space<vmem>>)
      %dma_wait3A_188 = arith.constant 0 : i32
      %dma_wait3A_189 = arith.constant 0 : i32
      %dma_wait3A_190 = tpu.memref_slice %arg7[%dma_wait3A_188, %dma_wait3A_189] : memref<2x32xi32, #tpu.memory_space<vmem>> -> memref<1x32xi32, #tpu.memory_space<vmem>>
      %dma_wait3A_191 = tpu.memref_squeeze %dma_wait3A_190 : memref<1x32xi32, #tpu.memory_space<vmem>> -> memref<32xi32, #tpu.memory_space<vmem>>
      %dma_wait3A_192 = arith.constant 0 : i32
      %dma_wait3A_193 = arith.constant 0 : i32
      %dma_wait3A_194 = tpu.memref_slice %arg3[%dma_wait3A_192, %dma_wait3A_193] : memref<10000x256xf32, #tpu.memory_space<hbm>> -> memref<10000x256xf32, #tpu.memory_space<hbm>>
      tpu.wait_indirect_dma semaphore(%arg20 : memref<!tpu.dma_semaphore, #tpu.memory_space<semaphore_mem>>) src(%dma_wait3A_194 : memref<10000x256xf32, #tpu.memory_space<hbm>>) dst(%arg13 : memref<32x256xf32, #tpu.memory_space<vmem>>)
      %dma_wait3A_195 = arith.constant 0 : i32
      %dma_wait3A_196 = arith.constant 0 : i32
      %dma_wait3A_197 = tpu.memref_slice %arg4[%dma_wait3A_195, %dma_wait3A_196] : memref<2x320000xi32, #tpu.memory_space<hbm>> -> memref<2x32xi32, #tpu.memory_space<hbm>>
      %dma_wait3A_198 = arith.constant 0 : i32
      %dma_wait3A_199 = arith.constant 0 : i32
      %dma_wait3A_200 = tpu.memref_slice %arg4[%dma_wait3A_198, %dma_wait3A_199] : memref<2x320000xi32, #tpu.memory_space<hbm>> -> memref<2x32xi32, #tpu.memory_space<hbm>>
      tpu.wait_dma2 semaphore(%arg24 : memref<!tpu.dma_semaphore, #tpu.memory_space<semaphore_mem>>) src(%dma_wait3A_200 : memref<2x32xi32, #tpu.memory_space<hbm>>) dst(%arg8 : memref<2x32xi32, #tpu.memory_space<vmem>>)
      %dma_start3A_201 = arith.constant 1 : i32
      %dma_start3A_202 = arith.constant 0 : i32
      %dma_start3A_203 = tpu.memref_slice %arg8[%dma_start3A_201, %dma_start3A_202] : memref<2x32xi32, #tpu.memory_space<vmem>> -> memref<1x32xi32, #tpu.memory_space<vmem>>
      %dma_start3A_204 = tpu.memref_squeeze %dma_start3A_203 : memref<1x32xi32, #tpu.memory_space<vmem>> -> memref<32xi32, #tpu.memory_space<vmem>>
      %dma_start3A_205 = arith.constant 0 : i32
      %dma_start3A_206 = arith.constant 0 : i32
      %dma_start3A_207 = tpu.memref_slice %arg2[%dma_start3A_205, %dma_start3A_206] : memref<10000x144xf32, #tpu.memory_space<hbm>> -> memref<10000x144xf32, #tpu.memory_space<hbm>>
      tpu.enqueue_indirect_dma source(%dma_start3A_207 : memref<10000x144xf32, #tpu.memory_space<hbm>>) target(%arg12 : memref<32x144xf32, #tpu.memory_space<vmem>>) offsets(%dma_start3A_204 : memref<32xi32, #tpu.memory_space<vmem>>) semaphore(%arg21 : memref<!tpu.dma_semaphore, #tpu.memory_space<semaphore_mem>>)
      %dma_start3A_208 = arith.constant 0 : i32
      %dma_start3A_209 = arith.constant 0 : i32
      %dma_start3A_210 = tpu.memref_slice %arg8[%dma_start3A_208, %dma_start3A_209] : memref<2x32xi32, #tpu.memory_space<vmem>> -> memref<1x32xi32, #tpu.memory_space<vmem>>
      %dma_start3A_211 = tpu.memref_squeeze %dma_start3A_210 : memref<1x32xi32, #tpu.memory_space<vmem>> -> memref<32xi32, #tpu.memory_space<vmem>>
      %dma_start3A_212 = arith.constant 0 : i32
      %dma_start3A_213 = arith.constant 0 : i32
      %dma_start3A_214 = tpu.memref_slice %arg3[%dma_start3A_212, %dma_start3A_213] : memref<10000x256xf32, #tpu.memory_space<hbm>> -> memref<10000x256xf32, #tpu.memory_space<hbm>>
      tpu.enqueue_indirect_dma source(%dma_start3A_214 : memref<10000x256xf32, #tpu.memory_space<hbm>>) target(%arg14 : memref<32x256xf32, #tpu.memory_space<vmem>>) offsets(%dma_start3A_211 : memref<32xi32, #tpu.memory_space<vmem>>) semaphore(%arg22 : memref<!tpu.dma_semaphore, #tpu.memory_space<semaphore_mem>>)
      %scan3A_215 = arith.constant 0 : i32
      %scan3A_216 = arith.constant 0 : i32
      %scan3A_217 = arith.constant 32 : i32
      %scan3A_218 = arith.addi %scan3A_216, %scan3A_217 : i32
      %scan3A_219 = arith.constant 1 : i32
      %scan3A_220 = scf.for %scan3A_368 = %scan3A_216 to %scan3A_218 step %scan3A_219 iter_args(%scan3A_369 = %scan3A_215) -> (i32)  : i32 {
        %get3A_370 = arith.index_cast %scan3A_368 : i32 to index
        %get3A_371 = arith.constant 0 : index
        %get3A_372 = tpu.vector_load %arg11[%get3A_370, %get3A_371] {strides = array<i32>} : memref<32x144xf32, #tpu.memory_space<vmem>>, vector<1x16xf32>,
        %get3A_373 = vector.shape_cast %get3A_372 : vector<1x16xf32> to vector<16xf32>
        %get3A_374 = arith.index_cast %scan3A_368 : i32 to index
        %get3A_375 = arith.constant 0 : index
        %get3A_376 = tpu.vector_load %arg13[%get3A_374, %get3A_375] {strides = array<i32>} : memref<32x256xf32, #tpu.memory_space<vmem>>, vector<1x16xf32>,
        %get3A_377 = vector.shape_cast %get3A_376 : vector<1x16xf32> to vector<16xf32>
        %mul3A_378 = arith.mulf %get3A_373, %get3A_377 : vector<16xf32>
        %get3A_379 = arith.index_cast %scan3A_368 : i32 to index
        %get3A_380 = arith.constant 16 : index
        %get3A_381 = tpu.vector_load %arg11[%get3A_379, %get3A_380] {strides = array<i32>} : memref<32x144xf32, #tpu.memory_space<vmem>>, vector<1x16xf32>,
        %get3A_382 = vector.shape_cast %get3A_381 : vector<1x16xf32> to vector<16xf32>
        %get3A_383 = arith.index_cast %scan3A_368 : i32 to index
        %get3A_384 = arith.constant 16 : index
        %get3A_385 = tpu.vector_load %arg13[%get3A_383, %get3A_384] {strides = array<i32>} : memref<32x256xf32, #tpu.memory_space<vmem>>, vector<1x16xf32>,
        %get3A_386 = vector.shape_cast %get3A_385 : vector<1x16xf32> to vector<16xf32>
        %mul3A_387 = arith.mulf %get3A_382, %get3A_386 : vector<16xf32>
        %add3A_388 = arith.addf %mul3A_378, %mul3A_387 : vector<16xf32>
        %get3A_389 = arith.index_cast %scan3A_368 : i32 to index
        %get3A_390 = arith.constant 32 : index
        %get3A_391 = tpu.vector_load %arg11[%get3A_389, %get3A_390] {strides = array<i32>} : memref<32x144xf32, #tpu.memory_space<vmem>>, vector<1x16xf32>,
        %get3A_392 = vector.shape_cast %get3A_391 : vector<1x16xf32> to vector<16xf32>
        %get3A_393 = arith.index_cast %scan3A_368 : i32 to index
        %get3A_394 = arith.constant 32 : index
        %get3A_395 = tpu.vector_load %arg13[%get3A_393, %get3A_394] {strides = array<i32>} : memref<32x256xf32, #tpu.memory_space<vmem>>, vector<1x16xf32>,
        %get3A_396 = vector.shape_cast %get3A_395 : vector<1x16xf32> to vector<16xf32>
        %mul3A_397 = arith.mulf %get3A_392, %get3A_396 : vector<16xf32>
        %add3A_398 = arith.addf %add3A_388, %mul3A_397 : vector<16xf32>
        %get3A_399 = arith.index_cast %scan3A_368 : i32 to index
        %get3A_400 = arith.constant 48 : index
        %get3A_401 = tpu.vector_load %arg11[%get3A_399, %get3A_400] {strides = array<i32>} : memref<32x144xf32, #tpu.memory_space<vmem>>, vector<1x16xf32>,
        %get3A_402 = vector.shape_cast %get3A_401 : vector<1x16xf32> to vector<16xf32>
        %get3A_403 = arith.index_cast %scan3A_368 : i32 to index
        %get3A_404 = arith.constant 48 : index
        %get3A_405 = tpu.vector_load %arg13[%get3A_403, %get3A_404] {strides = array<i32>} : memref<32x256xf32, #tpu.memory_space<vmem>>, vector<1x16xf32>,
        %get3A_406 = vector.shape_cast %get3A_405 : vector<1x16xf32> to vector<16xf32>
        %mul3A_407 = arith.mulf %get3A_402, %get3A_406 : vector<16xf32>
        %add3A_408 = arith.addf %add3A_398, %mul3A_407 : vector<16xf32>
        %get3A_409 = arith.index_cast %scan3A_368 : i32 to index
        %get3A_410 = arith.constant 64 : index
        %get3A_411 = tpu.vector_load %arg11[%get3A_409, %get3A_410] {strides = array<i32>} : memref<32x144xf32, #tpu.memory_space<vmem>>, vector<1x16xf32>,
        %get3A_412 = vector.shape_cast %get3A_411 : vector<1x16xf32> to vector<16xf32>
        %get3A_413 = arith.index_cast %scan3A_368 : i32 to index
        %get3A_414 = arith.constant 64 : index
        %get3A_415 = tpu.vector_load %arg13[%get3A_413, %get3A_414] {strides = array<i32>} : memref<32x256xf32, #tpu.memory_space<vmem>>, vector<1x16xf32>,
        %get3A_416 = vector.shape_cast %get3A_415 : vector<1x16xf32> to vector<16xf32>
        %mul3A_417 = arith.mulf %get3A_412, %get3A_416 : vector<16xf32>
        %add3A_418 = arith.addf %add3A_408, %mul3A_417 : vector<16xf32>
        %get3A_419 = arith.index_cast %scan3A_368 : i32 to index
        %get3A_420 = arith.constant 80 : index
        %get3A_421 = tpu.vector_load %arg11[%get3A_419, %get3A_420] {strides = array<i32>} : memref<32x144xf32, #tpu.memory_space<vmem>>, vector<1x16xf32>,
        %get3A_422 = vector.shape_cast %get3A_421 : vector<1x16xf32> to vector<16xf32>
        %get3A_423 = arith.index_cast %scan3A_368 : i32 to index
        %get3A_424 = arith.constant 80 : index
        %get3A_425 = tpu.vector_load %arg13[%get3A_423, %get3A_424] {strides = array<i32>} : memref<32x256xf32, #tpu.memory_space<vmem>>, vector<1x16xf32>,
        %get3A_426 = vector.shape_cast %get3A_425 : vector<1x16xf32> to vector<16xf32>
        %mul3A_427 = arith.mulf %get3A_422, %get3A_426 : vector<16xf32>
        %add3A_428 = arith.addf %add3A_418, %mul3A_427 : vector<16xf32>
        %get3A_429 = arith.index_cast %scan3A_368 : i32 to index
        %get3A_430 = arith.constant 96 : index
        %get3A_431 = tpu.vector_load %arg11[%get3A_429, %get3A_430] {strides = array<i32>} : memref<32x144xf32, #tpu.memory_space<vmem>>, vector<1x16xf32>,
        %get3A_432 = vector.shape_cast %get3A_431 : vector<1x16xf32> to vector<16xf32>
        %get3A_433 = arith.index_cast %scan3A_368 : i32 to index
        %get3A_434 = arith.constant 96 : index
        %get3A_435 = tpu.vector_load %arg13[%get3A_433, %get3A_434] {strides = array<i32>} : memref<32x256xf32, #tpu.memory_space<vmem>>, vector<1x16xf32>,
        %get3A_436 = vector.shape_cast %get3A_435 : vector<1x16xf32> to vector<16xf32>
        %mul3A_437 = arith.mulf %get3A_432, %get3A_436 : vector<16xf32>
        %add3A_438 = arith.addf %add3A_428, %mul3A_437 : vector<16xf32>
        %get3A_439 = arith.index_cast %scan3A_368 : i32 to index
        %get3A_440 = arith.constant 112 : index
        %get3A_441 = tpu.vector_load %arg11[%get3A_439, %get3A_440] {strides = array<i32>} : memref<32x144xf32, #tpu.memory_space<vmem>>, vector<1x16xf32>,
        %get3A_442 = vector.shape_cast %get3A_441 : vector<1x16xf32> to vector<16xf32>
        %get3A_443 = arith.index_cast %scan3A_368 : i32 to index
        %get3A_444 = arith.constant 112 : index
        %get3A_445 = tpu.vector_load %arg13[%get3A_443, %get3A_444] {strides = array<i32>} : memref<32x256xf32, #tpu.memory_space<vmem>>, vector<1x16xf32>,
        %get3A_446 = vector.shape_cast %get3A_445 : vector<1x16xf32> to vector<16xf32>
        %mul3A_447 = arith.mulf %get3A_442, %get3A_446 : vector<16xf32>
        %add3A_448 = arith.addf %add3A_438, %mul3A_447 : vector<16xf32>
        %get3A_449 = arith.index_cast %scan3A_368 : i32 to index
        %get3A_450 = arith.constant 128 : index
        %get3A_451 = tpu.vector_load %arg11[%get3A_449, %get3A_450] {strides = array<i32>} : memref<32x144xf32, #tpu.memory_space<vmem>>, vector<1x16xf32>,
        %get3A_452 = vector.shape_cast %get3A_451 : vector<1x16xf32> to vector<16xf32>
        %get3A_453 = arith.index_cast %scan3A_368 : i32 to index
        %get3A_454 = arith.constant 0 : index
        %get3A_455 = tpu.vector_load %arg9[%get3A_453, %get3A_454] {strides = array<i32>} : memref<32x16xf32, #tpu.memory_space<vmem>>, vector<1x16xf32>,
        %get3A_456 = vector.shape_cast %get3A_455 : vector<1x16xf32> to vector<16xf32>
        %mul3A_457 = arith.mulf %get3A_452, %get3A_456 : vector<16xf32>
        %add3A_458 = arith.addf %add3A_448, %mul3A_457 : vector<16xf32>
        %iota3A_459 = tpu.iota {dimensions = array<i32: 0>} : vector<16xi32>
        %xor3A = arith.constant 1 : i32
        %xor3A_460 = vector.broadcast %xor3A : i32 to vector<16xi32>
        %xor3A_461 = arith.xori %iota3A_459, %xor3A_460 : vector<16xi32>
        %broadcast_in_dim3A_462 = vector.shape_cast %xor3A_461 : vector<16xi32> to vector<16x1xi32>
        %gather3A = vector.shape_cast %broadcast_in_dim3A_462 : vector<16x1xi32> to vector<16xi32>
        %gather3A_463 = tpu.dynamic_gather %add3A_458[%gather3A] in [0] : vector<16xf32>, vector<16xi32> -> vector<16xf32>
        %add3A_464 = arith.addf %add3A_458, %gather3A_463 : vector<16xf32>
        %iota3A_465 = tpu.iota {dimensions = array<i32: 0>} : vector<16xi32>
        %xor3A_466 = arith.constant 2 : i32
        %xor3A_467 = vector.broadcast %xor3A_466 : i32 to vector<16xi32>
        %xor3A_468 = arith.xori %iota3A_465, %xor3A_467 : vector<16xi32>
        %broadcast_in_dim3A_469 = vector.shape_cast %xor3A_468 : vector<16xi32> to vector<16x1xi32>
        %gather3A_470 = vector.shape_cast %broadcast_in_dim3A_469 : vector<16x1xi32> to vector<16xi32>
        %gather3A_471 = tpu.dynamic_gather %add3A_464[%gather3A_470] in [0] : vector<16xf32>, vector<16xi32> -> vector<16xf32>
        %add3A_472 = arith.addf %add3A_464, %gather3A_471 : vector<16xf32>
        %iota3A_473 = tpu.iota {dimensions = array<i32: 0>} : vector<16xi32>
        %xor3A_474 = arith.constant 4 : i32
        %xor3A_475 = vector.broadcast %xor3A_474 : i32 to vector<16xi32>
        %xor3A_476 = arith.xori %iota3A_473, %xor3A_475 : vector<16xi32>
        %broadcast_in_dim3A_477 = vector.shape_cast %xor3A_476 : vector<16xi32> to vector<16x1xi32>
        %gather3A_478 = vector.shape_cast %broadcast_in_dim3A_477 : vector<16x1xi32> to vector<16xi32>
        %gather3A_479 = tpu.dynamic_gather %add3A_472[%gather3A_478] in [0] : vector<16xf32>, vector<16xi32> -> vector<16xf32>
        %add3A_480 = arith.addf %add3A_472, %gather3A_479 : vector<16xf32>
        %iota3A_481 = tpu.iota {dimensions = array<i32: 0>} : vector<16xi32>
        %xor3A_482 = arith.constant 8 : i32
        %xor3A_483 = vector.broadcast %xor3A_482 : i32 to vector<16xi32>
        %xor3A_484 = arith.xori %iota3A_481, %xor3A_483 : vector<16xi32>
        %broadcast_in_dim3A_485 = vector.shape_cast %xor3A_484 : vector<16xi32> to vector<16x1xi32>
        %gather3A_486 = vector.shape_cast %broadcast_in_dim3A_485 : vector<16x1xi32> to vector<16xi32>
        %gather3A_487 = tpu.dynamic_gather %add3A_480[%gather3A_486] in [0] : vector<16xf32>, vector<16xi32> -> vector<16xf32>
        %add3A_488 = arith.addf %add3A_480, %gather3A_487 : vector<16xf32>
        %exp3A = math.exp %add3A_488 : vector<16xf32>
        %swap3A_489 = arith.index_cast %scan3A_368 : i32 to index
        %swap3A_490 = arith.constant 0 : index
        %swap3A_491 = tpu.vector_load %arg16[%swap3A_489, %swap3A_490] {strides = array<i32>} : memref<32x16xf32, #tpu.memory_space<vmem>>, vector<1x16xf32>,
        %swap3A_492 = vector.shape_cast %swap3A_491 : vector<1x16xf32> to vector<16xf32>
        %swap3A_493 = vector.shape_cast %exp3A : vector<16xf32> to vector<1x16xf32>
        tpu.vector_store %arg16[%swap3A_489, %swap3A_490], %swap3A_493 {strides = array<i32>} : memref<32x16xf32, #tpu.memory_space<vmem>>, vector<1x16xf32>,
        %scan3A_494 = arith.constant 0 : i32
        scf.yield %scan3A_494 : i32
      }
      %scan3A_221 = arith.constant 32 : i32
      %dma_wait3A_222 = arith.constant 0 : i32
      %dma_wait3A_223 = arith.constant 0 : i32
      %dma_wait3A_224 = tpu.memref_slice %arg17[%dma_wait3A_222, %dma_wait3A_223] : memref<1x32xi32, #tpu.memory_space<vmem>> -> memref<1x32xi32, #tpu.memory_space<vmem>>
      %dma_wait3A_225 = tpu.memref_squeeze %dma_wait3A_224 : memref<1x32xi32, #tpu.memory_space<vmem>> -> memref<32xi32, #tpu.memory_space<vmem>>
      %dma_wait3A_226 = arith.constant 0 : i32
      %dma_wait3A_227 = arith.constant 0 : i32
      %dma_wait3A_228 = tpu.memref_slice %arg18[%dma_wait3A_226, %dma_wait3A_227] : memref<10000x152xf32, #tpu.memory_space<vmem_shared>> -> memref<10000x152xf32, #tpu.memory_space<vmem_shared>>
      tpu.wait_indirect_dma semaphore(%arg25 : memref<!tpu.dma_semaphore, #tpu.memory_space<semaphore_mem>>) src(%arg15 : memref<32x152xf32, #tpu.memory_space<vmem>>) dst(%dma_wait3A_228 : memref<10000x152xf32, #tpu.memory_space<vmem_shared>>)
      %scan3A_229 = arith.constant 0 : i32
      %scan3A_230 = arith.constant 0 : i32
      %scan3A_231 = arith.constant 32 : i32
      %scan3A_232 = arith.addi %scan3A_230, %scan3A_231 : i32
      %scan3A_233 = arith.constant 1 : i32
      %scan3A_234 = scf.for %scan3A_368 = %scan3A_230 to %scan3A_232 step %scan3A_233 iter_args(%scan3A_369 = %scan3A_229) -> (i32)  : i32 {
        %get3A_370 = arith.index_cast %scan3A_368 : i32 to index
        %get3A_371 = arith.constant 0 : index
        %get3A_372 = tpu.vector_load %arg16[%get3A_370, %get3A_371] {strides = array<i32>} : memref<32x16xf32, #tpu.memory_space<vmem>>, vector<1x16xf32>,
        %get3A_373 = vector.shape_cast %get3A_372 : vector<1x16xf32> to vector<16xf32>
        %get3A_374 = arith.index_cast %scan3A_368 : i32 to index
        %get3A_375 = arith.constant 128 : index
        %get3A_376 = tpu.vector_load %arg13[%get3A_374, %get3A_375] {strides = array<i32>} : memref<32x256xf32, #tpu.memory_space<vmem>>, vector<1x16xf32>,
        %get3A_377 = vector.shape_cast %get3A_376 : vector<1x16xf32> to vector<16xf32>
        %mul3A_378 = arith.mulf %get3A_373, %get3A_377 : vector<16xf32>
        %swap3A_379 = arith.index_cast %scan3A_368 : i32 to index
        %swap3A_380 = arith.constant 0 : index
        %swap3A_381 = tpu.vector_load %arg15[%swap3A_379, %swap3A_380] {strides = array<i32>} : memref<32x152xf32, #tpu.memory_space<vmem>>, vector<1x16xf32>,
        %swap3A_382 = vector.shape_cast %swap3A_381 : vector<1x16xf32> to vector<16xf32>
        %swap3A_383 = vector.shape_cast %mul3A_378 : vector<16xf32> to vector<1x16xf32>
        tpu.vector_store %arg15[%swap3A_379, %swap3A_380], %swap3A_383 {strides = array<i32>} : memref<32x152xf32, #tpu.memory_space<vmem>>, vector<1x16xf32>,
        %get3A_384 = arith.index_cast %scan3A_368 : i32 to index
        %get3A_385 = arith.constant 144 : index
        %get3A_386 = tpu.vector_load %arg13[%get3A_384, %get3A_385] {strides = array<i32>} : memref<32x256xf32, #tpu.memory_space<vmem>>, vector<1x16xf32>,
        %get3A_387 = vector.shape_cast %get3A_386 : vector<1x16xf32> to vector<16xf32>
        %mul3A_388 = arith.mulf %get3A_373, %get3A_387 : vector<16xf32>
        %swap3A_389 = arith.index_cast %scan3A_368 : i32 to index
        %swap3A_390 = arith.constant 16 : index
        %swap3A_391 = tpu.vector_load %arg15[%swap3A_389, %swap3A_390] {strides = array<i32>} : memref<32x152xf32, #tpu.memory_space<vmem>>, vector<1x16xf32>,
        %swap3A_392 = vector.shape_cast %swap3A_391 : vector<1x16xf32> to vector<16xf32>
        %swap3A_393 = vector.shape_cast %mul3A_388 : vector<16xf32> to vector<1x16xf32>
        tpu.vector_store %arg15[%swap3A_389, %swap3A_390], %swap3A_393 {strides = array<i32>} : memref<32x152xf32, #tpu.memory_space<vmem>>, vector<1x16xf32>,
        %get3A_394 = arith.index_cast %scan3A_368 : i32 to index
        %get3A_395 = arith.constant 160 : index
        %get3A_396 = tpu.vector_load %arg13[%get3A_394, %get3A_395] {strides = array<i32>} : memref<32x256xf32, #tpu.memory_space<vmem>>, vector<1x16xf32>,
        %get3A_397 = vector.shape_cast %get3A_396 : vector<1x16xf32> to vector<16xf32>
        %mul3A_398 = arith.mulf %get3A_373, %get3A_397 : vector<16xf32>
        %swap3A_399 = arith.index_cast %scan3A_368 : i32 to index
        %swap3A_400 = arith.constant 32 : index
        %swap3A_401 = tpu.vector_load %arg15[%swap3A_399, %swap3A_400] {strides = array<i32>} : memref<32x152xf32, #tpu.memory_space<vmem>>, vector<1x16xf32>,
        %swap3A_402 = vector.shape_cast %swap3A_401 : vector<1x16xf32> to vector<16xf32>
        %swap3A_403 = vector.shape_cast %mul3A_398 : vector<16xf32> to vector<1x16xf32>
        tpu.vector_store %arg15[%swap3A_399, %swap3A_400], %swap3A_403 {strides = array<i32>} : memref<32x152xf32, #tpu.memory_space<vmem>>, vector<1x16xf32>,
        %get3A_404 = arith.index_cast %scan3A_368 : i32 to index
        %get3A_405 = arith.constant 176 : index
        %get3A_406 = tpu.vector_load %arg13[%get3A_404, %get3A_405] {strides = array<i32>} : memref<32x256xf32, #tpu.memory_space<vmem>>, vector<1x16xf32>,
        %get3A_407 = vector.shape_cast %get3A_406 : vector<1x16xf32> to vector<16xf32>
        %mul3A_408 = arith.mulf %get3A_373, %get3A_407 : vector<16xf32>
        %swap3A_409 = arith.index_cast %scan3A_368 : i32 to index
        %swap3A_410 = arith.constant 48 : index
        %swap3A_411 = tpu.vector_load %arg15[%swap3A_409, %swap3A_410] {strides = array<i32>} : memref<32x152xf32, #tpu.memory_space<vmem>>, vector<1x16xf32>,
        %swap3A_412 = vector.shape_cast %swap3A_411 : vector<1x16xf32> to vector<16xf32>
        %swap3A_413 = vector.shape_cast %mul3A_408 : vector<16xf32> to vector<1x16xf32>
        tpu.vector_store %arg15[%swap3A_409, %swap3A_410], %swap3A_413 {strides = array<i32>} : memref<32x152xf32, #tpu.memory_space<vmem>>, vector<1x16xf32>,
        %get3A_414 = arith.index_cast %scan3A_368 : i32 to index
        %get3A_415 = arith.constant 192 : index
        %get3A_416 = tpu.vector_load %arg13[%get3A_414, %get3A_415] {strides = array<i32>} : memref<32x256xf32, #tpu.memory_space<vmem>>, vector<1x16xf32>,
        %get3A_417 = vector.shape_cast %get3A_416 : vector<1x16xf32> to vector<16xf32>
        %mul3A_418 = arith.mulf %get3A_373, %get3A_417 : vector<16xf32>
        %swap3A_419 = arith.index_cast %scan3A_368 : i32 to index
        %swap3A_420 = arith.constant 64 : index
        %swap3A_421 = tpu.vector_load %arg15[%swap3A_419, %swap3A_420] {strides = array<i32>} : memref<32x152xf32, #tpu.memory_space<vmem>>, vector<1x16xf32>,
        %swap3A_422 = vector.shape_cast %swap3A_421 : vector<1x16xf32> to vector<16xf32>
        %swap3A_423 = vector.shape_cast %mul3A_418 : vector<16xf32> to vector<1x16xf32>
        tpu.vector_store %arg15[%swap3A_419, %swap3A_420], %swap3A_423 {strides = array<i32>} : memref<32x152xf32, #tpu.memory_space<vmem>>, vector<1x16xf32>,
        %get3A_424 = arith.index_cast %scan3A_368 : i32 to index
        %get3A_425 = arith.constant 208 : index
        %get3A_426 = tpu.vector_load %arg13[%get3A_424, %get3A_425] {strides = array<i32>} : memref<32x256xf32, #tpu.memory_space<vmem>>, vector<1x16xf32>,
        %get3A_427 = vector.shape_cast %get3A_426 : vector<1x16xf32> to vector<16xf32>
        %mul3A_428 = arith.mulf %get3A_373, %get3A_427 : vector<16xf32>
        %swap3A_429 = arith.index_cast %scan3A_368 : i32 to index
        %swap3A_430 = arith.constant 80 : index
        %swap3A_431 = tpu.vector_load %arg15[%swap3A_429, %swap3A_430] {strides = array<i32>} : memref<32x152xf32, #tpu.memory_space<vmem>>, vector<1x16xf32>,
        %swap3A_432 = vector.shape_cast %swap3A_431 : vector<1x16xf32> to vector<16xf32>
        %swap3A_433 = vector.shape_cast %mul3A_428 : vector<16xf32> to vector<1x16xf32>
        tpu.vector_store %arg15[%swap3A_429, %swap3A_430], %swap3A_433 {strides = array<i32>} : memref<32x152xf32, #tpu.memory_space<vmem>>, vector<1x16xf32>,
        %get3A_434 = arith.index_cast %scan3A_368 : i32 to index
        %get3A_435 = arith.constant 224 : index
        %get3A_436 = tpu.vector_load %arg13[%get3A_434, %get3A_435] {strides = array<i32>} : memref<32x256xf32, #tpu.memory_space<vmem>>, vector<1x16xf32>,
        %get3A_437 = vector.shape_cast %get3A_436 : vector<1x16xf32> to vector<16xf32>
        %mul3A_438 = arith.mulf %get3A_373, %get3A_437 : vector<16xf32>
        %swap3A_439 = arith.index_cast %scan3A_368 : i32 to index
        %swap3A_440 = arith.constant 96 : index
        %swap3A_441 = tpu.vector_load %arg15[%swap3A_439, %swap3A_440] {strides = array<i32>} : memref<32x152xf32, #tpu.memory_space<vmem>>, vector<1x16xf32>,
        %swap3A_442 = vector.shape_cast %swap3A_441 : vector<1x16xf32> to vector<16xf32>
        %swap3A_443 = vector.shape_cast %mul3A_438 : vector<16xf32> to vector<1x16xf32>
        tpu.vector_store %arg15[%swap3A_439, %swap3A_440], %swap3A_443 {strides = array<i32>} : memref<32x152xf32, #tpu.memory_space<vmem>>, vector<1x16xf32>,
        %get3A_444 = arith.index_cast %scan3A_368 : i32 to index
        %get3A_445 = arith.constant 240 : index
        %get3A_446 = tpu.vector_load %arg13[%get3A_444, %get3A_445] {strides = array<i32>} : memref<32x256xf32, #tpu.memory_space<vmem>>, vector<1x16xf32>,
        %get3A_447 = vector.shape_cast %get3A_446 : vector<1x16xf32> to vector<16xf32>
        %mul3A_448 = arith.mulf %get3A_373, %get3A_447 : vector<16xf32>
        %swap3A_449 = arith.index_cast %scan3A_368 : i32 to index
        %swap3A_450 = arith.constant 112 : index
        %swap3A_451 = tpu.vector_load %arg15[%swap3A_449, %swap3A_450] {strides = array<i32>} : memref<32x152xf32, #tpu.memory_space<vmem>>, vector<1x16xf32>,
        %swap3A_452 = vector.shape_cast %swap3A_451 : vector<1x16xf32> to vector<16xf32>
        %swap3A_453 = vector.shape_cast %mul3A_448 : vector<16xf32> to vector<1x16xf32>
        tpu.vector_store %arg15[%swap3A_449, %swap3A_450], %swap3A_453 {strides = array<i32>} : memref<32x152xf32, #tpu.memory_space<vmem>>, vector<1x16xf32>,
        %get3A_454 = arith.index_cast %scan3A_368 : i32 to index
        %get3A_455 = arith.constant 0 : index
        %get3A_456 = tpu.vector_load %arg9[%get3A_454, %get3A_455] {strides = array<i32>} : memref<32x16xf32, #tpu.memory_space<vmem>>, vector<1x16xf32>,
        %get3A_457 = vector.shape_cast %get3A_456 : vector<1x16xf32> to vector<16xf32>
        %mul3A_458 = arith.mulf %get3A_373, %get3A_457 : vector<16xf32>
        %swap3A_459 = arith.index_cast %scan3A_368 : i32 to index
        %swap3A_460 = arith.constant 128 : index
        %swap3A_461 = tpu.vector_load %arg15[%swap3A_459, %swap3A_460] {strides = array<i32>} : memref<32x152xf32, #tpu.memory_space<vmem>>, vector<1x16xf32>,
        %swap3A_462 = vector.shape_cast %swap3A_461 : vector<1x16xf32> to vector<16xf32>
        %swap3A_463 = vector.shape_cast %mul3A_458 : vector<16xf32> to vector<1x16xf32>
        tpu.vector_store %arg15[%swap3A_459, %swap3A_460], %swap3A_463 {strides = array<i32>} : memref<32x152xf32, #tpu.memory_space<vmem>>, vector<1x16xf32>,
        %broadcast_in_dim3A_464 = vector.shape_cast %min3A_48 : vector<16xi32> to vector<16x1xi32>
        %gather3A = vector.shape_cast %broadcast_in_dim3A_464 : vector<16x1xi32> to vector<16xi32>
        %gather3A_465 = tpu.dynamic_gather %mul3A_458[%gather3A] in [0] : vector<16xf32>, vector<16xi32> -> vector<16xf32>
        %mul3A_466 = arith.mulf %gather3A_465, %sub3A_42 : vector<16xf32>
        %mul3A_467 = arith.mulf %get3A_373, %convert_element_type3A_39 : vector<16xf32>
        %add3A_468 = arith.addf %mul3A_466, %mul3A_467 : vector<16xf32>
        %swap3A_469 = arith.index_cast %scan3A_368 : i32 to index
        %swap3A_470 = arith.constant 136 : index
        %swap3A_471 = tpu.vector_load %arg15[%swap3A_469, %swap3A_470] {strides = array<i32>} : memref<32x152xf32, #tpu.memory_space<vmem>>, vector<1x16xf32>,
        %swap3A_472 = vector.shape_cast %swap3A_471 : vector<1x16xf32> to vector<16xf32>
        %swap3A_473 = vector.shape_cast %add3A_468 : vector<16xf32> to vector<1x16xf32>
        tpu.vector_store %arg15[%swap3A_469, %swap3A_470], %swap3A_473 {strides = array<i32>} : memref<32x152xf32, #tpu.memory_space<vmem>>, vector<1x16xf32>,
        %scan3A_474 = arith.constant 0 : i32
        scf.yield %scan3A_474 : i32
      }
      %scan3A_235 = arith.constant 32 : i32
      %get3A_236 = arith.constant 1 : i32
      %get3A_237 = arith.index_cast %get3A_236 : i32 to index
      %get3A_238 = arith.constant 0 : index
      %get3A_239 = tpu.vector_load %arg7[%get3A_237, %get3A_238] {strides = array<i32>} : memref<2x32xi32, #tpu.memory_space<vmem>>, vector<1x16xi32>,
      %get3A_240 = vector.shape_cast %get3A_239 : vector<1x16xi32> to vector<16xi32>
      %swap3A_241 = arith.constant 0 : i32
      %swap3A_242 = arith.index_cast %swap3A_241 : i32 to index
      %swap3A_243 = arith.constant 0 : index
      %swap3A_244 = tpu.vector_load %arg17[%swap3A_242, %swap3A_243] {strides = array<i32>} : memref<1x32xi32, #tpu.memory_space<vmem>>, vector<1x16xi32>,
      %swap3A_245 = vector.shape_cast %swap3A_244 : vector<1x16xi32> to vector<16xi32>
      %swap3A_246 = vector.shape_cast %get3A_240 : vector<16xi32> to vector<1x16xi32>
      tpu.vector_store %arg17[%swap3A_242, %swap3A_243], %swap3A_246 {strides = array<i32>} : memref<1x32xi32, #tpu.memory_space<vmem>>, vector<1x16xi32>,
      %get3A_247 = arith.constant 1 : i32
      %get3A_248 = arith.index_cast %get3A_247 : i32 to index
      %get3A_249 = arith.constant 16 : index
      %get3A_250 = tpu.vector_load %arg7[%get3A_248, %get3A_249] {strides = array<i32>} : memref<2x32xi32, #tpu.memory_space<vmem>>, vector<1x16xi32>,
      %get3A_251 = vector.shape_cast %get3A_250 : vector<1x16xi32> to vector<16xi32>
      %swap3A_252 = arith.constant 0 : i32
      %swap3A_253 = arith.index_cast %swap3A_252 : i32 to index
      %swap3A_254 = arith.constant 16 : index
      %swap3A_255 = tpu.vector_load %arg17[%swap3A_253, %swap3A_254] {strides = array<i32>} : memref<1x32xi32, #tpu.memory_space<vmem>>, vector<1x16xi32>,
      %swap3A_256 = vector.shape_cast %swap3A_255 : vector<1x16xi32> to vector<16xi32>
      %swap3A_257 = vector.shape_cast %get3A_251 : vector<16xi32> to vector<1x16xi32>
      tpu.vector_store %arg17[%swap3A_253, %swap3A_254], %swap3A_257 {strides = array<i32>} : memref<1x32xi32, #tpu.memory_space<vmem>>, vector<1x16xi32>,
      %dma_start3A_258 = arith.constant 0 : i32
      %dma_start3A_259 = arith.constant 0 : i32
      %dma_start3A_260 = tpu.memref_slice %arg17[%dma_start3A_258, %dma_start3A_259] : memref<1x32xi32, #tpu.memory_space<vmem>> -> memref<1x32xi32, #tpu.memory_space<vmem>>
      %dma_start3A_261 = tpu.memref_squeeze %dma_start3A_260 : memref<1x32xi32, #tpu.memory_space<vmem>> -> memref<32xi32, #tpu.memory_space<vmem>>
      %dma_start3A_262 = arith.constant 0 : i32
      %dma_start3A_263 = arith.constant 0 : i32
      %dma_start3A_264 = tpu.memref_slice %arg18[%dma_start3A_262, %dma_start3A_263] : memref<10000x152xf32, #tpu.memory_space<vmem_shared>> -> memref<10000x152xf32, #tpu.memory_space<vmem_shared>>
      tpu.enqueue_indirect_dma source(%arg15 : memref<32x152xf32, #tpu.memory_space<vmem>>) target(%dma_start3A_264 : memref<10000x152xf32, #tpu.memory_space<vmem_shared>>) offsets(%dma_start3A_261 : memref<32xi32, #tpu.memory_space<vmem>>) semaphore(%arg25 : memref<!tpu.dma_semaphore, #tpu.memory_space<semaphore_mem>>)
      %add3A_265 = arith.constant 2 : i32
      %add3A_266 = arith.addi %add3A_180, %add3A_265 : i32
      %min3A_267 = arith.minsi %add3A_266, %sub3A_31 : i32
      %mul3A_268 = arith.constant 32 : i32
      %mul3A_269 = arith.muli %min3A_267, %mul3A_268 : i32
      %dma_start3A_270 = arith.constant 0 : i32
      %dma_start3A_271 = tpu.memref_slice %arg4[%dma_start3A_270, %mul3A_269] : memref<2x320000xi32, #tpu.memory_space<hbm>> -> memref<2x32xi32, #tpu.memory_space<hbm>>
      %dma_start3A_272 = arith.constant 0 : i32
      %dma_start3A_273 = tpu.memref_slice %arg4[%dma_start3A_272, %mul3A_269] : memref<2x320000xi32, #tpu.memory_space<hbm>> -> memref<2x32xi32, #tpu.memory_space<hbm>>
      tpu.enqueue_dma source(%dma_start3A_273 : memref<2x32xi32, #tpu.memory_space<hbm>>) target(%arg7 : memref<2x32xi32, #tpu.memory_space<vmem>>) target_semaphore(%arg23 : memref<!tpu.dma_semaphore, #tpu.memory_space<semaphore_mem>>)
      "tpu.region"() ({
        %run_scoped3A = tpu.sem_alloc : memref<!tpu.dma_semaphore, #tpu.memory_space<semaphore_mem>>
        %dma_start3A_368 = arith.constant 0 : i32
        %dma_start3A_369 = tpu.memref_slice %arg5[%mul3A_269, %dma_start3A_368] : memref<320000x16xf32, #tpu.memory_space<hbm>> -> memref<32x16xf32, #tpu.memory_space<hbm>>
        %dma_start3A_370 = arith.constant 0 : i32
        %dma_start3A_371 = tpu.memref_slice %arg5[%mul3A_269, %dma_start3A_370] : memref<320000x16xf32, #tpu.memory_space<hbm>> -> memref<32x16xf32, #tpu.memory_space<hbm>>
        tpu.enqueue_dma source(%dma_start3A_371 : memref<32x16xf32, #tpu.memory_space<hbm>>) target(%arg9 : memref<32x16xf32, #tpu.memory_space<vmem>>) target_semaphore(%run_scoped3A : memref<!tpu.dma_semaphore, #tpu.memory_space<semaphore_mem>>)
        %dma_wait3A_372 = arith.constant 0 : i32
        %dma_wait3A_373 = tpu.memref_slice %arg5[%mul3A_269, %dma_wait3A_372] : memref<320000x16xf32, #tpu.memory_space<hbm>> -> memref<32x16xf32, #tpu.memory_space<hbm>>
        %dma_wait3A_374 = arith.constant 0 : i32
        %dma_wait3A_375 = tpu.memref_slice %arg5[%mul3A_269, %dma_wait3A_374] : memref<320000x16xf32, #tpu.memory_space<hbm>> -> memref<32x16xf32, #tpu.memory_space<hbm>>
        tpu.wait_dma2 semaphore(%run_scoped3A : memref<!tpu.dma_semaphore, #tpu.memory_space<semaphore_mem>>) src(%dma_wait3A_375 : memref<32x16xf32, #tpu.memory_space<hbm>>) dst(%arg9 : memref<32x16xf32, #tpu.memory_space<vmem>>)
        tpu.yield
      }) : () -> ()
      %dma_wait3A_274 = arith.constant 1 : i32
      %dma_wait3A_275 = arith.constant 0 : i32
      %dma_wait3A_276 = tpu.memref_slice %arg8[%dma_wait3A_274, %dma_wait3A_275] : memref<2x32xi32, #tpu.memory_space<vmem>> -> memref<1x32xi32, #tpu.memory_space<vmem>>
      %dma_wait3A_277 = tpu.memref_squeeze %dma_wait3A_276 : memref<1x32xi32, #tpu.memory_space<vmem>> -> memref<32xi32, #tpu.memory_space<vmem>>
      %dma_wait3A_278 = arith.constant 0 : i32
      %dma_wait3A_279 = arith.constant 0 : i32
      %dma_wait3A_280 = tpu.memref_slice %arg2[%dma_wait3A_278, %dma_wait3A_279] : memref<10000x144xf32, #tpu.memory_space<hbm>> -> memref<10000x144xf32, #tpu.memory_space<hbm>>
      tpu.wait_indirect_dma semaphore(%arg21 : memref<!tpu.dma_semaphore, #tpu.memory_space<semaphore_mem>>) src(%dma_wait3A_280 : memref<10000x144xf32, #tpu.memory_space<hbm>>) dst(%arg12 : memref<32x144xf32, #tpu.memory_space<vmem>>)
      %dma_wait3A_281 = arith.constant 0 : i32
      %dma_wait3A_282 = arith.constant 0 : i32
      %dma_wait3A_283 = tpu.memref_slice %arg8[%dma_wait3A_281, %dma_wait3A_282] : memref<2x32xi32, #tpu.memory_space<vmem>> -> memref<1x32xi32, #tpu.memory_space<vmem>>
      %dma_wait3A_284 = tpu.memref_squeeze %dma_wait3A_283 : memref<1x32xi32, #tpu.memory_space<vmem>> -> memref<32xi32, #tpu.memory_space<vmem>>
      %dma_wait3A_285 = arith.constant 0 : i32
      %dma_wait3A_286 = arith.constant 0 : i32
      %dma_wait3A_287 = tpu.memref_slice %arg3[%dma_wait3A_285, %dma_wait3A_286] : memref<10000x256xf32, #tpu.memory_space<hbm>> -> memref<10000x256xf32, #tpu.memory_space<hbm>>
      tpu.wait_indirect_dma semaphore(%arg22 : memref<!tpu.dma_semaphore, #tpu.memory_space<semaphore_mem>>) src(%dma_wait3A_287 : memref<10000x256xf32, #tpu.memory_space<hbm>>) dst(%arg14 : memref<32x256xf32, #tpu.memory_space<vmem>>)
      %dma_wait3A_288 = arith.constant 0 : i32
      %dma_wait3A_289 = arith.constant 0 : i32
      %dma_wait3A_290 = tpu.memref_slice %arg4[%dma_wait3A_288, %dma_wait3A_289] : memref<2x320000xi32, #tpu.memory_space<hbm>> -> memref<2x32xi32, #tpu.memory_space<hbm>>
      %dma_wait3A_291 = arith.constant 0 : i32
      %dma_wait3A_292 = arith.constant 0 : i32
      %dma_wait3A_293 = tpu.memref_slice %arg4[%dma_wait3A_291, %dma_wait3A_292] : memref<2x320000xi32, #tpu.memory_space<hbm>> -> memref<2x32xi32, #tpu.memory_space<hbm>>
      tpu.wait_dma2 semaphore(%arg23 : memref<!tpu.dma_semaphore, #tpu.memory_space<semaphore_mem>>) src(%dma_wait3A_293 : memref<2x32xi32, #tpu.memory_space<hbm>>) dst(%arg7 : memref<2x32xi32, #tpu.memory_space<vmem>>)
      %dma_start3A_294 = arith.constant 1 : i32
      %dma_start3A_295 = arith.constant 0 : i32
      %dma_start3A_296 = tpu.memref_slice %arg7[%dma_start3A_294, %dma_start3A_295] : memref<2x32xi32, #tpu.memory_space<vmem>> -> memref<1x32xi32, #tpu.memory_space<vmem>>
      %dma_start3A_297 = tpu.memref_squeeze %dma_start3A_296 : memref<1x32xi32, #tpu.memory_space<vmem>> -> memref<32xi32, #tpu.memory_space<vmem>>
      %dma_start3A_298 = arith.constant 0 : i32
      %dma_start3A_299 = arith.constant 0 : i32
      %dma_start3A_300 = tpu.memref_slice %arg2[%dma_start3A_298, %dma_start3A_299] : memref<10000x144xf32, #tpu.memory_space<hbm>> -> memref<10000x144xf32, #tpu.memory_space<hbm>>
      tpu.enqueue_indirect_dma source(%dma_start3A_300 : memref<10000x144xf32, #tpu.memory_space<hbm>>) target(%arg11 : memref<32x144xf32, #tpu.memory_space<vmem>>) offsets(%dma_start3A_297 : memref<32xi32, #tpu.memory_space<vmem>>) semaphore(%arg19 : memref<!tpu.dma_semaphore, #tpu.memory_space<semaphore_mem>>)
      %dma_start3A_301 = arith.constant 0 : i32
      %dma_start3A_302 = arith.constant 0 : i32
      %dma_start3A_303 = tpu.memref_slice %arg7[%dma_start3A_301, %dma_start3A_302] : memref<2x32xi32, #tpu.memory_space<vmem>> -> memref<1x32xi32, #tpu.memory_space<vmem>>
      %dma_start3A_304 = tpu.memref_squeeze %dma_start3A_303 : memref<1x32xi32, #tpu.memory_space<vmem>> -> memref<32xi32, #tpu.memory_space<vmem>>
      %dma_start3A_305 = arith.constant 0 : i32
      %dma_start3A_306 = arith.constant 0 : i32
      %dma_start3A_307 = tpu.memref_slice %arg3[%dma_start3A_305, %dma_start3A_306] : memref<10000x256xf32, #tpu.memory_space<hbm>> -> memref<10000x256xf32, #tpu.memory_space<hbm>>
      tpu.enqueue_indirect_dma source(%dma_start3A_307 : memref<10000x256xf32, #tpu.memory_space<hbm>>) target(%arg13 : memref<32x256xf32, #tpu.memory_space<vmem>>) offsets(%dma_start3A_304 : memref<32xi32, #tpu.memory_space<vmem>>) semaphore(%arg20 : memref<!tpu.dma_semaphore, #tpu.memory_space<semaphore_mem>>)
      %scan3A_308 = arith.constant 0 : i32
      %scan3A_309 = arith.constant 0 : i32
      %scan3A_310 = arith.constant 32 : i32
      %scan3A_311 = arith.addi %scan3A_309, %scan3A_310 : i32
      %scan3A_312 = arith.constant 1 : i32
      %scan3A_313 = scf.for %scan3A_368 = %scan3A_309 to %scan3A_311 step %scan3A_312 iter_args(%scan3A_369 = %scan3A_308) -> (i32)  : i32 {
        %get3A_370 = arith.index_cast %scan3A_368 : i32 to index
        %get3A_371 = arith.constant 0 : index
        %get3A_372 = tpu.vector_load %arg12[%get3A_370, %get3A_371] {strides = array<i32>} : memref<32x144xf32, #tpu.memory_space<vmem>>, vector<1x16xf32>,
        %get3A_373 = vector.shape_cast %get3A_372 : vector<1x16xf32> to vector<16xf32>
        %get3A_374 = arith.index_cast %scan3A_368 : i32 to index
        %get3A_375 = arith.constant 0 : index
        %get3A_376 = tpu.vector_load %arg14[%get3A_374, %get3A_375] {strides = array<i32>} : memref<32x256xf32, #tpu.memory_space<vmem>>, vector<1x16xf32>,
        %get3A_377 = vector.shape_cast %get3A_376 : vector<1x16xf32> to vector<16xf32>
        %mul3A_378 = arith.mulf %get3A_373, %get3A_377 : vector<16xf32>
        %get3A_379 = arith.index_cast %scan3A_368 : i32 to index
        %get3A_380 = arith.constant 16 : index
        %get3A_381 = tpu.vector_load %arg12[%get3A_379, %get3A_380] {strides = array<i32>} : memref<32x144xf32, #tpu.memory_space<vmem>>, vector<1x16xf32>,
        %get3A_382 = vector.shape_cast %get3A_381 : vector<1x16xf32> to vector<16xf32>
        %get3A_383 = arith.index_cast %scan3A_368 : i32 to index
        %get3A_384 = arith.constant 16 : index
        %get3A_385 = tpu.vector_load %arg14[%get3A_383, %get3A_384] {strides = array<i32>} : memref<32x256xf32, #tpu.memory_space<vmem>>, vector<1x16xf32>,
        %get3A_386 = vector.shape_cast %get3A_385 : vector<1x16xf32> to vector<16xf32>
        %mul3A_387 = arith.mulf %get3A_382, %get3A_386 : vector<16xf32>
        %add3A_388 = arith.addf %mul3A_378, %mul3A_387 : vector<16xf32>
        %get3A_389 = arith.index_cast %scan3A_368 : i32 to index
        %get3A_390 = arith.constant 32 : index
        %get3A_391 = tpu.vector_load %arg12[%get3A_389, %get3A_390] {strides = array<i32>} : memref<32x144xf32, #tpu.memory_space<vmem>>, vector<1x16xf32>,
        %get3A_392 = vector.shape_cast %get3A_391 : vector<1x16xf32> to vector<16xf32>
        %get3A_393 = arith.index_cast %scan3A_368 : i32 to index
        %get3A_394 = arith.constant 32 : index
        %get3A_395 = tpu.vector_load %arg14[%get3A_393, %get3A_394] {strides = array<i32>} : memref<32x256xf32, #tpu.memory_space<vmem>>, vector<1x16xf32>,
        %get3A_396 = vector.shape_cast %get3A_395 : vector<1x16xf32> to vector<16xf32>
        %mul3A_397 = arith.mulf %get3A_392, %get3A_396 : vector<16xf32>
        %add3A_398 = arith.addf %add3A_388, %mul3A_397 : vector<16xf32>
        %get3A_399 = arith.index_cast %scan3A_368 : i32 to index
        %get3A_400 = arith.constant 48 : index
        %get3A_401 = tpu.vector_load %arg12[%get3A_399, %get3A_400] {strides = array<i32>} : memref<32x144xf32, #tpu.memory_space<vmem>>, vector<1x16xf32>,
        %get3A_402 = vector.shape_cast %get3A_401 : vector<1x16xf32> to vector<16xf32>
        %get3A_403 = arith.index_cast %scan3A_368 : i32 to index
        %get3A_404 = arith.constant 48 : index
        %get3A_405 = tpu.vector_load %arg14[%get3A_403, %get3A_404] {strides = array<i32>} : memref<32x256xf32, #tpu.memory_space<vmem>>, vector<1x16xf32>,
        %get3A_406 = vector.shape_cast %get3A_405 : vector<1x16xf32> to vector<16xf32>
        %mul3A_407 = arith.mulf %get3A_402, %get3A_406 : vector<16xf32>
        %add3A_408 = arith.addf %add3A_398, %mul3A_407 : vector<16xf32>
        %get3A_409 = arith.index_cast %scan3A_368 : i32 to index
        %get3A_410 = arith.constant 64 : index
        %get3A_411 = tpu.vector_load %arg12[%get3A_409, %get3A_410] {strides = array<i32>} : memref<32x144xf32, #tpu.memory_space<vmem>>, vector<1x16xf32>,
        %get3A_412 = vector.shape_cast %get3A_411 : vector<1x16xf32> to vector<16xf32>
        %get3A_413 = arith.index_cast %scan3A_368 : i32 to index
        %get3A_414 = arith.constant 64 : index
        %get3A_415 = tpu.vector_load %arg14[%get3A_413, %get3A_414] {strides = array<i32>} : memref<32x256xf32, #tpu.memory_space<vmem>>, vector<1x16xf32>,
        %get3A_416 = vector.shape_cast %get3A_415 : vector<1x16xf32> to vector<16xf32>
        %mul3A_417 = arith.mulf %get3A_412, %get3A_416 : vector<16xf32>
        %add3A_418 = arith.addf %add3A_408, %mul3A_417 : vector<16xf32>
        %get3A_419 = arith.index_cast %scan3A_368 : i32 to index
        %get3A_420 = arith.constant 80 : index
        %get3A_421 = tpu.vector_load %arg12[%get3A_419, %get3A_420] {strides = array<i32>} : memref<32x144xf32, #tpu.memory_space<vmem>>, vector<1x16xf32>,
        %get3A_422 = vector.shape_cast %get3A_421 : vector<1x16xf32> to vector<16xf32>
        %get3A_423 = arith.index_cast %scan3A_368 : i32 to index
        %get3A_424 = arith.constant 80 : index
        %get3A_425 = tpu.vector_load %arg14[%get3A_423, %get3A_424] {strides = array<i32>} : memref<32x256xf32, #tpu.memory_space<vmem>>, vector<1x16xf32>,
        %get3A_426 = vector.shape_cast %get3A_425 : vector<1x16xf32> to vector<16xf32>
        %mul3A_427 = arith.mulf %get3A_422, %get3A_426 : vector<16xf32>
        %add3A_428 = arith.addf %add3A_418, %mul3A_427 : vector<16xf32>
        %get3A_429 = arith.index_cast %scan3A_368 : i32 to index
        %get3A_430 = arith.constant 96 : index
        %get3A_431 = tpu.vector_load %arg12[%get3A_429, %get3A_430] {strides = array<i32>} : memref<32x144xf32, #tpu.memory_space<vmem>>, vector<1x16xf32>,
        %get3A_432 = vector.shape_cast %get3A_431 : vector<1x16xf32> to vector<16xf32>
        %get3A_433 = arith.index_cast %scan3A_368 : i32 to index
        %get3A_434 = arith.constant 96 : index
        %get3A_435 = tpu.vector_load %arg14[%get3A_433, %get3A_434] {strides = array<i32>} : memref<32x256xf32, #tpu.memory_space<vmem>>, vector<1x16xf32>,
        %get3A_436 = vector.shape_cast %get3A_435 : vector<1x16xf32> to vector<16xf32>
        %mul3A_437 = arith.mulf %get3A_432, %get3A_436 : vector<16xf32>
        %add3A_438 = arith.addf %add3A_428, %mul3A_437 : vector<16xf32>
        %get3A_439 = arith.index_cast %scan3A_368 : i32 to index
        %get3A_440 = arith.constant 112 : index
        %get3A_441 = tpu.vector_load %arg12[%get3A_439, %get3A_440] {strides = array<i32>} : memref<32x144xf32, #tpu.memory_space<vmem>>, vector<1x16xf32>,
        %get3A_442 = vector.shape_cast %get3A_441 : vector<1x16xf32> to vector<16xf32>
        %get3A_443 = arith.index_cast %scan3A_368 : i32 to index
        %get3A_444 = arith.constant 112 : index
        %get3A_445 = tpu.vector_load %arg14[%get3A_443, %get3A_444] {strides = array<i32>} : memref<32x256xf32, #tpu.memory_space<vmem>>, vector<1x16xf32>,
        %get3A_446 = vector.shape_cast %get3A_445 : vector<1x16xf32> to vector<16xf32>
        %mul3A_447 = arith.mulf %get3A_442, %get3A_446 : vector<16xf32>
        %add3A_448 = arith.addf %add3A_438, %mul3A_447 : vector<16xf32>
        %get3A_449 = arith.index_cast %scan3A_368 : i32 to index
        %get3A_450 = arith.constant 128 : index
        %get3A_451 = tpu.vector_load %arg12[%get3A_449, %get3A_450] {strides = array<i32>} : memref<32x144xf32, #tpu.memory_space<vmem>>, vector<1x16xf32>,
        %get3A_452 = vector.shape_cast %get3A_451 : vector<1x16xf32> to vector<16xf32>
        %get3A_453 = arith.index_cast %scan3A_368 : i32 to index
        %get3A_454 = arith.constant 0 : index
        %get3A_455 = tpu.vector_load %arg10[%get3A_453, %get3A_454] {strides = array<i32>} : memref<32x16xf32, #tpu.memory_space<vmem>>, vector<1x16xf32>,
        %get3A_456 = vector.shape_cast %get3A_455 : vector<1x16xf32> to vector<16xf32>
        %mul3A_457 = arith.mulf %get3A_452, %get3A_456 : vector<16xf32>
        %add3A_458 = arith.addf %add3A_448, %mul3A_457 : vector<16xf32>
        %iota3A_459 = tpu.iota {dimensions = array<i32: 0>} : vector<16xi32>
        %xor3A = arith.constant 1 : i32
        %xor3A_460 = vector.broadcast %xor3A : i32 to vector<16xi32>
        %xor3A_461 = arith.xori %iota3A_459, %xor3A_460 : vector<16xi32>
        %broadcast_in_dim3A_462 = vector.shape_cast %xor3A_461 : vector<16xi32> to vector<16x1xi32>
        %gather3A = vector.shape_cast %broadcast_in_dim3A_462 : vector<16x1xi32> to vector<16xi32>
        %gather3A_463 = tpu.dynamic_gather %add3A_458[%gather3A] in [0] : vector<16xf32>, vector<16xi32> -> vector<16xf32>
        %add3A_464 = arith.addf %add3A_458, %gather3A_463 : vector<16xf32>
        %iota3A_465 = tpu.iota {dimensions = array<i32: 0>} : vector<16xi32>
        %xor3A_466 = arith.constant 2 : i32
        %xor3A_467 = vector.broadcast %xor3A_466 : i32 to vector<16xi32>
        %xor3A_468 = arith.xori %iota3A_465, %xor3A_467 : vector<16xi32>
        %broadcast_in_dim3A_469 = vector.shape_cast %xor3A_468 : vector<16xi32> to vector<16x1xi32>
        %gather3A_470 = vector.shape_cast %broadcast_in_dim3A_469 : vector<16x1xi32> to vector<16xi32>
        %gather3A_471 = tpu.dynamic_gather %add3A_464[%gather3A_470] in [0] : vector<16xf32>, vector<16xi32> -> vector<16xf32>
        %add3A_472 = arith.addf %add3A_464, %gather3A_471 : vector<16xf32>
        %iota3A_473 = tpu.iota {dimensions = array<i32: 0>} : vector<16xi32>
        %xor3A_474 = arith.constant 4 : i32
        %xor3A_475 = vector.broadcast %xor3A_474 : i32 to vector<16xi32>
        %xor3A_476 = arith.xori %iota3A_473, %xor3A_475 : vector<16xi32>
        %broadcast_in_dim3A_477 = vector.shape_cast %xor3A_476 : vector<16xi32> to vector<16x1xi32>
        %gather3A_478 = vector.shape_cast %broadcast_in_dim3A_477 : vector<16x1xi32> to vector<16xi32>
        %gather3A_479 = tpu.dynamic_gather %add3A_472[%gather3A_478] in [0] : vector<16xf32>, vector<16xi32> -> vector<16xf32>
        %add3A_480 = arith.addf %add3A_472, %gather3A_479 : vector<16xf32>
        %iota3A_481 = tpu.iota {dimensions = array<i32: 0>} : vector<16xi32>
        %xor3A_482 = arith.constant 8 : i32
        %xor3A_483 = vector.broadcast %xor3A_482 : i32 to vector<16xi32>
        %xor3A_484 = arith.xori %iota3A_481, %xor3A_483 : vector<16xi32>
        %broadcast_in_dim3A_485 = vector.shape_cast %xor3A_484 : vector<16xi32> to vector<16x1xi32>
        %gather3A_486 = vector.shape_cast %broadcast_in_dim3A_485 : vector<16x1xi32> to vector<16xi32>
        %gather3A_487 = tpu.dynamic_gather %add3A_480[%gather3A_486] in [0] : vector<16xf32>, vector<16xi32> -> vector<16xf32>
        %add3A_488 = arith.addf %add3A_480, %gather3A_487 : vector<16xf32>
        %exp3A = math.exp %add3A_488 : vector<16xf32>
        %swap3A_489 = arith.index_cast %scan3A_368 : i32 to index
        %swap3A_490 = arith.constant 0 : index
        %swap3A_491 = tpu.vector_load %arg16[%swap3A_489, %swap3A_490] {strides = array<i32>} : memref<32x16xf32, #tpu.memory_space<vmem>>, vector<1x16xf32>,
        %swap3A_492 = vector.shape_cast %swap3A_491 : vector<1x16xf32> to vector<16xf32>
        %swap3A_493 = vector.shape_cast %exp3A : vector<16xf32> to vector<1x16xf32>
        tpu.vector_store %arg16[%swap3A_489, %swap3A_490], %swap3A_493 {strides = array<i32>} : memref<32x16xf32, #tpu.memory_space<vmem>>, vector<1x16xf32>,
        %scan3A_494 = arith.constant 0 : i32
        scf.yield %scan3A_494 : i32
      }
      %scan3A_314 = arith.constant 32 : i32
      %dma_wait3A_315 = arith.constant 0 : i32
      %dma_wait3A_316 = arith.constant 0 : i32
      %dma_wait3A_317 = tpu.memref_slice %arg17[%dma_wait3A_315, %dma_wait3A_316] : memref<1x32xi32, #tpu.memory_space<vmem>> -> memref<1x32xi32, #tpu.memory_space<vmem>>
      %dma_wait3A_318 = tpu.memref_squeeze %dma_wait3A_317 : memref<1x32xi32, #tpu.memory_space<vmem>> -> memref<32xi32, #tpu.memory_space<vmem>>
      %dma_wait3A_319 = arith.constant 0 : i32
      %dma_wait3A_320 = arith.constant 0 : i32
      %dma_wait3A_321 = tpu.memref_slice %arg18[%dma_wait3A_319, %dma_wait3A_320] : memref<10000x152xf32, #tpu.memory_space<vmem_shared>> -> memref<10000x152xf32, #tpu.memory_space<vmem_shared>>
      tpu.wait_indirect_dma semaphore(%arg25 : memref<!tpu.dma_semaphore, #tpu.memory_space<semaphore_mem>>) src(%arg15 : memref<32x152xf32, #tpu.memory_space<vmem>>) dst(%dma_wait3A_321 : memref<10000x152xf32, #tpu.memory_space<vmem_shared>>)
      %scan3A_322 = arith.constant 0 : i32
      %scan3A_323 = arith.constant 0 : i32
      %scan3A_324 = arith.constant 32 : i32
      %scan3A_325 = arith.addi %scan3A_323, %scan3A_324 : i32
      %scan3A_326 = arith.constant 1 : i32
      %scan3A_327 = scf.for %scan3A_368 = %scan3A_323 to %scan3A_325 step %scan3A_326 iter_args(%scan3A_369 = %scan3A_322) -> (i32)  : i32 {
        %get3A_370 = arith.index_cast %scan3A_368 : i32 to index
        %get3A_371 = arith.constant 0 : index
        %get3A_372 = tpu.vector_load %arg16[%get3A_370, %get3A_371] {strides = array<i32>} : memref<32x16xf32, #tpu.memory_space<vmem>>, vector<1x16xf32>,
        %get3A_373 = vector.shape_cast %get3A_372 : vector<1x16xf32> to vector<16xf32>
        %get3A_374 = arith.index_cast %scan3A_368 : i32 to index
        %get3A_375 = arith.constant 128 : index
        %get3A_376 = tpu.vector_load %arg14[%get3A_374, %get3A_375] {strides = array<i32>} : memref<32x256xf32, #tpu.memory_space<vmem>>, vector<1x16xf32>,
        %get3A_377 = vector.shape_cast %get3A_376 : vector<1x16xf32> to vector<16xf32>
        %mul3A_378 = arith.mulf %get3A_373, %get3A_377 : vector<16xf32>
        %swap3A_379 = arith.index_cast %scan3A_368 : i32 to index
        %swap3A_380 = arith.constant 0 : index
        %swap3A_381 = tpu.vector_load %arg15[%swap3A_379, %swap3A_380] {strides = array<i32>} : memref<32x152xf32, #tpu.memory_space<vmem>>, vector<1x16xf32>,
        %swap3A_382 = vector.shape_cast %swap3A_381 : vector<1x16xf32> to vector<16xf32>
        %swap3A_383 = vector.shape_cast %mul3A_378 : vector<16xf32> to vector<1x16xf32>
        tpu.vector_store %arg15[%swap3A_379, %swap3A_380], %swap3A_383 {strides = array<i32>} : memref<32x152xf32, #tpu.memory_space<vmem>>, vector<1x16xf32>,
        %get3A_384 = arith.index_cast %scan3A_368 : i32 to index
        %get3A_385 = arith.constant 144 : index
        %get3A_386 = tpu.vector_load %arg14[%get3A_384, %get3A_385] {strides = array<i32>} : memref<32x256xf32, #tpu.memory_space<vmem>>, vector<1x16xf32>,
        %get3A_387 = vector.shape_cast %get3A_386 : vector<1x16xf32> to vector<16xf32>
        %mul3A_388 = arith.mulf %get3A_373, %get3A_387 : vector<16xf32>
        %swap3A_389 = arith.index_cast %scan3A_368 : i32 to index
        %swap3A_390 = arith.constant 16 : index
        %swap3A_391 = tpu.vector_load %arg15[%swap3A_389, %swap3A_390] {strides = array<i32>} : memref<32x152xf32, #tpu.memory_space<vmem>>, vector<1x16xf32>,
        %swap3A_392 = vector.shape_cast %swap3A_391 : vector<1x16xf32> to vector<16xf32>
        %swap3A_393 = vector.shape_cast %mul3A_388 : vector<16xf32> to vector<1x16xf32>
        tpu.vector_store %arg15[%swap3A_389, %swap3A_390], %swap3A_393 {strides = array<i32>} : memref<32x152xf32, #tpu.memory_space<vmem>>, vector<1x16xf32>,
        %get3A_394 = arith.index_cast %scan3A_368 : i32 to index
        %get3A_395 = arith.constant 160 : index
        %get3A_396 = tpu.vector_load %arg14[%get3A_394, %get3A_395] {strides = array<i32>} : memref<32x256xf32, #tpu.memory_space<vmem>>, vector<1x16xf32>,
        %get3A_397 = vector.shape_cast %get3A_396 : vector<1x16xf32> to vector<16xf32>
        %mul3A_398 = arith.mulf %get3A_373, %get3A_397 : vector<16xf32>
        %swap3A_399 = arith.index_cast %scan3A_368 : i32 to index
        %swap3A_400 = arith.constant 32 : index
        %swap3A_401 = tpu.vector_load %arg15[%swap3A_399, %swap3A_400] {strides = array<i32>} : memref<32x152xf32, #tpu.memory_space<vmem>>, vector<1x16xf32>,
        %swap3A_402 = vector.shape_cast %swap3A_401 : vector<1x16xf32> to vector<16xf32>
        %swap3A_403 = vector.shape_cast %mul3A_398 : vector<16xf32> to vector<1x16xf32>
        tpu.vector_store %arg15[%swap3A_399, %swap3A_400], %swap3A_403 {strides = array<i32>} : memref<32x152xf32, #tpu.memory_space<vmem>>, vector<1x16xf32>,
        %get3A_404 = arith.index_cast %scan3A_368 : i32 to index
        %get3A_405 = arith.constant 176 : index
        %get3A_406 = tpu.vector_load %arg14[%get3A_404, %get3A_405] {strides = array<i32>} : memref<32x256xf32, #tpu.memory_space<vmem>>, vector<1x16xf32>,
        %get3A_407 = vector.shape_cast %get3A_406 : vector<1x16xf32> to vector<16xf32>
        %mul3A_408 = arith.mulf %get3A_373, %get3A_407 : vector<16xf32>
        %swap3A_409 = arith.index_cast %scan3A_368 : i32 to index
        %swap3A_410 = arith.constant 48 : index
        %swap3A_411 = tpu.vector_load %arg15[%swap3A_409, %swap3A_410] {strides = array<i32>} : memref<32x152xf32, #tpu.memory_space<vmem>>, vector<1x16xf32>,
        %swap3A_412 = vector.shape_cast %swap3A_411 : vector<1x16xf32> to vector<16xf32>
        %swap3A_413 = vector.shape_cast %mul3A_408 : vector<16xf32> to vector<1x16xf32>
        tpu.vector_store %arg15[%swap3A_409, %swap3A_410], %swap3A_413 {strides = array<i32>} : memref<32x152xf32, #tpu.memory_space<vmem>>, vector<1x16xf32>,
        %get3A_414 = arith.index_cast %scan3A_368 : i32 to index
        %get3A_415 = arith.constant 192 : index
        %get3A_416 = tpu.vector_load %arg14[%get3A_414, %get3A_415] {strides = array<i32>} : memref<32x256xf32, #tpu.memory_space<vmem>>, vector<1x16xf32>,
        %get3A_417 = vector.shape_cast %get3A_416 : vector<1x16xf32> to vector<16xf32>
        %mul3A_418 = arith.mulf %get3A_373, %get3A_417 : vector<16xf32>
        %swap3A_419 = arith.index_cast %scan3A_368 : i32 to index
        %swap3A_420 = arith.constant 64 : index
        %swap3A_421 = tpu.vector_load %arg15[%swap3A_419, %swap3A_420] {strides = array<i32>} : memref<32x152xf32, #tpu.memory_space<vmem>>, vector<1x16xf32>,
        %swap3A_422 = vector.shape_cast %swap3A_421 : vector<1x16xf32> to vector<16xf32>
        %swap3A_423 = vector.shape_cast %mul3A_418 : vector<16xf32> to vector<1x16xf32>
        tpu.vector_store %arg15[%swap3A_419, %swap3A_420], %swap3A_423 {strides = array<i32>} : memref<32x152xf32, #tpu.memory_space<vmem>>, vector<1x16xf32>,
        %get3A_424 = arith.index_cast %scan3A_368 : i32 to index
        %get3A_425 = arith.constant 208 : index
        %get3A_426 = tpu.vector_load %arg14[%get3A_424, %get3A_425] {strides = array<i32>} : memref<32x256xf32, #tpu.memory_space<vmem>>, vector<1x16xf32>,
        %get3A_427 = vector.shape_cast %get3A_426 : vector<1x16xf32> to vector<16xf32>
        %mul3A_428 = arith.mulf %get3A_373, %get3A_427 : vector<16xf32>
        %swap3A_429 = arith.index_cast %scan3A_368 : i32 to index
        %swap3A_430 = arith.constant 80 : index
        %swap3A_431 = tpu.vector_load %arg15[%swap3A_429, %swap3A_430] {strides = array<i32>} : memref<32x152xf32, #tpu.memory_space<vmem>>, vector<1x16xf32>,
        %swap3A_432 = vector.shape_cast %swap3A_431 : vector<1x16xf32> to vector<16xf32>
        %swap3A_433 = vector.shape_cast %mul3A_428 : vector<16xf32> to vector<1x16xf32>
        tpu.vector_store %arg15[%swap3A_429, %swap3A_430], %swap3A_433 {strides = array<i32>} : memref<32x152xf32, #tpu.memory_space<vmem>>, vector<1x16xf32>,
        %get3A_434 = arith.index_cast %scan3A_368 : i32 to index
        %get3A_435 = arith.constant 224 : index
        %get3A_436 = tpu.vector_load %arg14[%get3A_434, %get3A_435] {strides = array<i32>} : memref<32x256xf32, #tpu.memory_space<vmem>>, vector<1x16xf32>,
        %get3A_437 = vector.shape_cast %get3A_436 : vector<1x16xf32> to vector<16xf32>
        %mul3A_438 = arith.mulf %get3A_373, %get3A_437 : vector<16xf32>
        %swap3A_439 = arith.index_cast %scan3A_368 : i32 to index
        %swap3A_440 = arith.constant 96 : index
        %swap3A_441 = tpu.vector_load %arg15[%swap3A_439, %swap3A_440] {strides = array<i32>} : memref<32x152xf32, #tpu.memory_space<vmem>>, vector<1x16xf32>,
        %swap3A_442 = vector.shape_cast %swap3A_441 : vector<1x16xf32> to vector<16xf32>
        %swap3A_443 = vector.shape_cast %mul3A_438 : vector<16xf32> to vector<1x16xf32>
        tpu.vector_store %arg15[%swap3A_439, %swap3A_440], %swap3A_443 {strides = array<i32>} : memref<32x152xf32, #tpu.memory_space<vmem>>, vector<1x16xf32>,
        %get3A_444 = arith.index_cast %scan3A_368 : i32 to index
        %get3A_445 = arith.constant 240 : index
        %get3A_446 = tpu.vector_load %arg14[%get3A_444, %get3A_445] {strides = array<i32>} : memref<32x256xf32, #tpu.memory_space<vmem>>, vector<1x16xf32>,
        %get3A_447 = vector.shape_cast %get3A_446 : vector<1x16xf32> to vector<16xf32>
        %mul3A_448 = arith.mulf %get3A_373, %get3A_447 : vector<16xf32>
        %swap3A_449 = arith.index_cast %scan3A_368 : i32 to index
        %swap3A_450 = arith.constant 112 : index
        %swap3A_451 = tpu.vector_load %arg15[%swap3A_449, %swap3A_450] {strides = array<i32>} : memref<32x152xf32, #tpu.memory_space<vmem>>, vector<1x16xf32>,
        %swap3A_452 = vector.shape_cast %swap3A_451 : vector<1x16xf32> to vector<16xf32>
        %swap3A_453 = vector.shape_cast %mul3A_448 : vector<16xf32> to vector<1x16xf32>
        tpu.vector_store %arg15[%swap3A_449, %swap3A_450], %swap3A_453 {strides = array<i32>} : memref<32x152xf32, #tpu.memory_space<vmem>>, vector<1x16xf32>,
        %get3A_454 = arith.index_cast %scan3A_368 : i32 to index
        %get3A_455 = arith.constant 0 : index
        %get3A_456 = tpu.vector_load %arg10[%get3A_454, %get3A_455] {strides = array<i32>} : memref<32x16xf32, #tpu.memory_space<vmem>>, vector<1x16xf32>,
        %get3A_457 = vector.shape_cast %get3A_456 : vector<1x16xf32> to vector<16xf32>
        %mul3A_458 = arith.mulf %get3A_373, %get3A_457 : vector<16xf32>
        %swap3A_459 = arith.index_cast %scan3A_368 : i32 to index
        %swap3A_460 = arith.constant 128 : index
        %swap3A_461 = tpu.vector_load %arg15[%swap3A_459, %swap3A_460] {strides = array<i32>} : memref<32x152xf32, #tpu.memory_space<vmem>>, vector<1x16xf32>,
        %swap3A_462 = vector.shape_cast %swap3A_461 : vector<1x16xf32> to vector<16xf32>
        %swap3A_463 = vector.shape_cast %mul3A_458 : vector<16xf32> to vector<1x16xf32>
        tpu.vector_store %arg15[%swap3A_459, %swap3A_460], %swap3A_463 {strides = array<i32>} : memref<32x152xf32, #tpu.memory_space<vmem>>, vector<1x16xf32>,
        %broadcast_in_dim3A_464 = vector.shape_cast %min3A_48 : vector<16xi32> to vector<16x1xi32>
        %gather3A = vector.shape_cast %broadcast_in_dim3A_464 : vector<16x1xi32> to vector<16xi32>
        %gather3A_465 = tpu.dynamic_gather %mul3A_458[%gather3A] in [0] : vector<16xf32>, vector<16xi32> -> vector<16xf32>
        %mul3A_466 = arith.mulf %gather3A_465, %sub3A_42 : vector<16xf32>
        %mul3A_467 = arith.mulf %get3A_373, %convert_element_type3A_39 : vector<16xf32>
        %add3A_468 = arith.addf %mul3A_466, %mul3A_467 : vector<16xf32>
        %swap3A_469 = arith.index_cast %scan3A_368 : i32 to index
        %swap3A_470 = arith.constant 136 : index
        %swap3A_471 = tpu.vector_load %arg15[%swap3A_469, %swap3A_470] {strides = array<i32>} : memref<32x152xf32, #tpu.memory_space<vmem>>, vector<1x16xf32>,
        %swap3A_472 = vector.shape_cast %swap3A_471 : vector<1x16xf32> to vector<16xf32>
        %swap3A_473 = vector.shape_cast %add3A_468 : vector<16xf32> to vector<1x16xf32>
        tpu.vector_store %arg15[%swap3A_469, %swap3A_470], %swap3A_473 {strides = array<i32>} : memref<32x152xf32, #tpu.memory_space<vmem>>, vector<1x16xf32>,
        %scan3A_474 = arith.constant 0 : i32
        scf.yield %scan3A_474 : i32
      }
      %scan3A_328 = arith.constant 32 : i32
      %get3A_329 = arith.constant 1 : i32
      %get3A_330 = arith.index_cast %get3A_329 : i32 to index
      %get3A_331 = arith.constant 0 : index
      %get3A_332 = tpu.vector_load %arg8[%get3A_330, %get3A_331] {strides = array<i32>} : memref<2x32xi32, #tpu.memory_space<vmem>>, vector<1x16xi32>,
      %get3A_333 = vector.shape_cast %get3A_332 : vector<1x16xi32> to vector<16xi32>
      %swap3A_334 = arith.constant 0 : i32
      %swap3A_335 = arith.index_cast %swap3A_334 : i32 to index
      %swap3A_336 = arith.constant 0 : index
      %swap3A_337 = tpu.vector_load %arg17[%swap3A_335, %swap3A_336] {strides = array<i32>} : memref<1x32xi32, #tpu.memory_space<vmem>>, vector<1x16xi32>,
      %swap3A_338 = vector.shape_cast %swap3A_337 : vector<1x16xi32> to vector<16xi32>
      %swap3A_339 = vector.shape_cast %get3A_333 : vector<16xi32> to vector<1x16xi32>
      tpu.vector_store %arg17[%swap3A_335, %swap3A_336], %swap3A_339 {strides = array<i32>} : memref<1x32xi32, #tpu.memory_space<vmem>>, vector<1x16xi32>,
      %get3A_340 = arith.constant 1 : i32
      %get3A_341 = arith.index_cast %get3A_340 : i32 to index
      %get3A_342 = arith.constant 16 : index
      %get3A_343 = tpu.vector_load %arg8[%get3A_341, %get3A_342] {strides = array<i32>} : memref<2x32xi32, #tpu.memory_space<vmem>>, vector<1x16xi32>,
      %get3A_344 = vector.shape_cast %get3A_343 : vector<1x16xi32> to vector<16xi32>
      %swap3A_345 = arith.constant 0 : i32
      %swap3A_346 = arith.index_cast %swap3A_345 : i32 to index
      %swap3A_347 = arith.constant 16 : index
      %swap3A_348 = tpu.vector_load %arg17[%swap3A_346, %swap3A_347] {strides = array<i32>} : memref<1x32xi32, #tpu.memory_space<vmem>>, vector<1x16xi32>,
      %swap3A_349 = vector.shape_cast %swap3A_348 : vector<1x16xi32> to vector<16xi32>
      %swap3A_350 = vector.shape_cast %get3A_344 : vector<16xi32> to vector<1x16xi32>
      tpu.vector_store %arg17[%swap3A_346, %swap3A_347], %swap3A_350 {strides = array<i32>} : memref<1x32xi32, #tpu.memory_space<vmem>>, vector<1x16xi32>,
      %dma_start3A_351 = arith.constant 0 : i32
      %dma_start3A_352 = arith.constant 0 : i32
      %dma_start3A_353 = tpu.memref_slice %arg17[%dma_start3A_351, %dma_start3A_352] : memref<1x32xi32, #tpu.memory_space<vmem>> -> memref<1x32xi32, #tpu.memory_space<vmem>>
      %dma_start3A_354 = tpu.memref_squeeze %dma_start3A_353 : memref<1x32xi32, #tpu.memory_space<vmem>> -> memref<32xi32, #tpu.memory_space<vmem>>
      %dma_start3A_355 = arith.constant 0 : i32
      %dma_start3A_356 = arith.constant 0 : i32
      %dma_start3A_357 = tpu.memref_slice %arg18[%dma_start3A_355, %dma_start3A_356] : memref<10000x152xf32, #tpu.memory_space<vmem_shared>> -> memref<10000x152xf32, #tpu.memory_space<vmem_shared>>
      tpu.enqueue_indirect_dma source(%arg15 : memref<32x152xf32, #tpu.memory_space<vmem>>) target(%dma_start3A_357 : memref<10000x152xf32, #tpu.memory_space<vmem_shared>>) offsets(%dma_start3A_354 : memref<32xi32, #tpu.memory_space<vmem>>) semaphore(%arg25 : memref<!tpu.dma_semaphore, #tpu.memory_space<semaphore_mem>>)
      %add3A_358 = arith.constant 3 : i32
      %add3A_359 = arith.addi %add3A_180, %add3A_358 : i32
      %min3A_360 = arith.minsi %add3A_359, %sub3A_31 : i32
      %mul3A_361 = arith.constant 32 : i32
      %mul3A_362 = arith.muli %min3A_360, %mul3A_361 : i32
      %dma_start3A_363 = arith.constant 0 : i32
      %dma_start3A_364 = tpu.memref_slice %arg4[%dma_start3A_363, %mul3A_362] : memref<2x320000xi32, #tpu.memory_space<hbm>> -> memref<2x32xi32, #tpu.memory_space<hbm>>
      %dma_start3A_365 = arith.constant 0 : i32
      %dma_start3A_366 = tpu.memref_slice %arg4[%dma_start3A_365, %mul3A_362] : memref<2x320000xi32, #tpu.memory_space<hbm>> -> memref<2x32xi32, #tpu.memory_space<hbm>>
      tpu.enqueue_dma source(%dma_start3A_366 : memref<2x32xi32, #tpu.memory_space<hbm>>) target(%arg8 : memref<2x32xi32, #tpu.memory_space<vmem>>) target_semaphore(%arg24 : memref<!tpu.dma_semaphore, #tpu.memory_space<semaphore_mem>>)
      "tpu.region"() ({
        %run_scoped3A = tpu.sem_alloc : memref<!tpu.dma_semaphore, #tpu.memory_space<semaphore_mem>>
        %dma_start3A_368 = arith.constant 0 : i32
        %dma_start3A_369 = tpu.memref_slice %arg5[%mul3A_362, %dma_start3A_368] : memref<320000x16xf32, #tpu.memory_space<hbm>> -> memref<32x16xf32, #tpu.memory_space<hbm>>
        %dma_start3A_370 = arith.constant 0 : i32
        %dma_start3A_371 = tpu.memref_slice %arg5[%mul3A_362, %dma_start3A_370] : memref<320000x16xf32, #tpu.memory_space<hbm>> -> memref<32x16xf32, #tpu.memory_space<hbm>>
        tpu.enqueue_dma source(%dma_start3A_371 : memref<32x16xf32, #tpu.memory_space<hbm>>) target(%arg10 : memref<32x16xf32, #tpu.memory_space<vmem>>) target_semaphore(%run_scoped3A : memref<!tpu.dma_semaphore, #tpu.memory_space<semaphore_mem>>)
        %dma_wait3A_372 = arith.constant 0 : i32
        %dma_wait3A_373 = tpu.memref_slice %arg5[%mul3A_362, %dma_wait3A_372] : memref<320000x16xf32, #tpu.memory_space<hbm>> -> memref<32x16xf32, #tpu.memory_space<hbm>>
        %dma_wait3A_374 = arith.constant 0 : i32
        %dma_wait3A_375 = tpu.memref_slice %arg5[%mul3A_362, %dma_wait3A_374] : memref<320000x16xf32, #tpu.memory_space<hbm>> -> memref<32x16xf32, #tpu.memory_space<hbm>>
        tpu.wait_dma2 semaphore(%run_scoped3A : memref<!tpu.dma_semaphore, #tpu.memory_space<semaphore_mem>>) src(%dma_wait3A_375 : memref<32x16xf32, #tpu.memory_space<hbm>>) dst(%arg10 : memref<32x16xf32, #tpu.memory_space<vmem>>)
        tpu.yield
      }) : () -> ()
      %while3A_367 = arith.constant 0 : i32
      scf.yield %while3A_367 : i32
    }
    %dma_wait3A_137 = arith.constant 1 : i32
    %dma_wait3A_138 = arith.constant 0 : i32
    %dma_wait3A_139 = tpu.memref_slice %arg7[%dma_wait3A_137, %dma_wait3A_138] : memref<2x32xi32, #tpu.memory_space<vmem>> -> memref<1x32xi32, #tpu.memory_space<vmem>>
    %dma_wait3A_140 = tpu.memref_squeeze %dma_wait3A_139 : memref<1x32xi32, #tpu.memory_space<vmem>> -> memref<32xi32, #tpu.memory_space<vmem>>
    %dma_wait3A_141 = arith.constant 0 : i32
    %dma_wait3A_142 = arith.constant 0 : i32
    %dma_wait3A_143 = tpu.memref_slice %arg2[%dma_wait3A_141, %dma_wait3A_142] : memref<10000x144xf32, #tpu.memory_space<hbm>> -> memref<10000x144xf32, #tpu.memory_space<hbm>>
    tpu.wait_indirect_dma semaphore(%arg19 : memref<!tpu.dma_semaphore, #tpu.memory_space<semaphore_mem>>) src(%dma_wait3A_143 : memref<10000x144xf32, #tpu.memory_space<hbm>>) dst(%arg11 : memref<32x144xf32, #tpu.memory_space<vmem>>)
    %dma_wait3A_144 = arith.constant 0 : i32
    %dma_wait3A_145 = arith.constant 0 : i32
    %dma_wait3A_146 = tpu.memref_slice %arg7[%dma_wait3A_144, %dma_wait3A_145] : memref<2x32xi32, #tpu.memory_space<vmem>> -> memref<1x32xi32, #tpu.memory_space<vmem>>
    %dma_wait3A_147 = tpu.memref_squeeze %dma_wait3A_146 : memref<1x32xi32, #tpu.memory_space<vmem>> -> memref<32xi32, #tpu.memory_space<vmem>>
    %dma_wait3A_148 = arith.constant 0 : i32
    %dma_wait3A_149 = arith.constant 0 : i32
    %dma_wait3A_150 = tpu.memref_slice %arg3[%dma_wait3A_148, %dma_wait3A_149] : memref<10000x256xf32, #tpu.memory_space<hbm>> -> memref<10000x256xf32, #tpu.memory_space<hbm>>
    tpu.wait_indirect_dma semaphore(%arg20 : memref<!tpu.dma_semaphore, #tpu.memory_space<semaphore_mem>>) src(%dma_wait3A_150 : memref<10000x256xf32, #tpu.memory_space<hbm>>) dst(%arg13 : memref<32x256xf32, #tpu.memory_space<vmem>>)
    %dma_wait3A_151 = arith.constant 0 : i32
    %dma_wait3A_152 = arith.constant 0 : i32
    %dma_wait3A_153 = tpu.memref_slice %arg4[%dma_wait3A_151, %dma_wait3A_152] : memref<2x320000xi32, #tpu.memory_space<hbm>> -> memref<2x32xi32, #tpu.memory_space<hbm>>
    %dma_wait3A_154 = arith.constant 0 : i32
    %dma_wait3A_155 = arith.constant 0 : i32
    %dma_wait3A_156 = tpu.memref_slice %arg4[%dma_wait3A_154, %dma_wait3A_155] : memref<2x320000xi32, #tpu.memory_space<hbm>> -> memref<2x32xi32, #tpu.memory_space<hbm>>
    tpu.wait_dma2 semaphore(%arg24 : memref<!tpu.dma_semaphore, #tpu.memory_space<semaphore_mem>>) src(%dma_wait3A_156 : memref<2x32xi32, #tpu.memory_space<hbm>>) dst(%arg8 : memref<2x32xi32, #tpu.memory_space<vmem>>)
    %dma_wait3A_157 = arith.constant 0 : i32
    %dma_wait3A_158 = arith.constant 0 : i32
    %dma_wait3A_159 = tpu.memref_slice %arg17[%dma_wait3A_157, %dma_wait3A_158] : memref<1x32xi32, #tpu.memory_space<vmem>> -> memref<1x32xi32, #tpu.memory_space<vmem>>
    %dma_wait3A_160 = tpu.memref_squeeze %dma_wait3A_159 : memref<1x32xi32, #tpu.memory_space<vmem>> -> memref<32xi32, #tpu.memory_space<vmem>>
    %dma_wait3A_161 = arith.constant 0 : i32
    %dma_wait3A_162 = arith.constant 0 : i32
    %dma_wait3A_163 = tpu.memref_slice %arg18[%dma_wait3A_161, %dma_wait3A_162] : memref<10000x152xf32, #tpu.memory_space<vmem_shared>> -> memref<10000x152xf32, #tpu.memory_space<vmem_shared>>
    tpu.wait_indirect_dma semaphore(%arg25 : memref<!tpu.dma_semaphore, #tpu.memory_space<semaphore_mem>>) src(%arg15 : memref<32x152xf32, #tpu.memory_space<vmem>>) dst(%dma_wait3A_163 : memref<10000x152xf32, #tpu.memory_space<vmem_shared>>)
    %barrier3A_164 = arith.constant 0 : index
    tpu.barrier barrier_id(%barrier3A_164)
    %scan3A_165 = arith.constant 0 : i32
    %scan3A_166 = arith.constant 0 : i32
    %scan3A_167 = arith.constant 19 : i32
    %scan3A_168 = arith.addi %scan3A_166, %scan3A_167 : i32
    %scan3A_169 = arith.constant 1 : i32
    %scan3A_170 = scf.for %scan3A_176 = %scan3A_166 to %scan3A_168 step %scan3A_169 iter_args(%scan3A_177 = %scan3A_165) -> (i32)  : i32 {
      %mul3A_178 = arith.constant 32 : i32
      %mul3A_179 = arith.muli %mul3A_178, %scan3A_176 : i32
      %add3A_180 = arith.addi %mul3A_9, %mul3A_179 : i32
      %mul3A_181 = arith.constant 32 : i32
      %mul3A_182 = arith.muli %mul3A_181, %scan3A_176 : i32
      %add3A_183 = arith.addi %mul3A_9, %mul3A_182 : i32
      "tpu.region"() ({
        %run_scoped3A = tpu.sem_alloc : memref<!tpu.dma_semaphore, #tpu.memory_space<semaphore_mem>>
        %dma_start3A_185 = arith.constant 0 : i32
        %dma_start3A_186 = tpu.memref_slice %arg6[%arg0, %add3A_183, %dma_start3A_185] : memref<2x10000x152xf32, #tpu.memory_space<hbm>> -> memref<1x32x152xf32, #tpu.memory_space<hbm>>
        %dma_start3A_187 = tpu.memref_squeeze %dma_start3A_186 : memref<1x32x152xf32, #tpu.memory_space<hbm>> -> memref<32x152xf32, #tpu.memory_space<hbm>>
        %dma_start3A_188 = arith.constant 0 : i32
        %dma_start3A_189 = tpu.memref_slice %arg18[%add3A_180, %dma_start3A_188] : memref<10000x152xf32, #tpu.memory_space<vmem_shared>> -> memref<32x152xf32, #tpu.memory_space<vmem_shared>>
        tpu.enqueue_dma source(%dma_start3A_189 : memref<32x152xf32, #tpu.memory_space<vmem_shared>>) target(%dma_start3A_187 : memref<32x152xf32, #tpu.memory_space<hbm>>) target_semaphore(%run_scoped3A : memref<!tpu.dma_semaphore, #tpu.memory_space<semaphore_mem>>)
        %dma_wait3A_190 = arith.constant 0 : i32
        %dma_wait3A_191 = tpu.memref_slice %arg6[%arg0, %add3A_183, %dma_wait3A_190] : memref<2x10000x152xf32, #tpu.memory_space<hbm>> -> memref<1x32x152xf32, #tpu.memory_space<hbm>>
        %dma_wait3A_192 = tpu.memref_squeeze %dma_wait3A_191 : memref<1x32x152xf32, #tpu.memory_space<hbm>> -> memref<32x152xf32, #tpu.memory_space<hbm>>
        %dma_wait3A_193 = arith.constant 0 : i32
        %dma_wait3A_194 = tpu.memref_slice %arg18[%add3A_180, %dma_wait3A_193] : memref<10000x152xf32, #tpu.memory_space<vmem_shared>> -> memref<32x152xf32, #tpu.memory_space<vmem_shared>>
        tpu.wait_dma2 semaphore(%run_scoped3A : memref<!tpu.dma_semaphore, #tpu.memory_space<semaphore_mem>>) src(%dma_wait3A_194 : memref<32x152xf32, #tpu.memory_space<vmem_shared>>) dst(%dma_wait3A_192 : memref<32x152xf32, #tpu.memory_space<hbm>>)
        tpu.yield
      }) : () -> ()
      %scan3A_184 = arith.constant 0 : i32
      scf.yield %scan3A_184 : i32
    }
    %scan3A_171 = arith.constant 19 : i32
    %add3A_172 = arith.constant 608 : i32
    %add3A_173 = arith.addi %mul3A_9, %add3A_172 : i32
    %add3A_174 = arith.constant 608 : i32
    %add3A_175 = arith.addi %mul3A_9, %add3A_174 : i32
    "tpu.region"() ({
      %run_scoped3A = tpu.sem_alloc : memref<!tpu.dma_semaphore, #tpu.memory_space<semaphore_mem>>
      %dma_start3A_176 = arith.constant 0 : i32
      %dma_start3A_177 = tpu.memref_slice %arg6[%arg0, %add3A_175, %dma_start3A_176] : memref<2x10000x152xf32, #tpu.memory_space<hbm>> -> memref<1x17x152xf32, #tpu.memory_space<hbm>>
      %dma_start3A_178 = tpu.memref_squeeze %dma_start3A_177 : memref<1x17x152xf32, #tpu.memory_space<hbm>> -> memref<17x152xf32, #tpu.memory_space<hbm>>
      %dma_start3A_179 = arith.constant 0 : i32
      %dma_start3A_180 = tpu.memref_slice %arg18[%add3A_173, %dma_start3A_179] : memref<10000x152xf32, #tpu.memory_space<vmem_shared>> -> memref<17x152xf32, #tpu.memory_space<vmem_shared>>
      tpu.enqueue_dma source(%dma_start3A_180 : memref<17x152xf32, #tpu.memory_space<vmem_shared>>) target(%dma_start3A_178 : memref<17x152xf32, #tpu.memory_space<hbm>>) target_semaphore(%run_scoped3A : memref<!tpu.dma_semaphore, #tpu.memory_space<semaphore_mem>>)
      %dma_wait3A_181 = arith.constant 0 : i32
      %dma_wait3A_182 = tpu.memref_slice %arg6[%arg0, %add3A_175, %dma_wait3A_181] : memref<2x10000x152xf32, #tpu.memory_space<hbm>> -> memref<1x17x152xf32, #tpu.memory_space<hbm>>
      %dma_wait3A_183 = tpu.memref_squeeze %dma_wait3A_182 : memref<1x17x152xf32, #tpu.memory_space<hbm>> -> memref<17x152xf32, #tpu.memory_space<hbm>>
      %dma_wait3A_184 = arith.constant 0 : i32
      %dma_wait3A_185 = tpu.memref_slice %arg18[%add3A_173, %dma_wait3A_184] : memref<10000x152xf32, #tpu.memory_space<vmem_shared>> -> memref<17x152xf32, #tpu.memory_space<vmem_shared>>
      tpu.wait_dma2 semaphore(%run_scoped3A : memref<!tpu.dma_semaphore, #tpu.memory_space<semaphore_mem>>) src(%dma_wait3A_185 : memref<17x152xf32, #tpu.memory_space<vmem_shared>>) dst(%dma_wait3A_183 : memref<17x152xf32, #tpu.memory_space<hbm>>)
      tpu.yield
    }) : () -> ()
    return
  }
}

module attributes {stable_mosaic.version = 14 : i64} {
  func.func @_tables_body(%arg0: i32, %arg1: memref<1000x128xf32, #tpu.memory_space<vmem>>, %arg2: memref<128x128xf32, #tpu.memory_space<vmem>>, %arg3: memref<1x128xf32, #tpu.memory_space<vmem>>, %arg4: memref<128x128xf32, #tpu.memory_space<vmem>>, %arg5: memref<1x128xf32, #tpu.memory_space<vmem>>, %arg6: memref<128x128xf32, #tpu.memory_space<vmem>>, %arg7: memref<1x128xf32, #tpu.memory_space<vmem>>, %arg8: memref<128x16xf32, #tpu.memory_space<vmem>>, %arg9: memref<1000x144xf32, #tpu.memory_space<vmem>>, %arg10: memref<1000x256xf32, #tpu.memory_space<vmem>>) attributes {dimension_semantics = [#tpu.dimension_semantics<arbitrary>], iteration_bounds = array<i64: 10>, scalar_prefetch = 0 : i64, scratch_operands = 0 : i64, tpu.core_type = #tpu.core_type<tc>, window_params = [{transform_indices = @transform_0, window_bounds = array<i64: 1000, 128>}, {pipeline_mode = #tpu.pipeline_mode<synchronous>, transform_indices = @transform_1, window_bounds = array<i64: 128, 128>}, {pipeline_mode = #tpu.pipeline_mode<synchronous>, transform_indices = @transform_2, window_bounds = array<i64: 1, 128>}, {pipeline_mode = #tpu.pipeline_mode<synchronous>, transform_indices = @transform_3, window_bounds = array<i64: 128, 128>}, {pipeline_mode = #tpu.pipeline_mode<synchronous>, transform_indices = @transform_4, window_bounds = array<i64: 1, 128>}, {pipeline_mode = #tpu.pipeline_mode<synchronous>, transform_indices = @transform_5, window_bounds = array<i64: 128, 128>}, {pipeline_mode = #tpu.pipeline_mode<synchronous>, transform_indices = @transform_6, window_bounds = array<i64: 1, 128>}, {pipeline_mode = #tpu.pipeline_mode<synchronous>, transform_indices = @transform_7, window_bounds = array<i64: 128, 16>}, {transform_indices = @transform_8, window_bounds = array<i64: 1000, 144>}, {transform_indices = @transform_9, window_bounds = array<i64: 1000, 256>}]} {
    %get3A = arith.constant 0 : index
    %get3A_0 = arith.constant 0 : index
    %get3A_1 = vector.load %arg1[%get3A, %get3A_0] : memref<1000x128xf32, #tpu.memory_space<vmem>>, vector<1000x128xf32>
    %get3A_2 = arith.constant 0 : index
    %get3A_3 = arith.constant 0 : index
    %get3A_4 = vector.load %arg2[%get3A_2, %get3A_3] : memref<128x128xf32, #tpu.memory_space<vmem>>, vector<128x128xf32>
    %dot_general3A = arith.constant dense<0.000000e+00> : vector<1000x128xf32>
    %dot_general3A_5 = tpu.matmul %get3A_1, %get3A_4, %dot_general3A {dimension_numbers = #tpu.dot_dimension_numbers<[1], [0], [0], [1], [0, 0, 1, 1], [], []>, transpose_lhs_hint = false} : vector<1000x128xf32>, vector<128x128xf32>, vector<1000x128xf32> -> vector<1000x128xf32>
    %get3A_6 = arith.constant 0 : index
    %get3A_7 = arith.constant 0 : index
    %get3A_8 = vector.load %arg3[%get3A_6, %get3A_7] : memref<1x128xf32, #tpu.memory_space<vmem>>, vector<1x128xf32>
    %add3A = vector.broadcast %get3A_8 : vector<1x128xf32> to vector<1000x128xf32>
    %add3A_9 = arith.addf %dot_general3A_5, %add3A : vector<1000x128xf32>
    %mul3A = arith.constant 0.0883883461 : f32
    %mul3A_10 = vector.broadcast %mul3A : f32 to vector<1000x128xf32>
    %mul3A_11 = arith.mulf %add3A_9, %mul3A_10 : vector<1000x128xf32>
    %get3A_12 = arith.constant 0 : index
    %get3A_13 = arith.constant 0 : index
    %get3A_14 = vector.load %arg8[%get3A_12, %get3A_13] : memref<128x16xf32, #tpu.memory_space<vmem>>, vector<128x16xf32>
    %dot_general3A_15 = arith.constant dense<0.000000e+00> : vector<1000x16xf32>
    %dot_general3A_16 = tpu.matmul %mul3A_11, %get3A_14, %dot_general3A_15 {dimension_numbers = #tpu.dot_dimension_numbers<[1], [0], [0], [1], [0, 0, 1, 1], [], []>, transpose_lhs_hint = false} : vector<1000x128xf32>, vector<128x16xf32>, vector<1000x16xf32> -> vector<1000x16xf32>
    %concatenate3A = tpu.concatenate %mul3A_11, %dot_general3A_16 in 1 : vector<1000x128xf32>, vector<1000x16xf32> -> vector<1000x144xf32>
    %swap3A = arith.constant 0 : index
    %swap3A_17 = arith.constant 0 : index
    %swap3A_18 = vector.load %arg9[%swap3A, %swap3A_17] : memref<1000x144xf32, #tpu.memory_space<vmem>>, vector<1000x144xf32>
    tpu.vector_store %arg9[%swap3A, %swap3A_17], %concatenate3A {strides = array<i32>} : memref<1000x144xf32, #tpu.memory_space<vmem>>, vector<1000x144xf32>,
    %get3A_19 = arith.constant 0 : index
    %get3A_20 = arith.constant 0 : index
    %get3A_21 = vector.load %arg4[%get3A_19, %get3A_20] : memref<128x128xf32, #tpu.memory_space<vmem>>, vector<128x128xf32>
    %dot_general3A_22 = arith.constant dense<0.000000e+00> : vector<1000x128xf32>
    %dot_general3A_23 = tpu.matmul %get3A_1, %get3A_21, %dot_general3A_22 {dimension_numbers = #tpu.dot_dimension_numbers<[1], [0], [0], [1], [0, 0, 1, 1], [], []>, transpose_lhs_hint = false} : vector<1000x128xf32>, vector<128x128xf32>, vector<1000x128xf32> -> vector<1000x128xf32>
    %get3A_24 = arith.constant 0 : index
    %get3A_25 = arith.constant 0 : index
    %get3A_26 = vector.load %arg5[%get3A_24, %get3A_25] : memref<1x128xf32, #tpu.memory_space<vmem>>, vector<1x128xf32>
    %add3A_27 = vector.broadcast %get3A_26 : vector<1x128xf32> to vector<1000x128xf32>
    %add3A_28 = arith.addf %dot_general3A_23, %add3A_27 : vector<1000x128xf32>
    %get3A_29 = arith.constant 0 : index
    %get3A_30 = arith.constant 0 : index
    %get3A_31 = vector.load %arg6[%get3A_29, %get3A_30] : memref<128x128xf32, #tpu.memory_space<vmem>>, vector<128x128xf32>
    %dot_general3A_32 = arith.constant dense<0.000000e+00> : vector<1000x128xf32>
    %dot_general3A_33 = tpu.matmul %get3A_1, %get3A_31, %dot_general3A_32 {dimension_numbers = #tpu.dot_dimension_numbers<[1], [0], [0], [1], [0, 0, 1, 1], [], []>, transpose_lhs_hint = false} : vector<1000x128xf32>, vector<128x128xf32>, vector<1000x128xf32> -> vector<1000x128xf32>
    %get3A_34 = arith.constant 0 : index
    %get3A_35 = arith.constant 0 : index
    %get3A_36 = vector.load %arg7[%get3A_34, %get3A_35] : memref<1x128xf32, #tpu.memory_space<vmem>>, vector<1x128xf32>
    %add3A_37 = vector.broadcast %get3A_36 : vector<1x128xf32> to vector<1000x128xf32>
    %add3A_38 = arith.addf %dot_general3A_33, %add3A_37 : vector<1000x128xf32>
    %concatenate3A_39 = tpu.concatenate %add3A_28, %add3A_38 in 1 : vector<1000x128xf32>, vector<1000x128xf32> -> vector<1000x256xf32>
    %swap3A_40 = arith.constant 0 : index
    %swap3A_41 = arith.constant 0 : index
    %swap3A_42 = vector.load %arg10[%swap3A_40, %swap3A_41] : memref<1000x256xf32, #tpu.memory_space<vmem>>, vector<1000x256xf32>
    tpu.vector_store %arg10[%swap3A_40, %swap3A_41], %concatenate3A_39 {strides = array<i32>} : memref<1000x256xf32, #tpu.memory_space<vmem>>, vector<1000x256xf32>,
    return
  }
  func.func @transform_0(%arg0: i32) -> (i32, i32) {
    %c0_i32 = arith.constant 0 : i32
    %c0_i32_0 = arith.constant 0 : i32
    return %arg0, %c0_i32 : i32, i32
  }
  func.func @transform_1(%arg0: i32) -> (i32, i32) {
    %c0_i32 = arith.constant 0 : i32
    %c0_i32_0 = arith.constant 0 : i32
    %c0_i32_1 = arith.constant 0 : i32
    return %c0_i32, %c0_i32_0 : i32, i32
  }
  func.func @transform_2(%arg0: i32) -> (i32, i32) {
    %c0_i32 = arith.constant 0 : i32
    %c0_i32_0 = arith.constant 0 : i32
    %c0_i32_1 = arith.constant 0 : i32
    return %c0_i32, %c0_i32_0 : i32, i32
  }
  func.func @transform_3(%arg0: i32) -> (i32, i32) {
    %c0_i32 = arith.constant 0 : i32
    %c0_i32_0 = arith.constant 0 : i32
    %c0_i32_1 = arith.constant 0 : i32
    return %c0_i32, %c0_i32_0 : i32, i32
  }
  func.func @transform_4(%arg0: i32) -> (i32, i32) {
    %c0_i32 = arith.constant 0 : i32
    %c0_i32_0 = arith.constant 0 : i32
    %c0_i32_1 = arith.constant 0 : i32
    return %c0_i32, %c0_i32_0 : i32, i32
  }
  func.func @transform_5(%arg0: i32) -> (i32, i32) {
    %c0_i32 = arith.constant 0 : i32
    %c0_i32_0 = arith.constant 0 : i32
    %c0_i32_1 = arith.constant 0 : i32
    return %c0_i32, %c0_i32_0 : i32, i32
  }
  func.func @transform_6(%arg0: i32) -> (i32, i32) {
    %c0_i32 = arith.constant 0 : i32
    %c0_i32_0 = arith.constant 0 : i32
    %c0_i32_1 = arith.constant 0 : i32
    return %c0_i32, %c0_i32_0 : i32, i32
  }
  func.func @transform_7(%arg0: i32) -> (i32, i32) {
    %c0_i32 = arith.constant 0 : i32
    %c0_i32_0 = arith.constant 0 : i32
    %c0_i32_1 = arith.constant 0 : i32
    return %c0_i32, %c0_i32_0 : i32, i32
  }
  func.func @transform_8(%arg0: i32) -> (i32, i32) {
    %c0_i32 = arith.constant 0 : i32
    %c0_i32_0 = arith.constant 0 : i32
    return %arg0, %c0_i32 : i32, i32
  }
  func.func @transform_9(%arg0: i32) -> (i32, i32) {
    %c0_i32 = arith.constant 0 : i32
    %c0_i32_0 = arith.constant 0 : i32
    return %arg0, %c0_i32 : i32, i32
  }
}

module attributes {stable_mosaic.version = 14 : i64} {
  func.func @_mid_body(%arg0: i32, %arg1: memref<2x1000x152xf32, #tpu.memory_space<vmem>>, %arg2: memref<1000x128xf32, #tpu.memory_space<vmem>>, %arg3: memref<16x128xf32, #tpu.memory_space<vmem>>, %arg4: memref<1x128xf32, #tpu.memory_space<vmem>>, %arg5: memref<128x128xf32, #tpu.memory_space<vmem>>, %arg6: memref<1x128xf32, #tpu.memory_space<vmem>>, %arg7: memref<128x128xf32, #tpu.memory_space<vmem>>, %arg8: memref<1x128xf32, #tpu.memory_space<vmem>>, %arg9: memref<128x128xf32, #tpu.memory_space<vmem>>, %arg10: memref<1x128xf32, #tpu.memory_space<vmem>>, %arg11: memref<128x128xf32, #tpu.memory_space<vmem>>, %arg12: memref<1x128xf32, #tpu.memory_space<vmem>>, %arg13: memref<128x16xf32, #tpu.memory_space<vmem>>, %arg14: memref<1000x128xf32, #tpu.memory_space<vmem>>, %arg15: memref<1000x144xf32, #tpu.memory_space<vmem>>, %arg16: memref<1000x256xf32, #tpu.memory_space<vmem>>) attributes {dimension_semantics = [#tpu.dimension_semantics<arbitrary>], iteration_bounds = array<i64: 10>, scalar_prefetch = 0 : i64, scratch_operands = 0 : i64, tpu.core_type = #tpu.core_type<tc>, window_params = [{transform_indices = @transform_0, window_bounds = array<i64: 2, 1000, 152>}, {transform_indices = @transform_1, window_bounds = array<i64: 1000, 128>}, {pipeline_mode = #tpu.pipeline_mode<synchronous>, transform_indices = @transform_2, window_bounds = array<i64: 16, 128>}, {pipeline_mode = #tpu.pipeline_mode<synchronous>, transform_indices = @transform_3, window_bounds = array<i64: 1, 128>}, {pipeline_mode = #tpu.pipeline_mode<synchronous>, transform_indices = @transform_4, window_bounds = array<i64: 128, 128>}, {pipeline_mode = #tpu.pipeline_mode<synchronous>, transform_indices = @transform_5, window_bounds = array<i64: 1, 128>}, {pipeline_mode = #tpu.pipeline_mode<synchronous>, transform_indices = @transform_6, window_bounds = array<i64: 128, 128>}, {pipeline_mode = #tpu.pipeline_mode<synchronous>, transform_indices = @transform_7, window_bounds = array<i64: 1, 128>}, {pipeline_mode = #tpu.pipeline_mode<synchronous>, transform_indices = @transform_8, window_bounds = array<i64: 128, 128>}, {pipeline_mode = #tpu.pipeline_mode<synchronous>, transform_indices = @transform_9, window_bounds = array<i64: 1, 128>}, {pipeline_mode = #tpu.pipeline_mode<synchronous>, transform_indices = @transform_10, window_bounds = array<i64: 128, 128>}, {pipeline_mode = #tpu.pipeline_mode<synchronous>, transform_indices = @transform_11, window_bounds = array<i64: 1, 128>}, {pipeline_mode = #tpu.pipeline_mode<synchronous>, transform_indices = @transform_12, window_bounds = array<i64: 128, 16>}, {transform_indices = @transform_13, window_bounds = array<i64: 1000, 128>}, {transform_indices = @transform_14, window_bounds = array<i64: 1000, 144>}, {transform_indices = @transform_15, window_bounds = array<i64: 1000, 256>}]} {
    %get3A = arith.constant 0 : index
    %get3A_0 = arith.constant 0 : index
    %get3A_1 = arith.constant 0 : index
    %get3A_2 = vector.load %arg1[%get3A, %get3A_0, %get3A_1] : memref<2x1000x152xf32, #tpu.memory_space<vmem>>, vector<1x1000x152xf32>
    %get3A_3 = vector.shape_cast %get3A_2 : vector<1x1000x152xf32> to vector<1000x152xf32>
    %get3A_4 = arith.constant 1 : index
    %get3A_5 = arith.constant 0 : index
    %get3A_6 = arith.constant 0 : index
    %get3A_7 = vector.load %arg1[%get3A_4, %get3A_5, %get3A_6] : memref<2x1000x152xf32, #tpu.memory_space<vmem>>, vector<1x1000x152xf32>
    %get3A_8 = vector.shape_cast %get3A_7 : vector<1x1000x152xf32> to vector<1000x152xf32>
    %add3A = arith.addf %get3A_3, %get3A_8 : vector<1000x152xf32>
    %get3A_9 = arith.constant 0 : index
    %get3A_10 = arith.constant 0 : index
    %get3A_11 = vector.load %arg2[%get3A_9, %get3A_10] : memref<1000x128xf32, #tpu.memory_space<vmem>>, vector<1000x128xf32>
    %slice3A = vector.extract_strided_slice %add3A {offsets = [0, 0], sizes = [1000, 128], strides = [1, 1]} : vector<1000x152xf32> to vector<1000x128xf32>
    %slice3A_12 = vector.extract_strided_slice %add3A {offsets = [0, 128], sizes = [1000, 16], strides = [1, 1]} : vector<1000x152xf32> to vector<1000x16xf32>
    %slice3A_13 = vector.extract_strided_slice %add3A {offsets = [0, 144], sizes = [1000, 1], strides = [1, 1]} : vector<1000x152xf32> to vector<1000x1xf32>
    %get3A_14 = arith.constant 0 : index
    %get3A_15 = arith.constant 0 : index
    %get3A_16 = vector.load %arg3[%get3A_14, %get3A_15] : memref<16x128xf32, #tpu.memory_space<vmem>>, vector<16x128xf32>
    %dot_general3A = arith.constant dense<0.000000e+00> : vector<1000x128xf32>
    %dot_general3A_17 = tpu.matmul %slice3A_12, %get3A_16, %dot_general3A {dimension_numbers = #tpu.dot_dimension_numbers<[1], [0], [0], [1], [0, 0, 1, 1], [], []>, transpose_lhs_hint = false} : vector<1000x16xf32>, vector<16x128xf32>, vector<1000x128xf32> -> vector<1000x128xf32>
    %add3A_18 = arith.addf %slice3A, %dot_general3A_17 : vector<1000x128xf32>
    %get3A_19 = arith.constant 0 : index
    %get3A_20 = arith.constant 0 : index
    %get3A_21 = vector.load %arg4[%get3A_19, %get3A_20] : memref<1x128xf32, #tpu.memory_space<vmem>>, vector<1x128xf32>
    %mul3A = vector.broadcast %slice3A_13 : vector<1000x1xf32> to vector<1000x128xf32>
    %mul3A_22 = vector.broadcast %get3A_21 : vector<1x128xf32> to vector<1000x128xf32>
    %mul3A_23 = arith.mulf %mul3A, %mul3A_22 : vector<1000x128xf32>
    %add3A_24 = arith.addf %add3A_18, %mul3A_23 : vector<1000x128xf32>
    %add3A_25 = arith.constant 1.000000e-16 : f32
    %add3A_26 = vector.broadcast %add3A_25 : f32 to vector<1000x1xf32>
    %add3A_27 = arith.addf %slice3A_13, %add3A_26 : vector<1000x1xf32>
    %div3A = vector.broadcast %add3A_27 : vector<1000x1xf32> to vector<1000x128xf32>
    %div3A_28 = arith.divf %add3A_24, %div3A : vector<1000x128xf32>
    %get3A_29 = arith.constant 0 : index
    %get3A_30 = arith.constant 0 : index
    %get3A_31 = vector.load %arg5[%get3A_29, %get3A_30] : memref<128x128xf32, #tpu.memory_space<vmem>>, vector<128x128xf32>
    %dot_general3A_32 = arith.constant dense<0.000000e+00> : vector<1000x128xf32>
    %dot_general3A_33 = tpu.matmul %get3A_11, %get3A_31, %dot_general3A_32 {dimension_numbers = #tpu.dot_dimension_numbers<[1], [0], [0], [1], [0, 0, 1, 1], [], []>, transpose_lhs_hint = false} : vector<1000x128xf32>, vector<128x128xf32>, vector<1000x128xf32> -> vector<1000x128xf32>
    %add3A_34 = arith.addf %div3A_28, %dot_general3A_33 : vector<1000x128xf32>
    %get3A_35 = arith.constant 0 : index
    %get3A_36 = arith.constant 0 : index
    %get3A_37 = vector.load %arg6[%get3A_35, %get3A_36] : memref<1x128xf32, #tpu.memory_space<vmem>>, vector<1x128xf32>
    %add3A_38 = vector.broadcast %get3A_37 : vector<1x128xf32> to vector<1000x128xf32>
    %add3A_39 = arith.addf %add3A_34, %add3A_38 : vector<1000x128xf32>
    %max3A = arith.constant 0.000000e+00 : f32
    %max3A_40 = vector.broadcast %max3A : f32 to vector<1000x128xf32>
    %max3A_41 = arith.maximumf %add3A_39, %max3A_40 : vector<1000x128xf32>
    %swap3A = arith.constant 0 : index
    %swap3A_42 = arith.constant 0 : index
    %swap3A_43 = vector.load %arg14[%swap3A, %swap3A_42] : memref<1000x128xf32, #tpu.memory_space<vmem>>, vector<1000x128xf32>
    tpu.vector_store %arg14[%swap3A, %swap3A_42], %max3A_41 {strides = array<i32>} : memref<1000x128xf32, #tpu.memory_space<vmem>>, vector<1000x128xf32>,
    %get3A_44 = arith.constant 0 : index
    %get3A_45 = arith.constant 0 : index
    %get3A_46 = vector.load %arg7[%get3A_44, %get3A_45] : memref<128x128xf32, #tpu.memory_space<vmem>>, vector<128x128xf32>
    %dot_general3A_47 = arith.constant dense<0.000000e+00> : vector<1000x128xf32>
    %dot_general3A_48 = tpu.matmul %max3A_41, %get3A_46, %dot_general3A_47 {dimension_numbers = #tpu.dot_dimension_numbers<[1], [0], [0], [1], [0, 0, 1, 1], [], []>, transpose_lhs_hint = false} : vector<1000x128xf32>, vector<128x128xf32>, vector<1000x128xf32> -> vector<1000x128xf32>
    %get3A_49 = arith.constant 0 : index
    %get3A_50 = arith.constant 0 : index
    %get3A_51 = vector.load %arg8[%get3A_49, %get3A_50] : memref<1x128xf32, #tpu.memory_space<vmem>>, vector<1x128xf32>
    %add3A_52 = vector.broadcast %get3A_51 : vector<1x128xf32> to vector<1000x128xf32>
    %add3A_53 = arith.addf %dot_general3A_48, %add3A_52 : vector<1000x128xf32>
    %mul3A_54 = arith.constant 0.0883883461 : f32
    %mul3A_55 = vector.broadcast %mul3A_54 : f32 to vector<1000x128xf32>
    %mul3A_56 = arith.mulf %add3A_53, %mul3A_55 : vector<1000x128xf32>
    %get3A_57 = arith.constant 0 : index
    %get3A_58 = arith.constant 0 : index
    %get3A_59 = vector.load %arg13[%get3A_57, %get3A_58] : memref<128x16xf32, #tpu.memory_space<vmem>>, vector<128x16xf32>
    %dot_general3A_60 = arith.constant dense<0.000000e+00> : vector<1000x16xf32>
    %dot_general3A_61 = tpu.matmul %mul3A_56, %get3A_59, %dot_general3A_60 {dimension_numbers = #tpu.dot_dimension_numbers<[1], [0], [0], [1], [0, 0, 1, 1], [], []>, transpose_lhs_hint = false} : vector<1000x128xf32>, vector<128x16xf32>, vector<1000x16xf32> -> vector<1000x16xf32>
    %concatenate3A = tpu.concatenate %mul3A_56, %dot_general3A_61 in 1 : vector<1000x128xf32>, vector<1000x16xf32> -> vector<1000x144xf32>
    %swap3A_62 = arith.constant 0 : index
    %swap3A_63 = arith.constant 0 : index
    %swap3A_64 = vector.load %arg15[%swap3A_62, %swap3A_63] : memref<1000x144xf32, #tpu.memory_space<vmem>>, vector<1000x144xf32>
    tpu.vector_store %arg15[%swap3A_62, %swap3A_63], %concatenate3A {strides = array<i32>} : memref<1000x144xf32, #tpu.memory_space<vmem>>, vector<1000x144xf32>,
    %get3A_65 = arith.constant 0 : index
    %get3A_66 = arith.constant 0 : index
    %get3A_67 = vector.load %arg9[%get3A_65, %get3A_66] : memref<128x128xf32, #tpu.memory_space<vmem>>, vector<128x128xf32>
    %dot_general3A_68 = arith.constant dense<0.000000e+00> : vector<1000x128xf32>
    %dot_general3A_69 = tpu.matmul %max3A_41, %get3A_67, %dot_general3A_68 {dimension_numbers = #tpu.dot_dimension_numbers<[1], [0], [0], [1], [0, 0, 1, 1], [], []>, transpose_lhs_hint = false} : vector<1000x128xf32>, vector<128x128xf32>, vector<1000x128xf32> -> vector<1000x128xf32>
    %get3A_70 = arith.constant 0 : index
    %get3A_71 = arith.constant 0 : index
    %get3A_72 = vector.load %arg10[%get3A_70, %get3A_71] : memref<1x128xf32, #tpu.memory_space<vmem>>, vector<1x128xf32>
    %add3A_73 = vector.broadcast %get3A_72 : vector<1x128xf32> to vector<1000x128xf32>
    %add3A_74 = arith.addf %dot_general3A_69, %add3A_73 : vector<1000x128xf32>
    %get3A_75 = arith.constant 0 : index
    %get3A_76 = arith.constant 0 : index
    %get3A_77 = vector.load %arg11[%get3A_75, %get3A_76] : memref<128x128xf32, #tpu.memory_space<vmem>>, vector<128x128xf32>
    %dot_general3A_78 = arith.constant dense<0.000000e+00> : vector<1000x128xf32>
    %dot_general3A_79 = tpu.matmul %max3A_41, %get3A_77, %dot_general3A_78 {dimension_numbers = #tpu.dot_dimension_numbers<[1], [0], [0], [1], [0, 0, 1, 1], [], []>, transpose_lhs_hint = false} : vector<1000x128xf32>, vector<128x128xf32>, vector<1000x128xf32> -> vector<1000x128xf32>
    %get3A_80 = arith.constant 0 : index
    %get3A_81 = arith.constant 0 : index
    %get3A_82 = vector.load %arg12[%get3A_80, %get3A_81] : memref<1x128xf32, #tpu.memory_space<vmem>>, vector<1x128xf32>
    %add3A_83 = vector.broadcast %get3A_82 : vector<1x128xf32> to vector<1000x128xf32>
    %add3A_84 = arith.addf %dot_general3A_79, %add3A_83 : vector<1000x128xf32>
    %concatenate3A_85 = tpu.concatenate %add3A_74, %add3A_84 in 1 : vector<1000x128xf32>, vector<1000x128xf32> -> vector<1000x256xf32>
    %swap3A_86 = arith.constant 0 : index
    %swap3A_87 = arith.constant 0 : index
    %swap3A_88 = vector.load %arg16[%swap3A_86, %swap3A_87] : memref<1000x256xf32, #tpu.memory_space<vmem>>, vector<1000x256xf32>
    tpu.vector_store %arg16[%swap3A_86, %swap3A_87], %concatenate3A_85 {strides = array<i32>} : memref<1000x256xf32, #tpu.memory_space<vmem>>, vector<1000x256xf32>,
    return
  }
  func.func @transform_0(%arg0: i32) -> (i32, i32, i32) {
    %c0_i32 = arith.constant 0 : i32
    %c0_i32_0 = arith.constant 0 : i32
    %c0_i32_1 = arith.constant 0 : i32
    return %c0_i32, %arg0, %c0_i32_0 : i32, i32, i32
  }
  func.func @transform_1(%arg0: i32) -> (i32, i32) {
    %c0_i32 = arith.constant 0 : i32
    %c0_i32_0 = arith.constant 0 : i32
    return %arg0, %c0_i32 : i32, i32
  }
  func.func @transform_2(%arg0: i32) -> (i32, i32) {
    %c0_i32 = arith.constant 0 : i32
    %c0_i32_0 = arith.constant 0 : i32
    %c0_i32_1 = arith.constant 0 : i32
    return %c0_i32, %c0_i32_0 : i32, i32
  }
  func.func @transform_3(%arg0: i32) -> (i32, i32) {
    %c0_i32 = arith.constant 0 : i32
    %c0_i32_0 = arith.constant 0 : i32
    %c0_i32_1 = arith.constant 0 : i32
    return %c0_i32, %c0_i32_0 : i32, i32
  }
  func.func @transform_4(%arg0: i32) -> (i32, i32) {
    %c0_i32 = arith.constant 0 : i32
    %c0_i32_0 = arith.constant 0 : i32
    %c0_i32_1 = arith.constant 0 : i32
    return %c0_i32, %c0_i32_0 : i32, i32
  }
  func.func @transform_5(%arg0: i32) -> (i32, i32) {
    %c0_i32 = arith.constant 0 : i32
    %c0_i32_0 = arith.constant 0 : i32
    %c0_i32_1 = arith.constant 0 : i32
    return %c0_i32, %c0_i32_0 : i32, i32
  }
  func.func @transform_6(%arg0: i32) -> (i32, i32) {
    %c0_i32 = arith.constant 0 : i32
    %c0_i32_0 = arith.constant 0 : i32
    %c0_i32_1 = arith.constant 0 : i32
    return %c0_i32, %c0_i32_0 : i32, i32
  }
  func.func @transform_7(%arg0: i32) -> (i32, i32) {
    %c0_i32 = arith.constant 0 : i32
    %c0_i32_0 = arith.constant 0 : i32
    %c0_i32_1 = arith.constant 0 : i32
    return %c0_i32, %c0_i32_0 : i32, i32
  }
  func.func @transform_8(%arg0: i32) -> (i32, i32) {
    %c0_i32 = arith.constant 0 : i32
    %c0_i32_0 = arith.constant 0 : i32
    %c0_i32_1 = arith.constant 0 : i32
    return %c0_i32, %c0_i32_0 : i32, i32
  }
  func.func @transform_9(%arg0: i32) -> (i32, i32) {
    %c0_i32 = arith.constant 0 : i32
    %c0_i32_0 = arith.constant 0 : i32
    %c0_i32_1 = arith.constant 0 : i32
    return %c0_i32, %c0_i32_0 : i32, i32
  }
  func.func @transform_10(%arg0: i32) -> (i32, i32) {
    %c0_i32 = arith.constant 0 : i32
    %c0_i32_0 = arith.constant 0 : i32
    %c0_i32_1 = arith.constant 0 : i32
    return %c0_i32, %c0_i32_0 : i32, i32
  }
  func.func @transform_11(%arg0: i32) -> (i32, i32) {
    %c0_i32 = arith.constant 0 : i32
    %c0_i32_0 = arith.constant 0 : i32
    %c0_i32_1 = arith.constant 0 : i32
    return %c0_i32, %c0_i32_0 : i32, i32
  }
  func.func @transform_12(%arg0: i32) -> (i32, i32) {
    %c0_i32 = arith.constant 0 : i32
    %c0_i32_0 = arith.constant 0 : i32
    %c0_i32_1 = arith.constant 0 : i32
    return %c0_i32, %c0_i32_0 : i32, i32
  }
  func.func @transform_13(%arg0: i32) -> (i32, i32) {
    %c0_i32 = arith.constant 0 : i32
    %c0_i32_0 = arith.constant 0 : i32
    return %arg0, %c0_i32 : i32, i32
  }
  func.func @transform_14(%arg0: i32) -> (i32, i32) {
    %c0_i32 = arith.constant 0 : i32
    %c0_i32_0 = arith.constant 0 : i32
    return %arg0, %c0_i32 : i32, i32
  }
  func.func @transform_15(%arg0: i32) -> (i32, i32) {
    %c0_i32 = arith.constant 0 : i32
    %c0_i32_0 = arith.constant 0 : i32
    return %arg0, %c0_i32 : i32, i32
  }
}

module attributes {stable_mosaic.version = 14 : i64} {
  func.func @_final_body(%arg0: i32, %arg1: memref<2x1000x152xf32, #tpu.memory_space<vmem>>, %arg2: memref<1000x128xf32, #tpu.memory_space<vmem>>, %arg3: memref<16x128xf32, #tpu.memory_space<vmem>>, %arg4: memref<1x128xf32, #tpu.memory_space<vmem>>, %arg5: memref<128x128xf32, #tpu.memory_space<vmem>>, %arg6: memref<1x128xf32, #tpu.memory_space<vmem>>, %arg7: memref<1000x1xi32, #tpu.memory_space<vmem>>, %arg8: memref<128x128xf32, #tpu.memory_space<vmem>>, %arg9: memref<1x128xf32, #tpu.memory_space<vmem>>, %arg10: memref<128x64xf32, #tpu.memory_space<vmem>>, %arg11: memref<1x64xf32, #tpu.memory_space<vmem>>, %arg12: memref<16x64xf32, #tpu.memory_space<vmem>>, %arg13: memref<16x128xf32, #tpu.memory_space<vmem>>) attributes {dimension_semantics = [#tpu.dimension_semantics<arbitrary>], iteration_bounds = array<i64: 10>, scalar_prefetch = 0 : i64, scratch_operands = 1 : i64, tpu.core_type = #tpu.core_type<tc>, window_params = [{transform_indices = @transform_0, window_bounds = array<i64: 2, 1000, 152>}, {transform_indices = @transform_1, window_bounds = array<i64: 1000, 128>}, {pipeline_mode = #tpu.pipeline_mode<synchronous>, transform_indices = @transform_2, window_bounds = array<i64: 16, 128>}, {pipeline_mode = #tpu.pipeline_mode<synchronous>, transform_indices = @transform_3, window_bounds = array<i64: 1, 128>}, {pipeline_mode = #tpu.pipeline_mode<synchronous>, transform_indices = @transform_4, window_bounds = array<i64: 128, 128>}, {pipeline_mode = #tpu.pipeline_mode<synchronous>, transform_indices = @transform_5, window_bounds = array<i64: 1, 128>}, {transform_indices = @transform_6, window_bounds = array<i64: 1000, 1>}, {pipeline_mode = #tpu.pipeline_mode<synchronous>, transform_indices = @transform_7, window_bounds = array<i64: 128, 128>}, {pipeline_mode = #tpu.pipeline_mode<synchronous>, transform_indices = @transform_8, window_bounds = array<i64: 1, 128>}, {pipeline_mode = #tpu.pipeline_mode<synchronous>, transform_indices = @transform_9, window_bounds = array<i64: 128, 64>}, {pipeline_mode = #tpu.pipeline_mode<synchronous>, transform_indices = @transform_10, window_bounds = array<i64: 1, 64>}, {pipeline_mode = #tpu.pipeline_mode<synchronous>, transform_indices = @transform_11, window_bounds = array<i64: 16, 64>}]} {
    %get3A = arith.constant 0 : index
    %get3A_0 = arith.constant 0 : index
    %get3A_1 = arith.constant 0 : index
    %get3A_2 = vector.load %arg1[%get3A, %get3A_0, %get3A_1] : memref<2x1000x152xf32, #tpu.memory_space<vmem>>, vector<1x1000x152xf32>
    %get3A_3 = vector.shape_cast %get3A_2 : vector<1x1000x152xf32> to vector<1000x152xf32>
    %get3A_4 = arith.constant 1 : index
    %get3A_5 = arith.constant 0 : index
    %get3A_6 = arith.constant 0 : index
    %get3A_7 = vector.load %arg1[%get3A_4, %get3A_5, %get3A_6] : memref<2x1000x152xf32, #tpu.memory_space<vmem>>, vector<1x1000x152xf32>
    %get3A_8 = vector.shape_cast %get3A_7 : vector<1x1000x152xf32> to vector<1000x152xf32>
    %add3A = arith.addf %get3A_3, %get3A_8 : vector<1000x152xf32>
    %get3A_9 = arith.constant 0 : index
    %get3A_10 = arith.constant 0 : index
    %get3A_11 = vector.load %arg2[%get3A_9, %get3A_10] : memref<1000x128xf32, #tpu.memory_space<vmem>>, vector<1000x128xf32>
    %slice3A = vector.extract_strided_slice %add3A {offsets = [0, 0], sizes = [1000, 128], strides = [1, 1]} : vector<1000x152xf32> to vector<1000x128xf32>
    %slice3A_12 = vector.extract_strided_slice %add3A {offsets = [0, 128], sizes = [1000, 16], strides = [1, 1]} : vector<1000x152xf32> to vector<1000x16xf32>
    %slice3A_13 = vector.extract_strided_slice %add3A {offsets = [0, 144], sizes = [1000, 1], strides = [1, 1]} : vector<1000x152xf32> to vector<1000x1xf32>
    %get3A_14 = arith.constant 0 : index
    %get3A_15 = arith.constant 0 : index
    %get3A_16 = vector.load %arg3[%get3A_14, %get3A_15] : memref<16x128xf32, #tpu.memory_space<vmem>>, vector<16x128xf32>
    %dot_general3A = arith.constant dense<0.000000e+00> : vector<1000x128xf32>
    %dot_general3A_17 = tpu.matmul %slice3A_12, %get3A_16, %dot_general3A {dimension_numbers = #tpu.dot_dimension_numbers<[1], [0], [0], [1], [0, 0, 1, 1], [], []>, transpose_lhs_hint = false} : vector<1000x16xf32>, vector<16x128xf32>, vector<1000x128xf32> -> vector<1000x128xf32>
    %add3A_18 = arith.addf %slice3A, %dot_general3A_17 : vector<1000x128xf32>
    %get3A_19 = arith.constant 0 : index
    %get3A_20 = arith.constant 0 : index
    %get3A_21 = vector.load %arg4[%get3A_19, %get3A_20] : memref<1x128xf32, #tpu.memory_space<vmem>>, vector<1x128xf32>
    %mul3A = vector.broadcast %slice3A_13 : vector<1000x1xf32> to vector<1000x128xf32>
    %mul3A_22 = vector.broadcast %get3A_21 : vector<1x128xf32> to vector<1000x128xf32>
    %mul3A_23 = arith.mulf %mul3A, %mul3A_22 : vector<1000x128xf32>
    %add3A_24 = arith.addf %add3A_18, %mul3A_23 : vector<1000x128xf32>
    %add3A_25 = arith.constant 1.000000e-16 : f32
    %add3A_26 = vector.broadcast %add3A_25 : f32 to vector<1000x1xf32>
    %add3A_27 = arith.addf %slice3A_13, %add3A_26 : vector<1000x1xf32>
    %div3A = vector.broadcast %add3A_27 : vector<1000x1xf32> to vector<1000x128xf32>
    %div3A_28 = arith.divf %add3A_24, %div3A : vector<1000x128xf32>
    %get3A_29 = arith.constant 0 : index
    %get3A_30 = arith.constant 0 : index
    %get3A_31 = vector.load %arg5[%get3A_29, %get3A_30] : memref<128x128xf32, #tpu.memory_space<vmem>>, vector<128x128xf32>
    %dot_general3A_32 = arith.constant dense<0.000000e+00> : vector<1000x128xf32>
    %dot_general3A_33 = tpu.matmul %get3A_11, %get3A_31, %dot_general3A_32 {dimension_numbers = #tpu.dot_dimension_numbers<[1], [0], [0], [1], [0, 0, 1, 1], [], []>, transpose_lhs_hint = false} : vector<1000x128xf32>, vector<128x128xf32>, vector<1000x128xf32> -> vector<1000x128xf32>
    %add3A_34 = arith.addf %div3A_28, %dot_general3A_33 : vector<1000x128xf32>
    %get3A_35 = arith.constant 0 : index
    %get3A_36 = arith.constant 0 : index
    %get3A_37 = vector.load %arg6[%get3A_35, %get3A_36] : memref<1x128xf32, #tpu.memory_space<vmem>>, vector<1x128xf32>
    %add3A_38 = vector.broadcast %get3A_37 : vector<1x128xf32> to vector<1000x128xf32>
    %add3A_39 = arith.addf %add3A_34, %add3A_38 : vector<1000x128xf32>
    %max3A = arith.constant 0.000000e+00 : f32
    %max3A_40 = vector.broadcast %max3A : f32 to vector<1000x128xf32>
    %max3A_41 = arith.maximumf %add3A_39, %max3A_40 : vector<1000x128xf32>
    %iota3A = tpu.iota {dimensions = array<i32: 1>} : vector<1000x16xi32>
    %get3A_42 = arith.constant 0 : index
    %get3A_43 = arith.constant 0 : index
    %get3A_44 = vector.load %arg7[%get3A_42, %get3A_43] : memref<1000x1xi32, #tpu.memory_space<vmem>>, vector<1000x1xi32>
    %eq3A = vector.broadcast %get3A_44 : vector<1000x1xi32> to vector<1000x16xi32>
    %eq3A_45 = arith.cmpi eq, %iota3A, %eq3A : vector<1000x16xi32>
    %convert_element_type3A = arith.extui %eq3A_45 : vector<1000x16xi1> to vector<1000x16xi32>
    %convert_element_type3A_46 = arith.sitofp %convert_element_type3A : vector<1000x16xi32> to vector<1000x16xf32>
    %dot_general3A_47 = arith.constant dense<0.000000e+00> : vector<16x128xf32>
    %dot_general3A_48 = tpu.matmul %convert_element_type3A_46, %max3A_41, %dot_general3A_47 {dimension_numbers = #tpu.dot_dimension_numbers<[0], [0], [1], [1], [0, 1, 1, 1], [], []>, transpose_lhs_hint = false} : vector<1000x16xf32>, vector<1000x128xf32>, vector<16x128xf32> -> vector<16x128xf32>
    %eq3A_49 = arith.constant 0 : i32
    %eq3A_50 = arith.cmpi eq, %arg0, %eq3A_49 : i32
    %convert_element_type3A_51 = arith.extui %eq3A_50 : i1 to i32
    %cond3A = arith.constant 0 : i32
    %cond3A_52 = arith.cmpi ne, %convert_element_type3A_51, %cond3A : i32
    scf.if %cond3A_52 {
      %swap3A = arith.constant 0 : index
      %swap3A_62 = arith.constant 0 : index
      %swap3A_63 = vector.load %arg13[%swap3A, %swap3A_62] : memref<16x128xf32, #tpu.memory_space<vmem>>, vector<16x128xf32>
      tpu.vector_store %arg13[%swap3A, %swap3A_62], %dot_general3A_48 {strides = array<i32>} : memref<16x128xf32, #tpu.memory_space<vmem>>, vector<16x128xf32>,
    } else {
    }
    %gt3A = arith.constant 0 : i32
    %gt3A_53 = arith.cmpi sgt, %arg0, %gt3A : i32
    %convert_element_type3A_54 = arith.extui %gt3A_53 : i1 to i32
    %cond3A_55 = arith.constant 0 : i32
    %cond3A_56 = arith.cmpi ne, %convert_element_type3A_54, %cond3A_55 : i32
    scf.if %cond3A_56 {
      %get3A_62 = arith.constant 0 : index
      %get3A_63 = arith.constant 0 : index
      %get3A_64 = vector.load %arg13[%get3A_62, %get3A_63] : memref<16x128xf32, #tpu.memory_space<vmem>>, vector<16x128xf32>
      %add3A_65 = arith.addf %get3A_64, %dot_general3A_48 : vector<16x128xf32>
      %swap3A = arith.constant 0 : index
      %swap3A_66 = arith.constant 0 : index
      %swap3A_67 = vector.load %arg13[%swap3A, %swap3A_66] : memref<16x128xf32, #tpu.memory_space<vmem>>, vector<16x128xf32>
      tpu.vector_store %arg13[%swap3A, %swap3A_66], %add3A_65 {strides = array<i32>} : memref<16x128xf32, #tpu.memory_space<vmem>>, vector<16x128xf32>,
    } else {
    }
    %eq3A_57 = arith.constant 9 : i32
    %eq3A_58 = arith.cmpi eq, %arg0, %eq3A_57 : i32
    %convert_element_type3A_59 = arith.extui %eq3A_58 : i1 to i32
    %cond3A_60 = arith.constant 0 : i32
    %cond3A_61 = arith.cmpi ne, %convert_element_type3A_59, %cond3A_60 : i32
    scf.if %cond3A_61 {
      %get3A_62 = arith.constant 0 : index
      %get3A_63 = arith.constant 0 : index
      %get3A_64 = vector.load %arg13[%get3A_62, %get3A_63] : memref<16x128xf32, #tpu.memory_space<vmem>>, vector<16x128xf32>
      %get3A_65 = arith.constant 0 : index
      %get3A_66 = arith.constant 0 : index
      %get3A_67 = vector.load %arg8[%get3A_65, %get3A_66] : memref<128x128xf32, #tpu.memory_space<vmem>>, vector<128x128xf32>
      %dot_general3A_68 = arith.constant dense<0.000000e+00> : vector<16x128xf32>
      %dot_general3A_69 = tpu.matmul %get3A_64, %get3A_67, %dot_general3A_68 {dimension_numbers = #tpu.dot_dimension_numbers<[1], [0], [0], [1], [0, 0, 1, 1], [], []>, transpose_lhs_hint = false} : vector<16x128xf32>, vector<128x128xf32>, vector<16x128xf32> -> vector<16x128xf32>
      %get3A_70 = arith.constant 0 : index
      %get3A_71 = arith.constant 0 : index
      %get3A_72 = vector.load %arg9[%get3A_70, %get3A_71] : memref<1x128xf32, #tpu.memory_space<vmem>>, vector<1x128xf32>
      %add3A_73 = vector.broadcast %get3A_72 : vector<1x128xf32> to vector<16x128xf32>
      %add3A_74 = arith.addf %dot_general3A_69, %add3A_73 : vector<16x128xf32>
      %max3A_75 = arith.constant 0.000000e+00 : f32
      %max3A_76 = vector.broadcast %max3A_75 : f32 to vector<16x128xf32>
      %max3A_77 = arith.maximumf %add3A_74, %max3A_76 : vector<16x128xf32>
      %get3A_78 = arith.constant 0 : index
      %get3A_79 = arith.constant 0 : index
      %get3A_80 = vector.load %arg10[%get3A_78, %get3A_79] : memref<128x64xf32, #tpu.memory_space<vmem>>, vector<128x64xf32>
      %dot_general3A_81 = arith.constant dense<0.000000e+00> : vector<16x64xf32>
      %dot_general3A_82 = tpu.matmul %max3A_77, %get3A_80, %dot_general3A_81 {dimension_numbers = #tpu.dot_dimension_numbers<[1], [0], [0], [1], [0, 0, 1, 1], [], []>, transpose_lhs_hint = false} : vector<16x128xf32>, vector<128x64xf32>, vector<16x64xf32> -> vector<16x64xf32>
      %get3A_83 = arith.constant 0 : index
      %get3A_84 = arith.constant 0 : index
      %get3A_85 = vector.load %arg11[%get3A_83, %get3A_84] : memref<1x64xf32, #tpu.memory_space<vmem>>, vector<1x64xf32>
      %add3A_86 = vector.broadcast %get3A_85 : vector<1x64xf32> to vector<16x64xf32>
      %add3A_87 = arith.addf %dot_general3A_82, %add3A_86 : vector<16x64xf32>
      %swap3A = arith.constant 0 : index
      %swap3A_88 = arith.constant 0 : index
      %swap3A_89 = vector.load %arg12[%swap3A, %swap3A_88] : memref<16x64xf32, #tpu.memory_space<vmem>>, vector<16x64xf32>
      tpu.vector_store %arg12[%swap3A, %swap3A_88], %add3A_87 {strides = array<i32>} : memref<16x64xf32, #tpu.memory_space<vmem>>, vector<16x64xf32>,
    } else {
    }
    return
  }
  func.func @transform_0(%arg0: i32) -> (i32, i32, i32) {
    %c0_i32 = arith.constant 0 : i32
    %c0_i32_0 = arith.constant 0 : i32
    %c0_i32_1 = arith.constant 0 : i32
    return %c0_i32, %arg0, %c0_i32_0 : i32, i32, i32
  }
  func.func @transform_1(%arg0: i32) -> (i32, i32) {
    %c0_i32 = arith.constant 0 : i32
    %c0_i32_0 = arith.constant 0 : i32
    return %arg0, %c0_i32 : i32, i32
  }
  func.func @transform_2(%arg0: i32) -> (i32, i32) {
    %c0_i32 = arith.constant 0 : i32
    %c0_i32_0 = arith.constant 0 : i32
    %c0_i32_1 = arith.constant 0 : i32
    return %c0_i32, %c0_i32_0 : i32, i32
  }
  func.func @transform_3(%arg0: i32) -> (i32, i32) {
    %c0_i32 = arith.constant 0 : i32
    %c0_i32_0 = arith.constant 0 : i32
    %c0_i32_1 = arith.constant 0 : i32
    return %c0_i32, %c0_i32_0 : i32, i32
  }
  func.func @transform_4(%arg0: i32) -> (i32, i32) {
    %c0_i32 = arith.constant 0 : i32
    %c0_i32_0 = arith.constant 0 : i32
    %c0_i32_1 = arith.constant 0 : i32
    return %c0_i32, %c0_i32_0 : i32, i32
  }
  func.func @transform_5(%arg0: i32) -> (i32, i32) {
    %c0_i32 = arith.constant 0 : i32
    %c0_i32_0 = arith.constant 0 : i32
    %c0_i32_1 = arith.constant 0 : i32
    return %c0_i32, %c0_i32_0 : i32, i32
  }
  func.func @transform_6(%arg0: i32) -> (i32, i32) {
    %c0_i32 = arith.constant 0 : i32
    %c0_i32_0 = arith.constant 0 : i32
    return %arg0, %c0_i32 : i32, i32
  }
  func.func @transform_7(%arg0: i32) -> (i32, i32) {
    %c0_i32 = arith.constant 0 : i32
    %c0_i32_0 = arith.constant 0 : i32
    %c0_i32_1 = arith.constant 0 : i32
    return %c0_i32, %c0_i32_0 : i32, i32
  }
  func.func @transform_8(%arg0: i32) -> (i32, i32) {
    %c0_i32 = arith.constant 0 : i32
    %c0_i32_0 = arith.constant 0 : i32
    %c0_i32_1 = arith.constant 0 : i32
    return %c0_i32, %c0_i32_0 : i32, i32
  }
  func.func @transform_9(%arg0: i32) -> (i32, i32) {
    %c0_i32 = arith.constant 0 : i32
    %c0_i32_0 = arith.constant 0 : i32
    %c0_i32_1 = arith.constant 0 : i32
    return %c0_i32, %c0_i32_0 : i32, i32
  }
  func.func @transform_10(%arg0: i32) -> (i32, i32) {
    %c0_i32 = arith.constant 0 : i32
    %c0_i32_0 = arith.constant 0 : i32
    %c0_i32_1 = arith.constant 0 : i32
    return %c0_i32, %c0_i32_0 : i32, i32
  }
  func.func @transform_11(%arg0: i32) -> (i32, i32) {
    %c0_i32 = arith.constant 0 : i32
    %c0_i32_0 = arith.constant 0 : i32
    %c0_i32_1 = arith.constant 0 : i32
    return %c0_i32, %c0_i32_0 : i32, i32
  }
}

</mosaic_0001>

<sc_bundles>
// kernel: kernel.10.cloned.1.call-start
scs
__scs_entry_jumppad:
0x0: {  	(pc) =	sbr.rel $0x88, $3  }
0x1: {  	(tag) =	ssettag $0x0;
	lr =	simm.s32 $0x1  }
0x2: {  	[smem:$0x3F85] =	sst lr;
	_ =	strace $0xD0000000  }
0x3: {  	_ = 	snop  }
0x4: {  	_ = 	snop  }
0x5: {  	_ = 	snop  }
0x6: {  	_ = 	snop  }
0x7: {  	_ = 	snop  }
__scs_overlays_trampoline_lowered:
0x8: {  	[smem:$0x3F94] =	sst s0  }
0x9: {  	[smem:$0x3F95] =	sst s1  }
0xa: {  	[smem:$0x3F96] =	sst s2  }
0xb: {  	[smem:$0x3F97] =	sst s3  }
0xc: {  	[smem:$0x3F98] =	sst s4  }
0xd: {  	[smem:$0x3F99] =	sst s5  }
0xe: {  	[smem:$0x3F9A] =	sst s6  }
0xf: {  	[smem:$0x3F9B] =	sst s7  }
0x10: {  	[smem:$0x3F9C] =	sst s8  }
0x11: {  	[smem:$0x3F9D] =	sst s9;
	s0 =	simm.s32 @!p0 $0x0  }
0x12: {  	s1 =	sld [smem:$0x3F83];
	s0 =	simm.s32 @p0 $0x1  }
0x13: {  	[smem:$0x3F9E] =	sst s0;
	s0 =	simm.s32 @!p1 $0x0  }
0x14: {  	s2 =	sld [smem:$0x3F82];
	s0 =	simm.s32 @p1 $0x1  }
0x15: {  	[smem:$0x3F9F] =	sst s0;
	s0 =	simm.s32 @!p2 $0x0  }
0x16: {  	s3 =	sld [smem:$0x3FDB];
	s0 =	simm.s32 @p2 $0x1  }
0x17: {  	s4 =	simm.s32 $0x1BF5;
	[smem:$0x3FA1] =	sst s0  }
0x18: {  	s0 =	sld [smem:$0x3F84];
	_ =	swait.ge [sflag:s4], $0x0  }
0x19: {  	s7 =	sld [smem:$0x3F85]  }
0x1a: {  	s8 =	sadd.s32 $0xFFFFE003, lr  }
0x1b: {  	s9 =	sadd.s32 $0xFFFFFEF7, lr;
	s5 =	simm.s32 $0xFFFFFFFF;
	p2 =	slt.u32 s8, $0xFFFFF086  }
0x1c: {  	p1 =	slt.u32 s9, $0xF7A;
	s5 =	simm.s32 @!p2 $0x0  }
0x1d: {  	s5 =	simm.s32 @p1 $0x1;
	p0 =	seq.s32 s7, s2  }
0x1e: {  	s7 =	smul.u32 @!p0 $0xF7A, s2;
	p2 =	seq.s32 @!p0 s5, $0x0  }
0x1f: {  	s9 =	smul.u32 $0xF7A, s1;
	s8 =	simm.s32 @!p0 $0x1BF5;
	p2 =	por !p2, p0  }
0x20: {  	[sflag:s8] =	ssyncset.s32 @!p0 $0xFFFFF086;
	s6 =	sadd.s32 @!p0 s3, s7;
	s7 =	simm.s32 @!p0 $0x108  }
0x21: {  	s3 =	sadd.s32 s3, s9;
	s6 =	sadd.s32 @!p0 $0x88, s6;
	s7 =	simm.s32 @p2 $0x1082  }
0x22: {  	[simem:s7], [sflag:s8] =	dma.local @!p0 [hbm:s6], $0xF7A  }
0x23: {  	s9 =	sor.u32 $0xD0000000, s2;
	s6 =	simm.s32 $0x108;
	_ =	swait.ge @!p0 [sflag:s8], $0x0  }
0x24: {  	s3 =	sadd.s32 $0x88, s3;
	s6 =	simm.s32 @!p1 $0x1082;
	[sflag:s4] =	ssyncset.s32 $0xFFFFF086  }
0x25: {  	[simem:s6], [sflag:s4] =	dma.local [hbm:s3], $0xF7A  }
0x26: {  	[smem:$0x3F85] =	sst s1;
	(tag) =	ssettag s2;
	_ =	strace s9  }
0x27: {  	s1 =	sld [smem:$0x3F95]  }
0x28: {  	s2 =	sld [smem:$0x3F96]  }
0x29: {  	s4 =	sld [smem:$0x3F98]  }
0x2a: {  	p0 =	seq.s32 s5, $0x0;
	s5 =	sld [smem:$0x3F99]  }
0x2b: {  	s6 =	sld [smem:$0x3F9A]  }
0x2c: {  	s7 =	sld [smem:$0x3F9B]  }
0x2d: {  	s3 =	simm.s32 $0x108;
	s8 =	sld [smem:$0x3F9C]  }
0x2e: {  	s3 =	simm.s32 @!p0 $0x1082;
	s9 =	sld [smem:$0x3F9D]  }
0x2f: {  	lr =	sadd.s32 s0, s3;
	s0 =	sld [smem:$0x3F94]  }
0x30: {  	s3 =	sld [smem:$0x3F97]  }
0x31: {  	[smem:$0x3FA0] =	sst s10  }
0x32: {  	s10 =	sld [smem:$0x3F9E];
	_ =	sdelay $0x3  }
0x33: {  	p0 =	seq.s32 s10, $0x1;
	s10 =	sld [smem:$0x3FA0];
	_ =	sdelay $0x3  }
0x34: {  	[smem:$0x3FA0] =	sst s10  }
0x35: {  	s10 =	sld [smem:$0x3F9F];
	_ =	sdelay $0x3  }
0x36: {  	p1 =	seq.s32 s10, $0x1;
	s10 =	sld [smem:$0x3FA0];
	_ =	sdelay $0x3  }
0x37: {  	[smem:$0x3FA0] =	sst s10  }
0x38: {  	s10 =	sld [smem:$0x3FA1]  }
0x39: {  	_ = 	snop;
	(pc) =	sbr.ind lr, $3  }
0x3a: {  	_ = 	snop  }
0x3b: {  	_ = 	snop  }
0x3c: {  	p2 =	seq.s32 s10, $0x1;
	s10 =	sld [smem:$0x3FA0]  }
0x3d: {  	_ =	shalt  }
0x3e: {  	_ =	shalt  }
0x3f: {  	_ =	shalt  }
0x40: {  	_ =	shalt  }
0x41: {  	_ =	shalt  }
0x42: {  	_ =	shalt  }
0x43: {  	_ =	shalt  }
0x44: {  	_ =	shalt  }
0x45: {  	_ =	shalt  }
0x46: {  	_ =	shalt  }
0x47: {  	_ =	shalt  }
0x48: {  	_ =	shalt  }
0x49: {  	_ =	shalt  }
0x4a: {  	_ =	shalt  }
0x4b: {  	_ =	shalt  }
0x4c: {  	_ =	shalt  }
0x4d: {  	_ =	shalt  }
0x4e: {  	_ =	shalt  }
0x4f: {  	_ =	shalt  }
0x50: {  	_ =	shalt  }
0x51: {  	_ =	shalt  }
0x52: {  	_ =	shalt  }
0x53: {  	_ =	shalt  }
0x54: {  	_ =	shalt  }
0x55: {  	_ =	shalt  }
0x56: {  	_ =	shalt  }
0x57: {  	_ =	shalt  }
0x58: {  	_ =	shalt  }
0x59: {  	_ =	shalt  }
0x5a: {  	_ =	shalt  }
0x5b: {  	_ =	shalt  }
0x5c: {  	_ =	shalt  }
0x5d: {  	_ =	shalt  }
0x5e: {  	_ =	shalt  }
0x5f: {  	_ =	shalt  }
0x60: {  	_ =	shalt  }
0x61: {  	_ =	shalt  }
0x62: {  	_ =	shalt  }
0x63: {  	_ =	shalt  }
0x64: {  	_ =	shalt  }
0x65: {  	_ =	shalt  }
0x66: {  	_ =	shalt  }
0x67: {  	_ =	shalt  }
0x68: {  	_ =	shalt  }
0x69: {  	_ =	shalt  }
0x6a: {  	_ =	shalt  }
0x6b: {  	_ =	shalt  }
0x6c: {  	_ =	shalt  }
0x6d: {  	_ =	shalt  }
0x6e: {  	_ =	shalt  }
0x6f: {  	_ =	shalt  }
0x70: {  	_ =	shalt  }
0x71: {  	_ =	shalt  }
0x72: {  	_ =	shalt  }
0x73: {  	_ =	shalt  }
0x74: {  	_ =	shalt  }
0x75: {  	_ =	shalt  }
0x76: {  	_ =	shalt  }
0x77: {  	_ =	shalt  }
0x78: {  	_ =	shalt  }
0x79: {  	_ =	shalt  }
0x7a: {  	_ =	shalt  }
0x7b: {  	_ =	shalt  }
0x7c: {  	_ =	shalt  }
0x7d: {  	_ =	shalt  }
0x7e: {  	_ =	shalt  }
0x7f: {  	_ =	shalt  }
0x80: {  	_ =	shalt  }
0x81: {  	_ =	shalt  }
0x82: {  	_ =	shalt  }
0x83: {  	_ =	shalt  }
0x84: {  	_ =	shalt  }
0x85: {  	_ =	shalt  }
0x86: {  	_ =	shalt  }
0x87: {  	_ =	shalt  }
.Lfunc_end0:
.L_simem_size_0:
called_computation.1_lowered:
.L_overlay_start_0:
0x88: {  	s2 =	sld [smem:$0x3FD9]  }
0x89: {  	s3 =	sld [smem:$0x3FFE];
	_ =	sdelay $0x1  }
0x8a: {  	s1 =	srdreg.scid  }
0x8b: {  	s0 =	sand.u32 $0x1, s1  }
0x8c: {  	s16 =	sshll.u32 s0, $0xA;
	s2 =	sadd.s32 s3, s2  }
0x8d: {  	s2 =	sadd.s32 s2, s16  }
0x8e: {  	[smem:$0x3FAC] =	sst s2  }
0x8f: {  	_ = 	snop  }
0x90: {  	(tm) =	ssettm $0x1  }
0x91: {  	s17 =	sld [smem:$0x3FFB];
	_ =	sdelay $0x3  }
0x92: {  	_ =	strace s17  }
0x93: {  	s2 =	sld [smem:$0x3FFC];
	_ =	sdelay $0x3  }
0x94: {  	_ =	strace s2  }
0x95: {  	s2 =	sld [smem:$0x3FFD];
	_ =	sdelay $0x3  }
0x96: {  	_ =	strace s2  }
0x97: {  	_ =	strace $0x8FFFFFFF  }
0x98: {  	s18 =	sld [smem:$0x3FDB];
	_ =	sdelay $0x1  }
0x99: {  	s19 =	simm.s32 $_scs_section_size  }
0x9a: {  	s4 =	simm.s32 $_size__tile_overlayer_lowered;
	s5 =	simm.s32 $_tile_overlayer_lowered  }
0x9b: {  	s22 =	simm.s32 $0x1BFF;
	s21 =	sshll.u32 s5, $0x1;
	s2 =	sadd.s32 s19, s18  }
0x9c: {  	s6 =	simm.s32 $0x0;
	s20 =	sshll.u32 s4, $0x1;
	s4 =	sadd.s32 s21, s2  }
0x9d: {  	[timem:s6], [sflag:s22] =	dma.local [hbm:s4], s20  }
0x9e: {  	_ =	swait.ge [sflag:s22], s20  }
0x9f: {  	s3 =	ssub.s32 $0x0, s20;
	[sflag:s22] =	ssyncset.done $0x0  }
0xa0: {  	[sflag:s22] =	ssyncadd.s32 s3;
	_ =	sdelay $0x1  }
0xa1: {  	s23 =	simm.s32 $0x1B8B  }
0xa2: {  	_ =	swait.ge [sflag:s23], $0x1  }
0xa3: {  	[sflag:s23] =	ssyncset.done $0x0  }
0xa4: {  	s25 =	simm.s32 $0x1B8E;
	s24 =	sld [smem:$0x3FFE];
	[sflag:s23] =	ssyncadd.s32 $0xFFFFFFFF  }
0xa5: {  	s26 =	simm.s32 $execute0_lowered;
	[smem:$0x3FD2] =	sst s25  }
0xa6: {  	s4 =	sshll.u32 s26, $0x1;
	_ =	strace $0x80000049;
	[dreg:$0x1] =	wrdreg $0xFFFFFFFF  }
0xa7: {  	s28 =	simm.s32 $_size_execute0_lowered;
	s2 =	sadd.s32 s2, s4;
	[dreg:$0x0] =	wrdreg $0x0  }
0xa8: {  	s4 =	sshll.u32 s28, $0x1;
	[dreg:$0x2] =	wrdreg s2  }
0xa9: {  	[dreg:$0x3] =	wrdreg s4  }
0xaa: {  	[dreg:$0x4] =	wrdreg $0xC0  }
0xab: {  	_ =	task [dreg:s6], $0x5FFFF  }
0xac: {  	[dreg:$0x1] =	wrdreg $0xFFFFFFFF  }
0xad: {  	[dreg:$0x0] =	wrdreg $0x60  }
0xae: {  	[dreg:$0x2] =	wrdreg s24  }
0xaf: {  	[dreg:$0x3] =	wrdreg $0x7DA00  }
0xb0: {  	[dreg:$0x4] =	wrdreg $0x9  }
0xb1: {  	_ =	task.clear_ibuf [dreg:s6], $0x5FFFF;
	_ =	strace $0x90000049  }
0xb2: {  	s29 =	simm.s32 $0x9;
	_ =	strace $0x8000004B  }
0xb3: {  	_ =	swait.ge [sflag:s29], $0x1  }
0xb4: {  	[sflag:s29] =	ssyncadd.s32 $0xFFFFFFFF  }
0xb5: {  	_ =	strace $0x9000004B  }
0xb6: {  	_ =	sfence  }
0xb7: {  	s30 =	sld [smem:$0x0];
	_ =	sdelay $0x2  }
0xb8: {  	s31 =	sshll.u32 s1, $0xD;
	s1 =	sshrl.u32 s1, $0x2  }
0xb9: {  	s3 =	sand.u32 $0x4000, s31;
	s1 =	sadd.s32 s1, s30  }
0xba: {  	s0 =	sor.u32 s3, s0;
	s1 =	sshll.u32 s1, $0x11  }
0xbb: {  	s0 =	sor.u32 s1, s0  }
0xbc: {  	s0 =	sadd.s32 $0x8F2B, s0  }
0xbd: {  	[sflag:s0] =	ssyncadd.remote.s32 $0x1  }
0xbe: {  	_ =	sfence.sel $0xFFFF  }
0xbf: {  	[dreg:$0x0] =	wrdreg $0xFFFFFFFF;
	(pc) =	sbr.abs _section_cstart, $3  }
0xc0: {  	[dreg:$0x1] =	wrdreg $0xFFFFFFFF  }
0xc1: {  	_ =	task.clear_ibuf [dreg:s6], $0x2FFFF;
	_ =	strace $0x9FFFFFFF  }
0xc2: {  	(tm) =	ssettm $0x7FFFFFFF  }
0xc3: {  	_ =	shalt  }
tec
execute0_lowered:
.L_overlay_start_1:
0x0: {  	(tag) =	ssettag $0x1  }
0x1: {  	s0 =	rddreg [dreg:$0x0]  }
0x2: {  	s1 =	rddreg [dreg:$0x1];
	s2 =	simm.s32 $0x0  }
0x3: {  	s18 =	srdreg.scid;
	s16 =	stileid.u32;
	s29 =	simm.s32 $0x40  }
0x4: {  	s30 =	simm.s32 $0x280;
	s31 =	simm.s32 $0x7D80;
	s17 =	simm.s32 $0x3  }
0x5: {  	[smem:$0x7FF] =	sst s2;
	s3 =	sadd.s32 $0x4800, s0;
	s4 =	sadd.s32 $0x92400, s0  }
0x6: {  	s6 =	sadd.s32 $0x30800, s0;
	s7 =	sadd.s32 $0x4E6800, s0;
	s11 =	smul.u32 $0x17318, s16  }
0x7: {  	s2 =	sand.u32 $0x1, s18;
	s0 =	sadd.s32 $0xE0600, s0;
	s25 =	smul.u32 $0x5CC60, s16  }
0x8: {  	_ =	strace $0x8000004A;
	s5 =	sshll.u32 s2, $0x4;
	s9 =	ssub.s32 $0x2, s2  }
0x9: {  	s2 =	smul.u32 $0x173180, s2;
	s5 =	sor.u32 s16, s5;
	s10 =	sshrl.u32 s9, $0x1  }
0xa: {  	s13 =	sadd.s32 $0x16900, s11;
	s28 =	sshrl.u32 s25, $0x2;
	s25 =	simm.s32 $0x5  }
0xb: {  	s16 =	simm.s32 $0x7;
	s8 =	smin.u32 s5, $0x8;
	s12 =	smul.u32 $0x138, s5  }
0xc: {  	p0 =	slt.u32 s5, $0x8;
	s5 =	simm.s32 $0x13A;
	s9 =	ssub.s32 s9, s10  }
0xd: {  	s24 =	sadd.s32 s13, s1;
	s23 =	sadd.s32 s2, s13;
	s2 =	sadd.s32 s11, s2  }
0xe: {  	v0 =	vimm.s32 $0xEFCDAB89;
	s18 =	sadd.s32 s28, s1;
	s11 =	simm.s32 $0x6;
	s8 =	sshll.u32 s8, $0x1  }
0xf: {  	v1 =	vimm.s32 $0x67452301;
	v2 =	vimm.s32 $0xDCFE98BA;
	s5 =	simm.s32 @!p0 $0x138;
	s26 =	sshrl.u32 s23, $0x3;
	s2 =	sshrl.u32 s2, $0x3  }
0x10: {  	v3 =	vimm.s32 $0x54761032;
	v4 =	vimm.s32 $0xBA98FEDC;
	s9 =	smax.u32 s9, $0x1;
	s23 =	simm.s32 $0x4E200;
	[dreg:$0x3] =	wrdreg s24  }
0x11: {  	v5 =	vimm.s32 $0x32107654;
	v6 =	vimm.s32 $0xFEDCBA98;
	v7 =	vimm.s32 $0x76543210;
	s8 =	sadd.s32 s12, s8;
	[dreg:$0x9] =	wrdreg s9;
	s9 =	simm.s32 $0x4  }
0x12: {  	v0 =	vunpack.c.l.s4.s8 v0;
	v1 =	vunpack.c.l.s4.s8 v1;
	v2 =	vunpack.c.l.s4.s8 v2;
	s19 =	sadd.s32 s8, s5;
	s12 =	sshll.u32 s8, $0x2;
	s14 =	sshll.u32 s8, $0x5  }
0x13: {  	v3 =	vunpack.c.l.s4.s8 v3;
	v4 =	vunpack.c.l.s4.s8 v4;
	v5 =	vunpack.c.l.s4.s8 v5;
	s20 =	sshll.u32 s8, $0x6;
	s10 =	sadd.s32 $0xFFFFFFFF, s19;
	s12 =	sadd.s32 s6, s12  }
0x14: {  	v6 =	vunpack.c.l.s4.s8 v6;
	v7 =	vunpack.c.l.s4.s8 v7;
	v0 =	vunpack.c.0.s8.s32 v0;
	s14 =	sor.u32 $0x20, s14;
	s19 =	sadd.s32 s2, s0;
	[dreg:$0x4] =	wrdreg s12  }
0x15: {  	v1 =	vunpack.c.0.s8.s32 v1;
	v2 =	vunpack.c.0.s8.s32 v2;
	v3 =	vunpack.c.0.s8.s32 v3;
	s15 =	sshrl.u32 s14, $0x3;
	s14 =	sshll.u32 s14, $0x1;
	s12 =	sadd.s32 s7, s20  }
0x16: {  	v4 =	vunpack.c.0.s8.s32 v4;
	v5 =	vunpack.c.0.s8.s32 v5;
	v6 =	vunpack.c.0.s8.s32 v6;
	s20 =	simm.s32 $0x6880;
	[dreg:$0x5] =	wrdreg s12;
	s21 =	sadd.s32 s6, s15  }
0x17: {  	vm0 =	vcmask $0x1F00;
	v7 =	vunpack.c.0.s8.s32 v7;
	v0 =	vcombine.low v1, v0;
	s22 =	sand.u32 $0x1FFFFFC0, s14;
	s15 =	sshrl.u32 s5, $0x1;
	s5 =	sadd.s32 s0, s26  }
0x18: {  	v2 =	vcombine.low v3, v2;
	v3 =	vcombine.low v5, v4;
	v4 =	vand.u32 $0xF, v6;
	s0 =	simm.s32 $0x1;
	[dreg:$0x6] =	wrdreg s21;
	s12 =	sadd.s32 s7, s22  }
0x19: {  	v1 =	vimm.f32 $0.0e+00;
	v4 =	vcombine.low v4, v7;
	v7 =	vimm.f32 $1.000000000e+00;
	[dreg:$0x8] =	wrdreg s5;
	s21 =	simm.s32 $0x8;
	s22 =	simm.s32 $0x20  }
0x1a: {  	v5 =	vnsel vm0, $0xF, v6;
	v6 =	vsel vm0, $0x3F800000, v1;
	v7 =	vsel vm0, $0x0, v7;
	s5 =	simm.s32 $0x2;
	[dreg:$0x7] =	wrdreg s12;
	s12 =	simm.s32 $0x0  }
.LBB2_1:
0x1b: {  	[dreg:$0xa] =	wrdreg s12;
	s2 =	simm.s32 $0x0;
	s12 =	simm.s32 $0x260  }
.LBB2_2:
0x1c: {  	p0 =	sne.s32 s12, $0x49A0;
	[tilespmem:s2+$0x6900] =	vst v1  }
0x1d: {  	[tilespmem:s2+$0x6880] =	vst v1  }
0x1e: {  	[tilespmem:s2+$0x6890] =	vst v1  }
0x1f: {  	[tilespmem:s2+$0x68A0] =	vst v1  }
.Ltmp0:
0x20: {  	[tilespmem:s2+$0x68B0] =	vst v1;
	(pc) =	sbr.rel @p0 .LBB2_2-.Ltmp0, $4  }
0x21: {  	[tilespmem:s2+$0x68C0] =	vst v1  }
0x22: {  	[tilespmem:s2+$0x68D0] =	vst v1  }
0x23: {  	[tilespmem:s2+$0x68E0] =	vst v1  }
0x24: {  	[tilespmem:s2+$0x68F0] =	vst v1;
	s2 =	sshra.s32 s12, $0x2;
	s12 =	sadd.s32 $0x260, s12  }
0x25: {  	[tilespmem:s2+$0x6900] =	vst v1  }
0x26: {  	[tilespmem:s2+$0x6880] =	vst v1  }
0x27: {  	[tilespmem:s2+$0x6890] =	vst v1  }
0x28: {  	[tilespmem:s2+$0x68A0] =	vst v1  }
0x29: {  	[tilespmem:s2+$0x68B0] =	vst v1  }
0x2a: {  	[tilespmem:s2+$0x68C0] =	vst v1  }
0x2b: {  	[tilespmem:s2+$0x68D0] =	vst v1  }
0x2c: {  	[tilespmem:s2+$0x68E0] =	vst v1  }
0x2d: {  	[tilespmem:s2+$0x68F0] =	vst v1;
	s28 =	sadd.s32 $0x0, s18  }
0x2e: {  	[spmem:s28] =	stream.linear.scatter [tilespmem:s20], [sflag:$0x8], $0x1300, $0x38;
	[tilespmem:$0x1F0B8] =	vst v63  }
0x2f: {  	s2 =	simm.s32 $0x4C00;
	_ =	swait.ge [sflag:s21], $0x1300  }
.LBB2_4:
0x30: {  	s12 =	sshra.s32 s2, $0x2;
	[sflag:s21] =	ssyncset.done $0x0;
	p0 =	sne.s32 s2, $0x55800  }
.Ltmp1:
0x31: {  	s12 =	sadd.s32 s12, s18;
	[sflag:s21] =	ssyncadd.s32 $0xFFFFED00;
	(pc) =	sbr.rel @p0 .LBB2_4-.Ltmp1, $3  }
0x32: {  	[spmem:s12] =	stream.linear.scatter [tilespmem:s20], [sflag:$0x8], $0x1300, $0x38;
	[tilespmem:$0x1F0B8] =	vst v63  }
0x33: {  	s2 =	sadd.s32 $0x4C00, s2;
	_ =	sdelay $0x1  }
0x34: {  	_ =	swait.ge [sflag:s21], $0x1300  }
0x35: {  	[sflag:s21] =	ssyncset.done $0x0  }
0x36: {  	[sflag:s21] =	ssyncadd.s32 $0xFFFFED00  }
0x37: {  	[spmem:s24] =	stream.linear.scatter [tilespmem:s20], [sflag:$0x8], $0xA18, $0x38;
	[tilespmem:$0x1F0B8] =	vst v63  }
0x38: {  	_ =	swait.ge [sflag:s21], $0xA18  }
0x39: {  	[sflag:s21] =	ssyncset.done $0x0  }
0x3a: {  	[sflag:s21] =	ssyncadd.s32 $0xFFFFF5E8  }
0x3b: {  	[bflag:$0x0] =	sbarrier.arrive $0xFFFF  }
0x3c: {  	s2 =	simm.s32 $0x0;
	s12 =	rddreg [dreg:$0x4]  }
0x3d: {  	[tilespmem:s2], [sflag:$0x5] =	stream.strided.gather [hbm4b:s12+s22], $0x40, s23, s22, $0x38;
	[tilespmem:$0x1F0B8] =	vst v63  }
0x3e: {  	s13 =	simm.s32 $0x80;
	s28 =	rddreg [dreg:$0x5]  }
0x3f: {  	[tilespmem:s13], [sflag:$0x8] =	stream.linear.gather [hbm4b:s28+s2], $0x200, $0x38;
	[tilespmem:$0x1F0B8] =	vst v63  }
0x40: {  	_ =	swait.ge [sflag:s21], $0x200  }
0x41: {  	[sflag:s21] =	ssyncset.done $0x0  }
0x42: {  	[sflag:s21] =	ssyncadd.s32 $0xFFFFFE00  }
0x43: {  	_ =	swait.ge [sflag:s25], $0x40  }
0x44: {  	[sflag:s25] =	ssyncset.done $0x0  }
0x45: {  	s14 =	simm.s32 $0x480;
	[sflag:s25] =	ssyncadd.s32 $0xFFFFFFC0  }
0x46: {  	[tilespmem:s14], [sflag:$0x1] =	stream.indirect.gather [hbm4b:s3+s22], $0x90, s22, s22, $0xb8;
	[tilespmem:$0x1F0B8] =	vst v63  }
0x47: {  	s24 =	simm.s32 $0x2880  }
0x48: {  	[tilespmem:s24], [sflag:$0x2] =	stream.indirect.gather [hbm4b:s4+s22], $0x100, s2, s22, $0xb8;
	[tilespmem:$0x1F0B8] =	vst v63  }
0x49: {  	s26 =	rddreg [dreg:$0x6]  }
0x4a: {  	[tilespmem:s29], [sflag:$0x6] =	stream.strided.gather [hbm4b:s26+s22], $0x40, s23, s22, $0x38;
	[tilespmem:$0x1F0B8] =	vst v63  }
0x4b: {  	s28 =	rddreg [dreg:$0x7]  }
0x4c: {  	[tilespmem:s30], [sflag:$0x8] =	stream.linear.gather [hbm4b:s28+s2], $0x200, $0x38;
	[tilespmem:$0x1F0B8] =	vst v63  }
0x4d: {  	_ =	swait.ge [sflag:s21], $0x200  }
0x4e: {  	[sflag:s21] =	ssyncset.done $0x0  }
0x4f: {  	[sflag:s21] =	ssyncadd.s32 $0xFFFFFE00  }
0x50: {  	v8 =	vld [tilespmem:$0x20]  }
0x51: {  	v9 =	vld [tilespmem:$0x30];
	_ =	sdelay $0x3  }
0x52: {  	[tilespmem:$0x7D80] =	vst v8  }
0x53: {  	[tilespmem:$0x7D90] =	vst v9  }
0x54: {  	[spmem:s1] =	stream.indirect.scatter [tilespmem:s20], [sflag:$0x7], $0x98, s31, s22, $0xb8;
	[tilespmem:$0x1F0B8] =	vst v63  }
.LBB2_6:
0x55: {  	_ =	swait.ge [sflag:s0], $0x1200  }
0x56: {  	[sflag:s0] =	ssyncset.done $0x0  }
0x57: {  	[sflag:s0] =	ssyncadd.s32 $0xFFFFEE00  }
0x58: {  	_ =	swait.ge [sflag:s5], $0x2000  }
0x59: {  	[sflag:s5] =	ssyncset.done $0x0  }
0x5a: {  	[sflag:s5] =	ssyncadd.s32 $0xFFFFE000  }
0x5b: {  	_ =	swait.ge [sflag:s11], $0x40  }
0x5c: {  	[sflag:s11] =	ssyncset.done $0x0  }
0x5d: {  	s12 =	simm.s32 $0x60;
	s13 =	simm.s32 $0x1680;
	[sflag:s11] =	ssyncadd.s32 $0xFFFFFFC0  }
0x5e: {  	[tilespmem:s13], [sflag:$0x3] =	stream.indirect.gather [hbm4b:s3+s22], $0x90, s12, s22, $0xb8;
	[tilespmem:$0x1F0B8] =	vst v63  }
0x5f: {  	s28 =	simm.s32 $0x4880;
	s13 =	simm.s32 $0x28C0  }
0x60: {  	[tilespmem:s28], [sflag:$0x4] =	stream.indirect.gather [hbm4b:s4+s22], $0x100, s29, s22, $0xb8;
	[tilespmem:$0x1F0B8] =	vst v63  }
0x61: {  	s12 =	simm.s32 $0x4C0;
	v8 =	vld [tilespmem:s13+$0xFFFFFFC0]  }
0x62: {  	v9 =	vld [tilespmem:s12+$0xFFFFFFC0]  }
0x63: {  	v10 =	vld [tilespmem:s12+$0xFFFFFFD0]  }
0x64: {  	s24 =	simm.s32 $0x40;
	s14 =	simm.s32 $0x0;
	v11 =	vld [tilespmem:s13+$0xFFFFFFD0]  }
.LBB2_7:
0x65: {  	p0 =	sne.s32 s24, $0x7C0;
	v12 =	vld [tilespmem:s12+$0xFFFFFFE0]  }
0x66: {  	v13 =	vld [tilespmem:s13+$0xFFFFFFE0]  }
0x67: {  	v14 =	vld [tilespmem:s12+$0xFFFFFFF0]  }
0x68: {  	v15 =	vld [tilespmem:s13+$0xFFFFFFF0]  }
0x69: {  	v8 =	vmul.f32 v8, v9;
	v9 =	vmul.f32 v11, v10;
	v10 =	vld [tilespmem:s12+$0x0]  }
0x6a: {  	v11 =	vld [tilespmem:s13+$0x0]  }
0x6b: {  	v8 =	vadd.f32 v9, v8;
	v9 =	vmul.f32 v13, v12;
	v12 =	vld [tilespmem:s12+$0x10]  }
0x6c: {  	v13 =	vld [tilespmem:s13+$0x10]  }
0x6d: {  	v8 =	vadd.f32 v9, v8;
	v9 =	vmul.f32 v15, v14;
	v14 =	vld [tilespmem:s12+$0x20]  }
0x6e: {  	v15 =	vld [tilespmem:s13+$0x20]  }
0x6f: {  	v8 =	vadd.f32 v9, v8;
	v9 =	vmul.f32 v11, v10;
	v10 =	vld [tilespmem:s12+$0x30]  }
0x70: {  	s26 =	sshra.s32 s14, $0x2;
	s14 =	smov.u32 s24;
	v11 =	vld [tilespmem:s13+$0x30]  }
0x71: {  	v8 =	vadd.f32 v9, v8;
	v9 =	vmul.f32 v13, v12;
	v12 =	vld [tilespmem:s26+$0x80]  }
0x72: {  	v13 =	vld [tilespmem:s12+$0x40]  }
0x73: {  	v8 =	vadd.f32 v9, v8;
	v9 =	vmul.f32 v15, v14;
	_ =	sdelay $0x1  }
0x74: {  	v8 =	vadd.f32 v9, v8;
	v9 =	vmul.f32 v11, v10;
	_ =	sdelay $0x1  }
0x75: {  	v8 =	vadd.f32 v9, v8;
	v9 =	vmul.f32 v12, v13;
	_ =	sdelay $0x1  }
0x76: {  	v8 =	vadd.f32 v9, v8;
	_ =	sdelay $0x1  }
0x77: {  	v9 =	vperm.xlane v8, v0;
	_ =	sdelay $0x1  }
0x78: {  	v8 =	vadd.f32 v8, v9;
	_ =	sdelay $0x1  }
0x79: {  	v9 =	vperm.xlane v8, v2;
	_ =	sdelay $0x1  }
0x7a: {  	v8 =	vadd.f32 v8, v9;
	_ =	sdelay $0x1  }
0x7b: {  	v9 =	vperm.xlane v8, v3;
	_ =	sdelay $0x1  }
0x7c: {  	v8 =	vadd.f32 v8, v9;
	_ =	sdelay $0x1  }
0x7d: {  	v9 =	vperm.xlane v8, v4;
	_ =	sdelay $0x1  }
0x7e: {  	v8 =	vadd.f32 v8, v9;
	_ =	sdelay $0x1  }
0x7f: {  	v8 =	vmul.f32 $1.442695020e+00, v8;
	_ =	sdelay $0x1  }
0x80: {  	(erf) = vpow2.f32 v8;
	_ =	sdelay $0x8  }
0x81: {  	v8 =	vpop (erf)  }
.Ltmp2:
0x82: {  	s13 =	sadd.s32 $0x100, s13;
	[tilespmem:s26+$0x7B80] =	vst v8;
	(pc) =	sbr.rel @p0 .LBB2_7-.Ltmp2, $4  }
0x83: {  	s12 =	sadd.s32 $0x90, s12;
	v8 =	vld [tilespmem:s13+$0xFFFFFFC0]  }
0x84: {  	v9 =	vld [tilespmem:s12+$0xFFFFFFC0]  }
0x85: {  	v10 =	vld [tilespmem:s12+$0xFFFFFFD0]  }
0x86: {  	s24 =	sadd.s32 $0x40, s24;
	v11 =	vld [tilespmem:s13+$0xFFFFFFD0]  }
0x87: {  	v12 =	vld [tilespmem:s12+$0xFFFFFFE0]  }
0x88: {  	v13 =	vld [tilespmem:s13+$0xFFFFFFE0]  }
0x89: {  	v14 =	vld [tilespmem:s12+$0xFFFFFFF0]  }
0x8a: {  	v15 =	vld [tilespmem:s13+$0xFFFFFFF0]  }
0x8b: {  	v8 =	vmul.f32 v8, v9;
	v9 =	vmul.f32 v11, v10;
	v10 =	vld [tilespmem:s12+$0x0]  }
0x8c: {  	v11 =	vld [tilespmem:s13+$0x0]  }
0x8d: {  	v58 =	vld [tilespmem:s12+$0x10];
	v8 =	vadd.f32 v9, v8;
	v9 =	vmul.f32 v13, v12  }
0x8e: {  	v59 =	vld [tilespmem:s13+$0x10]  }
0x8f: {  	v60 =	vld [tilespmem:s12+$0x20];
	v8 =	vadd.f32 v9, v8;
	v9 =	vmul.f32 v15, v14  }
0x90: {  	v61 =	vld [tilespmem:s13+$0x20]  }
0x91: {  	v8 =	vadd.f32 v9, v8;
	v9 =	vmul.f32 v11, v10;
	v10 =	vld [tilespmem:s12+$0x30]  }
0x92: {  	v11 =	vld [tilespmem:s13+$0x30]  }
0x93: {  	s24 =	sshra.s32 s14, $0x2;
	v63 =	vld [tilespmem:s12+$0x40];
	v8 =	vadd.f32 v9, v8;
	v9 =	vmul.f32 v59, v58  }
0x94: {  	v62 =	vld [tilespmem:s24+$0x80]  }
0x95: {  	v8 =	vadd.f32 v9, v8;
	v9 =	vmul.f32 v61, v60;
	_ =	sdelay $0x1  }
0x96: {  	v8 =	vadd.f32 v9, v8;
	v9 =	vmul.f32 v11, v10;
	_ =	sdelay $0x1  }
0x97: {  	v8 =	vadd.f32 v9, v8;
	v9 =	vmul.f32 v62, v63;
	_ =	sdelay $0x1  }
0x98: {  	v8 =	vadd.f32 v9, v8;
	_ =	sdelay $0x1  }
0x99: {  	v9 =	vperm.xlane v8, v0;
	_ =	sdelay $0x1  }
0x9a: {  	v8 =	vadd.f32 v8, v9;
	_ =	sdelay $0x1  }
0x9b: {  	v9 =	vperm.xlane v8, v2;
	_ =	sdelay $0x1  }
0x9c: {  	v8 =	vadd.f32 v8, v9;
	_ =	sdelay $0x1  }
0x9d: {  	v9 =	vperm.xlane v8, v3;
	_ =	sdelay $0x1  }
0x9e: {  	v8 =	vadd.f32 v8, v9;
	_ =	sdelay $0x1  }
0x9f: {  	v9 =	vperm.xlane v8, v4;
	_ =	sdelay $0x1  }
0xa0: {  	v8 =	vadd.f32 v8, v9;
	_ =	sdelay $0x1  }
0xa1: {  	v8 =	vmul.f32 $1.442695020e+00, v8;
	_ =	sdelay $0x1  }
0xa2: {  	(erf) = vpow2.f32 v8;
	_ =	sdelay $0x8  }
0xa3: {  	v8 =	vpop (erf)  }
0xa4: {  	[tilespmem:s24+$0x7B80] =	vst v8  }
0xa5: {  	_ =	swait.ge [sflag:s16], $0x1300  }
0xa6: {  	[sflag:s16] =	ssyncset.done $0x0  }
0xa7: {  	s26 =	simm.s32 $0x0;
	[sflag:s16] =	ssyncadd.s32 $0xFFFFED00  }
0xa8: {  	s28 =	simm.s32 $0x2970;
	v8 =	vld [tilespmem:s26+$0x7B80]  }
0xa9: {  	v9 =	vld [tilespmem:s28+$0xFFFFFF90];
	_ =	sdelay $0x4  }
0xaa: {  	v9 =	vmul.f32 v9, v8  }
0xab: {  	s12 =	simm.s32 $0x68D0  }
0xac: {  	[tilespmem:s12+$0xFFFFFFB0] =	vst v9  }
0xad: {  	v9 =	vld [tilespmem:s28+$0xFFFFFFA0];
	_ =	sdelay $0x4  }
0xae: {  	v9 =	vmul.f32 v9, v8;
	_ =	sdelay $0x1  }
0xaf: {  	[tilespmem:s12+$0xFFFFFFC0] =	vst v9  }
0xb0: {  	v9 =	vld [tilespmem:s28+$0xFFFFFFB0];
	_ =	sdelay $0x4  }
0xb1: {  	v9 =	vmul.f32 v9, v8;
	_ =	sdelay $0x1  }
0xb2: {  	[tilespmem:s12+$0xFFFFFFD0] =	vst v9  }
0xb3: {  	v9 =	vld [tilespmem:s28+$0xFFFFFFC0];
	_ =	sdelay $0x4  }
0xb4: {  	v9 =	vmul.f32 v9, v8;
	_ =	sdelay $0x1  }
0xb5: {  	[tilespmem:s12+$0xFFFFFFE0] =	vst v9  }
0xb6: {  	v9 =	vld [tilespmem:s28+$0xFFFFFFD0];
	_ =	sdelay $0x4  }
0xb7: {  	v9 =	vmul.f32 v9, v8;
	_ =	sdelay $0x1  }
0xb8: {  	[tilespmem:s12+$0xFFFFFFF0] =	vst v9  }
0xb9: {  	v9 =	vld [tilespmem:s28+$0xFFFFFFE0];
	_ =	sdelay $0x4  }
0xba: {  	v9 =	vmul.f32 v9, v8;
	_ =	sdelay $0x1  }
0xbb: {  	[tilespmem:s12+$0x0] =	vst v9  }
0xbc: {  	v9 =	vld [tilespmem:s28+$0xFFFFFFF0];
	_ =	sdelay $0x4  }
0xbd: {  	v9 =	vmul.f32 v9, v8;
	_ =	sdelay $0x1  }
0xbe: {  	[tilespmem:s12+$0x10] =	vst v9  }
0xbf: {  	v9 =	vld [tilespmem:s28+$0x0];
	_ =	sdelay $0x4  }
0xc0: {  	v9 =	vmul.f32 v9, v8;
	_ =	sdelay $0x1  }
0xc1: {  	[tilespmem:s12+$0x20] =	vst v9  }
0xc2: {  	v9 =	vld [tilespmem:s26+$0x80];
	_ =	sdelay $0x4  }
0xc3: {  	v9 =	vmul.f32 v9, v8;
	_ =	sdelay $0x1  }
0xc4: {  	v10 =	vperm.xlane v9, v5;
	_ =	sdelay $0x1  }
0xc5: {  	v8 =	vmul.f32 v7, v8;
	v10 =	vmul.f32 v6, v10;
	_ =	sdelay $0x1  }
0xc6: {  	v8 =	vadd.f32 v10, v8  }
0xc7: {  	[tilespmem:s12+$0x30] =	vst v9  }
0xc8: {  	s14 =	simm.s32 $0x10;
	[tilespmem:s12+$0x38] =	vst v8  }
0xc9: {  	s13 =	simm.s32 $0x2A70;
	s24 =	simm.s32 $0x80;
	v8 =	vld [tilespmem:s14+$0x7B80]  }
.LBB2_9:
0xca: {  	p0 =	sne.s32 s24, $0x7C0;
	v9 =	vld [tilespmem:s13+$0xFFFFFF90];
	_ =	sdelay $0x3  }
0xcb: {  	v10 =	vmul.f32 v7, v8  }
0xcc: {  	v9 =	vmul.f32 v9, v8  }
0xcd: {  	s12 =	sadd.s32 $0x98, s12  }
0xce: {  	[tilespmem:s12+$0xFFFFFFB0] =	vst v9  }
0xcf: {  	v9 =	vld [tilespmem:s13+$0xFFFFFFA0];
	_ =	sdelay $0x4  }
0xd0: {  	v9 =	vmul.f32 v9, v8;
	_ =	sdelay $0x1  }
0xd1: {  	[tilespmem:s12+$0xFFFFFFC0] =	vst v9  }
0xd2: {  	v9 =	vld [tilespmem:s13+$0xFFFFFFB0];
	_ =	sdelay $0x4  }
0xd3: {  	v9 =	vmul.f32 v9, v8;
	_ =	sdelay $0x1  }
0xd4: {  	[tilespmem:s12+$0xFFFFFFD0] =	vst v9  }
0xd5: {  	v9 =	vld [tilespmem:s13+$0xFFFFFFC0];
	_ =	sdelay $0x4  }
0xd6: {  	v9 =	vmul.f32 v9, v8;
	_ =	sdelay $0x1  }
0xd7: {  	[tilespmem:s12+$0xFFFFFFE0] =	vst v9  }
0xd8: {  	v9 =	vld [tilespmem:s13+$0xFFFFFFD0];
	_ =	sdelay $0x4  }
0xd9: {  	v9 =	vmul.f32 v9, v8;
	_ =	sdelay $0x1  }
0xda: {  	[tilespmem:s12+$0xFFFFFFF0] =	vst v9  }
0xdb: {  	v9 =	vld [tilespmem:s13+$0xFFFFFFE0];
	_ =	sdelay $0x4  }
0xdc: {  	v9 =	vmul.f32 v9, v8;
	_ =	sdelay $0x1  }
0xdd: {  	[tilespmem:s12+$0x0] =	vst v9  }
0xde: {  	v9 =	vld [tilespmem:s13+$0xFFFFFFF0];
	_ =	sdelay $0x4  }
0xdf: {  	v9 =	vmul.f32 v9, v8;
	_ =	sdelay $0x1  }
0xe0: {  	[tilespmem:s12+$0x10] =	vst v9  }
0xe1: {  	v9 =	vld [tilespmem:s13+$0x0];
	_ =	sdelay $0x4  }
0xe2: {  	v9 =	vmul.f32 v9, v8;
	_ =	sdelay $0x1  }
0xe3: {  	[tilespmem:s12+$0x20] =	vst v9  }
0xe4: {  	v9 =	vld [tilespmem:s14+$0x80];
	_ =	sdelay $0x4  }
0xe5: {  	v8 =	vmul.f32 v9, v8;
	_ =	sdelay $0x1  }
0xe6: {  	[tilespmem:s12+$0x30] =	vst v8;
	v8 =	vperm.xlane v8, v5;
	_ =	sdelay $0x1  }
0xe7: {  	v8 =	vmul.f32 v6, v8  }
.Ltmp3:
0xe8: {  	(pc) =	sbr.rel @p0 .LBB2_9-.Ltmp3, $3  }
0xe9: {  	v8 =	vadd.f32 v8, v10;
	_ =	sdelay $0x1  }
0xea: {  	s14 =	sshra.s32 s24, $0x2;
	[tilespmem:s12+$0x38] =	vst v8  }
0xeb: {  	s13 =	sadd.s32 $0x100, s13;
	s24 =	sadd.s32 $0x40, s24;
	v8 =	vld [tilespmem:s14+$0x7B80]  }
0xec: {  	v9 =	vld [tilespmem:s13+$0xFFFFFF90];
	_ =	sdelay $0x4  }
0xed: {  	v9 =	vmul.f32 v9, v8  }
0xee: {  	s12 =	sadd.s32 $0x98, s12  }
0xef: {  	[tilespmem:s12+$0xFFFFFFB0] =	vst v9  }
0xf0: {  	v9 =	vld [tilespmem:s13+$0xFFFFFFA0];
	_ =	sdelay $0x4  }
0xf1: {  	v9 =	vmul.f32 v9, v8;
	_ =	sdelay $0x1  }
0xf2: {  	[tilespmem:s12+$0xFFFFFFC0] =	vst v9  }
0xf3: {  	v9 =	vld [tilespmem:s13+$0xFFFFFFB0];
	_ =	sdelay $0x4  }
0xf4: {  	v9 =	vmul.f32 v9, v8;
	_ =	sdelay $0x1  }
0xf5: {  	[tilespmem:s12+$0xFFFFFFD0] =	vst v9  }
0xf6: {  	v9 =	vld [tilespmem:s13+$0xFFFFFFC0];
	_ =	sdelay $0x4  }
0xf7: {  	v9 =	vmul.f32 v9, v8;
	_ =	sdelay $0x1  }
0xf8: {  	[tilespmem:s12+$0xFFFFFFE0] =	vst v9  }
0xf9: {  	v9 =	vld [tilespmem:s13+$0xFFFFFFD0];
	_ =	sdelay $0x4  }
0xfa: {  	v9 =	vmul.f32 v9, v8;
	_ =	sdelay $0x1  }
0xfb: {  	[tilespmem:s12+$0xFFFFFFF0] =	vst v9  }
0xfc: {  	v9 =	vld [tilespmem:s13+$0xFFFFFFE0];
	_ =	sdelay $0x4  }
0xfd: {  	v9 =	vmul.f32 v9, v8;
	_ =	sdelay $0x1  }
0xfe: {  	[tilespmem:s12+$0x0] =	vst v9  }
0xff: {  	v9 =	vld [tilespmem:s13+$0xFFFFFFF0];
	_ =	sdelay $0x4  }
0x100: {  	v9 =	vmul.f32 v9, v8;
	_ =	sdelay $0x1  }
0x101: {  	[tilespmem:s12+$0x10] =	vst v9  }
0x102: {  	v9 =	vld [tilespmem:s13+$0x0];
	_ =	sdelay $0x4  }
0x103: {  	v9 =	vmul.f32 v9, v8;
	_ =	sdelay $0x1  }
0x104: {  	[tilespmem:s12+$0x20] =	vst v9  }
0x105: {  	v9 =	vld [tilespmem:s14+$0x80];
	_ =	sdelay $0x4  }
0x106: {  	v9 =	vmul.f32 v9, v8;
	_ =	sdelay $0x1  }
0x107: {  	v10 =	vperm.xlane v9, v5;
	_ =	sdelay $0x1  }
0x108: {  	v8 =	vmul.f32 v7, v8;
	v10 =	vmul.f32 v6, v10;
	_ =	sdelay $0x1  }
0x109: {  	v8 =	vadd.f32 v10, v8  }
0x10a: {  	[tilespmem:s12+$0x30] =	vst v9  }
0x10b: {  	[tilespmem:s12+$0x38] =	vst v8  }
0x10c: {  	s26 =	sshll.u32 s2, $0x1;
	v8 =	vld [tilespmem:$0x20]  }
0x10d: {  	s12 =	sadd.s32 s8, s26;
	v9 =	vld [tilespmem:$0x30]  }
0x10e: {  	s13 =	sadd.s32 $0x2, s12  }
0x10f: {  	s14 =	smov.u32 s10;
	p0 =	slt.s32 s13, s10  }
0x110: {  	s14 =	smov.u32 @p0 s13  }
0x111: {  	s13 =	sshll.u32 s14, $0x2;
	[tilespmem:$0x7D80] =	vst v8  }
0x112: {  	s14 =	sshll.u32 s14, $0x6;
	s13 =	sand.u32 $0x1FFFFFFC, s13;
	[tilespmem:$0x7D90] =	vst v9  }
0x113: {  	[spmem:s1] =	stream.indirect.scatter [tilespmem:s20], [sflag:$0x7], $0x98, s31, s22, $0xb8;
	[tilespmem:$0x1F0B8] =	vst v63  }
0x114: {  	s14 =	sand.u32 $0x1FFFFFC0, s14;
	s24 =	sadd.s32 s6, s13;
	s13 =	simm.s32 $0x0  }
0x115: {  	[tilespmem:s13], [sflag:$0x5] =	stream.strided.gather [hbm4b:s24+s22], $0x40, s23, s22, $0x38;
	[tilespmem:$0x1F0B8] =	vst v63  }
0x116: {  	s28 =	simm.s32 $0x80;
	s14 =	sadd.s32 s7, s14  }
0x117: {  	[tilespmem:s28], [sflag:$0x8] =	stream.linear.gather [hbm4b:s14+s13], $0x200, $0x38;
	[tilespmem:$0x1F0B8] =	vst v63  }
0x118: {  	_ =	swait.ge [sflag:s21], $0x200  }
0x119: {  	[sflag:s21] =	ssyncset.done $0x0  }
0x11a: {  	[sflag:s21] =	ssyncadd.s32 $0xFFFFFE00  }
0x11b: {  	_ =	swait.ge [sflag:s17], $0x1200  }
0x11c: {  	[sflag:s17] =	ssyncset.done $0x0  }
0x11d: {  	[sflag:s17] =	ssyncadd.s32 $0xFFFFEE00  }
0x11e: {  	_ =	swait.ge [sflag:s9], $0x2000  }
0x11f: {  	[sflag:s9] =	ssyncset.done $0x0  }
0x120: {  	[sflag:s9] =	ssyncadd.s32 $0xFFFFE000  }
0x121: {  	_ =	swait.ge [sflag:s25], $0x40  }
0x122: {  	[sflag:s25] =	ssyncset.done $0x0  }
0x123: {  	s26 =	simm.s32 $0x480;
	[sflag:s25] =	ssyncadd.s32 $0xFFFFFFC0  }
0x124: {  	[tilespmem:s26], [sflag:$0x1] =	stream.indirect.gather [hbm4b:s3+s22], $0x90, s22, s22, $0xb8;
	[tilespmem:$0x1F0B8] =	vst v63  }
0x125: {  	s24 =	simm.s32 $0x48C0;
	s28 =	simm.s32 $0x2880  }
0x126: {  	[tilespmem:s28], [sflag:$0x2] =	stream.indirect.gather [hbm4b:s4+s22], $0x100, s13, s22, $0xb8;
	[tilespmem:$0x1F0B8] =	vst v63  }
0x127: {  	s14 =	simm.s32 $0x16C0;
	v8 =	vld [tilespmem:s24+$0xFFFFFFC0]  }
0x128: {  	v9 =	vld [tilespmem:s14+$0xFFFFFFC0]  }
0x129: {  	v10 =	vld [tilespmem:s14+$0xFFFFFFD0]  }
0x12a: {  	s26 =	simm.s32 $0x40;
	v11 =	vld [tilespmem:s24+$0xFFFFFFD0]  }
.LBB2_11:
0x12b: {  	p0 =	sne.s32 s26, $0x7C0;
	v12 =	vld [tilespmem:s14+$0xFFFFFFE0]  }
0x12c: {  	v13 =	vld [tilespmem:s24+$0xFFFFFFE0]  }
0x12d: {  	v14 =	vld [tilespmem:s14+$0xFFFFFFF0]  }
0x12e: {  	v15 =	vld [tilespmem:s24+$0xFFFFFFF0]  }
0x12f: {  	v8 =	vmul.f32 v8, v9;
	v9 =	vmul.f32 v11, v10;
	v10 =	vld [tilespmem:s14+$0x0]  }
0x130: {  	v11 =	vld [tilespmem:s24+$0x0]  }
0x131: {  	v8 =	vadd.f32 v9, v8;
	v9 =	vmul.f32 v13, v12;
	v12 =	vld [tilespmem:s14+$0x10]  }
0x132: {  	v13 =	vld [tilespmem:s24+$0x10]  }
0x133: {  	v8 =	vadd.f32 v9, v8;
	v9 =	vmul.f32 v15, v14;
	v14 =	vld [tilespmem:s14+$0x20]  }
0x134: {  	v15 =	vld [tilespmem:s24+$0x20]  }
0x135: {  	v8 =	vadd.f32 v9, v8;
	v9 =	vmul.f32 v11, v10;
	v10 =	vld [tilespmem:s14+$0x30]  }
0x136: {  	s28 =	sshra.s32 s13, $0x2;
	s13 =	smov.u32 s26;
	v11 =	vld [tilespmem:s24+$0x30]  }
0x137: {  	v8 =	vadd.f32 v9, v8;
	v9 =	vmul.f32 v13, v12;
	v12 =	vld [tilespmem:s28+$0x280]  }
0x138: {  	v13 =	vld [tilespmem:s14+$0x40]  }
0x139: {  	v8 =	vadd.f32 v9, v8;
	v9 =	vmul.f32 v15, v14;
	_ =	sdelay $0x1  }
0x13a: {  	v8 =	vadd.f32 v9, v8;
	v9 =	vmul.f32 v11, v10;
	_ =	sdelay $0x1  }
0x13b: {  	v8 =	vadd.f32 v9, v8;
	v9 =	vmul.f32 v12, v13;
	_ =	sdelay $0x1  }
0x13c: {  	v8 =	vadd.f32 v9, v8;
	_ =	sdelay $0x1  }
0x13d: {  	v9 =	vperm.xlane v8, v0;
	_ =	sdelay $0x1  }
0x13e: {  	v8 =	vadd.f32 v8, v9;
	_ =	sdelay $0x1  }
0x13f: {  	v9 =	vperm.xlane v8, v2;
	_ =	sdelay $0x1  }
0x140: {  	v8 =	vadd.f32 v8, v9;
	_ =	sdelay $0x1  }
0x141: {  	v9 =	vperm.xlane v8, v3;
	_ =	sdelay $0x1  }
0x142: {  	v8 =	vadd.f32 v8, v9;
	_ =	sdelay $0x1  }
0x143: {  	v9 =	vperm.xlane v8, v4;
	_ =	sdelay $0x1  }
0x144: {  	v8 =	vadd.f32 v8, v9;
	_ =	sdelay $0x1  }
0x145: {  	v8 =	vmul.f32 $1.442695020e+00, v8;
	_ =	sdelay $0x1  }
0x146: {  	(erf) = vpow2.f32 v8;
	_ =	sdelay $0x8  }
0x147: {  	v8 =	vpop (erf)  }
.Ltmp4:
0x148: {  	s24 =	sadd.s32 $0x100, s24;
	[tilespmem:s28+$0x7B80] =	vst v8;
	(pc) =	sbr.rel @p0 .LBB2_11-.Ltmp4, $4  }
0x149: {  	s14 =	sadd.s32 $0x90, s14;
	v8 =	vld [tilespmem:s24+$0xFFFFFFC0]  }
0x14a: {  	v9 =	vld [tilespmem:s14+$0xFFFFFFC0]  }
0x14b: {  	v10 =	vld [tilespmem:s14+$0xFFFFFFD0]  }
0x14c: {  	s26 =	sadd.s32 $0x40, s26;
	v11 =	vld [tilespmem:s24+$0xFFFFFFD0]  }
0x14d: {  	v12 =	vld [tilespmem:s14+$0xFFFFFFE0]  }
0x14e: {  	v13 =	vld [tilespmem:s24+$0xFFFFFFE0]  }
0x14f: {  	v14 =	vld [tilespmem:s14+$0xFFFFFFF0]  }
0x150: {  	v15 =	vld [tilespmem:s24+$0xFFFFFFF0]  }
0x151: {  	v8 =	vmul.f32 v8, v9;
	v9 =	vmul.f32 v11, v10;
	v10 =	vld [tilespmem:s14+$0x0]  }
0x152: {  	v11 =	vld [tilespmem:s24+$0x0]  }
0x153: {  	v58 =	vld [tilespmem:s14+$0x10];
	v8 =	vadd.f32 v9, v8;
	v9 =	vmul.f32 v13, v12  }
0x154: {  	v59 =	vld [tilespmem:s24+$0x10]  }
0x155: {  	v60 =	vld [tilespmem:s14+$0x20];
	v8 =	vadd.f32 v9, v8;
	v9 =	vmul.f32 v15, v14  }
0x156: {  	v61 =	vld [tilespmem:s24+$0x20]  }
0x157: {  	v8 =	vadd.f32 v9, v8;
	v9 =	vmul.f32 v11, v10;
	v10 =	vld [tilespmem:s14+$0x30]  }
0x158: {  	v11 =	vld [tilespmem:s24+$0x30]  }
0x159: {  	s13 =	sshra.s32 s13, $0x2;
	v63 =	vld [tilespmem:s14+$0x40];
	v8 =	vadd.f32 v9, v8;
	v9 =	vmul.f32 v59, v58  }
0x15a: {  	v62 =	vld [tilespmem:s13+$0x280]  }
0x15b: {  	v8 =	vadd.f32 v9, v8;
	v9 =	vmul.f32 v61, v60;
	_ =	sdelay $0x1  }
0x15c: {  	v8 =	vadd.f32 v9, v8;
	v9 =	vmul.f32 v11, v10;
	_ =	sdelay $0x1  }
0x15d: {  	v8 =	vadd.f32 v9, v8;
	v9 =	vmul.f32 v62, v63;
	_ =	sdelay $0x1  }
0x15e: {  	v8 =	vadd.f32 v9, v8;
	_ =	sdelay $0x1  }
0x15f: {  	v9 =	vperm.xlane v8, v0;
	_ =	sdelay $0x1  }
0x160: {  	v8 =	vadd.f32 v8, v9;
	_ =	sdelay $0x1  }
0x161: {  	v9 =	vperm.xlane v8, v2;
	_ =	sdelay $0x1  }
0x162: {  	v8 =	vadd.f32 v8, v9;
	_ =	sdelay $0x1  }
0x163: {  	v9 =	vperm.xlane v8, v3;
	_ =	sdelay $0x1  }
0x164: {  	v8 =	vadd.f32 v8, v9;
	_ =	sdelay $0x1  }
0x165: {  	v9 =	vperm.xlane v8, v4;
	_ =	sdelay $0x1  }
0x166: {  	v8 =	vadd.f32 v8, v9;
	_ =	sdelay $0x1  }
0x167: {  	v8 =	vmul.f32 $1.442695020e+00, v8;
	_ =	sdelay $0x1  }
0x168: {  	(erf) = vpow2.f32 v8;
	_ =	sdelay $0x8  }
0x169: {  	v8 =	vpop (erf)  }
0x16a: {  	[tilespmem:s13+$0x7B80] =	vst v8  }
0x16b: {  	_ =	swait.ge [sflag:s16], $0x1300  }
0x16c: {  	[sflag:s16] =	ssyncset.done $0x0  }
0x16d: {  	s26 =	simm.s32 $0x0;
	[sflag:s16] =	ssyncadd.s32 $0xFFFFED00  }
0x16e: {  	s28 =	simm.s32 $0x4970;
	v8 =	vld [tilespmem:s26+$0x7B80]  }
0x16f: {  	v9 =	vld [tilespmem:s28+$0xFFFFFF90];
	_ =	sdelay $0x4  }
0x170: {  	v9 =	vmul.f32 v9, v8  }
0x171: {  	s13 =	simm.s32 $0x68D0  }
0x172: {  	[tilespmem:s13+$0xFFFFFFB0] =	vst v9  }
0x173: {  	v9 =	vld [tilespmem:s28+$0xFFFFFFA0];
	_ =	sdelay $0x4  }
0x174: {  	v9 =	vmul.f32 v9, v8;
	_ =	sdelay $0x1  }
0x175: {  	[tilespmem:s13+$0xFFFFFFC0] =	vst v9  }
0x176: {  	v9 =	vld [tilespmem:s28+$0xFFFFFFB0];
	_ =	sdelay $0x4  }
0x177: {  	v9 =	vmul.f32 v9, v8;
	_ =	sdelay $0x1  }
0x178: {  	[tilespmem:s13+$0xFFFFFFD0] =	vst v9  }
0x179: {  	v9 =	vld [tilespmem:s28+$0xFFFFFFC0];
	_ =	sdelay $0x4  }
0x17a: {  	v9 =	vmul.f32 v9, v8;
	_ =	sdelay $0x1  }
0x17b: {  	[tilespmem:s13+$0xFFFFFFE0] =	vst v9  }
0x17c: {  	v9 =	vld [tilespmem:s28+$0xFFFFFFD0];
	_ =	sdelay $0x4  }
0x17d: {  	v9 =	vmul.f32 v9, v8;
	_ =	sdelay $0x1  }
0x17e: {  	[tilespmem:s13+$0xFFFFFFF0] =	vst v9  }
0x17f: {  	v9 =	vld [tilespmem:s28+$0xFFFFFFE0];
	_ =	sdelay $0x4  }
0x180: {  	v9 =	vmul.f32 v9, v8;
	_ =	sdelay $0x1  }
0x181: {  	[tilespmem:s13+$0x0] =	vst v9  }
0x182: {  	v9 =	vld [tilespmem:s28+$0xFFFFFFF0];
	_ =	sdelay $0x4  }
0x183: {  	v9 =	vmul.f32 v9, v8;
	_ =	sdelay $0x1  }
0x184: {  	[tilespmem:s13+$0x10] =	vst v9  }
0x185: {  	v9 =	vld [tilespmem:s28+$0x0];
	_ =	sdelay $0x4  }
0x186: {  	v9 =	vmul.f32 v9, v8;
	_ =	sdelay $0x1  }
0x187: {  	[tilespmem:s13+$0x20] =	vst v9  }
0x188: {  	v9 =	vld [tilespmem:s26+$0x280];
	_ =	sdelay $0x4  }
0x189: {  	v9 =	vmul.f32 v9, v8;
	_ =	sdelay $0x1  }
0x18a: {  	v10 =	vperm.xlane v9, v5;
	_ =	sdelay $0x1  }
0x18b: {  	v8 =	vmul.f32 v7, v8;
	v10 =	vmul.f32 v6, v10;
	_ =	sdelay $0x1  }
0x18c: {  	v8 =	vadd.f32 v10, v8  }
0x18d: {  	[tilespmem:s13+$0x30] =	vst v9  }
0x18e: {  	s24 =	simm.s32 $0x10;
	[tilespmem:s13+$0x38] =	vst v8  }
0x18f: {  	s14 =	simm.s32 $0x4A70;
	s26 =	simm.s32 $0x80;
	v8 =	vld [tilespmem:s24+$0x7B80]  }
.LBB2_13:
0x190: {  	p0 =	sne.s32 s26, $0x7C0;
	v9 =	vld [tilespmem:s14+$0xFFFFFF90];
	_ =	sdelay $0x3  }
0x191: {  	v10 =	vmul.f32 v7, v8  }
0x192: {  	v9 =	vmul.f32 v9, v8  }
0x193: {  	s13 =	sadd.s32 $0x98, s13  }
0x194: {  	[tilespmem:s13+$0xFFFFFFB0] =	vst v9  }
0x195: {  	v9 =	vld [tilespmem:s14+$0xFFFFFFA0];
	_ =	sdelay $0x4  }
0x196: {  	v9 =	vmul.f32 v9, v8;
	_ =	sdelay $0x1  }
0x197: {  	[tilespmem:s13+$0xFFFFFFC0] =	vst v9  }
0x198: {  	v9 =	vld [tilespmem:s14+$0xFFFFFFB0];
	_ =	sdelay $0x4  }
0x199: {  	v9 =	vmul.f32 v9, v8;
	_ =	sdelay $0x1  }
0x19a: {  	[tilespmem:s13+$0xFFFFFFD0] =	vst v9  }
0x19b: {  	v9 =	vld [tilespmem:s14+$0xFFFFFFC0];
	_ =	sdelay $0x4  }
0x19c: {  	v9 =	vmul.f32 v9, v8;
	_ =	sdelay $0x1  }
0x19d: {  	[tilespmem:s13+$0xFFFFFFE0] =	vst v9  }
0x19e: {  	v9 =	vld [tilespmem:s14+$0xFFFFFFD0];
	_ =	sdelay $0x4  }
0x19f: {  	v9 =	vmul.f32 v9, v8;
	_ =	sdelay $0x1  }
0x1a0: {  	[tilespmem:s13+$0xFFFFFFF0] =	vst v9  }
0x1a1: {  	v9 =	vld [tilespmem:s14+$0xFFFFFFE0];
	_ =	sdelay $0x4  }
0x1a2: {  	v9 =	vmul.f32 v9, v8;
	_ =	sdelay $0x1  }
0x1a3: {  	[tilespmem:s13+$0x0] =	vst v9  }
0x1a4: {  	v9 =	vld [tilespmem:s14+$0xFFFFFFF0];
	_ =	sdelay $0x4  }
0x1a5: {  	v9 =	vmul.f32 v9, v8;
	_ =	sdelay $0x1  }
0x1a6: {  	[tilespmem:s13+$0x10] =	vst v9  }
0x1a7: {  	v9 =	vld [tilespmem:s14+$0x0];
	_ =	sdelay $0x4  }
0x1a8: {  	v9 =	vmul.f32 v9, v8;
	_ =	sdelay $0x1  }
0x1a9: {  	[tilespmem:s13+$0x20] =	vst v9  }
0x1aa: {  	v9 =	vld [tilespmem:s24+$0x280];
	_ =	sdelay $0x4  }
0x1ab: {  	v8 =	vmul.f32 v9, v8;
	_ =	sdelay $0x1  }
0x1ac: {  	[tilespmem:s13+$0x30] =	vst v8;
	v8 =	vperm.xlane v8, v5;
	_ =	sdelay $0x1  }
0x1ad: {  	v8 =	vmul.f32 v6, v8  }
.Ltmp5:
0x1ae: {  	(pc) =	sbr.rel @p0 .LBB2_13-.Ltmp5, $3  }
0x1af: {  	v8 =	vadd.f32 v8, v10;
	_ =	sdelay $0x1  }
0x1b0: {  	s24 =	sshra.s32 s26, $0x2;
	[tilespmem:s13+$0x38] =	vst v8  }
0x1b1: {  	s14 =	sadd.s32 $0x100, s14;
	s26 =	sadd.s32 $0x40, s26;
	v8 =	vld [tilespmem:s24+$0x7B80]  }
0x1b2: {  	v9 =	vld [tilespmem:s14+$0xFFFFFF90];
	_ =	sdelay $0x4  }
0x1b3: {  	v9 =	vmul.f32 v9, v8  }
0x1b4: {  	s13 =	sadd.s32 $0x98, s13  }
0x1b5: {  	[tilespmem:s13+$0xFFFFFFB0] =	vst v9  }
0x1b6: {  	v9 =	vld [tilespmem:s14+$0xFFFFFFA0];
	_ =	sdelay $0x4  }
0x1b7: {  	v9 =	vmul.f32 v9, v8;
	_ =	sdelay $0x1  }
0x1b8: {  	[tilespmem:s13+$0xFFFFFFC0] =	vst v9  }
0x1b9: {  	v9 =	vld [tilespmem:s14+$0xFFFFFFB0];
	_ =	sdelay $0x4  }
0x1ba: {  	v9 =	vmul.f32 v9, v8;
	_ =	sdelay $0x1  }
0x1bb: {  	[tilespmem:s13+$0xFFFFFFD0] =	vst v9  }
0x1bc: {  	v9 =	vld [tilespmem:s14+$0xFFFFFFC0];
	_ =	sdelay $0x4  }
0x1bd: {  	v9 =	vmul.f32 v9, v8;
	_ =	sdelay $0x1  }
0x1be: {  	[tilespmem:s13+$0xFFFFFFE0] =	vst v9  }
0x1bf: {  	v9 =	vld [tilespmem:s14+$0xFFFFFFD0];
	_ =	sdelay $0x4  }
0x1c0: {  	v9 =	vmul.f32 v9, v8;
	_ =	sdelay $0x1  }
0x1c1: {  	[tilespmem:s13+$0xFFFFFFF0] =	vst v9  }
0x1c2: {  	v9 =	vld [tilespmem:s14+$0xFFFFFFE0];
	_ =	sdelay $0x4  }
0x1c3: {  	v9 =	vmul.f32 v9, v8;
	_ =	sdelay $0x1  }
0x1c4: {  	[tilespmem:s13+$0x0] =	vst v9  }
0x1c5: {  	v9 =	vld [tilespmem:s14+$0xFFFFFFF0];
	_ =	sdelay $0x4  }
0x1c6: {  	v9 =	vmul.f32 v9, v8;
	_ =	sdelay $0x1  }
0x1c7: {  	[tilespmem:s13+$0x10] =	vst v9  }
0x1c8: {  	v9 =	vld [tilespmem:s14+$0x0];
	_ =	sdelay $0x4  }
0x1c9: {  	v9 =	vmul.f32 v9, v8;
	_ =	sdelay $0x1  }
0x1ca: {  	[tilespmem:s13+$0x20] =	vst v9  }
0x1cb: {  	v9 =	vld [tilespmem:s24+$0x280];
	_ =	sdelay $0x4  }
0x1cc: {  	v9 =	vmul.f32 v9, v8;
	_ =	sdelay $0x1  }
0x1cd: {  	v10 =	vperm.xlane v9, v5;
	_ =	sdelay $0x1  }
0x1ce: {  	v8 =	vmul.f32 v7, v8;
	v10 =	vmul.f32 v6, v10;
	_ =	sdelay $0x1  }
0x1cf: {  	v8 =	vadd.f32 v10, v8  }
0x1d0: {  	[tilespmem:s13+$0x30] =	vst v9  }
0x1d1: {  	[tilespmem:s13+$0x38] =	vst v8  }
0x1d2: {  	v8 =	vld [tilespmem:$0x60]  }
0x1d3: {  	v9 =	vld [tilespmem:$0x70]  }
0x1d4: {  	s12 =	sadd.s32 $0x3, s12  }
0x1d5: {  	p0 =	slt.s32 s12, s10;
	s13 =	smov.u32 s10  }
0x1d6: {  	s13 =	smov.u32 @p0 s12  }
0x1d7: {  	s12 =	sshll.u32 s13, $0x2;
	[tilespmem:$0x7D80] =	vst v8  }
0x1d8: {  	s12 =	sand.u32 $0x1FFFFFFC, s12;
	[tilespmem:$0x7D90] =	vst v9  }
0x1d9: {  	[spmem:s1] =	stream.indirect.scatter [tilespmem:s20], [sflag:$0x7], $0x98, s31, s22, $0xb8;
	[tilespmem:$0x1F0B8] =	vst v63  }
0x1da: {  	s2 =	sadd.s32 $0x1, s2;
	s26 =	sshll.u32 s13, $0x6;
	s12 =	sadd.s32 s6, s12  }
0x1db: {  	[tilespmem:s29], [sflag:$0x6] =	stream.strided.gather [hbm4b:s12+s22], $0x40, s23, s22, $0x38;
	[tilespmem:$0x1F0B8] =	vst v63  }
0x1dc: {  	p0 =	sne.s32 s2, s15;
	s12 =	sand.u32 $0x1FFFFFC0, s26  }
.Ltmp6:
0x1dd: {  	s28 =	simm.s32 $0x0;
	s12 =	sadd.s32 s7, s12;
	(pc) =	sbr.rel @p0 .LBB2_6-.Ltmp6, $4  }
0x1de: {  	[tilespmem:s30], [sflag:$0x8] =	stream.linear.gather [hbm4b:s12+s28], $0x200, $0x38;
	[tilespmem:$0x1F0B8] =	vst v63  }
0x1df: {  	_ =	swait.ge [sflag:s21], $0x200  }
0x1e0: {  	[sflag:s21] =	ssyncset.done $0x0  }
0x1e1: {  	[sflag:s21] =	ssyncadd.s32 $0xFFFFFE00  }
0x1e2: {  	_ =	swait.ge [sflag:s0], $0x1200  }
0x1e3: {  	[sflag:s0] =	ssyncset.done $0x0  }
0x1e4: {  	[sflag:s0] =	ssyncadd.s32 $0xFFFFEE00  }
0x1e5: {  	_ =	swait.ge [sflag:s5], $0x2000  }
0x1e6: {  	[sflag:s5] =	ssyncset.done $0x0  }
0x1e7: {  	[sflag:s5] =	ssyncadd.s32 $0xFFFFE000  }
0x1e8: {  	_ =	swait.ge [sflag:s11], $0x40  }
0x1e9: {  	[sflag:s11] =	ssyncset.done $0x0  }
0x1ea: {  	[sflag:s11] =	ssyncadd.s32 $0xFFFFFFC0  }
0x1eb: {  	_ =	swait.ge [sflag:s16], $0x1300  }
0x1ec: {  	s2 =	stileid.u32;
	[sflag:s16] =	ssyncset.done $0x0  }
0x1ed: {  	s12 =	sadd.s32 $0x0, s19;
	s2 =	sshll.u32 s2, $0x6;
	[sflag:s16] =	ssyncadd.s32 $0xFFFFED00  }
0x1ee: {  	s13 =	sshrl.u32 s18, $0x3;
	s2 =	sor.u32 $0x1C08, s2;
	[bflag:$0x0] =	sbarrier.arrive $0xFFFF  }
0x1ef: {  	[hbm:s12], [sflag:s2] =	dma.local [spmem:s13], $0x260  }
0x1f0: {  	s12 =	simm.s32 $0x260;
	s13 =	sadd.s32 $0x1300, s18;
	_ =	swait.ge [sflag:s21], $0x260  }
.LBB2_16:
0x1f1: {  	s14 =	sadd.s32 s12, s19;
	[sflag:s21] =	ssyncset.done $0x0;
	p0 =	sne.s32 s12, $0x2AC0  }
.Ltmp7:
0x1f2: {  	s24 =	sshrl.u32 s13, $0x3;
	[sflag:s21] =	ssyncadd.s32 $0xFFFFFDA0;
	(pc) =	sbr.rel @p0 .LBB2_16-.Ltmp7, $3  }
0x1f3: {  	[hbm:s14], [sflag:s2] =	dma.local [spmem:s24], $0x260  }
0x1f4: {  	s12 =	sadd.s32 $0x260, s12;
	_ =	sdelay $0x1  }
0x1f5: {  	s13 =	sadd.s32 $0x1300, s13;
	_ =	swait.ge [sflag:s21], $0x260  }
0x1f6: {  	[sflag:s21] =	ssyncset.done $0x0;
	s24 =	rddreg [dreg:$0x3]  }
0x1f7: {  	s13 =	rddreg [dreg:$0x8];
	[sflag:s21] =	ssyncadd.s32 $0xFFFFFDA0;
	s12 =	sshrl.u32 s24, $0x3  }
0x1f8: {  	[hbm:s13], [sflag:s2] =	dma.local [spmem:s12], $0x143  }
0x1f9: {  	_ =	swait.ge [sflag:s21], $0x143  }
0x1fa: {  	s26 =	rddreg [dreg:$0xa]  }
0x1fb: {  	s28 =	rddreg [dreg:$0x9];
	s12 =	sadd.s32 $0x1, s26  }
0x1fc: {  	p0 =	sne.s32 s12, s28  }
.Ltmp8:
0x1fd: {  	_ = 	snop;
	(pc) =	sbr.rel @p0 .LBB2_1-.Ltmp8, $3  }
0x1fe: {  	_ =	sdelay $0x1  }
0x1ff: {  	[sflag:s21] =	ssyncset.done $0x0  }
0x200: {  	[sflag:s21] =	ssyncadd.s32 $0xFFFFFEBD  }
0x201: {  	_ =	sfence.sel $0x180000  }
0x202: {  	[bflag:$0x0] =	sbarrier.arrive $0xFFFF  }
0x203: {  	_ =	strace $0x9000004A  }
0x204: {  	s0 =	stileid.u32;
	[bflag:$0x2] =	sbarrier.arrive $0xFFFF  }
0x205: {  	p0 =	sne.s32 s0, $0x0;
	s0 =	rddreg [dreg:$0x2]  }
0x206: {  	s0 =	sadd.s32 @!p0 $0x100000, s0  }
0x207: {  	[sflag:s0] =	ssyncadd.tile.s32 @!p0 $0x1;
	_ =	shalt  }
.Lfunc_end2:
_tile_overlayer_lowered:
.L_overlay_start_2:
0x208: {  	(tag) =	ssettag $0x2  }
0x209: {  	s0 =	rddreg [dreg:$0x0];
	s2 =	stileid.u32  }
0x20a: {  	s1 =	rddreg [dreg:$0x1];
	p0 =	sne.s32 s2, $0x0  }
0x20b: {  	s3 =	rddreg [dreg:$0x2];
	[bflag:$0x3] =	sbarrier.arrive $0xFFFF;
	s2 =	simm.s32 @!p0 $0x1C08  }
0x20c: {  	[timem:s3], [sflag:s2] =	dma.local @!p0 [hbm:s0], s1  }
0x20d: {  	s0 =	simm.s32 @!p0 $0x8  }
0x20e: {  	_ =	swait.ge @!p0 [sflag:s0], s1  }
0x20f: {  	s1 =	ssub.s32 @!p0 $0x0, s1;
	[sflag:s0] =	ssyncset.done @!p0 $0x0  }
0x210: {  	[sflag:s0] =	ssyncadd.s32 @!p0 s1  }
0x211: {  	[bflag:$0x3] =	sbarrier.arrive $0xFFFF  }
0x212: {  	_ =	shalt  }

// kernel: kernel.7.cloned.1.call-start
scs
__scs_entry_jumppad:
0x0: {  	(pc) =	sbr.rel $0x88, $3  }
0x1: {  	(tag) =	ssettag $0x0;
	lr =	simm.s32 $0x1  }
0x2: {  	[smem:$0x3F85] =	sst lr;
	_ =	strace $0xD0000000  }
0x3: {  	_ = 	snop  }
0x4: {  	_ = 	snop  }
0x5: {  	_ = 	snop  }
0x6: {  	_ = 	snop  }
0x7: {  	_ = 	snop  }
__scs_overlays_trampoline_lowered:
0x8: {  	[smem:$0x3F94] =	sst s0  }
0x9: {  	[smem:$0x3F95] =	sst s1  }
0xa: {  	[smem:$0x3F96] =	sst s2  }
0xb: {  	[smem:$0x3F97] =	sst s3  }
0xc: {  	[smem:$0x3F98] =	sst s4  }
0xd: {  	[smem:$0x3F99] =	sst s5  }
0xe: {  	[smem:$0x3F9A] =	sst s6  }
0xf: {  	[smem:$0x3F9B] =	sst s7  }
0x10: {  	[smem:$0x3F9C] =	sst s8  }
0x11: {  	[smem:$0x3F9D] =	sst s9;
	s0 =	simm.s32 @!p0 $0x0  }
0x12: {  	s1 =	sld [smem:$0x3F83];
	s0 =	simm.s32 @p0 $0x1  }
0x13: {  	[smem:$0x3F9E] =	sst s0;
	s0 =	simm.s32 @!p1 $0x0  }
0x14: {  	s2 =	sld [smem:$0x3F82];
	s0 =	simm.s32 @p1 $0x1  }
0x15: {  	[smem:$0x3F9F] =	sst s0;
	s0 =	simm.s32 @!p2 $0x0  }
0x16: {  	s3 =	sld [smem:$0x3FDB];
	s0 =	simm.s32 @p2 $0x1  }
0x17: {  	s4 =	simm.s32 $0x1BF5;
	[smem:$0x3FA1] =	sst s0  }
0x18: {  	s0 =	sld [smem:$0x3F84];
	_ =	swait.ge [sflag:s4], $0x0  }
0x19: {  	s7 =	sld [smem:$0x3F85]  }
0x1a: {  	s8 =	sadd.s32 $0xFFFFE003, lr  }
0x1b: {  	s9 =	sadd.s32 $0xFFFFFEF7, lr;
	s5 =	simm.s32 $0xFFFFFFFF;
	p2 =	slt.u32 s8, $0xFFFFF086  }
0x1c: {  	p1 =	slt.u32 s9, $0xF7A;
	s5 =	simm.s32 @!p2 $0x0  }
0x1d: {  	s5 =	simm.s32 @p1 $0x1;
	p0 =	seq.s32 s7, s2  }
0x1e: {  	s7 =	smul.u32 @!p0 $0xF7A, s2;
	p2 =	seq.s32 @!p0 s5, $0x0  }
0x1f: {  	s9 =	smul.u32 $0xF7A, s1;
	s8 =	simm.s32 @!p0 $0x1BF5;
	p2 =	por !p2, p0  }
0x20: {  	[sflag:s8] =	ssyncset.s32 @!p0 $0xFFFFF086;
	s6 =	sadd.s32 @!p0 s3, s7;
	s7 =	simm.s32 @!p0 $0x108  }
0x21: {  	s3 =	sadd.s32 s3, s9;
	s6 =	sadd.s32 @!p0 $0x88, s6;
	s7 =	simm.s32 @p2 $0x1082  }
0x22: {  	[simem:s7], [sflag:s8] =	dma.local @!p0 [hbm:s6], $0xF7A  }
0x23: {  	s9 =	sor.u32 $0xD0000000, s2;
	s6 =	simm.s32 $0x108;
	_ =	swait.ge @!p0 [sflag:s8], $0x0  }
0x24: {  	s3 =	sadd.s32 $0x88, s3;
	s6 =	simm.s32 @!p1 $0x1082;
	[sflag:s4] =	ssyncset.s32 $0xFFFFF086  }
0x25: {  	[simem:s6], [sflag:s4] =	dma.local [hbm:s3], $0xF7A  }
0x26: {  	[smem:$0x3F85] =	sst s1;
	(tag) =	ssettag s2;
	_ =	strace s9  }
0x27: {  	s1 =	sld [smem:$0x3F95]  }
0x28: {  	s2 =	sld [smem:$0x3F96]  }
0x29: {  	s4 =	sld [smem:$0x3F98]  }
0x2a: {  	p0 =	seq.s32 s5, $0x0;
	s5 =	sld [smem:$0x3F99]  }
0x2b: {  	s6 =	sld [smem:$0x3F9A]  }
0x2c: {  	s7 =	sld [smem:$0x3F9B]  }
0x2d: {  	s3 =	simm.s32 $0x108;
	s8 =	sld [smem:$0x3F9C]  }
0x2e: {  	s3 =	simm.s32 @!p0 $0x1082;
	s9 =	sld [smem:$0x3F9D]  }
0x2f: {  	lr =	sadd.s32 s0, s3;
	s0 =	sld [smem:$0x3F94]  }
0x30: {  	s3 =	sld [smem:$0x3F97]  }
0x31: {  	[smem:$0x3FA0] =	sst s10  }
0x32: {  	s10 =	sld [smem:$0x3F9E];
	_ =	sdelay $0x3  }
0x33: {  	p0 =	seq.s32 s10, $0x1;
	s10 =	sld [smem:$0x3FA0];
	_ =	sdelay $0x3  }
0x34: {  	[smem:$0x3FA0] =	sst s10  }
0x35: {  	s10 =	sld [smem:$0x3F9F];
	_ =	sdelay $0x3  }
0x36: {  	p1 =	seq.s32 s10, $0x1;
	s10 =	sld [smem:$0x3FA0];
	_ =	sdelay $0x3  }
0x37: {  	[smem:$0x3FA0] =	sst s10  }
0x38: {  	s10 =	sld [smem:$0x3FA1]  }
0x39: {  	_ = 	snop;
	(pc) =	sbr.ind lr, $3  }
0x3a: {  	_ = 	snop  }
0x3b: {  	_ = 	snop  }
0x3c: {  	p2 =	seq.s32 s10, $0x1;
	s10 =	sld [smem:$0x3FA0]  }
0x3d: {  	_ =	shalt  }
0x3e: {  	_ =	shalt  }
0x3f: {  	_ =	shalt  }
0x40: {  	_ =	shalt  }
0x41: {  	_ =	shalt  }
0x42: {  	_ =	shalt  }
0x43: {  	_ =	shalt  }
0x44: {  	_ =	shalt  }
0x45: {  	_ =	shalt  }
0x46: {  	_ =	shalt  }
0x47: {  	_ =	shalt  }
0x48: {  	_ =	shalt  }
0x49: {  	_ =	shalt  }
0x4a: {  	_ =	shalt  }
0x4b: {  	_ =	shalt  }
0x4c: {  	_ =	shalt  }
0x4d: {  	_ =	shalt  }
0x4e: {  	_ =	shalt  }
0x4f: {  	_ =	shalt  }
0x50: {  	_ =	shalt  }
0x51: {  	_ =	shalt  }
0x52: {  	_ =	shalt  }
0x53: {  	_ =	shalt  }
0x54: {  	_ =	shalt  }
0x55: {  	_ =	shalt  }
0x56: {  	_ =	shalt  }
0x57: {  	_ =	shalt  }
0x58: {  	_ =	shalt  }
0x59: {  	_ =	shalt  }
0x5a: {  	_ =	shalt  }
0x5b: {  	_ =	shalt  }
0x5c: {  	_ =	shalt  }
0x5d: {  	_ =	shalt  }
0x5e: {  	_ =	shalt  }
0x5f: {  	_ =	shalt  }
0x60: {  	_ =	shalt  }
0x61: {  	_ =	shalt  }
0x62: {  	_ =	shalt  }
0x63: {  	_ =	shalt  }
0x64: {  	_ =	shalt  }
0x65: {  	_ =	shalt  }
0x66: {  	_ =	shalt  }
0x67: {  	_ =	shalt  }
0x68: {  	_ =	shalt  }
0x69: {  	_ =	shalt  }
0x6a: {  	_ =	shalt  }
0x6b: {  	_ =	shalt  }
0x6c: {  	_ =	shalt  }
0x6d: {  	_ =	shalt  }
0x6e: {  	_ =	shalt  }
0x6f: {  	_ =	shalt  }
0x70: {  	_ =	shalt  }
0x71: {  	_ =	shalt  }
0x72: {  	_ =	shalt  }
0x73: {  	_ =	shalt  }
0x74: {  	_ =	shalt  }
0x75: {  	_ =	shalt  }
0x76: {  	_ =	shalt  }
0x77: {  	_ =	shalt  }
0x78: {  	_ =	shalt  }
0x79: {  	_ =	shalt  }
0x7a: {  	_ =	shalt  }
0x7b: {  	_ =	shalt  }
0x7c: {  	_ =	shalt  }
0x7d: {  	_ =	shalt  }
0x7e: {  	_ =	shalt  }
0x7f: {  	_ =	shalt  }
0x80: {  	_ =	shalt  }
0x81: {  	_ =	shalt  }
0x82: {  	_ =	shalt  }
0x83: {  	_ =	shalt  }
0x84: {  	_ =	shalt  }
0x85: {  	_ =	shalt  }
0x86: {  	_ =	shalt  }
0x87: {  	_ =	shalt  }
.Lfunc_end0:
.L_simem_size_0:
called_computation_lowered:
.L_overlay_start_0:
0x88: {  	s2 =	sld [smem:$0x3FD9]  }
0x89: {  	s3 =	sld [smem:$0x3FFE];
	_ =	sdelay $0x1  }
0x8a: {  	s1 =	srdreg.scid  }
0x8b: {  	s0 =	sand.u32 $0x1, s1  }
0x8c: {  	s16 =	sshll.u32 s0, $0xA;
	s2 =	sadd.s32 s3, s2  }
0x8d: {  	s2 =	sadd.s32 s2, s16  }
0x8e: {  	[smem:$0x3FAC] =	sst s2  }
0x8f: {  	_ = 	snop  }
0x90: {  	(tm) =	ssettm $0x1  }
0x91: {  	s17 =	sld [smem:$0x3FFB];
	_ =	sdelay $0x3  }
0x92: {  	_ =	strace s17  }
0x93: {  	s2 =	sld [smem:$0x3FFC];
	_ =	sdelay $0x3  }
0x94: {  	_ =	strace s2  }
0x95: {  	s2 =	sld [smem:$0x3FFD];
	_ =	sdelay $0x3  }
0x96: {  	_ =	strace s2  }
0x97: {  	_ =	strace $0x8FFFFFFF  }
0x98: {  	s18 =	sld [smem:$0x3FDB];
	_ =	sdelay $0x1  }
0x99: {  	s19 =	simm.s32 $_scs_section_size  }
0x9a: {  	s4 =	simm.s32 $_size__tile_overlayer_lowered;
	s5 =	simm.s32 $_tile_overlayer_lowered  }
0x9b: {  	s22 =	simm.s32 $0x1BFF;
	s21 =	sshll.u32 s5, $0x1;
	s2 =	sadd.s32 s19, s18  }
0x9c: {  	s6 =	simm.s32 $0x0;
	s20 =	sshll.u32 s4, $0x1;
	s4 =	sadd.s32 s21, s2  }
0x9d: {  	[timem:s6], [sflag:s22] =	dma.local [hbm:s4], s20  }
0x9e: {  	_ =	swait.ge [sflag:s22], s20  }
0x9f: {  	s3 =	ssub.s32 $0x0, s20;
	[sflag:s22] =	ssyncset.done $0x0  }
0xa0: {  	[sflag:s22] =	ssyncadd.s32 s3;
	_ =	sdelay $0x1  }
0xa1: {  	s23 =	simm.s32 $0x1B8B  }
0xa2: {  	_ =	swait.ge [sflag:s23], $0x1  }
0xa3: {  	[sflag:s23] =	ssyncset.done $0x0  }
0xa4: {  	s25 =	simm.s32 $0x1B8E;
	s24 =	sld [smem:$0x3FFE];
	[sflag:s23] =	ssyncadd.s32 $0xFFFFFFFF  }
0xa5: {  	s26 =	simm.s32 $execute0_lowered;
	[smem:$0x3FD2] =	sst s25  }
0xa6: {  	s4 =	sshll.u32 s26, $0x1;
	_ =	strace $0x80000046;
	[dreg:$0x1] =	wrdreg $0xFFFFFFFF  }
0xa7: {  	s28 =	simm.s32 $_size_execute0_lowered;
	s2 =	sadd.s32 s2, s4;
	[dreg:$0x0] =	wrdreg $0x0  }
0xa8: {  	s4 =	sshll.u32 s28, $0x1;
	[dreg:$0x2] =	wrdreg s2  }
0xa9: {  	[dreg:$0x3] =	wrdreg s4  }
0xaa: {  	[dreg:$0x4] =	wrdreg $0xC0  }
0xab: {  	_ =	task [dreg:s6], $0x5FFFF  }
0xac: {  	[dreg:$0x1] =	wrdreg $0xFFFFFFFF  }
0xad: {  	[dreg:$0x0] =	wrdreg $0x60  }
0xae: {  	[dreg:$0x2] =	wrdreg s24  }
0xaf: {  	[dreg:$0x3] =	wrdreg $0x7DA00  }
0xb0: {  	[dreg:$0x4] =	wrdreg $0x9  }
0xb1: {  	_ =	task.clear_ibuf [dreg:s6], $0x5FFFF;
	_ =	strace $0x90000046  }
0xb2: {  	s29 =	simm.s32 $0x9;
	_ =	strace $0x80000048  }
0xb3: {  	_ =	swait.ge [sflag:s29], $0x1  }
0xb4: {  	[sflag:s29] =	ssyncadd.s32 $0xFFFFFFFF  }
0xb5: {  	_ =	strace $0x90000048  }
0xb6: {  	_ =	sfence  }
0xb7: {  	s30 =	sld [smem:$0x0];
	_ =	sdelay $0x2  }
0xb8: {  	s31 =	sshll.u32 s1, $0xD;
	s1 =	sshrl.u32 s1, $0x2  }
0xb9: {  	s3 =	sand.u32 $0x4000, s31;
	s1 =	sadd.s32 s1, s30  }
0xba: {  	s0 =	sor.u32 s3, s0;
	s1 =	sshll.u32 s1, $0x11  }
0xbb: {  	s0 =	sor.u32 s1, s0  }
0xbc: {  	s0 =	sadd.s32 $0x8F2B, s0  }
0xbd: {  	[sflag:s0] =	ssyncadd.remote.s32 $0x1  }
0xbe: {  	_ =	sfence.sel $0xFFFF  }
0xbf: {  	[dreg:$0x0] =	wrdreg $0xFFFFFFFF;
	(pc) =	sbr.abs _section_cstart, $3  }
0xc0: {  	[dreg:$0x1] =	wrdreg $0xFFFFFFFF  }
0xc1: {  	_ =	task.clear_ibuf [dreg:s6], $0x2FFFF;
	_ =	strace $0x9FFFFFFF  }
0xc2: {  	(tm) =	ssettm $0x7FFFFFFF  }
0xc3: {  	_ =	shalt  }
tec
execute0_lowered:
.L_overlay_start_1:
0x0: {  	(tag) =	ssettag $0x1  }
0x1: {  	s0 =	rddreg [dreg:$0x0]  }
0x2: {  	s1 =	rddreg [dreg:$0x1];
	s2 =	simm.s32 $0x0  }
0x3: {  	s18 =	srdreg.scid;
	s16 =	stileid.u32;
	s29 =	simm.s32 $0x40  }
0x4: {  	s30 =	simm.s32 $0x280;
	s31 =	simm.s32 $0x7D80;
	s17 =	simm.s32 $0x3  }
0x5: {  	[smem:$0x7FF] =	sst s2;
	s3 =	sadd.s32 $0x4800, s0;
	s4 =	sadd.s32 $0x52A00, s0  }
0x6: {  	s6 =	sadd.s32 $0x30800, s0;
	s7 =	sadd.s32 $0x4E6800, s0;
	s11 =	smul.u32 $0x17318, s16  }
0x7: {  	s2 =	sand.u32 $0x1, s18;
	s0 =	sadd.s32 $0xA0C00, s0;
	s25 =	smul.u32 $0x5CC60, s16  }
0x8: {  	_ =	strace $0x80000047;
	s5 =	sshll.u32 s2, $0x4;
	s9 =	ssub.s32 $0x2, s2  }
0x9: {  	s2 =	smul.u32 $0x173180, s2;
	s5 =	sor.u32 s16, s5;
	s10 =	sshrl.u32 s9, $0x1  }
0xa: {  	s13 =	sadd.s32 $0x16900, s11;
	s28 =	sshrl.u32 s25, $0x2;
	s25 =	simm.s32 $0x5  }
0xb: {  	s16 =	simm.s32 $0x7;
	s8 =	smin.u32 s5, $0x8;
	s12 =	smul.u32 $0x138, s5  }
0xc: {  	p0 =	slt.u32 s5, $0x8;
	s5 =	simm.s32 $0x13A;
	s9 =	ssub.s32 s9, s10  }
0xd: {  	s24 =	sadd.s32 s13, s1;
	s23 =	sadd.s32 s2, s13;
	s2 =	sadd.s32 s11, s2  }
0xe: {  	v0 =	vimm.s32 $0xEFCDAB89;
	s18 =	sadd.s32 s28, s1;
	s11 =	simm.s32 $0x6;
	s8 =	sshll.u32 s8, $0x1  }
0xf: {  	v1 =	vimm.s32 $0x67452301;
	v2 =	vimm.s32 $0xDCFE98BA;
	s5 =	simm.s32 @!p0 $0x138;
	s26 =	sshrl.u32 s23, $0x3;
	s2 =	sshrl.u32 s2, $0x3  }
0x10: {  	v3 =	vimm.s32 $0x54761032;
	v4 =	vimm.s32 $0xBA98FEDC;
	s9 =	smax.u32 s9, $0x1;
	s23 =	simm.s32 $0x4E200;
	[dreg:$0x3] =	wrdreg s24  }
0x11: {  	v5 =	vimm.s32 $0x32107654;
	v6 =	vimm.s32 $0xFEDCBA98;
	v7 =	vimm.s32 $0x76543210;
	s8 =	sadd.s32 s12, s8;
	[dreg:$0x9] =	wrdreg s9;
	s9 =	simm.s32 $0x4  }
0x12: {  	v0 =	vunpack.c.l.s4.s8 v0;
	v1 =	vunpack.c.l.s4.s8 v1;
	v2 =	vunpack.c.l.s4.s8 v2;
	s19 =	sadd.s32 s8, s5;
	s12 =	sshll.u32 s8, $0x2;
	s14 =	sshll.u32 s8, $0x5  }
0x13: {  	v3 =	vunpack.c.l.s4.s8 v3;
	v4 =	vunpack.c.l.s4.s8 v4;
	v5 =	vunpack.c.l.s4.s8 v5;
	s20 =	sshll.u32 s8, $0x6;
	s10 =	sadd.s32 $0xFFFFFFFF, s19;
	s12 =	sadd.s32 s6, s12  }
0x14: {  	v6 =	vunpack.c.l.s4.s8 v6;
	v7 =	vunpack.c.l.s4.s8 v7;
	v0 =	vunpack.c.0.s8.s32 v0;
	s14 =	sor.u32 $0x20, s14;
	s19 =	sadd.s32 s2, s0;
	[dreg:$0x4] =	wrdreg s12  }
0x15: {  	v1 =	vunpack.c.0.s8.s32 v1;
	v2 =	vunpack.c.0.s8.s32 v2;
	v3 =	vunpack.c.0.s8.s32 v3;
	s15 =	sshrl.u32 s14, $0x3;
	s14 =	sshll.u32 s14, $0x1;
	s12 =	sadd.s32 s7, s20  }
0x16: {  	v4 =	vunpack.c.0.s8.s32 v4;
	v5 =	vunpack.c.0.s8.s32 v5;
	v6 =	vunpack.c.0.s8.s32 v6;
	s20 =	simm.s32 $0x6880;
	[dreg:$0x5] =	wrdreg s12;
	s21 =	sadd.s32 s6, s15  }
0x17: {  	vm0 =	vcmask $0x1F00;
	v7 =	vunpack.c.0.s8.s32 v7;
	v0 =	vcombine.low v1, v0;
	s22 =	sand.u32 $0x1FFFFFC0, s14;
	s15 =	sshrl.u32 s5, $0x1;
	s5 =	sadd.s32 s0, s26  }
0x18: {  	v2 =	vcombine.low v3, v2;
	v3 =	vcombine.low v5, v4;
	v4 =	vand.u32 $0xF, v6;
	s0 =	simm.s32 $0x1;
	[dreg:$0x6] =	wrdreg s21;
	s12 =	sadd.s32 s7, s22  }
0x19: {  	v1 =	vimm.f32 $0.0e+00;
	v4 =	vcombine.low v4, v7;
	v7 =	vimm.f32 $1.000000000e+00;
	[dreg:$0x8] =	wrdreg s5;
	s21 =	simm.s32 $0x8;
	s22 =	simm.s32 $0x20  }
0x1a: {  	v5 =	vnsel vm0, $0xF, v6;
	v6 =	vsel vm0, $0x3F800000, v1;
	v7 =	vsel vm0, $0x0, v7;
	s5 =	simm.s32 $0x2;
	[dreg:$0x7] =	wrdreg s12;
	s12 =	simm.s32 $0x0  }
.LBB2_1:
0x1b: {  	[dreg:$0xa] =	wrdreg s12;
	s2 =	simm.s32 $0x0;
	s12 =	simm.s32 $0x260  }
.LBB2_2:
0x1c: {  	p0 =	sne.s32 s12, $0x49A0;
	[tilespmem:s2+$0x6900] =	vst v1  }
0x1d: {  	[tilespmem:s2+$0x6880] =	vst v1  }
0x1e: {  	[tilespmem:s2+$0x6890] =	vst v1  }
0x1f: {  	[tilespmem:s2+$0x68A0] =	vst v1  }
.Ltmp0:
0x20: {  	[tilespmem:s2+$0x68B0] =	vst v1;
	(pc) =	sbr.rel @p0 .LBB2_2-.Ltmp0, $4  }
0x21: {  	[tilespmem:s2+$0x68C0] =	vst v1  }
0x22: {  	[tilespmem:s2+$0x68D0] =	vst v1  }
0x23: {  	[tilespmem:s2+$0x68E0] =	vst v1  }
0x24: {  	[tilespmem:s2+$0x68F0] =	vst v1;
	s2 =	sshra.s32 s12, $0x2;
	s12 =	sadd.s32 $0x260, s12  }
0x25: {  	[tilespmem:s2+$0x6900] =	vst v1  }
0x26: {  	[tilespmem:s2+$0x6880] =	vst v1  }
0x27: {  	[tilespmem:s2+$0x6890] =	vst v1  }
0x28: {  	[tilespmem:s2+$0x68A0] =	vst v1  }
0x29: {  	[tilespmem:s2+$0x68B0] =	vst v1  }
0x2a: {  	[tilespmem:s2+$0x68C0] =	vst v1  }
0x2b: {  	[tilespmem:s2+$0x68D0] =	vst v1  }
0x2c: {  	[tilespmem:s2+$0x68E0] =	vst v1  }
0x2d: {  	[tilespmem:s2+$0x68F0] =	vst v1;
	s28 =	sadd.s32 $0x0, s18  }
0x2e: {  	[spmem:s28] =	stream.linear.scatter [tilespmem:s20], [sflag:$0x8], $0x1300, $0x38;
	[tilespmem:$0x1F0B8] =	vst v63  }
0x2f: {  	s2 =	simm.s32 $0x4C00;
	_ =	swait.ge [sflag:s21], $0x1300  }
.LBB2_4:
0x30: {  	s12 =	sshra.s32 s2, $0x2;
	[sflag:s21] =	ssyncset.done $0x0;
	p0 =	sne.s32 s2, $0x55800  }
.Ltmp1:
0x31: {  	s12 =	sadd.s32 s12, s18;
	[sflag:s21] =	ssyncadd.s32 $0xFFFFED00;
	(pc) =	sbr.rel @p0 .LBB2_4-.Ltmp1, $3  }
0x32: {  	[spmem:s12] =	stream.linear.scatter [tilespmem:s20], [sflag:$0x8], $0x1300, $0x38;
	[tilespmem:$0x1F0B8] =	vst v63  }
0x33: {  	s2 =	sadd.s32 $0x4C00, s2;
	_ =	sdelay $0x1  }
0x34: {  	_ =	swait.ge [sflag:s21], $0x1300  }
0x35: {  	[sflag:s21] =	ssyncset.done $0x0  }
0x36: {  	[sflag:s21] =	ssyncadd.s32 $0xFFFFED00  }
0x37: {  	[spmem:s24] =	stream.linear.scatter [tilespmem:s20], [sflag:$0x8], $0xA18, $0x38;
	[tilespmem:$0x1F0B8] =	vst v63  }
0x38: {  	_ =	swait.ge [sflag:s21], $0xA18  }
0x39: {  	[sflag:s21] =	ssyncset.done $0x0  }
0x3a: {  	[sflag:s21] =	ssyncadd.s32 $0xFFFFF5E8  }
0x3b: {  	[bflag:$0x0] =	sbarrier.arrive $0xFFFF  }
0x3c: {  	s2 =	simm.s32 $0x0;
	s12 =	rddreg [dreg:$0x4]  }
0x3d: {  	[tilespmem:s2], [sflag:$0x5] =	stream.strided.gather [hbm4b:s12+s22], $0x40, s23, s22, $0x38;
	[tilespmem:$0x1F0B8] =	vst v63  }
0x3e: {  	s13 =	simm.s32 $0x80;
	s28 =	rddreg [dreg:$0x5]  }
0x3f: {  	[tilespmem:s13], [sflag:$0x8] =	stream.linear.gather [hbm4b:s28+s2], $0x200, $0x38;
	[tilespmem:$0x1F0B8] =	vst v63  }
0x40: {  	_ =	swait.ge [sflag:s21], $0x200  }
0x41: {  	[sflag:s21] =	ssyncset.done $0x0  }
0x42: {  	[sflag:s21] =	ssyncadd.s32 $0xFFFFFE00  }
0x43: {  	_ =	swait.ge [sflag:s25], $0x40  }
0x44: {  	[sflag:s25] =	ssyncset.done $0x0  }
0x45: {  	s14 =	simm.s32 $0x480;
	[sflag:s25] =	ssyncadd.s32 $0xFFFFFFC0  }
0x46: {  	[tilespmem:s14], [sflag:$0x1] =	stream.indirect.gather [hbm4b:s3+s22], $0x90, s22, s22, $0xb8;
	[tilespmem:$0x1F0B8] =	vst v63  }
0x47: {  	s24 =	simm.s32 $0x2880  }
0x48: {  	[tilespmem:s24], [sflag:$0x2] =	stream.indirect.gather [hbm4b:s4+s22], $0x100, s2, s22, $0xb8;
	[tilespmem:$0x1F0B8] =	vst v63  }
0x49: {  	s26 =	rddreg [dreg:$0x6]  }
0x4a: {  	[tilespmem:s29], [sflag:$0x6] =	stream.strided.gather [hbm4b:s26+s22], $0x40, s23, s22, $0x38;
	[tilespmem:$0x1F0B8] =	vst v63  }
0x4b: {  	s28 =	rddreg [dreg:$0x7]  }
0x4c: {  	[tilespmem:s30], [sflag:$0x8] =	stream.linear.gather [hbm4b:s28+s2], $0x200, $0x38;
	[tilespmem:$0x1F0B8] =	vst v63  }
0x4d: {  	_ =	swait.ge [sflag:s21], $0x200  }
0x4e: {  	[sflag:s21] =	ssyncset.done $0x0  }
0x4f: {  	[sflag:s21] =	ssyncadd.s32 $0xFFFFFE00  }
0x50: {  	v8 =	vld [tilespmem:$0x20]  }
0x51: {  	v9 =	vld [tilespmem:$0x30];
	_ =	sdelay $0x3  }
0x52: {  	[tilespmem:$0x7D80] =	vst v8  }
0x53: {  	[tilespmem:$0x7D90] =	vst v9  }
0x54: {  	[spmem:s1] =	stream.indirect.scatter [tilespmem:s20], [sflag:$0x7], $0x98, s31, s22, $0xb8;
	[tilespmem:$0x1F0B8] =	vst v63  }
.LBB2_6:
0x55: {  	_ =	swait.ge [sflag:s0], $0x1200  }
0x56: {  	[sflag:s0] =	ssyncset.done $0x0  }
0x57: {  	[sflag:s0] =	ssyncadd.s32 $0xFFFFEE00  }
0x58: {  	_ =	swait.ge [sflag:s5], $0x2000  }
0x59: {  	[sflag:s5] =	ssyncset.done $0x0  }
0x5a: {  	[sflag:s5] =	ssyncadd.s32 $0xFFFFE000  }
0x5b: {  	_ =	swait.ge [sflag:s11], $0x40  }
0x5c: {  	[sflag:s11] =	ssyncset.done $0x0  }
0x5d: {  	s12 =	simm.s32 $0x60;
	s13 =	simm.s32 $0x1680;
	[sflag:s11] =	ssyncadd.s32 $0xFFFFFFC0  }
0x5e: {  	[tilespmem:s13], [sflag:$0x3] =	stream.indirect.gather [hbm4b:s3+s22], $0x90, s12, s22, $0xb8;
	[tilespmem:$0x1F0B8] =	vst v63  }
0x5f: {  	s28 =	simm.s32 $0x4880;
	s13 =	simm.s32 $0x28C0  }
0x60: {  	[tilespmem:s28], [sflag:$0x4] =	stream.indirect.gather [hbm4b:s4+s22], $0x100, s29, s22, $0xb8;
	[tilespmem:$0x1F0B8] =	vst v63  }
0x61: {  	s12 =	simm.s32 $0x4C0;
	v8 =	vld [tilespmem:s13+$0xFFFFFFC0]  }
0x62: {  	v9 =	vld [tilespmem:s12+$0xFFFFFFC0]  }
0x63: {  	v10 =	vld [tilespmem:s12+$0xFFFFFFD0]  }
0x64: {  	s24 =	simm.s32 $0x40;
	s14 =	simm.s32 $0x0;
	v11 =	vld [tilespmem:s13+$0xFFFFFFD0]  }
.LBB2_7:
0x65: {  	p0 =	sne.s32 s24, $0x7C0;
	v12 =	vld [tilespmem:s12+$0xFFFFFFE0]  }
0x66: {  	v13 =	vld [tilespmem:s13+$0xFFFFFFE0]  }
0x67: {  	v14 =	vld [tilespmem:s12+$0xFFFFFFF0]  }
0x68: {  	v15 =	vld [tilespmem:s13+$0xFFFFFFF0]  }
0x69: {  	v8 =	vmul.f32 v8, v9;
	v9 =	vmul.f32 v11, v10;
	v10 =	vld [tilespmem:s12+$0x0]  }
0x6a: {  	v11 =	vld [tilespmem:s13+$0x0]  }
0x6b: {  	v8 =	vadd.f32 v9, v8;
	v9 =	vmul.f32 v13, v12;
	v12 =	vld [tilespmem:s12+$0x10]  }
0x6c: {  	v13 =	vld [tilespmem:s13+$0x10]  }
0x6d: {  	v8 =	vadd.f32 v9, v8;
	v9 =	vmul.f32 v15, v14;
	v14 =	vld [tilespmem:s12+$0x20]  }
0x6e: {  	v15 =	vld [tilespmem:s13+$0x20]  }
0x6f: {  	v8 =	vadd.f32 v9, v8;
	v9 =	vmul.f32 v11, v10;
	v10 =	vld [tilespmem:s12+$0x30]  }
0x70: {  	s26 =	sshra.s32 s14, $0x2;
	s14 =	smov.u32 s24;
	v11 =	vld [tilespmem:s13+$0x30]  }
0x71: {  	v8 =	vadd.f32 v9, v8;
	v9 =	vmul.f32 v13, v12;
	v12 =	vld [tilespmem:s26+$0x80]  }
0x72: {  	v13 =	vld [tilespmem:s12+$0x40]  }
0x73: {  	v8 =	vadd.f32 v9, v8;
	v9 =	vmul.f32 v15, v14;
	_ =	sdelay $0x1  }
0x74: {  	v8 =	vadd.f32 v9, v8;
	v9 =	vmul.f32 v11, v10;
	_ =	sdelay $0x1  }
0x75: {  	v8 =	vadd.f32 v9, v8;
	v9 =	vmul.f32 v12, v13;
	_ =	sdelay $0x1  }
0x76: {  	v8 =	vadd.f32 v9, v8;
	_ =	sdelay $0x1  }
0x77: {  	v9 =	vperm.xlane v8, v0;
	_ =	sdelay $0x1  }
0x78: {  	v8 =	vadd.f32 v8, v9;
	_ =	sdelay $0x1  }
0x79: {  	v9 =	vperm.xlane v8, v2;
	_ =	sdelay $0x1  }
0x7a: {  	v8 =	vadd.f32 v8, v9;
	_ =	sdelay $0x1  }
0x7b: {  	v9 =	vperm.xlane v8, v3;
	_ =	sdelay $0x1  }
0x7c: {  	v8 =	vadd.f32 v8, v9;
	_ =	sdelay $0x1  }
0x7d: {  	v9 =	vperm.xlane v8, v4;
	_ =	sdelay $0x1  }
0x7e: {  	v8 =	vadd.f32 v8, v9;
	_ =	sdelay $0x1  }
0x7f: {  	v8 =	vmul.f32 $1.442695020e+00, v8;
	_ =	sdelay $0x1  }
0x80: {  	(erf) = vpow2.f32 v8;
	_ =	sdelay $0x8  }
0x81: {  	v8 =	vpop (erf)  }
.Ltmp2:
0x82: {  	s13 =	sadd.s32 $0x100, s13;
	[tilespmem:s26+$0x7B80] =	vst v8;
	(pc) =	sbr.rel @p0 .LBB2_7-.Ltmp2, $4  }
0x83: {  	s12 =	sadd.s32 $0x90, s12;
	v8 =	vld [tilespmem:s13+$0xFFFFFFC0]  }
0x84: {  	v9 =	vld [tilespmem:s12+$0xFFFFFFC0]  }
0x85: {  	v10 =	vld [tilespmem:s12+$0xFFFFFFD0]  }
0x86: {  	s24 =	sadd.s32 $0x40, s24;
	v11 =	vld [tilespmem:s13+$0xFFFFFFD0]  }
0x87: {  	v12 =	vld [tilespmem:s12+$0xFFFFFFE0]  }
0x88: {  	v13 =	vld [tilespmem:s13+$0xFFFFFFE0]  }
0x89: {  	v14 =	vld [tilespmem:s12+$0xFFFFFFF0]  }
0x8a: {  	v15 =	vld [tilespmem:s13+$0xFFFFFFF0]  }
0x8b: {  	v8 =	vmul.f32 v8, v9;
	v9 =	vmul.f32 v11, v10;
	v10 =	vld [tilespmem:s12+$0x0]  }
0x8c: {  	v11 =	vld [tilespmem:s13+$0x0]  }
0x8d: {  	v58 =	vld [tilespmem:s12+$0x10];
	v8 =	vadd.f32 v9, v8;
	v9 =	vmul.f32 v13, v12  }
0x8e: {  	v59 =	vld [tilespmem:s13+$0x10]  }
0x8f: {  	v60 =	vld [tilespmem:s12+$0x20];
	v8 =	vadd.f32 v9, v8;
	v9 =	vmul.f32 v15, v14  }
0x90: {  	v61 =	vld [tilespmem:s13+$0x20]  }
0x91: {  	v8 =	vadd.f32 v9, v8;
	v9 =	vmul.f32 v11, v10;
	v10 =	vld [tilespmem:s12+$0x30]  }
0x92: {  	v11 =	vld [tilespmem:s13+$0x30]  }
0x93: {  	s24 =	sshra.s32 s14, $0x2;
	v63 =	vld [tilespmem:s12+$0x40];
	v8 =	vadd.f32 v9, v8;
	v9 =	vmul.f32 v59, v58  }
0x94: {  	v62 =	vld [tilespmem:s24+$0x80]  }
0x95: {  	v8 =	vadd.f32 v9, v8;
	v9 =	vmul.f32 v61, v60;
	_ =	sdelay $0x1  }
0x96: {  	v8 =	vadd.f32 v9, v8;
	v9 =	vmul.f32 v11, v10;
	_ =	sdelay $0x1  }
0x97: {  	v8 =	vadd.f32 v9, v8;
	v9 =	vmul.f32 v62, v63;
	_ =	sdelay $0x1  }
0x98: {  	v8 =	vadd.f32 v9, v8;
	_ =	sdelay $0x1  }
0x99: {  	v9 =	vperm.xlane v8, v0;
	_ =	sdelay $0x1  }
0x9a: {  	v8 =	vadd.f32 v8, v9;
	_ =	sdelay $0x1  }
0x9b: {  	v9 =	vperm.xlane v8, v2;
	_ =	sdelay $0x1  }
0x9c: {  	v8 =	vadd.f32 v8, v9;
	_ =	sdelay $0x1  }
0x9d: {  	v9 =	vperm.xlane v8, v3;
	_ =	sdelay $0x1  }
0x9e: {  	v8 =	vadd.f32 v8, v9;
	_ =	sdelay $0x1  }
0x9f: {  	v9 =	vperm.xlane v8, v4;
	_ =	sdelay $0x1  }
0xa0: {  	v8 =	vadd.f32 v8, v9;
	_ =	sdelay $0x1  }
0xa1: {  	v8 =	vmul.f32 $1.442695020e+00, v8;
	_ =	sdelay $0x1  }
0xa2: {  	(erf) = vpow2.f32 v8;
	_ =	sdelay $0x8  }
0xa3: {  	v8 =	vpop (erf)  }
0xa4: {  	[tilespmem:s24+$0x7B80] =	vst v8  }
0xa5: {  	_ =	swait.ge [sflag:s16], $0x1300  }
0xa6: {  	[sflag:s16] =	ssyncset.done $0x0  }
0xa7: {  	s26 =	simm.s32 $0x0;
	[sflag:s16] =	ssyncadd.s32 $0xFFFFED00  }
0xa8: {  	s28 =	simm.s32 $0x2970;
	v8 =	vld [tilespmem:s26+$0x7B80]  }
0xa9: {  	v9 =	vld [tilespmem:s28+$0xFFFFFF90];
	_ =	sdelay $0x4  }
0xaa: {  	v9 =	vmul.f32 v9, v8  }
0xab: {  	s12 =	simm.s32 $0x68D0  }
0xac: {  	[tilespmem:s12+$0xFFFFFFB0] =	vst v9  }
0xad: {  	v9 =	vld [tilespmem:s28+$0xFFFFFFA0];
	_ =	sdelay $0x4  }
0xae: {  	v9 =	vmul.f32 v9, v8;
	_ =	sdelay $0x1  }
0xaf: {  	[tilespmem:s12+$0xFFFFFFC0] =	vst v9  }
0xb0: {  	v9 =	vld [tilespmem:s28+$0xFFFFFFB0];
	_ =	sdelay $0x4  }
0xb1: {  	v9 =	vmul.f32 v9, v8;
	_ =	sdelay $0x1  }
0xb2: {  	[tilespmem:s12+$0xFFFFFFD0] =	vst v9  }
0xb3: {  	v9 =	vld [tilespmem:s28+$0xFFFFFFC0];
	_ =	sdelay $0x4  }
0xb4: {  	v9 =	vmul.f32 v9, v8;
	_ =	sdelay $0x1  }
0xb5: {  	[tilespmem:s12+$0xFFFFFFE0] =	vst v9  }
0xb6: {  	v9 =	vld [tilespmem:s28+$0xFFFFFFD0];
	_ =	sdelay $0x4  }
0xb7: {  	v9 =	vmul.f32 v9, v8;
	_ =	sdelay $0x1  }
0xb8: {  	[tilespmem:s12+$0xFFFFFFF0] =	vst v9  }
0xb9: {  	v9 =	vld [tilespmem:s28+$0xFFFFFFE0];
	_ =	sdelay $0x4  }
0xba: {  	v9 =	vmul.f32 v9, v8;
	_ =	sdelay $0x1  }
0xbb: {  	[tilespmem:s12+$0x0] =	vst v9  }
0xbc: {  	v9 =	vld [tilespmem:s28+$0xFFFFFFF0];
	_ =	sdelay $0x4  }
0xbd: {  	v9 =	vmul.f32 v9, v8;
	_ =	sdelay $0x1  }
0xbe: {  	[tilespmem:s12+$0x10] =	vst v9  }
0xbf: {  	v9 =	vld [tilespmem:s28+$0x0];
	_ =	sdelay $0x4  }
0xc0: {  	v9 =	vmul.f32 v9, v8;
	_ =	sdelay $0x1  }
0xc1: {  	[tilespmem:s12+$0x20] =	vst v9  }
0xc2: {  	v9 =	vld [tilespmem:s26+$0x80];
	_ =	sdelay $0x4  }
0xc3: {  	v9 =	vmul.f32 v9, v8;
	_ =	sdelay $0x1  }
0xc4: {  	v10 =	vperm.xlane v9, v5;
	_ =	sdelay $0x1  }
0xc5: {  	v8 =	vmul.f32 v7, v8;
	v10 =	vmul.f32 v6, v10;
	_ =	sdelay $0x1  }
0xc6: {  	v8 =	vadd.f32 v10, v8  }
0xc7: {  	[tilespmem:s12+$0x30] =	vst v9  }
0xc8: {  	s14 =	simm.s32 $0x10;
	[tilespmem:s12+$0x38] =	vst v8  }
0xc9: {  	s13 =	simm.s32 $0x2A70;
	s24 =	simm.s32 $0x80;
	v8 =	vld [tilespmem:s14+$0x7B80]  }
.LBB2_9:
0xca: {  	p0 =	sne.s32 s24, $0x7C0;
	v9 =	vld [tilespmem:s13+$0xFFFFFF90];
	_ =	sdelay $0x3  }
0xcb: {  	v10 =	vmul.f32 v7, v8  }
0xcc: {  	v9 =	vmul.f32 v9, v8  }
0xcd: {  	s12 =	sadd.s32 $0x98, s12  }
0xce: {  	[tilespmem:s12+$0xFFFFFFB0] =	vst v9  }
0xcf: {  	v9 =	vld [tilespmem:s13+$0xFFFFFFA0];
	_ =	sdelay $0x4  }
0xd0: {  	v9 =	vmul.f32 v9, v8;
	_ =	sdelay $0x1  }
0xd1: {  	[tilespmem:s12+$0xFFFFFFC0] =	vst v9  }
0xd2: {  	v9 =	vld [tilespmem:s13+$0xFFFFFFB0];
	_ =	sdelay $0x4  }
0xd3: {  	v9 =	vmul.f32 v9, v8;
	_ =	sdelay $0x1  }
0xd4: {  	[tilespmem:s12+$0xFFFFFFD0] =	vst v9  }
0xd5: {  	v9 =	vld [tilespmem:s13+$0xFFFFFFC0];
	_ =	sdelay $0x4  }
0xd6: {  	v9 =	vmul.f32 v9, v8;
	_ =	sdelay $0x1  }
0xd7: {  	[tilespmem:s12+$0xFFFFFFE0] =	vst v9  }
0xd8: {  	v9 =	vld [tilespmem:s13+$0xFFFFFFD0];
	_ =	sdelay $0x4  }
0xd9: {  	v9 =	vmul.f32 v9, v8;
	_ =	sdelay $0x1  }
0xda: {  	[tilespmem:s12+$0xFFFFFFF0] =	vst v9  }
0xdb: {  	v9 =	vld [tilespmem:s13+$0xFFFFFFE0];
	_ =	sdelay $0x4  }
0xdc: {  	v9 =	vmul.f32 v9, v8;
	_ =	sdelay $0x1  }
0xdd: {  	[tilespmem:s12+$0x0] =	vst v9  }
0xde: {  	v9 =	vld [tilespmem:s13+$0xFFFFFFF0];
	_ =	sdelay $0x4  }
0xdf: {  	v9 =	vmul.f32 v9, v8;
	_ =	sdelay $0x1  }
0xe0: {  	[tilespmem:s12+$0x10] =	vst v9  }
0xe1: {  	v9 =	vld [tilespmem:s13+$0x0];
	_ =	sdelay $0x4  }
0xe2: {  	v9 =	vmul.f32 v9, v8;
	_ =	sdelay $0x1  }
0xe3: {  	[tilespmem:s12+$0x20] =	vst v9  }
0xe4: {  	v9 =	vld [tilespmem:s14+$0x80];
	_ =	sdelay $0x4  }
0xe5: {  	v8 =	vmul.f32 v9, v8;
	_ =	sdelay $0x1  }
0xe6: {  	[tilespmem:s12+$0x30] =	vst v8;
	v8 =	vperm.xlane v8, v5;
	_ =	sdelay $0x1  }
0xe7: {  	v8 =	vmul.f32 v6, v8  }
.Ltmp3:
0xe8: {  	(pc) =	sbr.rel @p0 .LBB2_9-.Ltmp3, $3  }
0xe9: {  	v8 =	vadd.f32 v8, v10;
	_ =	sdelay $0x1  }
0xea: {  	s14 =	sshra.s32 s24, $0x2;
	[tilespmem:s12+$0x38] =	vst v8  }
0xeb: {  	s13 =	sadd.s32 $0x100, s13;
	s24 =	sadd.s32 $0x40, s24;
	v8 =	vld [tilespmem:s14+$0x7B80]  }
0xec: {  	v9 =	vld [tilespmem:s13+$0xFFFFFF90];
	_ =	sdelay $0x4  }
0xed: {  	v9 =	vmul.f32 v9, v8  }
0xee: {  	s12 =	sadd.s32 $0x98, s12  }
0xef: {  	[tilespmem:s12+$0xFFFFFFB0] =	vst v9  }
0xf0: {  	v9 =	vld [tilespmem:s13+$0xFFFFFFA0];
	_ =	sdelay $0x4  }
0xf1: {  	v9 =	vmul.f32 v9, v8;
	_ =	sdelay $0x1  }
0xf2: {  	[tilespmem:s12+$0xFFFFFFC0] =	vst v9  }
0xf3: {  	v9 =	vld [tilespmem:s13+$0xFFFFFFB0];
	_ =	sdelay $0x4  }
0xf4: {  	v9 =	vmul.f32 v9, v8;
	_ =	sdelay $0x1  }
0xf5: {  	[tilespmem:s12+$0xFFFFFFD0] =	vst v9  }
0xf6: {  	v9 =	vld [tilespmem:s13+$0xFFFFFFC0];
	_ =	sdelay $0x4  }
0xf7: {  	v9 =	vmul.f32 v9, v8;
	_ =	sdelay $0x1  }
0xf8: {  	[tilespmem:s12+$0xFFFFFFE0] =	vst v9  }
0xf9: {  	v9 =	vld [tilespmem:s13+$0xFFFFFFD0];
	_ =	sdelay $0x4  }
0xfa: {  	v9 =	vmul.f32 v9, v8;
	_ =	sdelay $0x1  }
0xfb: {  	[tilespmem:s12+$0xFFFFFFF0] =	vst v9  }
0xfc: {  	v9 =	vld [tilespmem:s13+$0xFFFFFFE0];
	_ =	sdelay $0x4  }
0xfd: {  	v9 =	vmul.f32 v9, v8;
	_ =	sdelay $0x1  }
0xfe: {  	[tilespmem:s12+$0x0] =	vst v9  }
0xff: {  	v9 =	vld [tilespmem:s13+$0xFFFFFFF0];
	_ =	sdelay $0x4  }
0x100: {  	v9 =	vmul.f32 v9, v8;
	_ =	sdelay $0x1  }
0x101: {  	[tilespmem:s12+$0x10] =	vst v9  }
0x102: {  	v9 =	vld [tilespmem:s13+$0x0];
	_ =	sdelay $0x4  }
0x103: {  	v9 =	vmul.f32 v9, v8;
	_ =	sdelay $0x1  }
0x104: {  	[tilespmem:s12+$0x20] =	vst v9  }
0x105: {  	v9 =	vld [tilespmem:s14+$0x80];
	_ =	sdelay $0x4  }
0x106: {  	v9 =	vmul.f32 v9, v8;
	_ =	sdelay $0x1  }
0x107: {  	v10 =	vperm.xlane v9, v5;
	_ =	sdelay $0x1  }
0x108: {  	v8 =	vmul.f32 v7, v8;
	v10 =	vmul.f32 v6, v10;
	_ =	sdelay $0x1  }
0x109: {  	v8 =	vadd.f32 v10, v8  }
0x10a: {  	[tilespmem:s12+$0x30] =	vst v9  }
0x10b: {  	[tilespmem:s12+$0x38] =	vst v8  }
0x10c: {  	s26 =	sshll.u32 s2, $0x1;
	v8 =	vld [tilespmem:$0x20]  }
0x10d: {  	s12 =	sadd.s32 s8, s26;
	v9 =	vld [tilespmem:$0x30]  }
0x10e: {  	s13 =	sadd.s32 $0x2, s12  }
0x10f: {  	s14 =	smov.u32 s10;
	p0 =	slt.s32 s13, s10  }
0x110: {  	s14 =	smov.u32 @p0 s13  }
0x111: {  	s13 =	sshll.u32 s14, $0x2;
	[tilespmem:$0x7D80] =	vst v8  }
0x112: {  	s14 =	sshll.u32 s14, $0x6;
	s13 =	sand.u32 $0x1FFFFFFC, s13;
	[tilespmem:$0x7D90] =	vst v9  }
0x113: {  	[spmem:s1] =	stream.indirect.scatter [tilespmem:s20], [sflag:$0x7], $0x98, s31, s22, $0xb8;
	[tilespmem:$0x1F0B8] =	vst v63  }
0x114: {  	s14 =	sand.u32 $0x1FFFFFC0, s14;
	s24 =	sadd.s32 s6, s13;
	s13 =	simm.s32 $0x0  }
0x115: {  	[tilespmem:s13], [sflag:$0x5] =	stream.strided.gather [hbm4b:s24+s22], $0x40, s23, s22, $0x38;
	[tilespmem:$0x1F0B8] =	vst v63  }
0x116: {  	s28 =	simm.s32 $0x80;
	s14 =	sadd.s32 s7, s14  }
0x117: {  	[tilespmem:s28], [sflag:$0x8] =	stream.linear.gather [hbm4b:s14+s13], $0x200, $0x38;
	[tilespmem:$0x1F0B8] =	vst v63  }
0x118: {  	_ =	swait.ge [sflag:s21], $0x200  }
0x119: {  	[sflag:s21] =	ssyncset.done $0x0  }
0x11a: {  	[sflag:s21] =	ssyncadd.s32 $0xFFFFFE00  }
0x11b: {  	_ =	swait.ge [sflag:s17], $0x1200  }
0x11c: {  	[sflag:s17] =	ssyncset.done $0x0  }
0x11d: {  	[sflag:s17] =	ssyncadd.s32 $0xFFFFEE00  }
0x11e: {  	_ =	swait.ge [sflag:s9], $0x2000  }
0x11f: {  	[sflag:s9] =	ssyncset.done $0x0  }
0x120: {  	[sflag:s9] =	ssyncadd.s32 $0xFFFFE000  }
0x121: {  	_ =	swait.ge [sflag:s25], $0x40  }
0x122: {  	[sflag:s25] =	ssyncset.done $0x0  }
0x123: {  	s26 =	simm.s32 $0x480;
	[sflag:s25] =	ssyncadd.s32 $0xFFFFFFC0  }
0x124: {  	[tilespmem:s26], [sflag:$0x1] =	stream.indirect.gather [hbm4b:s3+s22], $0x90, s22, s22, $0xb8;
	[tilespmem:$0x1F0B8] =	vst v63  }
0x125: {  	s24 =	simm.s32 $0x48C0;
	s28 =	simm.s32 $0x2880  }
0x126: {  	[tilespmem:s28], [sflag:$0x2] =	stream.indirect.gather [hbm4b:s4+s22], $0x100, s13, s22, $0xb8;
	[tilespmem:$0x1F0B8] =	vst v63  }
0x127: {  	s14 =	simm.s32 $0x16C0;
	v8 =	vld [tilespmem:s24+$0xFFFFFFC0]  }
0x128: {  	v9 =	vld [tilespmem:s14+$0xFFFFFFC0]  }
0x129: {  	v10 =	vld [tilespmem:s14+$0xFFFFFFD0]  }
0x12a: {  	s26 =	simm.s32 $0x40;
	v11 =	vld [tilespmem:s24+$0xFFFFFFD0]  }
.LBB2_11:
0x12b: {  	p0 =	sne.s32 s26, $0x7C0;
	v12 =	vld [tilespmem:s14+$0xFFFFFFE0]  }
0x12c: {  	v13 =	vld [tilespmem:s24+$0xFFFFFFE0]  }
0x12d: {  	v14 =	vld [tilespmem:s14+$0xFFFFFFF0]  }
0x12e: {  	v15 =	vld [tilespmem:s24+$0xFFFFFFF0]  }
0x12f: {  	v8 =	vmul.f32 v8, v9;
	v9 =	vmul.f32 v11, v10;
	v10 =	vld [tilespmem:s14+$0x0]  }
0x130: {  	v11 =	vld [tilespmem:s24+$0x0]  }
0x131: {  	v8 =	vadd.f32 v9, v8;
	v9 =	vmul.f32 v13, v12;
	v12 =	vld [tilespmem:s14+$0x10]  }
0x132: {  	v13 =	vld [tilespmem:s24+$0x10]  }
0x133: {  	v8 =	vadd.f32 v9, v8;
	v9 =	vmul.f32 v15, v14;
	v14 =	vld [tilespmem:s14+$0x20]  }
0x134: {  	v15 =	vld [tilespmem:s24+$0x20]  }
0x135: {  	v8 =	vadd.f32 v9, v8;
	v9 =	vmul.f32 v11, v10;
	v10 =	vld [tilespmem:s14+$0x30]  }
0x136: {  	s28 =	sshra.s32 s13, $0x2;
	s13 =	smov.u32 s26;
	v11 =	vld [tilespmem:s24+$0x30]  }
0x137: {  	v8 =	vadd.f32 v9, v8;
	v9 =	vmul.f32 v13, v12;
	v12 =	vld [tilespmem:s28+$0x280]  }
0x138: {  	v13 =	vld [tilespmem:s14+$0x40]  }
0x139: {  	v8 =	vadd.f32 v9, v8;
	v9 =	vmul.f32 v15, v14;
	_ =	sdelay $0x1  }
0x13a: {  	v8 =	vadd.f32 v9, v8;
	v9 =	vmul.f32 v11, v10;
	_ =	sdelay $0x1  }
0x13b: {  	v8 =	vadd.f32 v9, v8;
	v9 =	vmul.f32 v12, v13;
	_ =	sdelay $0x1  }
0x13c: {  	v8 =	vadd.f32 v9, v8;
	_ =	sdelay $0x1  }
0x13d: {  	v9 =	vperm.xlane v8, v0;
	_ =	sdelay $0x1  }
0x13e: {  	v8 =	vadd.f32 v8, v9;
	_ =	sdelay $0x1  }
0x13f: {  	v9 =	vperm.xlane v8, v2;
	_ =	sdelay $0x1  }
0x140: {  	v8 =	vadd.f32 v8, v9;
	_ =	sdelay $0x1  }
0x141: {  	v9 =	vperm.xlane v8, v3;
	_ =	sdelay $0x1  }
0x142: {  	v8 =	vadd.f32 v8, v9;
	_ =	sdelay $0x1  }
0x143: {  	v9 =	vperm.xlane v8, v4;
	_ =	sdelay $0x1  }
0x144: {  	v8 =	vadd.f32 v8, v9;
	_ =	sdelay $0x1  }
0x145: {  	v8 =	vmul.f32 $1.442695020e+00, v8;
	_ =	sdelay $0x1  }
0x146: {  	(erf) = vpow2.f32 v8;
	_ =	sdelay $0x8  }
0x147: {  	v8 =	vpop (erf)  }
.Ltmp4:
0x148: {  	s24 =	sadd.s32 $0x100, s24;
	[tilespmem:s28+$0x7B80] =	vst v8;
	(pc) =	sbr.rel @p0 .LBB2_11-.Ltmp4, $4  }
0x149: {  	s14 =	sadd.s32 $0x90, s14;
	v8 =	vld [tilespmem:s24+$0xFFFFFFC0]  }
0x14a: {  	v9 =	vld [tilespmem:s14+$0xFFFFFFC0]  }
0x14b: {  	v10 =	vld [tilespmem:s14+$0xFFFFFFD0]  }
0x14c: {  	s26 =	sadd.s32 $0x40, s26;
	v11 =	vld [tilespmem:s24+$0xFFFFFFD0]  }
0x14d: {  	v12 =	vld [tilespmem:s14+$0xFFFFFFE0]  }
0x14e: {  	v13 =	vld [tilespmem:s24+$0xFFFFFFE0]  }
0x14f: {  	v14 =	vld [tilespmem:s14+$0xFFFFFFF0]  }
0x150: {  	v15 =	vld [tilespmem:s24+$0xFFFFFFF0]  }
0x151: {  	v8 =	vmul.f32 v8, v9;
	v9 =	vmul.f32 v11, v10;
	v10 =	vld [tilespmem:s14+$0x0]  }
0x152: {  	v11 =	vld [tilespmem:s24+$0x0]  }
0x153: {  	v58 =	vld [tilespmem:s14+$0x10];
	v8 =	vadd.f32 v9, v8;
	v9 =	vmul.f32 v13, v12  }
0x154: {  	v59 =	vld [tilespmem:s24+$0x10]  }
0x155: {  	v60 =	vld [tilespmem:s14+$0x20];
	v8 =	vadd.f32 v9, v8;
	v9 =	vmul.f32 v15, v14  }
0x156: {  	v61 =	vld [tilespmem:s24+$0x20]  }
0x157: {  	v8 =	vadd.f32 v9, v8;
	v9 =	vmul.f32 v11, v10;
	v10 =	vld [tilespmem:s14+$0x30]  }
0x158: {  	v11 =	vld [tilespmem:s24+$0x30]  }
0x159: {  	s13 =	sshra.s32 s13, $0x2;
	v63 =	vld [tilespmem:s14+$0x40];
	v8 =	vadd.f32 v9, v8;
	v9 =	vmul.f32 v59, v58  }
0x15a: {  	v62 =	vld [tilespmem:s13+$0x280]  }
0x15b: {  	v8 =	vadd.f32 v9, v8;
	v9 =	vmul.f32 v61, v60;
	_ =	sdelay $0x1  }
0x15c: {  	v8 =	vadd.f32 v9, v8;
	v9 =	vmul.f32 v11, v10;
	_ =	sdelay $0x1  }
0x15d: {  	v8 =	vadd.f32 v9, v8;
	v9 =	vmul.f32 v62, v63;
	_ =	sdelay $0x1  }
0x15e: {  	v8 =	vadd.f32 v9, v8;
	_ =	sdelay $0x1  }
0x15f: {  	v9 =	vperm.xlane v8, v0;
	_ =	sdelay $0x1  }
0x160: {  	v8 =	vadd.f32 v8, v9;
	_ =	sdelay $0x1  }
0x161: {  	v9 =	vperm.xlane v8, v2;
	_ =	sdelay $0x1  }
0x162: {  	v8 =	vadd.f32 v8, v9;
	_ =	sdelay $0x1  }
0x163: {  	v9 =	vperm.xlane v8, v3;
	_ =	sdelay $0x1  }
0x164: {  	v8 =	vadd.f32 v8, v9;
	_ =	sdelay $0x1  }
0x165: {  	v9 =	vperm.xlane v8, v4;
	_ =	sdelay $0x1  }
0x166: {  	v8 =	vadd.f32 v8, v9;
	_ =	sdelay $0x1  }
0x167: {  	v8 =	vmul.f32 $1.442695020e+00, v8;
	_ =	sdelay $0x1  }
0x168: {  	(erf) = vpow2.f32 v8;
	_ =	sdelay $0x8  }
0x169: {  	v8 =	vpop (erf)  }
0x16a: {  	[tilespmem:s13+$0x7B80] =	vst v8  }
0x16b: {  	_ =	swait.ge [sflag:s16], $0x1300  }
0x16c: {  	[sflag:s16] =	ssyncset.done $0x0  }
0x16d: {  	s26 =	simm.s32 $0x0;
	[sflag:s16] =	ssyncadd.s32 $0xFFFFED00  }
0x16e: {  	s28 =	simm.s32 $0x4970;
	v8 =	vld [tilespmem:s26+$0x7B80]  }
0x16f: {  	v9 =	vld [tilespmem:s28+$0xFFFFFF90];
	_ =	sdelay $0x4  }
0x170: {  	v9 =	vmul.f32 v9, v8  }
0x171: {  	s13 =	simm.s32 $0x68D0  }
0x172: {  	[tilespmem:s13+$0xFFFFFFB0] =	vst v9  }
0x173: {  	v9 =	vld [tilespmem:s28+$0xFFFFFFA0];
	_ =	sdelay $0x4  }
0x174: {  	v9 =	vmul.f32 v9, v8;
	_ =	sdelay $0x1  }
0x175: {  	[tilespmem:s13+$0xFFFFFFC0] =	vst v9  }
0x176: {  	v9 =	vld [tilespmem:s28+$0xFFFFFFB0];
	_ =	sdelay $0x4  }
0x177: {  	v9 =	vmul.f32 v9, v8;
	_ =	sdelay $0x1  }
0x178: {  	[tilespmem:s13+$0xFFFFFFD0] =	vst v9  }
0x179: {  	v9 =	vld [tilespmem:s28+$0xFFFFFFC0];
	_ =	sdelay $0x4  }
0x17a: {  	v9 =	vmul.f32 v9, v8;
	_ =	sdelay $0x1  }
0x17b: {  	[tilespmem:s13+$0xFFFFFFE0] =	vst v9  }
0x17c: {  	v9 =	vld [tilespmem:s28+$0xFFFFFFD0];
	_ =	sdelay $0x4  }
0x17d: {  	v9 =	vmul.f32 v9, v8;
	_ =	sdelay $0x1  }
0x17e: {  	[tilespmem:s13+$0xFFFFFFF0] =	vst v9  }
0x17f: {  	v9 =	vld [tilespmem:s28+$0xFFFFFFE0];
	_ =	sdelay $0x4  }
0x180: {  	v9 =	vmul.f32 v9, v8;
	_ =	sdelay $0x1  }
0x181: {  	[tilespmem:s13+$0x0] =	vst v9  }
0x182: {  	v9 =	vld [tilespmem:s28+$0xFFFFFFF0];
	_ =	sdelay $0x4  }
0x183: {  	v9 =	vmul.f32 v9, v8;
	_ =	sdelay $0x1  }
0x184: {  	[tilespmem:s13+$0x10] =	vst v9  }
0x185: {  	v9 =	vld [tilespmem:s28+$0x0];
	_ =	sdelay $0x4  }
0x186: {  	v9 =	vmul.f32 v9, v8;
	_ =	sdelay $0x1  }
0x187: {  	[tilespmem:s13+$0x20] =	vst v9  }
0x188: {  	v9 =	vld [tilespmem:s26+$0x280];
	_ =	sdelay $0x4  }
0x189: {  	v9 =	vmul.f32 v9, v8;
	_ =	sdelay $0x1  }
0x18a: {  	v10 =	vperm.xlane v9, v5;
	_ =	sdelay $0x1  }
0x18b: {  	v8 =	vmul.f32 v7, v8;
	v10 =	vmul.f32 v6, v10;
	_ =	sdelay $0x1  }
0x18c: {  	v8 =	vadd.f32 v10, v8  }
0x18d: {  	[tilespmem:s13+$0x30] =	vst v9  }
0x18e: {  	s24 =	simm.s32 $0x10;
	[tilespmem:s13+$0x38] =	vst v8  }
0x18f: {  	s14 =	simm.s32 $0x4A70;
	s26 =	simm.s32 $0x80;
	v8 =	vld [tilespmem:s24+$0x7B80]  }
.LBB2_13:
0x190: {  	p0 =	sne.s32 s26, $0x7C0;
	v9 =	vld [tilespmem:s14+$0xFFFFFF90];
	_ =	sdelay $0x3  }
0x191: {  	v10 =	vmul.f32 v7, v8  }
0x192: {  	v9 =	vmul.f32 v9, v8  }
0x193: {  	s13 =	sadd.s32 $0x98, s13  }
0x194: {  	[tilespmem:s13+$0xFFFFFFB0] =	vst v9  }
0x195: {  	v9 =	vld [tilespmem:s14+$0xFFFFFFA0];
	_ =	sdelay $0x4  }
0x196: {  	v9 =	vmul.f32 v9, v8;
	_ =	sdelay $0x1  }
0x197: {  	[tilespmem:s13+$0xFFFFFFC0] =	vst v9  }
0x198: {  	v9 =	vld [tilespmem:s14+$0xFFFFFFB0];
	_ =	sdelay $0x4  }
0x199: {  	v9 =	vmul.f32 v9, v8;
	_ =	sdelay $0x1  }
0x19a: {  	[tilespmem:s13+$0xFFFFFFD0] =	vst v9  }
0x19b: {  	v9 =	vld [tilespmem:s14+$0xFFFFFFC0];
	_ =	sdelay $0x4  }
0x19c: {  	v9 =	vmul.f32 v9, v8;
	_ =	sdelay $0x1  }
0x19d: {  	[tilespmem:s13+$0xFFFFFFE0] =	vst v9  }
0x19e: {  	v9 =	vld [tilespmem:s14+$0xFFFFFFD0];
	_ =	sdelay $0x4  }
0x19f: {  	v9 =	vmul.f32 v9, v8;
	_ =	sdelay $0x1  }
0x1a0: {  	[tilespmem:s13+$0xFFFFFFF0] =	vst v9  }
0x1a1: {  	v9 =	vld [tilespmem:s14+$0xFFFFFFE0];
	_ =	sdelay $0x4  }
0x1a2: {  	v9 =	vmul.f32 v9, v8;
	_ =	sdelay $0x1  }
0x1a3: {  	[tilespmem:s13+$0x0] =	vst v9  }
0x1a4: {  	v9 =	vld [tilespmem:s14+$0xFFFFFFF0];
	_ =	sdelay $0x4  }
0x1a5: {  	v9 =	vmul.f32 v9, v8;
	_ =	sdelay $0x1  }
0x1a6: {  	[tilespmem:s13+$0x10] =	vst v9  }
0x1a7: {  	v9 =	vld [tilespmem:s14+$0x0];
	_ =	sdelay $0x4  }
0x1a8: {  	v9 =	vmul.f32 v9, v8;
	_ =	sdelay $0x1  }
0x1a9: {  	[tilespmem:s13+$0x20] =	vst v9  }
0x1aa: {  	v9 =	vld [tilespmem:s24+$0x280];
	_ =	sdelay $0x4  }
0x1ab: {  	v8 =	vmul.f32 v9, v8;
	_ =	sdelay $0x1  }
0x1ac: {  	[tilespmem:s13+$0x30] =	vst v8;
	v8 =	vperm.xlane v8, v5;
	_ =	sdelay $0x1  }
0x1ad: {  	v8 =	vmul.f32 v6, v8  }
.Ltmp5:
0x1ae: {  	(pc) =	sbr.rel @p0 .LBB2_13-.Ltmp5, $3  }
0x1af: {  	v8 =	vadd.f32 v8, v10;
	_ =	sdelay $0x1  }
0x1b0: {  	s24 =	sshra.s32 s26, $0x2;
	[tilespmem:s13+$0x38] =	vst v8  }
0x1b1: {  	s14 =	sadd.s32 $0x100, s14;
	s26 =	sadd.s32 $0x40, s26;
	v8 =	vld [tilespmem:s24+$0x7B80]  }
0x1b2: {  	v9 =	vld [tilespmem:s14+$0xFFFFFF90];
	_ =	sdelay $0x4  }
0x1b3: {  	v9 =	vmul.f32 v9, v8  }
0x1b4: {  	s13 =	sadd.s32 $0x98, s13  }
0x1b5: {  	[tilespmem:s13+$0xFFFFFFB0] =	vst v9  }
0x1b6: {  	v9 =	vld [tilespmem:s14+$0xFFFFFFA0];
	_ =	sdelay $0x4  }
0x1b7: {  	v9 =	vmul.f32 v9, v8;
	_ =	sdelay $0x1  }
0x1b8: {  	[tilespmem:s13+$0xFFFFFFC0] =	vst v9  }
0x1b9: {  	v9 =	vld [tilespmem:s14+$0xFFFFFFB0];
	_ =	sdelay $0x4  }
0x1ba: {  	v9 =	vmul.f32 v9, v8;
	_ =	sdelay $0x1  }
0x1bb: {  	[tilespmem:s13+$0xFFFFFFD0] =	vst v9  }
0x1bc: {  	v9 =	vld [tilespmem:s14+$0xFFFFFFC0];
	_ =	sdelay $0x4  }
0x1bd: {  	v9 =	vmul.f32 v9, v8;
	_ =	sdelay $0x1  }
0x1be: {  	[tilespmem:s13+$0xFFFFFFE0] =	vst v9  }
0x1bf: {  	v9 =	vld [tilespmem:s14+$0xFFFFFFD0];
	_ =	sdelay $0x4  }
0x1c0: {  	v9 =	vmul.f32 v9, v8;
	_ =	sdelay $0x1  }
0x1c1: {  	[tilespmem:s13+$0xFFFFFFF0] =	vst v9  }
0x1c2: {  	v9 =	vld [tilespmem:s14+$0xFFFFFFE0];
	_ =	sdelay $0x4  }
0x1c3: {  	v9 =	vmul.f32 v9, v8;
	_ =	sdelay $0x1  }
0x1c4: {  	[tilespmem:s13+$0x0] =	vst v9  }
0x1c5: {  	v9 =	vld [tilespmem:s14+$0xFFFFFFF0];
	_ =	sdelay $0x4  }
0x1c6: {  	v9 =	vmul.f32 v9, v8;
	_ =	sdelay $0x1  }
0x1c7: {  	[tilespmem:s13+$0x10] =	vst v9  }
0x1c8: {  	v9 =	vld [tilespmem:s14+$0x0];
	_ =	sdelay $0x4  }
0x1c9: {  	v9 =	vmul.f32 v9, v8;
	_ =	sdelay $0x1  }
0x1ca: {  	[tilespmem:s13+$0x20] =	vst v9  }
0x1cb: {  	v9 =	vld [tilespmem:s24+$0x280];
	_ =	sdelay $0x4  }
0x1cc: {  	v9 =	vmul.f32 v9, v8;
	_ =	sdelay $0x1  }
0x1cd: {  	v10 =	vperm.xlane v9, v5;
	_ =	sdelay $0x1  }
0x1ce: {  	v8 =	vmul.f32 v7, v8;
	v10 =	vmul.f32 v6, v10;
	_ =	sdelay $0x1  }
0x1cf: {  	v8 =	vadd.f32 v10, v8  }
0x1d0: {  	[tilespmem:s13+$0x30] =	vst v9  }
0x1d1: {  	[tilespmem:s13+$0x38] =	vst v8  }
0x1d2: {  	v8 =	vld [tilespmem:$0x60]  }
0x1d3: {  	v9 =	vld [tilespmem:$0x70]  }
0x1d4: {  	s12 =	sadd.s32 $0x3, s12  }
0x1d5: {  	p0 =	slt.s32 s12, s10;
	s13 =	smov.u32 s10  }
0x1d6: {  	s13 =	smov.u32 @p0 s12  }
0x1d7: {  	s12 =	sshll.u32 s13, $0x2;
	[tilespmem:$0x7D80] =	vst v8  }
0x1d8: {  	s12 =	sand.u32 $0x1FFFFFFC, s12;
	[tilespmem:$0x7D90] =	vst v9  }
0x1d9: {  	[spmem:s1] =	stream.indirect.scatter [tilespmem:s20], [sflag:$0x7], $0x98, s31, s22, $0xb8;
	[tilespmem:$0x1F0B8] =	vst v63  }
0x1da: {  	s2 =	sadd.s32 $0x1, s2;
	s26 =	sshll.u32 s13, $0x6;
	s12 =	sadd.s32 s6, s12  }
0x1db: {  	[tilespmem:s29], [sflag:$0x6] =	stream.strided.gather [hbm4b:s12+s22], $0x40, s23, s22, $0x38;
	[tilespmem:$0x1F0B8] =	vst v63  }
0x1dc: {  	p0 =	sne.s32 s2, s15;
	s12 =	sand.u32 $0x1FFFFFC0, s26  }
.Ltmp6:
0x1dd: {  	s28 =	simm.s32 $0x0;
	s12 =	sadd.s32 s7, s12;
	(pc) =	sbr.rel @p0 .LBB2_6-.Ltmp6, $4  }
0x1de: {  	[tilespmem:s30], [sflag:$0x8] =	stream.linear.gather [hbm4b:s12+s28], $0x200, $0x38;
	[tilespmem:$0x1F0B8] =	vst v63  }
0x1df: {  	_ =	swait.ge [sflag:s21], $0x200  }
0x1e0: {  	[sflag:s21] =	ssyncset.done $0x0  }
0x1e1: {  	[sflag:s21] =	ssyncadd.s32 $0xFFFFFE00  }
0x1e2: {  	_ =	swait.ge [sflag:s0], $0x1200  }
0x1e3: {  	[sflag:s0] =	ssyncset.done $0x0  }
0x1e4: {  	[sflag:s0] =	ssyncadd.s32 $0xFFFFEE00  }
0x1e5: {  	_ =	swait.ge [sflag:s5], $0x2000  }
0x1e6: {  	[sflag:s5] =	ssyncset.done $0x0  }
0x1e7: {  	[sflag:s5] =	ssyncadd.s32 $0xFFFFE000  }
0x1e8: {  	_ =	swait.ge [sflag:s11], $0x40  }
0x1e9: {  	[sflag:s11] =	ssyncset.done $0x0  }
0x1ea: {  	[sflag:s11] =	ssyncadd.s32 $0xFFFFFFC0  }
0x1eb: {  	_ =	swait.ge [sflag:s16], $0x1300  }
0x1ec: {  	s2 =	stileid.u32;
	[sflag:s16] =	ssyncset.done $0x0  }
0x1ed: {  	s12 =	sadd.s32 $0x0, s19;
	s2 =	sshll.u32 s2, $0x6;
	[sflag:s16] =	ssyncadd.s32 $0xFFFFED00  }
0x1ee: {  	s13 =	sshrl.u32 s18, $0x3;
	s2 =	sor.u32 $0x1C08, s2;
	[bflag:$0x0] =	sbarrier.arrive $0xFFFF  }
0x1ef: {  	[hbm:s12], [sflag:s2] =	dma.local [spmem:s13], $0x260  }
0x1f0: {  	s12 =	simm.s32 $0x260;
	s13 =	sadd.s32 $0x1300, s18;
	_ =	swait.ge [sflag:s21], $0x260  }
.LBB2_16:
0x1f1: {  	s14 =	sadd.s32 s12, s19;
	[sflag:s21] =	ssyncset.done $0x0;
	p0 =	sne.s32 s12, $0x2AC0  }
.Ltmp7:
0x1f2: {  	s24 =	sshrl.u32 s13, $0x3;
	[sflag:s21] =	ssyncadd.s32 $0xFFFFFDA0;
	(pc) =	sbr.rel @p0 .LBB2_16-.Ltmp7, $3  }
0x1f3: {  	[hbm:s14], [sflag:s2] =	dma.local [spmem:s24], $0x260  }
0x1f4: {  	s12 =	sadd.s32 $0x260, s12;
	_ =	sdelay $0x1  }
0x1f5: {  	s13 =	sadd.s32 $0x1300, s13;
	_ =	swait.ge [sflag:s21], $0x260  }
0x1f6: {  	[sflag:s21] =	ssyncset.done $0x0;
	s24 =	rddreg [dreg:$0x3]  }
0x1f7: {  	s13 =	rddreg [dreg:$0x8];
	[sflag:s21] =	ssyncadd.s32 $0xFFFFFDA0;
	s12 =	sshrl.u32 s24, $0x3  }
0x1f8: {  	[hbm:s13], [sflag:s2] =	dma.local [spmem:s12], $0x143  }
0x1f9: {  	_ =	swait.ge [sflag:s21], $0x143  }
0x1fa: {  	s26 =	rddreg [dreg:$0xa]  }
0x1fb: {  	s28 =	rddreg [dreg:$0x9];
	s12 =	sadd.s32 $0x1, s26  }
0x1fc: {  	p0 =	sne.s32 s12, s28  }
.Ltmp8:
0x1fd: {  	_ = 	snop;
	(pc) =	sbr.rel @p0 .LBB2_1-.Ltmp8, $3  }
0x1fe: {  	_ =	sdelay $0x1  }
0x1ff: {  	[sflag:s21] =	ssyncset.done $0x0  }
0x200: {  	[sflag:s21] =	ssyncadd.s32 $0xFFFFFEBD  }
0x201: {  	_ =	sfence.sel $0x180000  }
0x202: {  	[bflag:$0x0] =	sbarrier.arrive $0xFFFF  }
0x203: {  	_ =	strace $0x90000047  }
0x204: {  	s0 =	stileid.u32;
	[bflag:$0x2] =	sbarrier.arrive $0xFFFF  }
0x205: {  	p0 =	sne.s32 s0, $0x0;
	s0 =	rddreg [dreg:$0x2]  }
0x206: {  	s0 =	sadd.s32 @!p0 $0x100000, s0  }
0x207: {  	[sflag:s0] =	ssyncadd.tile.s32 @!p0 $0x1;
	_ =	shalt  }
.Lfunc_end2:
_tile_overlayer_lowered:
.L_overlay_start_2:
0x208: {  	(tag) =	ssettag $0x2  }
0x209: {  	s0 =	rddreg [dreg:$0x0];
	s2 =	stileid.u32  }
0x20a: {  	s1 =	rddreg [dreg:$0x1];
	p0 =	sne.s32 s2, $0x0  }
0x20b: {  	s3 =	rddreg [dreg:$0x2];
	[bflag:$0x3] =	sbarrier.arrive $0xFFFF;
	s2 =	simm.s32 @!p0 $0x1C08  }
0x20c: {  	[timem:s3], [sflag:s2] =	dma.local @!p0 [hbm:s0], s1  }
0x20d: {  	s0 =	simm.s32 @!p0 $0x8  }
0x20e: {  	_ =	swait.ge @!p0 [sflag:s0], s1  }
0x20f: {  	s1 =	ssub.s32 @!p0 $0x0, s1;
	[sflag:s0] =	ssyncset.done @!p0 $0x0  }
0x210: {  	[sflag:s0] =	ssyncadd.s32 @!p0 s1  }
0x211: {  	[bflag:$0x3] =	sbarrier.arrive $0xFFFF  }
0x212: {  	_ =	shalt  }

</sc_bundles>
